<compile_context>
chip_gen: v7x
topology: tpu7x:2x2x1
jax: 0.10.2.dev20260603
libtpu: 0.0.44.dev20260713+nightly
codegen_flags: <defaults>
</compile_context>

<pallas_src>
import functools

import jax
import jax.numpy as jnp
from jax import lax
from jax.experimental import pallas as pl
from jax.experimental.pallas import tpu as pltpu
from jax.experimental.pallas import tpu_sc as plsc

N = 10000
E = 320000
D = 128
CH = 32
CHB = 64
NW = 32
NPAD = 10240
EPAD = 323584
EPW = EPAD // NW
NCHUNK = EPW // CH
NCHUNKB = EPW // CHB
NBLK = NPAD // CH
NBLKB = NPAD // CHB
JUNK = N + 16


def _pq_body(x_ref, wm_ref, bm_ref, p_ref, q_ref):
    x = x_ref[...]
    wm = wm_ref[...]
    p_ref[...] = jnp.dot(x, wm[:D], preferred_element_type=jnp.float32) + bm_ref[...]
    q_ref[...] = jnp.dot(x, wm[D:], preferred_element_type=jnp.float32)


def _pq_call(xpad, wm, bm2d):
    rb = NPAD // 8
    return pl.pallas_call(
        _pq_body,
        grid=(8,),
        in_specs=[
            pl.BlockSpec((rb, D), lambda i: (i, 0)),
            pl.BlockSpec((2 * D, D), lambda i: (0, 0)),
            pl.BlockSpec((1, D), lambda i: (0, 0)),
        ],
        out_specs=[
            pl.BlockSpec((rb, D), lambda i: (i, 0)),
            pl.BlockSpec((rb, D), lambda i: (i, 0)),
        ],
        out_shape=[
            jax.ShapeDtypeStruct((NPAD, D), jnp.float32),
            jax.ShapeDtypeStruct((NPAD, D), jnp.float32),
        ],
    )(xpad, wm, bm2d)


def _sc_body(p_hbm, q_hbm, src_hbm, dst_hbm, val_hbm,
             acc_out,
             sidx, didx, vals, prow, qrow,
             acc_sh, sem1, sem2):
    c = lax.axis_index("c")
    s = lax.axis_index("s")

    def _zrow(r, carry):
        for j in range(8):
            prow[r, pl.ds(j * 16, 16)] = jnp.zeros((16,), jnp.float32)
        return carry

    lax.fori_loop(0, CH, _zrow, 0)

    def _zblk(t, carry):
        b = s * (NBLK // 16) + t
        pltpu.sync_copy(prow, acc_sh.at[pl.ds(b * CH, CH)])
        return carry

    lax.fori_loop(0, NBLK // 16, _zblk, 0)
    plsc.subcore_barrier()

    base = (c * 16 + s) * EPW

    def _chunk(k, carry):
        off = base + k * CH
        pltpu.sync_copy(src_hbm.at[pl.ds(off, CH)], sidx)
        pltpu.sync_copy(dst_hbm.at[pl.ds(off, CH)], didx)
        pltpu.sync_copy(val_hbm.at[pl.ds(off, CH)], vals)
        cp1 = pltpu.async_copy(p_hbm.at[sidx], prow, sem1)
        cp2 = pltpu.async_copy(q_hbm.at[didx], qrow, sem2)
        cp1.wait()
        cp2.wait()

        def _grp(g, rc):
            v16 = vals[pl.ds(g * 16, 16)]
            for i in range(16):
                vb = v16[i]
                r = g * 16 + i
                for j in range(8):
                    pv = prow[r, pl.ds(j * 16, 16)]
                    qv = qrow[r, pl.ds(j * 16, 16)]
                    prow[r, pl.ds(j * 16, 16)] = jnp.maximum(pv + qv, 0.0) * vb
            return rc

        lax.fori_loop(0, CH // 16, _grp, 0)

        pltpu.sync_copy(prow, acc_sh.at[sidx], add=True)
        return carry

    lax.fori_loop(0, NCHUNK, _chunk, 0)
    plsc.subcore_barrier()

    def _out(t, carry):
        b = s * (NBLK // 16) + t
        pltpu.sync_copy(acc_sh.at[pl.ds(b * CH, CH)], prow)
        pltpu.sync_copy(prow, acc_out.at[c, pl.ds(b * CH, CH)])
        return carry

    lax.fori_loop(0, NBLK // 16, _out, 0)


_sc_call = functools.partial(
    pl.kernel,
    mesh=plsc.VectorSubcoreMesh(core_axis_name="c", subcore_axis_name="s"),
    out_type=jax.ShapeDtypeStruct((2, NPAD, D), jnp.float32),
    scratch_types=[
        pltpu.VMEM((CH,), jnp.int32),
        pltpu.VMEM((CH,), jnp.int32),
        pltpu.VMEM((CH,), jnp.float32),
        pltpu.VMEM((CH, D), jnp.float32),
        pltpu.VMEM((CH, D), jnp.float32),
        pltpu.VMEM_SHARED((NPAD, D), jnp.float32),
        pltpu.SemaphoreType.DMA,
        pltpu.SemaphoreType.DMA,
    ],
)(_sc_body)


def _cnt_body(src_hbm, cnt_out, sidx, ones, cnt_sh):
    c = lax.axis_index("c")
    s = lax.axis_index("s")

    def _zrow(r, carry):
        for j in range(8):
            ones[r, pl.ds(j * 16, 16)] = jnp.zeros((16,), jnp.float32)
        return carry

    lax.fori_loop(0, CHB, _zrow, 0)

    def _zblk(t, carry):
        b = s * (NBLKB // 16) + t
        pltpu.sync_copy(ones, cnt_sh.at[pl.ds(b * CHB, CHB)])
        return carry

    lax.fori_loop(0, NBLKB // 16, _zblk, 0)

    def _orow(r, carry):
        for j in range(8):
            ones[r, pl.ds(j * 16, 16)] = jnp.ones((16,), jnp.float32)
        return carry

    lax.fori_loop(0, CHB, _orow, 0)
    plsc.subcore_barrier()

    base = (c * 16 + s) * EPW

    def _chunk(k, carry):
        off = base + k * CHB
        pltpu.sync_copy(src_hbm.at[pl.ds(off, CHB)], sidx)

        pltpu.sync_copy(ones, cnt_sh.at[sidx], add=True)
        return carry

    lax.fori_loop(0, NCHUNKB, _chunk, 0)
    plsc.subcore_barrier()

    def _out(t, carry):
        b = s * (NBLKB // 16) + t
        pltpu.sync_copy(cnt_sh.at[pl.ds(b * CHB, CHB)], ones)
        pltpu.sync_copy(ones, cnt_out.at[c, pl.ds(b * CHB, CHB)])
        return carry

    lax.fori_loop(0, NBLKB // 16, _out, 0)


_cnt_call = functools.partial(
    pl.kernel,
    mesh=plsc.VectorSubcoreMesh(core_axis_name="c", subcore_axis_name="s"),
    out_type=jax.ShapeDtypeStruct((2, NPAD, D), jnp.float32),
    scratch_types=[
        pltpu.VMEM((CHB,), jnp.int32),
        pltpu.VMEM((CHB, D), jnp.float32),
        pltpu.VMEM_SHARED((NPAD, D), jnp.float32),
    ],
)(_cnt_body)


def _upd_body(x_ref, a0_ref, a1_ref, c0_ref, c1_ref, wu_ref, bu_ref, o_ref):
    x = x_ref[...]
    summed = a0_ref[...] + a1_ref[...]
    cnt = c0_ref[...][:, 0:1] + c1_ref[...][:, 0:1]
    g = jnp.where(cnt > 0, summed / jnp.maximum(cnt, 1.0), 0.0)
    wu = wu_ref[...]
    u = (jnp.dot(x, wu[:D], preferred_element_type=jnp.float32)
         + jnp.dot(g, wu[D:], preferred_element_type=jnp.float32)
         + bu_ref[...])
    o_ref[...] = jnp.maximum(u, 0.0)


def _upd_call(x, a0, a1, c0, c1, wu, bu2d):
    rb = 1000
    return pl.pallas_call(
        _upd_body,
        grid=(N // rb,),
        in_specs=[
            pl.BlockSpec((rb, D), lambda i: (i, 0)),
            pl.BlockSpec((rb, D), lambda i: (i, 0)),
            pl.BlockSpec((rb, D), lambda i: (i, 0)),
            pl.BlockSpec((rb, D), lambda i: (i, 0)),
            pl.BlockSpec((rb, D), lambda i: (i, 0)),
            pl.BlockSpec((2 * D, D), lambda i: (0, 0)),
            pl.BlockSpec((1, D), lambda i: (0, 0)),
        ],
        out_specs=pl.BlockSpec((rb, D), lambda i: (i, 0)),
        out_shape=jax.ShapeDtypeStruct((N, D), jnp.float32),
    )(x, a0, a1, c0, c1, wu, bu2d)


def kernel(node_feats, adj_src, adj_dst, adj_vals, mask, Wm, bm, Wu, bu):
    x = node_feats[0]
    xpad = jnp.concatenate([x, jnp.zeros((NPAD - N, D), jnp.float32)], axis=0)
    pad_src = JUNK + 16 + (jnp.arange(EPAD - E, dtype=jnp.int32) % 64)
    pad_dst = jnp.arange(EPAD - E, dtype=jnp.int32) % N
    srcp = jnp.concatenate([adj_src.astype(jnp.int32), pad_src])
    dstp = jnp.concatenate([adj_dst.astype(jnp.int32), pad_dst])
    valp = jnp.concatenate([adj_vals, jnp.zeros((EPAD - E,), jnp.float32)])

    p_tab, q_tab = _pq_call(xpad, Wm, bm.reshape(1, D))
    acc = _sc_call(p_tab, q_tab, srcp, dstp, valp)
    cnt = _cnt_call(srcp)
    out = _upd_call(x, acc[0, :N], acc[1, :N], cnt[0, :N], cnt[1, :N],
                    Wu, bu.reshape(1, D))
    return out[None]

# --- scband reference (transcript-rebuilt; emitter-appended) ---
"""Pipeline reference for scband-gnnlayer-32804960207051 (READ-ONLY COPY).

The authoritative reference and input builder live on the scoring server;
editing this copy changes nothing except your own understanding.
"""

import jax, jax.numpy as jnp
import numpy as np

N = 10000
E = 320000
Dn = 128
Dm = 128
F = 128


def setup_inputs(seed: int = 0) -> dict:
    key = jax.random.key(seed)
    ks = jax.random.split(key, 8)
    node_feats = jax.random.normal(ks[0], (1, N, Dn), dtype=jnp.float32)
    adj_src = jax.random.randint(ks[1], (E,), 0, N, dtype=jnp.int32)
    adj_dst = jax.random.randint(ks[2], (E,), 0, N, dtype=jnp.int32)
    adj_vals = jax.random.uniform(ks[3], (E,), dtype=jnp.float32)
    mask = jnp.ones((1, N), dtype=jnp.float32)
    # learned params: message MLP (2*Dn -> Dm) and node-update MLP (Dn+Dm -> F)
    Wm = jax.random.normal(ks[4], (2 * Dn, Dm), dtype=jnp.float32) / jnp.sqrt(2.0 * Dn)
    bm = jnp.zeros((Dm,), dtype=jnp.float32)
    Wu = jax.random.normal(ks[5], (Dn + Dm, F), dtype=jnp.float32) / jnp.sqrt(float(Dn + Dm))
    bu = jnp.zeros((F,), dtype=jnp.float32)
    return {
        "node_feats": node_feats,
        "adj_src": adj_src,
        "adj_dst": adj_dst,
        "adj_vals": adj_vals,
        "mask": mask,
        "Wm": Wm,
        "bm": bm,
        "Wu": Wu,
        "bu": bu,
    }


def reference(node_feats, adj_src, adj_dst, adj_vals, mask, Wm, bm, Wu, bu):
    # B = 1; squeeze batch dim, edge batch index is implicitly 0
    x = node_feats[0]  # (N, Dn)
    # _create_messages: gather src/target feats per edge, concat, MLP
    src_feats = jnp.take(x, adj_src, axis=0)  # (E, Dn)
    tgt_feats = jnp.take(x, adj_dst, axis=0)  # (E, Dn)
    feats = jnp.concatenate([src_feats, tgt_feats], axis=-1)  # (E, 2*Dn)
    messages = jax.nn.relu(feats @ Wm + bm)  # (E, Dm)
    # _gather_messages: weight by adjacency values, mean-aggregate by (batch,row)=src
    weighted = messages * adj_vals[:, None]  # (E, Dm)
    summed = jax.ops.segment_sum(weighted, adj_src, num_segments=N)  # (N, Dm)
    counts = jax.ops.segment_sum(jnp.ones((E,), jnp.float32), adj_src, num_segments=N)  # (N,)
    gathered = jnp.where(counts[:, None] > 0,
                         summed / jnp.maximum(counts[:, None], 1.0),
                         jnp.zeros_like(summed))  # (N, Dm)
    # _update_nodes: concat + MLP
    upd_in = jnp.concatenate([x, gathered], axis=-1)  # (N, Dn+Dm)
    updated = jax.nn.relu(upd_in @ Wu + bu)  # (N, F)
    return updated[None]  # (1, N, F)

if __name__ == "__main__":
    import jax
    _d = setup_inputs()
    print(jax.jit(kernel)(*tuple(_d.values())))

</pallas_src>

<mosaic_0001>
#map = affine_map<(d0, d1) -> (0, 0)>
#map1 = affine_map<(d0, d1) -> (0)>
#map2 = affine_map<(d0, d1) -> (0, 0, 0)>
module attributes {stable_mosaic.version = 14 : i64} {
  func.func @_sc_body(%arg0: i32, %arg1: i32, %arg2: memref<10240x128xf32, #tpu.memory_space<hbm>>, %arg3: memref<10240x128xf32, #tpu.memory_space<hbm>>, %arg4: memref<323584xi32, #tpu.memory_space<hbm>>, %arg5: memref<323584xi32, #tpu.memory_space<hbm>>, %arg6: memref<323584xf32, #tpu.memory_space<hbm>>, %arg7: memref<2x10240x128xf32, #tpu.memory_space<hbm>>, %arg8: memref<32xi32, #tpu.memory_space<vmem>>, %arg9: memref<32xi32, #tpu.memory_space<vmem>>, %arg10: memref<32xf32, #tpu.memory_space<vmem>>, %arg11: memref<32x128xf32, #tpu.memory_space<vmem>>, %arg12: memref<32x128xf32, #tpu.memory_space<vmem>>, %arg13: memref<10240x128xf32, #tpu.memory_space<vmem_shared>>, %arg14: memref<!tpu.dma_semaphore, #tpu.memory_space<semaphore_mem>>, %arg15: memref<!tpu.dma_semaphore, #tpu.memory_space<semaphore_mem>>) attributes {dimension_semantics = [#tpu.dimension_semantics<core_parallel>, #tpu.dimension_semantics<subcore_parallel>], iteration_bounds = array<i64: 2, 16>, scalar_prefetch = 0 : i64, scratch_operands = 8 : i64, tpu.core_type = #tpu.core_type<sc_vector_subcore>, window_params = [{transform_indices = #map}, {transform_indices = #map}, {transform_indices = #map1}, {transform_indices = #map1}, {transform_indices = #map1}, {transform_indices = #map2}]} {
    %scan3A = arith.constant 0 : i32
    %scan3A_0 = arith.constant 0 : i32
    %scan3A_1 = arith.constant 32 : i32
    %scan3A_2 = arith.addi %scan3A_0, %scan3A_1 : i32
    %scan3A_3 = arith.constant 1 : i32
    scf.for %scan3A_27 = %scan3A_0 to %scan3A_2 step %scan3A_3  : i32 {
      %broadcast_in_dim3A = arith.constant 0.000000e+00 : f32
      %broadcast_in_dim3A_28 = vector.broadcast %broadcast_in_dim3A : f32 to vector<16xf32>
      %swap3A = arith.index_cast %scan3A_27 : i32 to index
      %swap3A_29 = arith.constant 0 : index
      %swap3A_30 = tpu.vector_load %arg11[%swap3A, %swap3A_29] {strides = array<i32>} : memref<32x128xf32, #tpu.memory_space<vmem>>, vector<1x16xf32>,
      %swap3A_31 = vector.shape_cast %swap3A_30 : vector<1x16xf32> to vector<16xf32>
      %swap3A_32 = vector.shape_cast %broadcast_in_dim3A_28 : vector<16xf32> to vector<1x16xf32>
      tpu.vector_store %arg11[%swap3A, %swap3A_29], %swap3A_32 {strides = array<i32>} : memref<32x128xf32, #tpu.memory_space<vmem>>, vector<1x16xf32>,
      %broadcast_in_dim3A_33 = arith.constant 0.000000e+00 : f32
      %broadcast_in_dim3A_34 = vector.broadcast %broadcast_in_dim3A_33 : f32 to vector<16xf32>
      %swap3A_35 = arith.index_cast %scan3A_27 : i32 to index
      %swap3A_36 = arith.constant 16 : index
      %swap3A_37 = tpu.vector_load %arg11[%swap3A_35, %swap3A_36] {strides = array<i32>} : memref<32x128xf32, #tpu.memory_space<vmem>>, vector<1x16xf32>,
      %swap3A_38 = vector.shape_cast %swap3A_37 : vector<1x16xf32> to vector<16xf32>
      %swap3A_39 = vector.shape_cast %broadcast_in_dim3A_34 : vector<16xf32> to vector<1x16xf32>
      tpu.vector_store %arg11[%swap3A_35, %swap3A_36], %swap3A_39 {strides = array<i32>} : memref<32x128xf32, #tpu.memory_space<vmem>>, vector<1x16xf32>,
      %broadcast_in_dim3A_40 = arith.constant 0.000000e+00 : f32
      %broadcast_in_dim3A_41 = vector.broadcast %broadcast_in_dim3A_40 : f32 to vector<16xf32>
      %swap3A_42 = arith.index_cast %scan3A_27 : i32 to index
      %swap3A_43 = arith.constant 32 : index
      %swap3A_44 = tpu.vector_load %arg11[%swap3A_42, %swap3A_43] {strides = array<i32>} : memref<32x128xf32, #tpu.memory_space<vmem>>, vector<1x16xf32>,
      %swap3A_45 = vector.shape_cast %swap3A_44 : vector<1x16xf32> to vector<16xf32>
      %swap3A_46 = vector.shape_cast %broadcast_in_dim3A_41 : vector<16xf32> to vector<1x16xf32>
      tpu.vector_store %arg11[%swap3A_42, %swap3A_43], %swap3A_46 {strides = array<i32>} : memref<32x128xf32, #tpu.memory_space<vmem>>, vector<1x16xf32>,
      %broadcast_in_dim3A_47 = arith.constant 0.000000e+00 : f32
      %broadcast_in_dim3A_48 = vector.broadcast %broadcast_in_dim3A_47 : f32 to vector<16xf32>
      %swap3A_49 = arith.index_cast %scan3A_27 : i32 to index
      %swap3A_50 = arith.constant 48 : index
      %swap3A_51 = tpu.vector_load %arg11[%swap3A_49, %swap3A_50] {strides = array<i32>} : memref<32x128xf32, #tpu.memory_space<vmem>>, vector<1x16xf32>,
      %swap3A_52 = vector.shape_cast %swap3A_51 : vector<1x16xf32> to vector<16xf32>
      %swap3A_53 = vector.shape_cast %broadcast_in_dim3A_48 : vector<16xf32> to vector<1x16xf32>
      tpu.vector_store %arg11[%swap3A_49, %swap3A_50], %swap3A_53 {strides = array<i32>} : memref<32x128xf32, #tpu.memory_space<vmem>>, vector<1x16xf32>,
      %broadcast_in_dim3A_54 = arith.constant 0.000000e+00 : f32
      %broadcast_in_dim3A_55 = vector.broadcast %broadcast_in_dim3A_54 : f32 to vector<16xf32>
      %swap3A_56 = arith.index_cast %scan3A_27 : i32 to index
      %swap3A_57 = arith.constant 64 : index
      %swap3A_58 = tpu.vector_load %arg11[%swap3A_56, %swap3A_57] {strides = array<i32>} : memref<32x128xf32, #tpu.memory_space<vmem>>, vector<1x16xf32>,
      %swap3A_59 = vector.shape_cast %swap3A_58 : vector<1x16xf32> to vector<16xf32>
      %swap3A_60 = vector.shape_cast %broadcast_in_dim3A_55 : vector<16xf32> to vector<1x16xf32>
      tpu.vector_store %arg11[%swap3A_56, %swap3A_57], %swap3A_60 {strides = array<i32>} : memref<32x128xf32, #tpu.memory_space<vmem>>, vector<1x16xf32>,
      %broadcast_in_dim3A_61 = arith.constant 0.000000e+00 : f32
      %broadcast_in_dim3A_62 = vector.broadcast %broadcast_in_dim3A_61 : f32 to vector<16xf32>
      %swap3A_63 = arith.index_cast %scan3A_27 : i32 to index
      %swap3A_64 = arith.constant 80 : index
      %swap3A_65 = tpu.vector_load %arg11[%swap3A_63, %swap3A_64] {strides = array<i32>} : memref<32x128xf32, #tpu.memory_space<vmem>>, vector<1x16xf32>,
      %swap3A_66 = vector.shape_cast %swap3A_65 : vector<1x16xf32> to vector<16xf32>
      %swap3A_67 = vector.shape_cast %broadcast_in_dim3A_62 : vector<16xf32> to vector<1x16xf32>
      tpu.vector_store %arg11[%swap3A_63, %swap3A_64], %swap3A_67 {strides = array<i32>} : memref<32x128xf32, #tpu.memory_space<vmem>>, vector<1x16xf32>,
      %broadcast_in_dim3A_68 = arith.constant 0.000000e+00 : f32
      %broadcast_in_dim3A_69 = vector.broadcast %broadcast_in_dim3A_68 : f32 to vector<16xf32>
      %swap3A_70 = arith.index_cast %scan3A_27 : i32 to index
      %swap3A_71 = arith.constant 96 : index
      %swap3A_72 = tpu.vector_load %arg11[%swap3A_70, %swap3A_71] {strides = array<i32>} : memref<32x128xf32, #tpu.memory_space<vmem>>, vector<1x16xf32>,
      %swap3A_73 = vector.shape_cast %swap3A_72 : vector<1x16xf32> to vector<16xf32>
      %swap3A_74 = vector.shape_cast %broadcast_in_dim3A_69 : vector<16xf32> to vector<1x16xf32>
      tpu.vector_store %arg11[%swap3A_70, %swap3A_71], %swap3A_74 {strides = array<i32>} : memref<32x128xf32, #tpu.memory_space<vmem>>, vector<1x16xf32>,
      %broadcast_in_dim3A_75 = arith.constant 0.000000e+00 : f32
      %broadcast_in_dim3A_76 = vector.broadcast %broadcast_in_dim3A_75 : f32 to vector<16xf32>
      %swap3A_77 = arith.index_cast %scan3A_27 : i32 to index
      %swap3A_78 = arith.constant 112 : index
      %swap3A_79 = tpu.vector_load %arg11[%swap3A_77, %swap3A_78] {strides = array<i32>} : memref<32x128xf32, #tpu.memory_space<vmem>>, vector<1x16xf32>,
      %swap3A_80 = vector.shape_cast %swap3A_79 : vector<1x16xf32> to vector<16xf32>
      %swap3A_81 = vector.shape_cast %broadcast_in_dim3A_76 : vector<16xf32> to vector<1x16xf32>
      tpu.vector_store %arg11[%swap3A_77, %swap3A_78], %swap3A_81 {strides = array<i32>} : memref<32x128xf32, #tpu.memory_space<vmem>>, vector<1x16xf32>,
    }
    %scan3A_4 = arith.constant 32 : i32
    %scan3A_5 = arith.constant 0 : i32
    %scan3A_6 = arith.constant 0 : i32
    %scan3A_7 = arith.constant 20 : i32
    %scan3A_8 = arith.addi %scan3A_6, %scan3A_7 : i32
    %scan3A_9 = arith.constant 1 : i32
    scf.for %scan3A_27 = %scan3A_6 to %scan3A_8 step %scan3A_9  : i32 {
      %mul3A_28 = arith.constant 20 : i32
      %mul3A_29 = arith.muli %arg1, %mul3A_28 : i32
      %add3A_30 = arith.addi %mul3A_29, %scan3A_27 : i32
      %mul3A_31 = arith.constant 32 : i32
      %mul3A_32 = arith.muli %add3A_30, %mul3A_31 : i32
      "tpu.region"() ({
        %run_scoped3A = tpu.sem_alloc : memref<!tpu.dma_semaphore, #tpu.memory_space<semaphore_mem>>
        %dma_start3A = arith.constant 0 : i32
        %dma_start3A_33 = tpu.memref_slice %arg13[%mul3A_32, %dma_start3A] : memref<10240x128xf32, #tpu.memory_space<vmem_shared>> -> memref<32x128xf32, #tpu.memory_space<vmem_shared>>
        %dma_start3A_34 = arith.constant 0 : i32
        %dma_start3A_35 = tpu.memref_slice %arg13[%mul3A_32, %dma_start3A_34] : memref<10240x128xf32, #tpu.memory_space<vmem_shared>> -> memref<32x128xf32, #tpu.memory_space<vmem_shared>>
        tpu.enqueue_dma source(%arg11 : memref<32x128xf32, #tpu.memory_space<vmem>>) target(%dma_start3A_35 : memref<32x128xf32, #tpu.memory_space<vmem_shared>>) target_semaphore(%run_scoped3A : memref<!tpu.dma_semaphore, #tpu.memory_space<semaphore_mem>>)
        %dma_wait3A = arith.constant 0 : i32
        %dma_wait3A_36 = tpu.memref_slice %arg13[%mul3A_32, %dma_wait3A] : memref<10240x128xf32, #tpu.memory_space<vmem_shared>> -> memref<32x128xf32, #tpu.memory_space<vmem_shared>>
        %dma_wait3A_37 = arith.constant 0 : i32
        %dma_wait3A_38 = tpu.memref_slice %arg13[%mul3A_32, %dma_wait3A_37] : memref<10240x128xf32, #tpu.memory_space<vmem_shared>> -> memref<32x128xf32, #tpu.memory_space<vmem_shared>>
        tpu.wait_dma2 semaphore(%run_scoped3A : memref<!tpu.dma_semaphore, #tpu.memory_space<semaphore_mem>>) src(%arg11 : memref<32x128xf32, #tpu.memory_space<vmem>>) dst(%dma_wait3A_38 : memref<32x128xf32, #tpu.memory_space<vmem_shared>>)
        tpu.yield
      }) : () -> ()
    }
    %scan3A_10 = arith.constant 20 : i32
    %barrier3A = arith.constant 0 : index
    tpu.barrier barrier_id(%barrier3A)
    %mul3A = arith.constant 16 : i32
    %mul3A_11 = arith.muli %arg0, %mul3A : i32
    %add3A = arith.addi %mul3A_11, %arg1 : i32
    %mul3A_12 = arith.constant 10112 : i32
    %mul3A_13 = arith.muli %add3A, %mul3A_12 : i32
    %scan3A_14 = arith.constant 0 : i32
    %scan3A_15 = arith.constant 0 : i32
    %scan3A_16 = arith.constant 316 : i32
    %scan3A_17 = arith.addi %scan3A_15, %scan3A_16 : i32
    %scan3A_18 = arith.constant 1 : i32
    scf.for %scan3A_27 = %scan3A_15 to %scan3A_17 step %scan3A_18  : i32 {
      %mul3A_28 = arith.constant 32 : i32
      %mul3A_29 = arith.muli %scan3A_27, %mul3A_28 : i32
      %add3A_30 = arith.addi %mul3A_13, %mul3A_29 : i32
      "tpu.region"() ({
        %run_scoped3A = tpu.sem_alloc : memref<!tpu.dma_semaphore, #tpu.memory_space<semaphore_mem>>
        %dma_start3A_47 = tpu.memref_slice %arg4[%add3A_30] : memref<323584xi32, #tpu.memory_space<hbm>> -> memref<32xi32, #tpu.memory_space<hbm>>
        %dma_start3A_48 = tpu.memref_slice %arg4[%add3A_30] : memref<323584xi32, #tpu.memory_space<hbm>> -> memref<32xi32, #tpu.memory_space<hbm>>
        tpu.enqueue_dma source(%dma_start3A_48 : memref<32xi32, #tpu.memory_space<hbm>>) target(%arg8 : memref<32xi32, #tpu.memory_space<vmem>>) target_semaphore(%run_scoped3A : memref<!tpu.dma_semaphore, #tpu.memory_space<semaphore_mem>>)
        %dma_wait3A_49 = tpu.memref_slice %arg4[%add3A_30] : memref<323584xi32, #tpu.memory_space<hbm>> -> memref<32xi32, #tpu.memory_space<hbm>>
        %dma_wait3A_50 = tpu.memref_slice %arg4[%add3A_30] : memref<323584xi32, #tpu.memory_space<hbm>> -> memref<32xi32, #tpu.memory_space<hbm>>
        tpu.wait_dma2 semaphore(%run_scoped3A : memref<!tpu.dma_semaphore, #tpu.memory_space<semaphore_mem>>) src(%dma_wait3A_50 : memref<32xi32, #tpu.memory_space<hbm>>) dst(%arg8 : memref<32xi32, #tpu.memory_space<vmem>>)
        tpu.yield
      }) : () -> ()
      "tpu.region"() ({
        %run_scoped3A = tpu.sem_alloc : memref<!tpu.dma_semaphore, #tpu.memory_space<semaphore_mem>>
        %dma_start3A_47 = tpu.memref_slice %arg5[%add3A_30] : memref<323584xi32, #tpu.memory_space<hbm>> -> memref<32xi32, #tpu.memory_space<hbm>>
        %dma_start3A_48 = tpu.memref_slice %arg5[%add3A_30] : memref<323584xi32, #tpu.memory_space<hbm>> -> memref<32xi32, #tpu.memory_space<hbm>>
        tpu.enqueue_dma source(%dma_start3A_48 : memref<32xi32, #tpu.memory_space<hbm>>) target(%arg9 : memref<32xi32, #tpu.memory_space<vmem>>) target_semaphore(%run_scoped3A : memref<!tpu.dma_semaphore, #tpu.memory_space<semaphore_mem>>)
        %dma_wait3A_49 = tpu.memref_slice %arg5[%add3A_30] : memref<323584xi32, #tpu.memory_space<hbm>> -> memref<32xi32, #tpu.memory_space<hbm>>
        %dma_wait3A_50 = tpu.memref_slice %arg5[%add3A_30] : memref<323584xi32, #tpu.memory_space<hbm>> -> memref<32xi32, #tpu.memory_space<hbm>>
        tpu.wait_dma2 semaphore(%run_scoped3A : memref<!tpu.dma_semaphore, #tpu.memory_space<semaphore_mem>>) src(%dma_wait3A_50 : memref<32xi32, #tpu.memory_space<hbm>>) dst(%arg9 : memref<32xi32, #tpu.memory_space<vmem>>)
        tpu.yield
      }) : () -> ()
      "tpu.region"() ({
        %run_scoped3A = tpu.sem_alloc : memref<!tpu.dma_semaphore, #tpu.memory_space<semaphore_mem>>
        %dma_start3A_47 = tpu.memref_slice %arg6[%add3A_30] : memref<323584xf32, #tpu.memory_space<hbm>> -> memref<32xf32, #tpu.memory_space<hbm>>
        %dma_start3A_48 = tpu.memref_slice %arg6[%add3A_30] : memref<323584xf32, #tpu.memory_space<hbm>> -> memref<32xf32, #tpu.memory_space<hbm>>
        tpu.enqueue_dma source(%dma_start3A_48 : memref<32xf32, #tpu.memory_space<hbm>>) target(%arg10 : memref<32xf32, #tpu.memory_space<vmem>>) target_semaphore(%run_scoped3A : memref<!tpu.dma_semaphore, #tpu.memory_space<semaphore_mem>>)
        %dma_wait3A_49 = tpu.memref_slice %arg6[%add3A_30] : memref<323584xf32, #tpu.memory_space<hbm>> -> memref<32xf32, #tpu.memory_space<hbm>>
        %dma_wait3A_50 = tpu.memref_slice %arg6[%add3A_30] : memref<323584xf32, #tpu.memory_space<hbm>> -> memref<32xf32, #tpu.memory_space<hbm>>
        tpu.wait_dma2 semaphore(%run_scoped3A : memref<!tpu.dma_semaphore, #tpu.memory_space<semaphore_mem>>) src(%dma_wait3A_50 : memref<32xf32, #tpu.memory_space<hbm>>) dst(%arg10 : memref<32xf32, #tpu.memory_space<vmem>>)
        tpu.yield
      }) : () -> ()
      %dma_start3A = arith.constant 0 : i32
      %dma_start3A_31 = arith.constant 0 : i32
      %dma_start3A_32 = tpu.memref_slice %arg2[%dma_start3A, %dma_start3A_31] : memref<10240x128xf32, #tpu.memory_space<hbm>> -> memref<10240x128xf32, #tpu.memory_space<hbm>>
      tpu.enqueue_indirect_dma source(%dma_start3A_32 : memref<10240x128xf32, #tpu.memory_space<hbm>>) target(%arg11 : memref<32x128xf32, #tpu.memory_space<vmem>>) offsets(%arg8 : memref<32xi32, #tpu.memory_space<vmem>>) semaphore(%arg14 : memref<!tpu.dma_semaphore, #tpu.memory_space<semaphore_mem>>)
      %dma_start3A_33 = arith.constant 0 : i32
      %dma_start3A_34 = arith.constant 0 : i32
      %dma_start3A_35 = tpu.memref_slice %arg3[%dma_start3A_33, %dma_start3A_34] : memref<10240x128xf32, #tpu.memory_space<hbm>> -> memref<10240x128xf32, #tpu.memory_space<hbm>>
      tpu.enqueue_indirect_dma source(%dma_start3A_35 : memref<10240x128xf32, #tpu.memory_space<hbm>>) target(%arg12 : memref<32x128xf32, #tpu.memory_space<vmem>>) offsets(%arg9 : memref<32xi32, #tpu.memory_space<vmem>>) semaphore(%arg15 : memref<!tpu.dma_semaphore, #tpu.memory_space<semaphore_mem>>)
      %dma_wait3A = arith.constant 0 : i32
      %dma_wait3A_36 = arith.constant 0 : i32
      %dma_wait3A_37 = tpu.memref_slice %arg2[%dma_wait3A, %dma_wait3A_36] : memref<10240x128xf32, #tpu.memory_space<hbm>> -> memref<10240x128xf32, #tpu.memory_space<hbm>>
      tpu.wait_indirect_dma semaphore(%arg14 : memref<!tpu.dma_semaphore, #tpu.memory_space<semaphore_mem>>) src(%dma_wait3A_37 : memref<10240x128xf32, #tpu.memory_space<hbm>>) dst(%arg11 : memref<32x128xf32, #tpu.memory_space<vmem>>)
      %dma_wait3A_38 = arith.constant 0 : i32
      %dma_wait3A_39 = arith.constant 0 : i32
      %dma_wait3A_40 = tpu.memref_slice %arg3[%dma_wait3A_38, %dma_wait3A_39] : memref<10240x128xf32, #tpu.memory_space<hbm>> -> memref<10240x128xf32, #tpu.memory_space<hbm>>
      tpu.wait_indirect_dma semaphore(%arg15 : memref<!tpu.dma_semaphore, #tpu.memory_space<semaphore_mem>>) src(%dma_wait3A_40 : memref<10240x128xf32, #tpu.memory_space<hbm>>) dst(%arg12 : memref<32x128xf32, #tpu.memory_space<vmem>>)
      %scan3A_41 = arith.constant 0 : i32
      %scan3A_42 = arith.constant 0 : i32
      %scan3A_43 = arith.constant 2 : i32
      %scan3A_44 = arith.addi %scan3A_42, %scan3A_43 : i32
      %scan3A_45 = arith.constant 1 : i32
      scf.for %scan3A_47 = %scan3A_42 to %scan3A_44 step %scan3A_45  : i32 {
        %mul3A_48 = arith.constant 16 : i32
        %mul3A_49 = arith.muli %scan3A_47, %mul3A_48 : i32
        %get3A = arith.index_cast %mul3A_49 : i32 to index
        %get3A_50 = tpu.vector_load %arg10[%get3A] {strides = array<i32>} : memref<32xf32, #tpu.memory_space<vmem>>, vector<16xf32>,
        %get3A_51 = vector.shape_cast %get3A_50 : vector<16xf32> to vector<16xf32>
        %slice3A = vector.extract_strided_slice %get3A_51 {offsets = [0], sizes = [1], strides = [1]} : vector<16xf32> to vector<1xf32>
        %squeeze3A = vector.extract %slice3A[0] : f32 from vector<1xf32>
        %mul3A_52 = arith.constant 16 : i32
        %mul3A_53 = arith.muli %scan3A_47, %mul3A_52 : i32
        %add3A_54 = arith.constant 0 : i32
        %add3A_55 = arith.addi %mul3A_53, %add3A_54 : i32
        %get3A_56 = arith.index_cast %add3A_55 : i32 to index
        %get3A_57 = arith.constant 0 : index
        %get3A_58 = tpu.vector_load %arg11[%get3A_56, %get3A_57] {strides = array<i32>} : memref<32x128xf32, #tpu.memory_space<vmem>>, vector<1x16xf32>,
        %get3A_59 = vector.shape_cast %get3A_58 : vector<1x16xf32> to vector<16xf32>
        %get3A_60 = arith.index_cast %add3A_55 : i32 to index
        %get3A_61 = arith.constant 0 : index
        %get3A_62 = tpu.vector_load %arg12[%get3A_60, %get3A_61] {strides = array<i32>} : memref<32x128xf32, #tpu.memory_space<vmem>>, vector<1x16xf32>,
        %get3A_63 = vector.shape_cast %get3A_62 : vector<1x16xf32> to vector<16xf32>
        %add3A_64 = arith.addf %get3A_59, %get3A_63 : vector<16xf32>
        %max3A = arith.constant 0.000000e+00 : f32
        %max3A_65 = vector.broadcast %max3A : f32 to vector<16xf32>
        %max3A_66 = arith.maximumf %add3A_64, %max3A_65 : vector<16xf32>
        %mul3A_67 = vector.broadcast %squeeze3A : f32 to vector<16xf32>
        %mul3A_68 = arith.mulf %max3A_66, %mul3A_67 : vector<16xf32>
        %swap3A = arith.index_cast %add3A_55 : i32 to index
        %swap3A_69 = arith.constant 0 : index
        %swap3A_70 = tpu.vector_load %arg11[%swap3A, %swap3A_69] {strides = array<i32>} : memref<32x128xf32, #tpu.memory_space<vmem>>, vector<1x16xf32>,
        %swap3A_71 = vector.shape_cast %swap3A_70 : vector<1x16xf32> to vector<16xf32>
        %swap3A_72 = vector.shape_cast %mul3A_68 : vector<16xf32> to vector<1x16xf32>
        tpu.vector_store %arg11[%swap3A, %swap3A_69], %swap3A_72 {strides = array<i32>} : memref<32x128xf32, #tpu.memory_space<vmem>>, vector<1x16xf32>,
        %get3A_73 = arith.index_cast %add3A_55 : i32 to index
        %get3A_74 = arith.constant 16 : index
        %get3A_75 = tpu.vector_load %arg11[%get3A_73, %get3A_74] {strides = array<i32>} : memref<32x128xf32, #tpu.memory_space<vmem>>, vector<1x16xf32>,
        %get3A_76 = vector.shape_cast %get3A_75 : vector<1x16xf32> to vector<16xf32>
        %get3A_77 = arith.index_cast %add3A_55 : i32 to index
        %get3A_78 = arith.constant 16 : index
        %get3A_79 = tpu.vector_load %arg12[%get3A_77, %get3A_78] {strides = array<i32>} : memref<32x128xf32, #tpu.memory_space<vmem>>, vector<1x16xf32>,
        %get3A_80 = vector.shape_cast %get3A_79 : vector<1x16xf32> to vector<16xf32>
        %add3A_81 = arith.addf %get3A_76, %get3A_80 : vector<16xf32>
        %max3A_82 = arith.constant 0.000000e+00 : f32
        %max3A_83 = vector.broadcast %max3A_82 : f32 to vector<16xf32>
        %max3A_84 = arith.maximumf %add3A_81, %max3A_83 : vector<16xf32>
        %mul3A_85 = vector.broadcast %squeeze3A : f32 to vector<16xf32>
        %mul3A_86 = arith.mulf %max3A_84, %mul3A_85 : vector<16xf32>
        %swap3A_87 = arith.index_cast %add3A_55 : i32 to index
        %swap3A_88 = arith.constant 16 : index
        %swap3A_89 = tpu.vector_load %arg11[%swap3A_87, %swap3A_88] {strides = array<i32>} : memref<32x128xf32, #tpu.memory_space<vmem>>, vector<1x16xf32>,
        %swap3A_90 = vector.shape_cast %swap3A_89 : vector<1x16xf32> to vector<16xf32>
        %swap3A_91 = vector.shape_cast %mul3A_86 : vector<16xf32> to vector<1x16xf32>
        tpu.vector_store %arg11[%swap3A_87, %swap3A_88], %swap3A_91 {strides = array<i32>} : memref<32x128xf32, #tpu.memory_space<vmem>>, vector<1x16xf32>,
        %get3A_92 = arith.index_cast %add3A_55 : i32 to index
        %get3A_93 = arith.constant 32 : index
        %get3A_94 = tpu.vector_load %arg11[%get3A_92, %get3A_93] {strides = array<i32>} : memref<32x128xf32, #tpu.memory_space<vmem>>, vector<1x16xf32>,
        %get3A_95 = vector.shape_cast %get3A_94 : vector<1x16xf32> to vector<16xf32>
        %get3A_96 = arith.index_cast %add3A_55 : i32 to index
        %get3A_97 = arith.constant 32 : index
        %get3A_98 = tpu.vector_load %arg12[%get3A_96, %get3A_97] {strides = array<i32>} : memref<32x128xf32, #tpu.memory_space<vmem>>, vector<1x16xf32>,
        %get3A_99 = vector.shape_cast %get3A_98 : vector<1x16xf32> to vector<16xf32>
        %add3A_100 = arith.addf %get3A_95, %get3A_99 : vector<16xf32>
        %max3A_101 = arith.constant 0.000000e+00 : f32
        %max3A_102 = vector.broadcast %max3A_101 : f32 to vector<16xf32>
        %max3A_103 = arith.maximumf %add3A_100, %max3A_102 : vector<16xf32>
        %mul3A_104 = vector.broadcast %squeeze3A : f32 to vector<16xf32>
        %mul3A_105 = arith.mulf %max3A_103, %mul3A_104 : vector<16xf32>
        %swap3A_106 = arith.index_cast %add3A_55 : i32 to index
        %swap3A_107 = arith.constant 32 : index
        %swap3A_108 = tpu.vector_load %arg11[%swap3A_106, %swap3A_107] {strides = array<i32>} : memref<32x128xf32, #tpu.memory_space<vmem>>, vector<1x16xf32>,
        %swap3A_109 = vector.shape_cast %swap3A_108 : vector<1x16xf32> to vector<16xf32>
        %swap3A_110 = vector.shape_cast %mul3A_105 : vector<16xf32> to vector<1x16xf32>
        tpu.vector_store %arg11[%swap3A_106, %swap3A_107], %swap3A_110 {strides = array<i32>} : memref<32x128xf32, #tpu.memory_space<vmem>>, vector<1x16xf32>,
        %get3A_111 = arith.index_cast %add3A_55 : i32 to index
        %get3A_112 = arith.constant 48 : index
        %get3A_113 = tpu.vector_load %arg11[%get3A_111, %get3A_112] {strides = array<i32>} : memref<32x128xf32, #tpu.memory_space<vmem>>, vector<1x16xf32>,
        %get3A_114 = vector.shape_cast %get3A_113 : vector<1x16xf32> to vector<16xf32>
        %get3A_115 = arith.index_cast %add3A_55 : i32 to index
        %get3A_116 = arith.constant 48 : index
        %get3A_117 = tpu.vector_load %arg12[%get3A_115, %get3A_116] {strides = array<i32>} : memref<32x128xf32, #tpu.memory_space<vmem>>, vector<1x16xf32>,
        %get3A_118 = vector.shape_cast %get3A_117 : vector<1x16xf32> to vector<16xf32>
        %add3A_119 = arith.addf %get3A_114, %get3A_118 : vector<16xf32>
        %max3A_120 = arith.constant 0.000000e+00 : f32
        %max3A_121 = vector.broadcast %max3A_120 : f32 to vector<16xf32>
        %max3A_122 = arith.maximumf %add3A_119, %max3A_121 : vector<16xf32>
        %mul3A_123 = vector.broadcast %squeeze3A : f32 to vector<16xf32>
        %mul3A_124 = arith.mulf %max3A_122, %mul3A_123 : vector<16xf32>
        %swap3A_125 = arith.index_cast %add3A_55 : i32 to index
        %swap3A_126 = arith.constant 48 : index
        %swap3A_127 = tpu.vector_load %arg11[%swap3A_125, %swap3A_126] {strides = array<i32>} : memref<32x128xf32, #tpu.memory_space<vmem>>, vector<1x16xf32>,
        %swap3A_128 = vector.shape_cast %swap3A_127 : vector<1x16xf32> to vector<16xf32>
        %swap3A_129 = vector.shape_cast %mul3A_124 : vector<16xf32> to vector<1x16xf32>
        tpu.vector_store %arg11[%swap3A_125, %swap3A_126], %swap3A_129 {strides = array<i32>} : memref<32x128xf32, #tpu.memory_space<vmem>>, vector<1x16xf32>,
        %get3A_130 = arith.index_cast %add3A_55 : i32 to index
        %get3A_131 = arith.constant 64 : index
        %get3A_132 = tpu.vector_load %arg11[%get3A_130, %get3A_131] {strides = array<i32>} : memref<32x128xf32, #tpu.memory_space<vmem>>, vector<1x16xf32>,
        %get3A_133 = vector.shape_cast %get3A_132 : vector<1x16xf32> to vector<16xf32>
        %get3A_134 = arith.index_cast %add3A_55 : i32 to index
        %get3A_135 = arith.constant 64 : index
        %get3A_136 = tpu.vector_load %arg12[%get3A_134, %get3A_135] {strides = array<i32>} : memref<32x128xf32, #tpu.memory_space<vmem>>, vector<1x16xf32>,
        %get3A_137 = vector.shape_cast %get3A_136 : vector<1x16xf32> to vector<16xf32>
        %add3A_138 = arith.addf %get3A_133, %get3A_137 : vector<16xf32>
        %max3A_139 = arith.constant 0.000000e+00 : f32
        %max3A_140 = vector.broadcast %max3A_139 : f32 to vector<16xf32>
        %max3A_141 = arith.maximumf %add3A_138, %max3A_140 : vector<16xf32>
        %mul3A_142 = vector.broadcast %squeeze3A : f32 to vector<16xf32>
        %mul3A_143 = arith.mulf %max3A_141, %mul3A_142 : vector<16xf32>
        %swap3A_144 = arith.index_cast %add3A_55 : i32 to index
        %swap3A_145 = arith.constant 64 : index
        %swap3A_146 = tpu.vector_load %arg11[%swap3A_144, %swap3A_145] {strides = array<i32>} : memref<32x128xf32, #tpu.memory_space<vmem>>, vector<1x16xf32>,
        %swap3A_147 = vector.shape_cast %swap3A_146 : vector<1x16xf32> to vector<16xf32>
        %swap3A_148 = vector.shape_cast %mul3A_143 : vector<16xf32> to vector<1x16xf32>
        tpu.vector_store %arg11[%swap3A_144, %swap3A_145], %swap3A_148 {strides = array<i32>} : memref<32x128xf32, #tpu.memory_space<vmem>>, vector<1x16xf32>,
        %get3A_149 = arith.index_cast %add3A_55 : i32 to index
        %get3A_150 = arith.constant 80 : index
        %get3A_151 = tpu.vector_load %arg11[%get3A_149, %get3A_150] {strides = array<i32>} : memref<32x128xf32, #tpu.memory_space<vmem>>, vector<1x16xf32>,
        %get3A_152 = vector.shape_cast %get3A_151 : vector<1x16xf32> to vector<16xf32>
        %get3A_153 = arith.index_cast %add3A_55 : i32 to index
        %get3A_154 = arith.constant 80 : index
        %get3A_155 = tpu.vector_load %arg12[%get3A_153, %get3A_154] {strides = array<i32>} : memref<32x128xf32, #tpu.memory_space<vmem>>, vector<1x16xf32>,
        %get3A_156 = vector.shape_cast %get3A_155 : vector<1x16xf32> to vector<16xf32>
        %add3A_157 = arith.addf %get3A_152, %get3A_156 : vector<16xf32>
        %max3A_158 = arith.constant 0.000000e+00 : f32
        %max3A_159 = vector.broadcast %max3A_158 : f32 to vector<16xf32>
        %max3A_160 = arith.maximumf %add3A_157, %max3A_159 : vector<16xf32>
        %mul3A_161 = vector.broadcast %squeeze3A : f32 to vector<16xf32>
        %mul3A_162 = arith.mulf %max3A_160, %mul3A_161 : vector<16xf32>
        %swap3A_163 = arith.index_cast %add3A_55 : i32 to index
        %swap3A_164 = arith.constant 80 : index
        %swap3A_165 = tpu.vector_load %arg11[%swap3A_163, %swap3A_164] {strides = array<i32>} : memref<32x128xf32, #tpu.memory_space<vmem>>, vector<1x16xf32>,
        %swap3A_166 = vector.shape_cast %swap3A_165 : vector<1x16xf32> to vector<16xf32>
        %swap3A_167 = vector.shape_cast %mul3A_162 : vector<16xf32> to vector<1x16xf32>
        tpu.vector_store %arg11[%swap3A_163, %swap3A_164], %swap3A_167 {strides = array<i32>} : memref<32x128xf32, #tpu.memory_space<vmem>>, vector<1x16xf32>,
        %get3A_168 = arith.index_cast %add3A_55 : i32 to index
        %get3A_169 = arith.constant 96 : index
        %get3A_170 = tpu.vector_load %arg11[%get3A_168, %get3A_169] {strides = array<i32>} : memref<32x128xf32, #tpu.memory_space<vmem>>, vector<1x16xf32>,
        %get3A_171 = vector.shape_cast %get3A_170 : vector<1x16xf32> to vector<16xf32>
        %get3A_172 = arith.index_cast %add3A_55 : i32 to index
        %get3A_173 = arith.constant 96 : index
        %get3A_174 = tpu.vector_load %arg12[%get3A_172, %get3A_173] {strides = array<i32>} : memref<32x128xf32, #tpu.memory_space<vmem>>, vector<1x16xf32>,
        %get3A_175 = vector.shape_cast %get3A_174 : vector<1x16xf32> to vector<16xf32>
        %add3A_176 = arith.addf %get3A_171, %get3A_175 : vector<16xf32>
        %max3A_177 = arith.constant 0.000000e+00 : f32
        %max3A_178 = vector.broadcast %max3A_177 : f32 to vector<16xf32>
        %max3A_179 = arith.maximumf %add3A_176, %max3A_178 : vector<16xf32>
        %mul3A_180 = vector.broadcast %squeeze3A : f32 to vector<16xf32>
        %mul3A_181 = arith.mulf %max3A_179, %mul3A_180 : vector<16xf32>
        %swap3A_182 = arith.index_cast %add3A_55 : i32 to index
        %swap3A_183 = arith.constant 96 : index
        %swap3A_184 = tpu.vector_load %arg11[%swap3A_182, %swap3A_183] {strides = array<i32>} : memref<32x128xf32, #tpu.memory_space<vmem>>, vector<1x16xf32>,
        %swap3A_185 = vector.shape_cast %swap3A_184 : vector<1x16xf32> to vector<16xf32>
        %swap3A_186 = vector.shape_cast %mul3A_181 : vector<16xf32> to vector<1x16xf32>
        tpu.vector_store %arg11[%swap3A_182, %swap3A_183], %swap3A_186 {strides = array<i32>} : memref<32x128xf32, #tpu.memory_space<vmem>>, vector<1x16xf32>,
        %get3A_187 = arith.index_cast %add3A_55 : i32 to index
        %get3A_188 = arith.constant 112 : index
        %get3A_189 = tpu.vector_load %arg11[%get3A_187, %get3A_188] {strides = array<i32>} : memref<32x128xf32, #tpu.memory_space<vmem>>, vector<1x16xf32>,
        %get3A_190 = vector.shape_cast %get3A_189 : vector<1x16xf32> to vector<16xf32>
        %get3A_191 = arith.index_cast %add3A_55 : i32 to index
        %get3A_192 = arith.constant 112 : index
        %get3A_193 = tpu.vector_load %arg12[%get3A_191, %get3A_192] {strides = array<i32>} : memref<32x128xf32, #tpu.memory_space<vmem>>, vector<1x16xf32>,
        %get3A_194 = vector.shape_cast %get3A_193 : vector<1x16xf32> to vector<16xf32>
        %add3A_195 = arith.addf %get3A_190, %get3A_194 : vector<16xf32>
        %max3A_196 = arith.constant 0.000000e+00 : f32
        %max3A_197 = vector.broadcast %max3A_196 : f32 to vector<16xf32>
        %max3A_198 = arith.maximumf %add3A_195, %max3A_197 : vector<16xf32>
        %mul3A_199 = vector.broadcast %squeeze3A : f32 to vector<16xf32>
        %mul3A_200 = arith.mulf %max3A_198, %mul3A_199 : vector<16xf32>
        %swap3A_201 = arith.index_cast %add3A_55 : i32 to index
        %swap3A_202 = arith.constant 112 : index
        %swap3A_203 = tpu.vector_load %arg11[%swap3A_201, %swap3A_202] {strides = array<i32>} : memref<32x128xf32, #tpu.memory_space<vmem>>, vector<1x16xf32>,
        %swap3A_204 = vector.shape_cast %swap3A_203 : vector<1x16xf32> to vector<16xf32>
        %swap3A_205 = vector.shape_cast %mul3A_200 : vector<16xf32> to vector<1x16xf32>
        tpu.vector_store %arg11[%swap3A_201, %swap3A_202], %swap3A_205 {strides = array<i32>} : memref<32x128xf32, #tpu.memory_space<vmem>>, vector<1x16xf32>,
        %slice3A_206 = vector.extract_strided_slice %get3A_51 {offsets = [1], sizes = [1], strides = [1]} : vector<16xf32> to vector<1xf32>
        %squeeze3A_207 = vector.extract %slice3A_206[0] : f32 from vector<1xf32>
        %mul3A_208 = arith.constant 16 : i32
        %mul3A_209 = arith.muli %scan3A_47, %mul3A_208 : i32
        %add3A_210 = arith.constant 1 : i32
        %add3A_211 = arith.addi %mul3A_209, %add3A_210 : i32
        %get3A_212 = arith.index_cast %add3A_211 : i32 to index
        %get3A_213 = arith.constant 0 : index
        %get3A_214 = tpu.vector_load %arg11[%get3A_212, %get3A_213] {strides = array<i32>} : memref<32x128xf32, #tpu.memory_space<vmem>>, vector<1x16xf32>,
        %get3A_215 = vector.shape_cast %get3A_214 : vector<1x16xf32> to vector<16xf32>
        %get3A_216 = arith.index_cast %add3A_211 : i32 to index
        %get3A_217 = arith.constant 0 : index
        %get3A_218 = tpu.vector_load %arg12[%get3A_216, %get3A_217] {strides = array<i32>} : memref<32x128xf32, #tpu.memory_space<vmem>>, vector<1x16xf32>,
        %get3A_219 = vector.shape_cast %get3A_218 : vector<1x16xf32> to vector<16xf32>
        %add3A_220 = arith.addf %get3A_215, %get3A_219 : vector<16xf32>
        %max3A_221 = arith.constant 0.000000e+00 : f32
        %max3A_222 = vector.broadcast %max3A_221 : f32 to vector<16xf32>
        %max3A_223 = arith.maximumf %add3A_220, %max3A_222 : vector<16xf32>
        %mul3A_224 = vector.broadcast %squeeze3A_207 : f32 to vector<16xf32>
        %mul3A_225 = arith.mulf %max3A_223, %mul3A_224 : vector<16xf32>
        %swap3A_226 = arith.index_cast %add3A_211 : i32 to index
        %swap3A_227 = arith.constant 0 : index
        %swap3A_228 = tpu.vector_load %arg11[%swap3A_226, %swap3A_227] {strides = array<i32>} : memref<32x128xf32, #tpu.memory_space<vmem>>, vector<1x16xf32>,
        %swap3A_229 = vector.shape_cast %swap3A_228 : vector<1x16xf32> to vector<16xf32>
        %swap3A_230 = vector.shape_cast %mul3A_225 : vector<16xf32> to vector<1x16xf32>
        tpu.vector_store %arg11[%swap3A_226, %swap3A_227], %swap3A_230 {strides = array<i32>} : memref<32x128xf32, #tpu.memory_space<vmem>>, vector<1x16xf32>,
        %get3A_231 = arith.index_cast %add3A_211 : i32 to index
        %get3A_232 = arith.constant 16 : index
        %get3A_233 = tpu.vector_load %arg11[%get3A_231, %get3A_232] {strides = array<i32>} : memref<32x128xf32, #tpu.memory_space<vmem>>, vector<1x16xf32>,
        %get3A_234 = vector.shape_cast %get3A_233 : vector<1x16xf32> to vector<16xf32>
        %get3A_235 = arith.index_cast %add3A_211 : i32 to index
        %get3A_236 = arith.constant 16 : index
        %get3A_237 = tpu.vector_load %arg12[%get3A_235, %get3A_236] {strides = array<i32>} : memref<32x128xf32, #tpu.memory_space<vmem>>, vector<1x16xf32>,
        %get3A_238 = vector.shape_cast %get3A_237 : vector<1x16xf32> to vector<16xf32>
        %add3A_239 = arith.addf %get3A_234, %get3A_238 : vector<16xf32>
        %max3A_240 = arith.constant 0.000000e+00 : f32
        %max3A_241 = vector.broadcast %max3A_240 : f32 to vector<16xf32>
        %max3A_242 = arith.maximumf %add3A_239, %max3A_241 : vector<16xf32>
        %mul3A_243 = vector.broadcast %squeeze3A_207 : f32 to vector<16xf32>
        %mul3A_244 = arith.mulf %max3A_242, %mul3A_243 : vector<16xf32>
        %swap3A_245 = arith.index_cast %add3A_211 : i32 to index
        %swap3A_246 = arith.constant 16 : index
        %swap3A_247 = tpu.vector_load %arg11[%swap3A_245, %swap3A_246] {strides = array<i32>} : memref<32x128xf32, #tpu.memory_space<vmem>>, vector<1x16xf32>,
        %swap3A_248 = vector.shape_cast %swap3A_247 : vector<1x16xf32> to vector<16xf32>
        %swap3A_249 = vector.shape_cast %mul3A_244 : vector<16xf32> to vector<1x16xf32>
        tpu.vector_store %arg11[%swap3A_245, %swap3A_246], %swap3A_249 {strides = array<i32>} : memref<32x128xf32, #tpu.memory_space<vmem>>, vector<1x16xf32>,
        %get3A_250 = arith.index_cast %add3A_211 : i32 to index
        %get3A_251 = arith.constant 32 : index
        %get3A_252 = tpu.vector_load %arg11[%get3A_250, %get3A_251] {strides = array<i32>} : memref<32x128xf32, #tpu.memory_space<vmem>>, vector<1x16xf32>,
        %get3A_253 = vector.shape_cast %get3A_252 : vector<1x16xf32> to vector<16xf32>
        %get3A_254 = arith.index_cast %add3A_211 : i32 to index
        %get3A_255 = arith.constant 32 : index
        %get3A_256 = tpu.vector_load %arg12[%get3A_254, %get3A_255] {strides = array<i32>} : memref<32x128xf32, #tpu.memory_space<vmem>>, vector<1x16xf32>,
        %get3A_257 = vector.shape_cast %get3A_256 : vector<1x16xf32> to vector<16xf32>
        %add3A_258 = arith.addf %get3A_253, %get3A_257 : vector<16xf32>
        %max3A_259 = arith.constant 0.000000e+00 : f32
        %max3A_260 = vector.broadcast %max3A_259 : f32 to vector<16xf32>
        %max3A_261 = arith.maximumf %add3A_258, %max3A_260 : vector<16xf32>
        %mul3A_262 = vector.broadcast %squeeze3A_207 : f32 to vector<16xf32>
        %mul3A_263 = arith.mulf %max3A_261, %mul3A_262 : vector<16xf32>
        %swap3A_264 = arith.index_cast %add3A_211 : i32 to index
        %swap3A_265 = arith.constant 32 : index
        %swap3A_266 = tpu.vector_load %arg11[%swap3A_264, %swap3A_265] {strides = array<i32>} : memref<32x128xf32, #tpu.memory_space<vmem>>, vector<1x16xf32>,
        %swap3A_267 = vector.shape_cast %swap3A_266 : vector<1x16xf32> to vector<16xf32>
        %swap3A_268 = vector.shape_cast %mul3A_263 : vector<16xf32> to vector<1x16xf32>
        tpu.vector_store %arg11[%swap3A_264, %swap3A_265], %swap3A_268 {strides = array<i32>} : memref<32x128xf32, #tpu.memory_space<vmem>>, vector<1x16xf32>,
        %get3A_269 = arith.index_cast %add3A_211 : i32 to index
        %get3A_270 = arith.constant 48 : index
        %get3A_271 = tpu.vector_load %arg11[%get3A_269, %get3A_270] {strides = array<i32>} : memref<32x128xf32, #tpu.memory_space<vmem>>, vector<1x16xf32>,
        %get3A_272 = vector.shape_cast %get3A_271 : vector<1x16xf32> to vector<16xf32>
        %get3A_273 = arith.index_cast %add3A_211 : i32 to index
        %get3A_274 = arith.constant 48 : index
        %get3A_275 = tpu.vector_load %arg12[%get3A_273, %get3A_274] {strides = array<i32>} : memref<32x128xf32, #tpu.memory_space<vmem>>, vector<1x16xf32>,
        %get3A_276 = vector.shape_cast %get3A_275 : vector<1x16xf32> to vector<16xf32>
        %add3A_277 = arith.addf %get3A_272, %get3A_276 : vector<16xf32>
        %max3A_278 = arith.constant 0.000000e+00 : f32
        %max3A_279 = vector.broadcast %max3A_278 : f32 to vector<16xf32>
        %max3A_280 = arith.maximumf %add3A_277, %max3A_279 : vector<16xf32>
        %mul3A_281 = vector.broadcast %squeeze3A_207 : f32 to vector<16xf32>
        %mul3A_282 = arith.mulf %max3A_280, %mul3A_281 : vector<16xf32>
        %swap3A_283 = arith.index_cast %add3A_211 : i32 to index
        %swap3A_284 = arith.constant 48 : index
        %swap3A_285 = tpu.vector_load %arg11[%swap3A_283, %swap3A_284] {strides = array<i32>} : memref<32x128xf32, #tpu.memory_space<vmem>>, vector<1x16xf32>,
        %swap3A_286 = vector.shape_cast %swap3A_285 : vector<1x16xf32> to vector<16xf32>
        %swap3A_287 = vector.shape_cast %mul3A_282 : vector<16xf32> to vector<1x16xf32>
        tpu.vector_store %arg11[%swap3A_283, %swap3A_284], %swap3A_287 {strides = array<i32>} : memref<32x128xf32, #tpu.memory_space<vmem>>, vector<1x16xf32>,
        %get3A_288 = arith.index_cast %add3A_211 : i32 to index
        %get3A_289 = arith.constant 64 : index
        %get3A_290 = tpu.vector_load %arg11[%get3A_288, %get3A_289] {strides = array<i32>} : memref<32x128xf32, #tpu.memory_space<vmem>>, vector<1x16xf32>,
        %get3A_291 = vector.shape_cast %get3A_290 : vector<1x16xf32> to vector<16xf32>
        %get3A_292 = arith.index_cast %add3A_211 : i32 to index
        %get3A_293 = arith.constant 64 : index
        %get3A_294 = tpu.vector_load %arg12[%get3A_292, %get3A_293] {strides = array<i32>} : memref<32x128xf32, #tpu.memory_space<vmem>>, vector<1x16xf32>,
        %get3A_295 = vector.shape_cast %get3A_294 : vector<1x16xf32> to vector<16xf32>
        %add3A_296 = arith.addf %get3A_291, %get3A_295 : vector<16xf32>
        %max3A_297 = arith.constant 0.000000e+00 : f32
        %max3A_298 = vector.broadcast %max3A_297 : f32 to vector<16xf32>
        %max3A_299 = arith.maximumf %add3A_296, %max3A_298 : vector<16xf32>
        %mul3A_300 = vector.broadcast %squeeze3A_207 : f32 to vector<16xf32>
        %mul3A_301 = arith.mulf %max3A_299, %mul3A_300 : vector<16xf32>
        %swap3A_302 = arith.index_cast %add3A_211 : i32 to index
        %swap3A_303 = arith.constant 64 : index
        %swap3A_304 = tpu.vector_load %arg11[%swap3A_302, %swap3A_303] {strides = array<i32>} : memref<32x128xf32, #tpu.memory_space<vmem>>, vector<1x16xf32>,
        %swap3A_305 = vector.shape_cast %swap3A_304 : vector<1x16xf32> to vector<16xf32>
        %swap3A_306 = vector.shape_cast %mul3A_301 : vector<16xf32> to vector<1x16xf32>
        tpu.vector_store %arg11[%swap3A_302, %swap3A_303], %swap3A_306 {strides = array<i32>} : memref<32x128xf32, #tpu.memory_space<vmem>>, vector<1x16xf32>,
        %get3A_307 = arith.index_cast %add3A_211 : i32 to index
        %get3A_308 = arith.constant 80 : index
        %get3A_309 = tpu.vector_load %arg11[%get3A_307, %get3A_308] {strides = array<i32>} : memref<32x128xf32, #tpu.memory_space<vmem>>, vector<1x16xf32>,
        %get3A_310 = vector.shape_cast %get3A_309 : vector<1x16xf32> to vector<16xf32>
        %get3A_311 = arith.index_cast %add3A_211 : i32 to index
        %get3A_312 = arith.constant 80 : index
        %get3A_313 = tpu.vector_load %arg12[%get3A_311, %get3A_312] {strides = array<i32>} : memref<32x128xf32, #tpu.memory_space<vmem>>, vector<1x16xf32>,
        %get3A_314 = vector.shape_cast %get3A_313 : vector<1x16xf32> to vector<16xf32>
        %add3A_315 = arith.addf %get3A_310, %get3A_314 : vector<16xf32>
        %max3A_316 = arith.constant 0.000000e+00 : f32
        %max3A_317 = vector.broadcast %max3A_316 : f32 to vector<16xf32>
        %max3A_318 = arith.maximumf %add3A_315, %max3A_317 : vector<16xf32>
        %mul3A_319 = vector.broadcast %squeeze3A_207 : f32 to vector<16xf32>
        %mul3A_320 = arith.mulf %max3A_318, %mul3A_319 : vector<16xf32>
        %swap3A_321 = arith.index_cast %add3A_211 : i32 to index
        %swap3A_322 = arith.constant 80 : index
        %swap3A_323 = tpu.vector_load %arg11[%swap3A_321, %swap3A_322] {strides = array<i32>} : memref<32x128xf32, #tpu.memory_space<vmem>>, vector<1x16xf32>,
        %swap3A_324 = vector.shape_cast %swap3A_323 : vector<1x16xf32> to vector<16xf32>
        %swap3A_325 = vector.shape_cast %mul3A_320 : vector<16xf32> to vector<1x16xf32>
        tpu.vector_store %arg11[%swap3A_321, %swap3A_322], %swap3A_325 {strides = array<i32>} : memref<32x128xf32, #tpu.memory_space<vmem>>, vector<1x16xf32>,
        %get3A_326 = arith.index_cast %add3A_211 : i32 to index
        %get3A_327 = arith.constant 96 : index
        %get3A_328 = tpu.vector_load %arg11[%get3A_326, %get3A_327] {strides = array<i32>} : memref<32x128xf32, #tpu.memory_space<vmem>>, vector<1x16xf32>,
        %get3A_329 = vector.shape_cast %get3A_328 : vector<1x16xf32> to vector<16xf32>
        %get3A_330 = arith.index_cast %add3A_211 : i32 to index
        %get3A_331 = arith.constant 96 : index
        %get3A_332 = tpu.vector_load %arg12[%get3A_330, %get3A_331] {strides = array<i32>} : memref<32x128xf32, #tpu.memory_space<vmem>>, vector<1x16xf32>,
        %get3A_333 = vector.shape_cast %get3A_332 : vector<1x16xf32> to vector<16xf32>
        %add3A_334 = arith.addf %get3A_329, %get3A_333 : vector<16xf32>
        %max3A_335 = arith.constant 0.000000e+00 : f32
        %max3A_336 = vector.broadcast %max3A_335 : f32 to vector<16xf32>
        %max3A_337 = arith.maximumf %add3A_334, %max3A_336 : vector<16xf32>
        %mul3A_338 = vector.broadcast %squeeze3A_207 : f32 to vector<16xf32>
        %mul3A_339 = arith.mulf %max3A_337, %mul3A_338 : vector<16xf32>
        %swap3A_340 = arith.index_cast %add3A_211 : i32 to index
        %swap3A_341 = arith.constant 96 : index
        %swap3A_342 = tpu.vector_load %arg11[%swap3A_340, %swap3A_341] {strides = array<i32>} : memref<32x128xf32, #tpu.memory_space<vmem>>, vector<1x16xf32>,
        %swap3A_343 = vector.shape_cast %swap3A_342 : vector<1x16xf32> to vector<16xf32>
        %swap3A_344 = vector.shape_cast %mul3A_339 : vector<16xf32> to vector<1x16xf32>
        tpu.vector_store %arg11[%swap3A_340, %swap3A_341], %swap3A_344 {strides = array<i32>} : memref<32x128xf32, #tpu.memory_space<vmem>>, vector<1x16xf32>,
        %get3A_345 = arith.index_cast %add3A_211 : i32 to index
        %get3A_346 = arith.constant 112 : index
        %get3A_347 = tpu.vector_load %arg11[%get3A_345, %get3A_346] {strides = array<i32>} : memref<32x128xf32, #tpu.memory_space<vmem>>, vector<1x16xf32>,
        %get3A_348 = vector.shape_cast %get3A_347 : vector<1x16xf32> to vector<16xf32>
        %get3A_349 = arith.index_cast %add3A_211 : i32 to index
        %get3A_350 = arith.constant 112 : index
        %get3A_351 = tpu.vector_load %arg12[%get3A_349, %get3A_350] {strides = array<i32>} : memref<32x128xf32, #tpu.memory_space<vmem>>, vector<1x16xf32>,
        %get3A_352 = vector.shape_cast %get3A_351 : vector<1x16xf32> to vector<16xf32>
        %add3A_353 = arith.addf %get3A_348, %get3A_352 : vector<16xf32>
        %max3A_354 = arith.constant 0.000000e+00 : f32
        %max3A_355 = vector.broadcast %max3A_354 : f32 to vector<16xf32>
        %max3A_356 = arith.maximumf %add3A_353, %max3A_355 : vector<16xf32>
        %mul3A_357 = vector.broadcast %squeeze3A_207 : f32 to vector<16xf32>
        %mul3A_358 = arith.mulf %max3A_356, %mul3A_357 : vector<16xf32>
        %swap3A_359 = arith.index_cast %add3A_211 : i32 to index
        %swap3A_360 = arith.constant 112 : index
        %swap3A_361 = tpu.vector_load %arg11[%swap3A_359, %swap3A_360] {strides = array<i32>} : memref<32x128xf32, #tpu.memory_space<vmem>>, vector<1x16xf32>,
        %swap3A_362 = vector.shape_cast %swap3A_361 : vector<1x16xf32> to vector<16xf32>
        %swap3A_363 = vector.shape_cast %mul3A_358 : vector<16xf32> to vector<1x16xf32>
        tpu.vector_store %arg11[%swap3A_359, %swap3A_360], %swap3A_363 {strides = array<i32>} : memref<32x128xf32, #tpu.memory_space<vmem>>, vector<1x16xf32>,
        %slice3A_364 = vector.extract_strided_slice %get3A_51 {offsets = [2], sizes = [1], strides = [1]} : vector<16xf32> to vector<1xf32>
        %squeeze3A_365 = vector.extract %slice3A_364[0] : f32 from vector<1xf32>
        %mul3A_366 = arith.constant 16 : i32
        %mul3A_367 = arith.muli %scan3A_47, %mul3A_366 : i32
        %add3A_368 = arith.constant 2 : i32
        %add3A_369 = arith.addi %mul3A_367, %add3A_368 : i32
        %get3A_370 = arith.index_cast %add3A_369 : i32 to index
        %get3A_371 = arith.constant 0 : index
        %get3A_372 = tpu.vector_load %arg11[%get3A_370, %get3A_371] {strides = array<i32>} : memref<32x128xf32, #tpu.memory_space<vmem>>, vector<1x16xf32>,
        %get3A_373 = vector.shape_cast %get3A_372 : vector<1x16xf32> to vector<16xf32>
        %get3A_374 = arith.index_cast %add3A_369 : i32 to index
        %get3A_375 = arith.constant 0 : index
        %get3A_376 = tpu.vector_load %arg12[%get3A_374, %get3A_375] {strides = array<i32>} : memref<32x128xf32, #tpu.memory_space<vmem>>, vector<1x16xf32>,
        %get3A_377 = vector.shape_cast %get3A_376 : vector<1x16xf32> to vector<16xf32>
        %add3A_378 = arith.addf %get3A_373, %get3A_377 : vector<16xf32>
        %max3A_379 = arith.constant 0.000000e+00 : f32
        %max3A_380 = vector.broadcast %max3A_379 : f32 to vector<16xf32>
        %max3A_381 = arith.maximumf %add3A_378, %max3A_380 : vector<16xf32>
        %mul3A_382 = vector.broadcast %squeeze3A_365 : f32 to vector<16xf32>
        %mul3A_383 = arith.mulf %max3A_381, %mul3A_382 : vector<16xf32>
        %swap3A_384 = arith.index_cast %add3A_369 : i32 to index
        %swap3A_385 = arith.constant 0 : index
        %swap3A_386 = tpu.vector_load %arg11[%swap3A_384, %swap3A_385] {strides = array<i32>} : memref<32x128xf32, #tpu.memory_space<vmem>>, vector<1x16xf32>,
        %swap3A_387 = vector.shape_cast %swap3A_386 : vector<1x16xf32> to vector<16xf32>
        %swap3A_388 = vector.shape_cast %mul3A_383 : vector<16xf32> to vector<1x16xf32>
        tpu.vector_store %arg11[%swap3A_384, %swap3A_385], %swap3A_388 {strides = array<i32>} : memref<32x128xf32, #tpu.memory_space<vmem>>, vector<1x16xf32>,
        %get3A_389 = arith.index_cast %add3A_369 : i32 to index
        %get3A_390 = arith.constant 16 : index
        %get3A_391 = tpu.vector_load %arg11[%get3A_389, %get3A_390] {strides = array<i32>} : memref<32x128xf32, #tpu.memory_space<vmem>>, vector<1x16xf32>,
        %get3A_392 = vector.shape_cast %get3A_391 : vector<1x16xf32> to vector<16xf32>
        %get3A_393 = arith.index_cast %add3A_369 : i32 to index
        %get3A_394 = arith.constant 16 : index
        %get3A_395 = tpu.vector_load %arg12[%get3A_393, %get3A_394] {strides = array<i32>} : memref<32x128xf32, #tpu.memory_space<vmem>>, vector<1x16xf32>,
        %get3A_396 = vector.shape_cast %get3A_395 : vector<1x16xf32> to vector<16xf32>
        %add3A_397 = arith.addf %get3A_392, %get3A_396 : vector<16xf32>
        %max3A_398 = arith.constant 0.000000e+00 : f32
        %max3A_399 = vector.broadcast %max3A_398 : f32 to vector<16xf32>
        %max3A_400 = arith.maximumf %add3A_397, %max3A_399 : vector<16xf32>
        %mul3A_401 = vector.broadcast %squeeze3A_365 : f32 to vector<16xf32>
        %mul3A_402 = arith.mulf %max3A_400, %mul3A_401 : vector<16xf32>
        %swap3A_403 = arith.index_cast %add3A_369 : i32 to index
        %swap3A_404 = arith.constant 16 : index
        %swap3A_405 = tpu.vector_load %arg11[%swap3A_403, %swap3A_404] {strides = array<i32>} : memref<32x128xf32, #tpu.memory_space<vmem>>, vector<1x16xf32>,
        %swap3A_406 = vector.shape_cast %swap3A_405 : vector<1x16xf32> to vector<16xf32>
        %swap3A_407 = vector.shape_cast %mul3A_402 : vector<16xf32> to vector<1x16xf32>
        tpu.vector_store %arg11[%swap3A_403, %swap3A_404], %swap3A_407 {strides = array<i32>} : memref<32x128xf32, #tpu.memory_space<vmem>>, vector<1x16xf32>,
        %get3A_408 = arith.index_cast %add3A_369 : i32 to index
        %get3A_409 = arith.constant 32 : index
        %get3A_410 = tpu.vector_load %arg11[%get3A_408, %get3A_409] {strides = array<i32>} : memref<32x128xf32, #tpu.memory_space<vmem>>, vector<1x16xf32>,
        %get3A_411 = vector.shape_cast %get3A_410 : vector<1x16xf32> to vector<16xf32>
        %get3A_412 = arith.index_cast %add3A_369 : i32 to index
        %get3A_413 = arith.constant 32 : index
        %get3A_414 = tpu.vector_load %arg12[%get3A_412, %get3A_413] {strides = array<i32>} : memref<32x128xf32, #tpu.memory_space<vmem>>, vector<1x16xf32>,
        %get3A_415 = vector.shape_cast %get3A_414 : vector<1x16xf32> to vector<16xf32>
        %add3A_416 = arith.addf %get3A_411, %get3A_415 : vector<16xf32>
        %max3A_417 = arith.constant 0.000000e+00 : f32
        %max3A_418 = vector.broadcast %max3A_417 : f32 to vector<16xf32>
        %max3A_419 = arith.maximumf %add3A_416, %max3A_418 : vector<16xf32>
        %mul3A_420 = vector.broadcast %squeeze3A_365 : f32 to vector<16xf32>
        %mul3A_421 = arith.mulf %max3A_419, %mul3A_420 : vector<16xf32>
        %swap3A_422 = arith.index_cast %add3A_369 : i32 to index
        %swap3A_423 = arith.constant 32 : index
        %swap3A_424 = tpu.vector_load %arg11[%swap3A_422, %swap3A_423] {strides = array<i32>} : memref<32x128xf32, #tpu.memory_space<vmem>>, vector<1x16xf32>,
        %swap3A_425 = vector.shape_cast %swap3A_424 : vector<1x16xf32> to vector<16xf32>
        %swap3A_426 = vector.shape_cast %mul3A_421 : vector<16xf32> to vector<1x16xf32>
        tpu.vector_store %arg11[%swap3A_422, %swap3A_423], %swap3A_426 {strides = array<i32>} : memref<32x128xf32, #tpu.memory_space<vmem>>, vector<1x16xf32>,
        %get3A_427 = arith.index_cast %add3A_369 : i32 to index
        %get3A_428 = arith.constant 48 : index
        %get3A_429 = tpu.vector_load %arg11[%get3A_427, %get3A_428] {strides = array<i32>} : memref<32x128xf32, #tpu.memory_space<vmem>>, vector<1x16xf32>,
        %get3A_430 = vector.shape_cast %get3A_429 : vector<1x16xf32> to vector<16xf32>
        %get3A_431 = arith.index_cast %add3A_369 : i32 to index
        %get3A_432 = arith.constant 48 : index
        %get3A_433 = tpu.vector_load %arg12[%get3A_431, %get3A_432] {strides = array<i32>} : memref<32x128xf32, #tpu.memory_space<vmem>>, vector<1x16xf32>,
        %get3A_434 = vector.shape_cast %get3A_433 : vector<1x16xf32> to vector<16xf32>
        %add3A_435 = arith.addf %get3A_430, %get3A_434 : vector<16xf32>
        %max3A_436 = arith.constant 0.000000e+00 : f32
        %max3A_437 = vector.broadcast %max3A_436 : f32 to vector<16xf32>
        %max3A_438 = arith.maximumf %add3A_435, %max3A_437 : vector<16xf32>
        %mul3A_439 = vector.broadcast %squeeze3A_365 : f32 to vector<16xf32>
        %mul3A_440 = arith.mulf %max3A_438, %mul3A_439 : vector<16xf32>
        %swap3A_441 = arith.index_cast %add3A_369 : i32 to index
        %swap3A_442 = arith.constant 48 : index
        %swap3A_443 = tpu.vector_load %arg11[%swap3A_441, %swap3A_442] {strides = array<i32>} : memref<32x128xf32, #tpu.memory_space<vmem>>, vector<1x16xf32>,
        %swap3A_444 = vector.shape_cast %swap3A_443 : vector<1x16xf32> to vector<16xf32>
        %swap3A_445 = vector.shape_cast %mul3A_440 : vector<16xf32> to vector<1x16xf32>
        tpu.vector_store %arg11[%swap3A_441, %swap3A_442], %swap3A_445 {strides = array<i32>} : memref<32x128xf32, #tpu.memory_space<vmem>>, vector<1x16xf32>,
        %get3A_446 = arith.index_cast %add3A_369 : i32 to index
        %get3A_447 = arith.constant 64 : index
        %get3A_448 = tpu.vector_load %arg11[%get3A_446, %get3A_447] {strides = array<i32>} : memref<32x128xf32, #tpu.memory_space<vmem>>, vector<1x16xf32>,
        %get3A_449 = vector.shape_cast %get3A_448 : vector<1x16xf32> to vector<16xf32>
        %get3A_450 = arith.index_cast %add3A_369 : i32 to index
        %get3A_451 = arith.constant 64 : index
        %get3A_452 = tpu.vector_load %arg12[%get3A_450, %get3A_451] {strides = array<i32>} : memref<32x128xf32, #tpu.memory_space<vmem>>, vector<1x16xf32>,
        %get3A_453 = vector.shape_cast %get3A_452 : vector<1x16xf32> to vector<16xf32>
        %add3A_454 = arith.addf %get3A_449, %get3A_453 : vector<16xf32>
        %max3A_455 = arith.constant 0.000000e+00 : f32
        %max3A_456 = vector.broadcast %max3A_455 : f32 to vector<16xf32>
        %max3A_457 = arith.maximumf %add3A_454, %max3A_456 : vector<16xf32>
        %mul3A_458 = vector.broadcast %squeeze3A_365 : f32 to vector<16xf32>
        %mul3A_459 = arith.mulf %max3A_457, %mul3A_458 : vector<16xf32>
        %swap3A_460 = arith.index_cast %add3A_369 : i32 to index
        %swap3A_461 = arith.constant 64 : index
        %swap3A_462 = tpu.vector_load %arg11[%swap3A_460, %swap3A_461] {strides = array<i32>} : memref<32x128xf32, #tpu.memory_space<vmem>>, vector<1x16xf32>,
        %swap3A_463 = vector.shape_cast %swap3A_462 : vector<1x16xf32> to vector<16xf32>
        %swap3A_464 = vector.shape_cast %mul3A_459 : vector<16xf32> to vector<1x16xf32>
        tpu.vector_store %arg11[%swap3A_460, %swap3A_461], %swap3A_464 {strides = array<i32>} : memref<32x128xf32, #tpu.memory_space<vmem>>, vector<1x16xf32>,
        %get3A_465 = arith.index_cast %add3A_369 : i32 to index
        %get3A_466 = arith.constant 80 : index
        %get3A_467 = tpu.vector_load %arg11[%get3A_465, %get3A_466] {strides = array<i32>} : memref<32x128xf32, #tpu.memory_space<vmem>>, vector<1x16xf32>,
        %get3A_468 = vector.shape_cast %get3A_467 : vector<1x16xf32> to vector<16xf32>
        %get3A_469 = arith.index_cast %add3A_369 : i32 to index
        %get3A_470 = arith.constant 80 : index
        %get3A_471 = tpu.vector_load %arg12[%get3A_469, %get3A_470] {strides = array<i32>} : memref<32x128xf32, #tpu.memory_space<vmem>>, vector<1x16xf32>,
        %get3A_472 = vector.shape_cast %get3A_471 : vector<1x16xf32> to vector<16xf32>
        %add3A_473 = arith.addf %get3A_468, %get3A_472 : vector<16xf32>
        %max3A_474 = arith.constant 0.000000e+00 : f32
        %max3A_475 = vector.broadcast %max3A_474 : f32 to vector<16xf32>
        %max3A_476 = arith.maximumf %add3A_473, %max3A_475 : vector<16xf32>
        %mul3A_477 = vector.broadcast %squeeze3A_365 : f32 to vector<16xf32>
        %mul3A_478 = arith.mulf %max3A_476, %mul3A_477 : vector<16xf32>
        %swap3A_479 = arith.index_cast %add3A_369 : i32 to index
        %swap3A_480 = arith.constant 80 : index
        %swap3A_481 = tpu.vector_load %arg11[%swap3A_479, %swap3A_480] {strides = array<i32>} : memref<32x128xf32, #tpu.memory_space<vmem>>, vector<1x16xf32>,
        %swap3A_482 = vector.shape_cast %swap3A_481 : vector<1x16xf32> to vector<16xf32>
        %swap3A_483 = vector.shape_cast %mul3A_478 : vector<16xf32> to vector<1x16xf32>
        tpu.vector_store %arg11[%swap3A_479, %swap3A_480], %swap3A_483 {strides = array<i32>} : memref<32x128xf32, #tpu.memory_space<vmem>>, vector<1x16xf32>,
        %get3A_484 = arith.index_cast %add3A_369 : i32 to index
        %get3A_485 = arith.constant 96 : index
        %get3A_486 = tpu.vector_load %arg11[%get3A_484, %get3A_485] {strides = array<i32>} : memref<32x128xf32, #tpu.memory_space<vmem>>, vector<1x16xf32>,
        %get3A_487 = vector.shape_cast %get3A_486 : vector<1x16xf32> to vector<16xf32>
        %get3A_488 = arith.index_cast %add3A_369 : i32 to index
        %get3A_489 = arith.constant 96 : index
        %get3A_490 = tpu.vector_load %arg12[%get3A_488, %get3A_489] {strides = array<i32>} : memref<32x128xf32, #tpu.memory_space<vmem>>, vector<1x16xf32>,
        %get3A_491 = vector.shape_cast %get3A_490 : vector<1x16xf32> to vector<16xf32>
        %add3A_492 = arith.addf %get3A_487, %get3A_491 : vector<16xf32>
        %max3A_493 = arith.constant 0.000000e+00 : f32
        %max3A_494 = vector.broadcast %max3A_493 : f32 to vector<16xf32>
        %max3A_495 = arith.maximumf %add3A_492, %max3A_494 : vector<16xf32>
        %mul3A_496 = vector.broadcast %squeeze3A_365 : f32 to vector<16xf32>
        %mul3A_497 = arith.mulf %max3A_495, %mul3A_496 : vector<16xf32>
        %swap3A_498 = arith.index_cast %add3A_369 : i32 to index
        %swap3A_499 = arith.constant 96 : index
        %swap3A_500 = tpu.vector_load %arg11[%swap3A_498, %swap3A_499] {strides = array<i32>} : memref<32x128xf32, #tpu.memory_space<vmem>>, vector<1x16xf32>,
        %swap3A_501 = vector.shape_cast %swap3A_500 : vector<1x16xf32> to vector<16xf32>
        %swap3A_502 = vector.shape_cast %mul3A_497 : vector<16xf32> to vector<1x16xf32>
        tpu.vector_store %arg11[%swap3A_498, %swap3A_499], %swap3A_502 {strides = array<i32>} : memref<32x128xf32, #tpu.memory_space<vmem>>, vector<1x16xf32>,
        %get3A_503 = arith.index_cast %add3A_369 : i32 to index
        %get3A_504 = arith.constant 112 : index
        %get3A_505 = tpu.vector_load %arg11[%get3A_503, %get3A_504] {strides = array<i32>} : memref<32x128xf32, #tpu.memory_space<vmem>>, vector<1x16xf32>,
        %get3A_506 = vector.shape_cast %get3A_505 : vector<1x16xf32> to vector<16xf32>
        %get3A_507 = arith.index_cast %add3A_369 : i32 to index
        %get3A_508 = arith.constant 112 : index
        %get3A_509 = tpu.vector_load %arg12[%get3A_507, %get3A_508] {strides = array<i32>} : memref<32x128xf32, #tpu.memory_space<vmem>>, vector<1x16xf32>,
        %get3A_510 = vector.shape_cast %get3A_509 : vector<1x16xf32> to vector<16xf32>
        %add3A_511 = arith.addf %get3A_506, %get3A_510 : vector<16xf32>
        %max3A_512 = arith.constant 0.000000e+00 : f32
        %max3A_513 = vector.broadcast %max3A_512 : f32 to vector<16xf32>
        %max3A_514 = arith.maximumf %add3A_511, %max3A_513 : vector<16xf32>
        %mul3A_515 = vector.broadcast %squeeze3A_365 : f32 to vector<16xf32>
        %mul3A_516 = arith.mulf %max3A_514, %mul3A_515 : vector<16xf32>
        %swap3A_517 = arith.index_cast %add3A_369 : i32 to index
        %swap3A_518 = arith.constant 112 : index
        %swap3A_519 = tpu.vector_load %arg11[%swap3A_517, %swap3A_518] {strides = array<i32>} : memref<32x128xf32, #tpu.memory_space<vmem>>, vector<1x16xf32>,
        %swap3A_520 = vector.shape_cast %swap3A_519 : vector<1x16xf32> to vector<16xf32>
        %swap3A_521 = vector.shape_cast %mul3A_516 : vector<16xf32> to vector<1x16xf32>
        tpu.vector_store %arg11[%swap3A_517, %swap3A_518], %swap3A_521 {strides = array<i32>} : memref<32x128xf32, #tpu.memory_space<vmem>>, vector<1x16xf32>,
        %slice3A_522 = vector.extract_strided_slice %get3A_51 {offsets = [3], sizes = [1], strides = [1]} : vector<16xf32> to vector<1xf32>
        %squeeze3A_523 = vector.extract %slice3A_522[0] : f32 from vector<1xf32>
        %mul3A_524 = arith.constant 16 : i32
        %mul3A_525 = arith.muli %scan3A_47, %mul3A_524 : i32
        %add3A_526 = arith.constant 3 : i32
        %add3A_527 = arith.addi %mul3A_525, %add3A_526 : i32
        %get3A_528 = arith.index_cast %add3A_527 : i32 to index
        %get3A_529 = arith.constant 0 : index
        %get3A_530 = tpu.vector_load %arg11[%get3A_528, %get3A_529] {strides = array<i32>} : memref<32x128xf32, #tpu.memory_space<vmem>>, vector<1x16xf32>,
        %get3A_531 = vector.shape_cast %get3A_530 : vector<1x16xf32> to vector<16xf32>
        %get3A_532 = arith.index_cast %add3A_527 : i32 to index
        %get3A_533 = arith.constant 0 : index
        %get3A_534 = tpu.vector_load %arg12[%get3A_532, %get3A_533] {strides = array<i32>} : memref<32x128xf32, #tpu.memory_space<vmem>>, vector<1x16xf32>,
        %get3A_535 = vector.shape_cast %get3A_534 : vector<1x16xf32> to vector<16xf32>
        %add3A_536 = arith.addf %get3A_531, %get3A_535 : vector<16xf32>
        %max3A_537 = arith.constant 0.000000e+00 : f32
        %max3A_538 = vector.broadcast %max3A_537 : f32 to vector<16xf32>
        %max3A_539 = arith.maximumf %add3A_536, %max3A_538 : vector<16xf32>
        %mul3A_540 = vector.broadcast %squeeze3A_523 : f32 to vector<16xf32>
        %mul3A_541 = arith.mulf %max3A_539, %mul3A_540 : vector<16xf32>
        %swap3A_542 = arith.index_cast %add3A_527 : i32 to index
        %swap3A_543 = arith.constant 0 : index
        %swap3A_544 = tpu.vector_load %arg11[%swap3A_542, %swap3A_543] {strides = array<i32>} : memref<32x128xf32, #tpu.memory_space<vmem>>, vector<1x16xf32>,
        %swap3A_545 = vector.shape_cast %swap3A_544 : vector<1x16xf32> to vector<16xf32>
        %swap3A_546 = vector.shape_cast %mul3A_541 : vector<16xf32> to vector<1x16xf32>
        tpu.vector_store %arg11[%swap3A_542, %swap3A_543], %swap3A_546 {strides = array<i32>} : memref<32x128xf32, #tpu.memory_space<vmem>>, vector<1x16xf32>,
        %get3A_547 = arith.index_cast %add3A_527 : i32 to index
        %get3A_548 = arith.constant 16 : index
        %get3A_549 = tpu.vector_load %arg11[%get3A_547, %get3A_548] {strides = array<i32>} : memref<32x128xf32, #tpu.memory_space<vmem>>, vector<1x16xf32>,
        %get3A_550 = vector.shape_cast %get3A_549 : vector<1x16xf32> to vector<16xf32>
        %get3A_551 = arith.index_cast %add3A_527 : i32 to index
        %get3A_552 = arith.constant 16 : index
        %get3A_553 = tpu.vector_load %arg12[%get3A_551, %get3A_552] {strides = array<i32>} : memref<32x128xf32, #tpu.memory_space<vmem>>, vector<1x16xf32>,
        %get3A_554 = vector.shape_cast %get3A_553 : vector<1x16xf32> to vector<16xf32>
        %add3A_555 = arith.addf %get3A_550, %get3A_554 : vector<16xf32>
        %max3A_556 = arith.constant 0.000000e+00 : f32
        %max3A_557 = vector.broadcast %max3A_556 : f32 to vector<16xf32>
        %max3A_558 = arith.maximumf %add3A_555, %max3A_557 : vector<16xf32>
        %mul3A_559 = vector.broadcast %squeeze3A_523 : f32 to vector<16xf32>
        %mul3A_560 = arith.mulf %max3A_558, %mul3A_559 : vector<16xf32>
        %swap3A_561 = arith.index_cast %add3A_527 : i32 to index
        %swap3A_562 = arith.constant 16 : index
        %swap3A_563 = tpu.vector_load %arg11[%swap3A_561, %swap3A_562] {strides = array<i32>} : memref<32x128xf32, #tpu.memory_space<vmem>>, vector<1x16xf32>,
        %swap3A_564 = vector.shape_cast %swap3A_563 : vector<1x16xf32> to vector<16xf32>
        %swap3A_565 = vector.shape_cast %mul3A_560 : vector<16xf32> to vector<1x16xf32>
        tpu.vector_store %arg11[%swap3A_561, %swap3A_562], %swap3A_565 {strides = array<i32>} : memref<32x128xf32, #tpu.memory_space<vmem>>, vector<1x16xf32>,
        %get3A_566 = arith.index_cast %add3A_527 : i32 to index
        %get3A_567 = arith.constant 32 : index
        %get3A_568 = tpu.vector_load %arg11[%get3A_566, %get3A_567] {strides = array<i32>} : memref<32x128xf32, #tpu.memory_space<vmem>>, vector<1x16xf32>,
        %get3A_569 = vector.shape_cast %get3A_568 : vector<1x16xf32> to vector<16xf32>
        %get3A_570 = arith.index_cast %add3A_527 : i32 to index
        %get3A_571 = arith.constant 32 : index
        %get3A_572 = tpu.vector_load %arg12[%get3A_570, %get3A_571] {strides = array<i32>} : memref<32x128xf32, #tpu.memory_space<vmem>>, vector<1x16xf32>,
        %get3A_573 = vector.shape_cast %get3A_572 : vector<1x16xf32> to vector<16xf32>
        %add3A_574 = arith.addf %get3A_569, %get3A_573 : vector<16xf32>
        %max3A_575 = arith.constant 0.000000e+00 : f32
        %max3A_576 = vector.broadcast %max3A_575 : f32 to vector<16xf32>
        %max3A_577 = arith.maximumf %add3A_574, %max3A_576 : vector<16xf32>
        %mul3A_578 = vector.broadcast %squeeze3A_523 : f32 to vector<16xf32>
        %mul3A_579 = arith.mulf %max3A_577, %mul3A_578 : vector<16xf32>
        %swap3A_580 = arith.index_cast %add3A_527 : i32 to index
        %swap3A_581 = arith.constant 32 : index
        %swap3A_582 = tpu.vector_load %arg11[%swap3A_580, %swap3A_581] {strides = array<i32>} : memref<32x128xf32, #tpu.memory_space<vmem>>, vector<1x16xf32>,
        %swap3A_583 = vector.shape_cast %swap3A_582 : vector<1x16xf32> to vector<16xf32>
        %swap3A_584 = vector.shape_cast %mul3A_579 : vector<16xf32> to vector<1x16xf32>
        tpu.vector_store %arg11[%swap3A_580, %swap3A_581], %swap3A_584 {strides = array<i32>} : memref<32x128xf32, #tpu.memory_space<vmem>>, vector<1x16xf32>,
        %get3A_585 = arith.index_cast %add3A_527 : i32 to index
        %get3A_586 = arith.constant 48 : index
        %get3A_587 = tpu.vector_load %arg11[%get3A_585, %get3A_586] {strides = array<i32>} : memref<32x128xf32, #tpu.memory_space<vmem>>, vector<1x16xf32>,
        %get3A_588 = vector.shape_cast %get3A_587 : vector<1x16xf32> to vector<16xf32>
        %get3A_589 = arith.index_cast %add3A_527 : i32 to index
        %get3A_590 = arith.constant 48 : index
        %get3A_591 = tpu.vector_load %arg12[%get3A_589, %get3A_590] {strides = array<i32>} : memref<32x128xf32, #tpu.memory_space<vmem>>, vector<1x16xf32>,
        %get3A_592 = vector.shape_cast %get3A_591 : vector<1x16xf32> to vector<16xf32>
        %add3A_593 = arith.addf %get3A_588, %get3A_592 : vector<16xf32>
        %max3A_594 = arith.constant 0.000000e+00 : f32
        %max3A_595 = vector.broadcast %max3A_594 : f32 to vector<16xf32>
        %max3A_596 = arith.maximumf %add3A_593, %max3A_595 : vector<16xf32>
        %mul3A_597 = vector.broadcast %squeeze3A_523 : f32 to vector<16xf32>
        %mul3A_598 = arith.mulf %max3A_596, %mul3A_597 : vector<16xf32>
        %swap3A_599 = arith.index_cast %add3A_527 : i32 to index
        %swap3A_600 = arith.constant 48 : index
        %swap3A_601 = tpu.vector_load %arg11[%swap3A_599, %swap3A_600] {strides = array<i32>} : memref<32x128xf32, #tpu.memory_space<vmem>>, vector<1x16xf32>,
        %swap3A_602 = vector.shape_cast %swap3A_601 : vector<1x16xf32> to vector<16xf32>
        %swap3A_603 = vector.shape_cast %mul3A_598 : vector<16xf32> to vector<1x16xf32>
        tpu.vector_store %arg11[%swap3A_599, %swap3A_600], %swap3A_603 {strides = array<i32>} : memref<32x128xf32, #tpu.memory_space<vmem>>, vector<1x16xf32>,
        %get3A_604 = arith.index_cast %add3A_527 : i32 to index
        %get3A_605 = arith.constant 64 : index
        %get3A_606 = tpu.vector_load %arg11[%get3A_604, %get3A_605] {strides = array<i32>} : memref<32x128xf32, #tpu.memory_space<vmem>>, vector<1x16xf32>,
        %get3A_607 = vector.shape_cast %get3A_606 : vector<1x16xf32> to vector<16xf32>
        %get3A_608 = arith.index_cast %add3A_527 : i32 to index
        %get3A_609 = arith.constant 64 : index
        %get3A_610 = tpu.vector_load %arg12[%get3A_608, %get3A_609] {strides = array<i32>} : memref<32x128xf32, #tpu.memory_space<vmem>>, vector<1x16xf32>,
        %get3A_611 = vector.shape_cast %get3A_610 : vector<1x16xf32> to vector<16xf32>
        %add3A_612 = arith.addf %get3A_607, %get3A_611 : vector<16xf32>
        %max3A_613 = arith.constant 0.000000e+00 : f32
        %max3A_614 = vector.broadcast %max3A_613 : f32 to vector<16xf32>
        %max3A_615 = arith.maximumf %add3A_612, %max3A_614 : vector<16xf32>
        %mul3A_616 = vector.broadcast %squeeze3A_523 : f32 to vector<16xf32>
        %mul3A_617 = arith.mulf %max3A_615, %mul3A_616 : vector<16xf32>
        %swap3A_618 = arith.index_cast %add3A_527 : i32 to index
        %swap3A_619 = arith.constant 64 : index
        %swap3A_620 = tpu.vector_load %arg11[%swap3A_618, %swap3A_619] {strides = array<i32>} : memref<32x128xf32, #tpu.memory_space<vmem>>, vector<1x16xf32>,
        %swap3A_621 = vector.shape_cast %swap3A_620 : vector<1x16xf32> to vector<16xf32>
        %swap3A_622 = vector.shape_cast %mul3A_617 : vector<16xf32> to vector<1x16xf32>
        tpu.vector_store %arg11[%swap3A_618, %swap3A_619], %swap3A_622 {strides = array<i32>} : memref<32x128xf32, #tpu.memory_space<vmem>>, vector<1x16xf32>,
        %get3A_623 = arith.index_cast %add3A_527 : i32 to index
        %get3A_624 = arith.constant 80 : index
        %get3A_625 = tpu.vector_load %arg11[%get3A_623, %get3A_624] {strides = array<i32>} : memref<32x128xf32, #tpu.memory_space<vmem>>, vector<1x16xf32>,
        %get3A_626 = vector.shape_cast %get3A_625 : vector<1x16xf32> to vector<16xf32>
        %get3A_627 = arith.index_cast %add3A_527 : i32 to index
        %get3A_628 = arith.constant 80 : index
        %get3A_629 = tpu.vector_load %arg12[%get3A_627, %get3A_628] {strides = array<i32>} : memref<32x128xf32, #tpu.memory_space<vmem>>, vector<1x16xf32>,
        %get3A_630 = vector.shape_cast %get3A_629 : vector<1x16xf32> to vector<16xf32>
        %add3A_631 = arith.addf %get3A_626, %get3A_630 : vector<16xf32>
        %max3A_632 = arith.constant 0.000000e+00 : f32
        %max3A_633 = vector.broadcast %max3A_632 : f32 to vector<16xf32>
        %max3A_634 = arith.maximumf %add3A_631, %max3A_633 : vector<16xf32>
        %mul3A_635 = vector.broadcast %squeeze3A_523 : f32 to vector<16xf32>
        %mul3A_636 = arith.mulf %max3A_634, %mul3A_635 : vector<16xf32>
        %swap3A_637 = arith.index_cast %add3A_527 : i32 to index
        %swap3A_638 = arith.constant 80 : index
        %swap3A_639 = tpu.vector_load %arg11[%swap3A_637, %swap3A_638] {strides = array<i32>} : memref<32x128xf32, #tpu.memory_space<vmem>>, vector<1x16xf32>,
        %swap3A_640 = vector.shape_cast %swap3A_639 : vector<1x16xf32> to vector<16xf32>
        %swap3A_641 = vector.shape_cast %mul3A_636 : vector<16xf32> to vector<1x16xf32>
        tpu.vector_store %arg11[%swap3A_637, %swap3A_638], %swap3A_641 {strides = array<i32>} : memref<32x128xf32, #tpu.memory_space<vmem>>, vector<1x16xf32>,
        %get3A_642 = arith.index_cast %add3A_527 : i32 to index
        %get3A_643 = arith.constant 96 : index
        %get3A_644 = tpu.vector_load %arg11[%get3A_642, %get3A_643] {strides = array<i32>} : memref<32x128xf32, #tpu.memory_space<vmem>>, vector<1x16xf32>,
        %get3A_645 = vector.shape_cast %get3A_644 : vector<1x16xf32> to vector<16xf32>
        %get3A_646 = arith.index_cast %add3A_527 : i32 to index
        %get3A_647 = arith.constant 96 : index
        %get3A_648 = tpu.vector_load %arg12[%get3A_646, %get3A_647] {strides = array<i32>} : memref<32x128xf32, #tpu.memory_space<vmem>>, vector<1x16xf32>,
        %get3A_649 = vector.shape_cast %get3A_648 : vector<1x16xf32> to vector<16xf32>
        %add3A_650 = arith.addf %get3A_645, %get3A_649 : vector<16xf32>
        %max3A_651 = arith.constant 0.000000e+00 : f32
        %max3A_652 = vector.broadcast %max3A_651 : f32 to vector<16xf32>
        %max3A_653 = arith.maximumf %add3A_650, %max3A_652 : vector<16xf32>
        %mul3A_654 = vector.broadcast %squeeze3A_523 : f32 to vector<16xf32>
        %mul3A_655 = arith.mulf %max3A_653, %mul3A_654 : vector<16xf32>
        %swap3A_656 = arith.index_cast %add3A_527 : i32 to index
        %swap3A_657 = arith.constant 96 : index
        %swap3A_658 = tpu.vector_load %arg11[%swap3A_656, %swap3A_657] {strides = array<i32>} : memref<32x128xf32, #tpu.memory_space<vmem>>, vector<1x16xf32>,
        %swap3A_659 = vector.shape_cast %swap3A_658 : vector<1x16xf32> to vector<16xf32>
        %swap3A_660 = vector.shape_cast %mul3A_655 : vector<16xf32> to vector<1x16xf32>
        tpu.vector_store %arg11[%swap3A_656, %swap3A_657], %swap3A_660 {strides = array<i32>} : memref<32x128xf32, #tpu.memory_space<vmem>>, vector<1x16xf32>,
        %get3A_661 = arith.index_cast %add3A_527 : i32 to index
        %get3A_662 = arith.constant 112 : index
        %get3A_663 = tpu.vector_load %arg11[%get3A_661, %get3A_662] {strides = array<i32>} : memref<32x128xf32, #tpu.memory_space<vmem>>, vector<1x16xf32>,
        %get3A_664 = vector.shape_cast %get3A_663 : vector<1x16xf32> to vector<16xf32>
        %get3A_665 = arith.index_cast %add3A_527 : i32 to index
        %get3A_666 = arith.constant 112 : index
        %get3A_667 = tpu.vector_load %arg12[%get3A_665, %get3A_666] {strides = array<i32>} : memref<32x128xf32, #tpu.memory_space<vmem>>, vector<1x16xf32>,
        %get3A_668 = vector.shape_cast %get3A_667 : vector<1x16xf32> to vector<16xf32>
        %add3A_669 = arith.addf %get3A_664, %get3A_668 : vector<16xf32>
        %max3A_670 = arith.constant 0.000000e+00 : f32
        %max3A_671 = vector.broadcast %max3A_670 : f32 to vector<16xf32>
        %max3A_672 = arith.maximumf %add3A_669, %max3A_671 : vector<16xf32>
        %mul3A_673 = vector.broadcast %squeeze3A_523 : f32 to vector<16xf32>
        %mul3A_674 = arith.mulf %max3A_672, %mul3A_673 : vector<16xf32>
        %swap3A_675 = arith.index_cast %add3A_527 : i32 to index
        %swap3A_676 = arith.constant 112 : index
        %swap3A_677 = tpu.vector_load %arg11[%swap3A_675, %swap3A_676] {strides = array<i32>} : memref<32x128xf32, #tpu.memory_space<vmem>>, vector<1x16xf32>,
        %swap3A_678 = vector.shape_cast %swap3A_677 : vector<1x16xf32> to vector<16xf32>
        %swap3A_679 = vector.shape_cast %mul3A_674 : vector<16xf32> to vector<1x16xf32>
        tpu.vector_store %arg11[%swap3A_675, %swap3A_676], %swap3A_679 {strides = array<i32>} : memref<32x128xf32, #tpu.memory_space<vmem>>, vector<1x16xf32>,
        %slice3A_680 = vector.extract_strided_slice %get3A_51 {offsets = [4], sizes = [1], strides = [1]} : vector<16xf32> to vector<1xf32>
        %squeeze3A_681 = vector.extract %slice3A_680[0] : f32 from vector<1xf32>
        %mul3A_682 = arith.constant 16 : i32
        %mul3A_683 = arith.muli %scan3A_47, %mul3A_682 : i32
        %add3A_684 = arith.constant 4 : i32
        %add3A_685 = arith.addi %mul3A_683, %add3A_684 : i32
        %get3A_686 = arith.index_cast %add3A_685 : i32 to index
        %get3A_687 = arith.constant 0 : index
        %get3A_688 = tpu.vector_load %arg11[%get3A_686, %get3A_687] {strides = array<i32>} : memref<32x128xf32, #tpu.memory_space<vmem>>, vector<1x16xf32>,
        %get3A_689 = vector.shape_cast %get3A_688 : vector<1x16xf32> to vector<16xf32>
        %get3A_690 = arith.index_cast %add3A_685 : i32 to index
        %get3A_691 = arith.constant 0 : index
        %get3A_692 = tpu.vector_load %arg12[%get3A_690, %get3A_691] {strides = array<i32>} : memref<32x128xf32, #tpu.memory_space<vmem>>, vector<1x16xf32>,
        %get3A_693 = vector.shape_cast %get3A_692 : vector<1x16xf32> to vector<16xf32>
        %add3A_694 = arith.addf %get3A_689, %get3A_693 : vector<16xf32>
        %max3A_695 = arith.constant 0.000000e+00 : f32
        %max3A_696 = vector.broadcast %max3A_695 : f32 to vector<16xf32>
        %max3A_697 = arith.maximumf %add3A_694, %max3A_696 : vector<16xf32>
        %mul3A_698 = vector.broadcast %squeeze3A_681 : f32 to vector<16xf32>
        %mul3A_699 = arith.mulf %max3A_697, %mul3A_698 : vector<16xf32>
        %swap3A_700 = arith.index_cast %add3A_685 : i32 to index
        %swap3A_701 = arith.constant 0 : index
        %swap3A_702 = tpu.vector_load %arg11[%swap3A_700, %swap3A_701] {strides = array<i32>} : memref<32x128xf32, #tpu.memory_space<vmem>>, vector<1x16xf32>,
        %swap3A_703 = vector.shape_cast %swap3A_702 : vector<1x16xf32> to vector<16xf32>
        %swap3A_704 = vector.shape_cast %mul3A_699 : vector<16xf32> to vector<1x16xf32>
        tpu.vector_store %arg11[%swap3A_700, %swap3A_701], %swap3A_704 {strides = array<i32>} : memref<32x128xf32, #tpu.memory_space<vmem>>, vector<1x16xf32>,
        %get3A_705 = arith.index_cast %add3A_685 : i32 to index
        %get3A_706 = arith.constant 16 : index
        %get3A_707 = tpu.vector_load %arg11[%get3A_705, %get3A_706] {strides = array<i32>} : memref<32x128xf32, #tpu.memory_space<vmem>>, vector<1x16xf32>,
        %get3A_708 = vector.shape_cast %get3A_707 : vector<1x16xf32> to vector<16xf32>
        %get3A_709 = arith.index_cast %add3A_685 : i32 to index
        %get3A_710 = arith.constant 16 : index
        %get3A_711 = tpu.vector_load %arg12[%get3A_709, %get3A_710] {strides = array<i32>} : memref<32x128xf32, #tpu.memory_space<vmem>>, vector<1x16xf32>,
        %get3A_712 = vector.shape_cast %get3A_711 : vector<1x16xf32> to vector<16xf32>
        %add3A_713 = arith.addf %get3A_708, %get3A_712 : vector<16xf32>
        %max3A_714 = arith.constant 0.000000e+00 : f32
        %max3A_715 = vector.broadcast %max3A_714 : f32 to vector<16xf32>
        %max3A_716 = arith.maximumf %add3A_713, %max3A_715 : vector<16xf32>
        %mul3A_717 = vector.broadcast %squeeze3A_681 : f32 to vector<16xf32>
        %mul3A_718 = arith.mulf %max3A_716, %mul3A_717 : vector<16xf32>
        %swap3A_719 = arith.index_cast %add3A_685 : i32 to index
        %swap3A_720 = arith.constant 16 : index
        %swap3A_721 = tpu.vector_load %arg11[%swap3A_719, %swap3A_720] {strides = array<i32>} : memref<32x128xf32, #tpu.memory_space<vmem>>, vector<1x16xf32>,
        %swap3A_722 = vector.shape_cast %swap3A_721 : vector<1x16xf32> to vector<16xf32>
        %swap3A_723 = vector.shape_cast %mul3A_718 : vector<16xf32> to vector<1x16xf32>
        tpu.vector_store %arg11[%swap3A_719, %swap3A_720], %swap3A_723 {strides = array<i32>} : memref<32x128xf32, #tpu.memory_space<vmem>>, vector<1x16xf32>,
        %get3A_724 = arith.index_cast %add3A_685 : i32 to index
        %get3A_725 = arith.constant 32 : index
        %get3A_726 = tpu.vector_load %arg11[%get3A_724, %get3A_725] {strides = array<i32>} : memref<32x128xf32, #tpu.memory_space<vmem>>, vector<1x16xf32>,
        %get3A_727 = vector.shape_cast %get3A_726 : vector<1x16xf32> to vector<16xf32>
        %get3A_728 = arith.index_cast %add3A_685 : i32 to index
        %get3A_729 = arith.constant 32 : index
        %get3A_730 = tpu.vector_load %arg12[%get3A_728, %get3A_729] {strides = array<i32>} : memref<32x128xf32, #tpu.memory_space<vmem>>, vector<1x16xf32>,
        %get3A_731 = vector.shape_cast %get3A_730 : vector<1x16xf32> to vector<16xf32>
        %add3A_732 = arith.addf %get3A_727, %get3A_731 : vector<16xf32>
        %max3A_733 = arith.constant 0.000000e+00 : f32
        %max3A_734 = vector.broadcast %max3A_733 : f32 to vector<16xf32>
        %max3A_735 = arith.maximumf %add3A_732, %max3A_734 : vector<16xf32>
        %mul3A_736 = vector.broadcast %squeeze3A_681 : f32 to vector<16xf32>
        %mul3A_737 = arith.mulf %max3A_735, %mul3A_736 : vector<16xf32>
        %swap3A_738 = arith.index_cast %add3A_685 : i32 to index
        %swap3A_739 = arith.constant 32 : index
        %swap3A_740 = tpu.vector_load %arg11[%swap3A_738, %swap3A_739] {strides = array<i32>} : memref<32x128xf32, #tpu.memory_space<vmem>>, vector<1x16xf32>,
        %swap3A_741 = vector.shape_cast %swap3A_740 : vector<1x16xf32> to vector<16xf32>
        %swap3A_742 = vector.shape_cast %mul3A_737 : vector<16xf32> to vector<1x16xf32>
        tpu.vector_store %arg11[%swap3A_738, %swap3A_739], %swap3A_742 {strides = array<i32>} : memref<32x128xf32, #tpu.memory_space<vmem>>, vector<1x16xf32>,
        %get3A_743 = arith.index_cast %add3A_685 : i32 to index
        %get3A_744 = arith.constant 48 : index
        %get3A_745 = tpu.vector_load %arg11[%get3A_743, %get3A_744] {strides = array<i32>} : memref<32x128xf32, #tpu.memory_space<vmem>>, vector<1x16xf32>,
        %get3A_746 = vector.shape_cast %get3A_745 : vector<1x16xf32> to vector<16xf32>
        %get3A_747 = arith.index_cast %add3A_685 : i32 to index
        %get3A_748 = arith.constant 48 : index
        %get3A_749 = tpu.vector_load %arg12[%get3A_747, %get3A_748] {strides = array<i32>} : memref<32x128xf32, #tpu.memory_space<vmem>>, vector<1x16xf32>,
        %get3A_750 = vector.shape_cast %get3A_749 : vector<1x16xf32> to vector<16xf32>
        %add3A_751 = arith.addf %get3A_746, %get3A_750 : vector<16xf32>
        %max3A_752 = arith.constant 0.000000e+00 : f32
        %max3A_753 = vector.broadcast %max3A_752 : f32 to vector<16xf32>
        %max3A_754 = arith.maximumf %add3A_751, %max3A_753 : vector<16xf32>
        %mul3A_755 = vector.broadcast %squeeze3A_681 : f32 to vector<16xf32>
        %mul3A_756 = arith.mulf %max3A_754, %mul3A_755 : vector<16xf32>
        %swap3A_757 = arith.index_cast %add3A_685 : i32 to index
        %swap3A_758 = arith.constant 48 : index
        %swap3A_759 = tpu.vector_load %arg11[%swap3A_757, %swap3A_758] {strides = array<i32>} : memref<32x128xf32, #tpu.memory_space<vmem>>, vector<1x16xf32>,
        %swap3A_760 = vector.shape_cast %swap3A_759 : vector<1x16xf32> to vector<16xf32>
        %swap3A_761 = vector.shape_cast %mul3A_756 : vector<16xf32> to vector<1x16xf32>
        tpu.vector_store %arg11[%swap3A_757, %swap3A_758], %swap3A_761 {strides = array<i32>} : memref<32x128xf32, #tpu.memory_space<vmem>>, vector<1x16xf32>,
        %get3A_762 = arith.index_cast %add3A_685 : i32 to index
        %get3A_763 = arith.constant 64 : index
        %get3A_764 = tpu.vector_load %arg11[%get3A_762, %get3A_763] {strides = array<i32>} : memref<32x128xf32, #tpu.memory_space<vmem>>, vector<1x16xf32>,
        %get3A_765 = vector.shape_cast %get3A_764 : vector<1x16xf32> to vector<16xf32>
        %get3A_766 = arith.index_cast %add3A_685 : i32 to index
        %get3A_767 = arith.constant 64 : index
        %get3A_768 = tpu.vector_load %arg12[%get3A_766, %get3A_767] {strides = array<i32>} : memref<32x128xf32, #tpu.memory_space<vmem>>, vector<1x16xf32>,
        %get3A_769 = vector.shape_cast %get3A_768 : vector<1x16xf32> to vector<16xf32>
        %add3A_770 = arith.addf %get3A_765, %get3A_769 : vector<16xf32>
        %max3A_771 = arith.constant 0.000000e+00 : f32
        %max3A_772 = vector.broadcast %max3A_771 : f32 to vector<16xf32>
        %max3A_773 = arith.maximumf %add3A_770, %max3A_772 : vector<16xf32>
        %mul3A_774 = vector.broadcast %squeeze3A_681 : f32 to vector<16xf32>
        %mul3A_775 = arith.mulf %max3A_773, %mul3A_774 : vector<16xf32>
        %swap3A_776 = arith.index_cast %add3A_685 : i32 to index
        %swap3A_777 = arith.constant 64 : index
        %swap3A_778 = tpu.vector_load %arg11[%swap3A_776, %swap3A_777] {strides = array<i32>} : memref<32x128xf32, #tpu.memory_space<vmem>>, vector<1x16xf32>,
        %swap3A_779 = vector.shape_cast %swap3A_778 : vector<1x16xf32> to vector<16xf32>
        %swap3A_780 = vector.shape_cast %mul3A_775 : vector<16xf32> to vector<1x16xf32>
        tpu.vector_store %arg11[%swap3A_776, %swap3A_777], %swap3A_780 {strides = array<i32>} : memref<32x128xf32, #tpu.memory_space<vmem>>, vector<1x16xf32>,
        %get3A_781 = arith.index_cast %add3A_685 : i32 to index
        %get3A_782 = arith.constant 80 : index
        %get3A_783 = tpu.vector_load %arg11[%get3A_781, %get3A_782] {strides = array<i32>} : memref<32x128xf32, #tpu.memory_space<vmem>>, vector<1x16xf32>,
        %get3A_784 = vector.shape_cast %get3A_783 : vector<1x16xf32> to vector<16xf32>
        %get3A_785 = arith.index_cast %add3A_685 : i32 to index
        %get3A_786 = arith.constant 80 : index
        %get3A_787 = tpu.vector_load %arg12[%get3A_785, %get3A_786] {strides = array<i32>} : memref<32x128xf32, #tpu.memory_space<vmem>>, vector<1x16xf32>,
        %get3A_788 = vector.shape_cast %get3A_787 : vector<1x16xf32> to vector<16xf32>
        %add3A_789 = arith.addf %get3A_784, %get3A_788 : vector<16xf32>
        %max3A_790 = arith.constant 0.000000e+00 : f32
        %max3A_791 = vector.broadcast %max3A_790 : f32 to vector<16xf32>
        %max3A_792 = arith.maximumf %add3A_789, %max3A_791 : vector<16xf32>
        %mul3A_793 = vector.broadcast %squeeze3A_681 : f32 to vector<16xf32>
        %mul3A_794 = arith.mulf %max3A_792, %mul3A_793 : vector<16xf32>
        %swap3A_795 = arith.index_cast %add3A_685 : i32 to index
        %swap3A_796 = arith.constant 80 : index
        %swap3A_797 = tpu.vector_load %arg11[%swap3A_795, %swap3A_796] {strides = array<i32>} : memref<32x128xf32, #tpu.memory_space<vmem>>, vector<1x16xf32>,
        %swap3A_798 = vector.shape_cast %swap3A_797 : vector<1x16xf32> to vector<16xf32>
        %swap3A_799 = vector.shape_cast %mul3A_794 : vector<16xf32> to vector<1x16xf32>
        tpu.vector_store %arg11[%swap3A_795, %swap3A_796], %swap3A_799 {strides = array<i32>} : memref<32x128xf32, #tpu.memory_space<vmem>>, vector<1x16xf32>,
        %get3A_800 = arith.index_cast %add3A_685 : i32 to index
        %get3A_801 = arith.constant 96 : index
        %get3A_802 = tpu.vector_load %arg11[%get3A_800, %get3A_801] {strides = array<i32>} : memref<32x128xf32, #tpu.memory_space<vmem>>, vector<1x16xf32>,
        %get3A_803 = vector.shape_cast %get3A_802 : vector<1x16xf32> to vector<16xf32>
        %get3A_804 = arith.index_cast %add3A_685 : i32 to index
        %get3A_805 = arith.constant 96 : index
        %get3A_806 = tpu.vector_load %arg12[%get3A_804, %get3A_805] {strides = array<i32>} : memref<32x128xf32, #tpu.memory_space<vmem>>, vector<1x16xf32>,
        %get3A_807 = vector.shape_cast %get3A_806 : vector<1x16xf32> to vector<16xf32>
        %add3A_808 = arith.addf %get3A_803, %get3A_807 : vector<16xf32>
        %max3A_809 = arith.constant 0.000000e+00 : f32
        %max3A_810 = vector.broadcast %max3A_809 : f32 to vector<16xf32>
        %max3A_811 = arith.maximumf %add3A_808, %max3A_810 : vector<16xf32>
        %mul3A_812 = vector.broadcast %squeeze3A_681 : f32 to vector<16xf32>
        %mul3A_813 = arith.mulf %max3A_811, %mul3A_812 : vector<16xf32>
        %swap3A_814 = arith.index_cast %add3A_685 : i32 to index
        %swap3A_815 = arith.constant 96 : index
        %swap3A_816 = tpu.vector_load %arg11[%swap3A_814, %swap3A_815] {strides = array<i32>} : memref<32x128xf32, #tpu.memory_space<vmem>>, vector<1x16xf32>,
        %swap3A_817 = vector.shape_cast %swap3A_816 : vector<1x16xf32> to vector<16xf32>
        %swap3A_818 = vector.shape_cast %mul3A_813 : vector<16xf32> to vector<1x16xf32>
        tpu.vector_store %arg11[%swap3A_814, %swap3A_815], %swap3A_818 {strides = array<i32>} : memref<32x128xf32, #tpu.memory_space<vmem>>, vector<1x16xf32>,
        %get3A_819 = arith.index_cast %add3A_685 : i32 to index
        %get3A_820 = arith.constant 112 : index
        %get3A_821 = tpu.vector_load %arg11[%get3A_819, %get3A_820] {strides = array<i32>} : memref<32x128xf32, #tpu.memory_space<vmem>>, vector<1x16xf32>,
        %get3A_822 = vector.shape_cast %get3A_821 : vector<1x16xf32> to vector<16xf32>
        %get3A_823 = arith.index_cast %add3A_685 : i32 to index
        %get3A_824 = arith.constant 112 : index
        %get3A_825 = tpu.vector_load %arg12[%get3A_823, %get3A_824] {strides = array<i32>} : memref<32x128xf32, #tpu.memory_space<vmem>>, vector<1x16xf32>,
        %get3A_826 = vector.shape_cast %get3A_825 : vector<1x16xf32> to vector<16xf32>
        %add3A_827 = arith.addf %get3A_822, %get3A_826 : vector<16xf32>
        %max3A_828 = arith.constant 0.000000e+00 : f32
        %max3A_829 = vector.broadcast %max3A_828 : f32 to vector<16xf32>
        %max3A_830 = arith.maximumf %add3A_827, %max3A_829 : vector<16xf32>
        %mul3A_831 = vector.broadcast %squeeze3A_681 : f32 to vector<16xf32>
        %mul3A_832 = arith.mulf %max3A_830, %mul3A_831 : vector<16xf32>
        %swap3A_833 = arith.index_cast %add3A_685 : i32 to index
        %swap3A_834 = arith.constant 112 : index
        %swap3A_835 = tpu.vector_load %arg11[%swap3A_833, %swap3A_834] {strides = array<i32>} : memref<32x128xf32, #tpu.memory_space<vmem>>, vector<1x16xf32>,
        %swap3A_836 = vector.shape_cast %swap3A_835 : vector<1x16xf32> to vector<16xf32>
        %swap3A_837 = vector.shape_cast %mul3A_832 : vector<16xf32> to vector<1x16xf32>
        tpu.vector_store %arg11[%swap3A_833, %swap3A_834], %swap3A_837 {strides = array<i32>} : memref<32x128xf32, #tpu.memory_space<vmem>>, vector<1x16xf32>,
        %slice3A_838 = vector.extract_strided_slice %get3A_51 {offsets = [5], sizes = [1], strides = [1]} : vector<16xf32> to vector<1xf32>
        %squeeze3A_839 = vector.extract %slice3A_838[0] : f32 from vector<1xf32>
        %mul3A_840 = arith.constant 16 : i32
        %mul3A_841 = arith.muli %scan3A_47, %mul3A_840 : i32
        %add3A_842 = arith.constant 5 : i32
        %add3A_843 = arith.addi %mul3A_841, %add3A_842 : i32
        %get3A_844 = arith.index_cast %add3A_843 : i32 to index
        %get3A_845 = arith.constant 0 : index
        %get3A_846 = tpu.vector_load %arg11[%get3A_844, %get3A_845] {strides = array<i32>} : memref<32x128xf32, #tpu.memory_space<vmem>>, vector<1x16xf32>,
        %get3A_847 = vector.shape_cast %get3A_846 : vector<1x16xf32> to vector<16xf32>
        %get3A_848 = arith.index_cast %add3A_843 : i32 to index
        %get3A_849 = arith.constant 0 : index
        %get3A_850 = tpu.vector_load %arg12[%get3A_848, %get3A_849] {strides = array<i32>} : memref<32x128xf32, #tpu.memory_space<vmem>>, vector<1x16xf32>,
        %get3A_851 = vector.shape_cast %get3A_850 : vector<1x16xf32> to vector<16xf32>
        %add3A_852 = arith.addf %get3A_847, %get3A_851 : vector<16xf32>
        %max3A_853 = arith.constant 0.000000e+00 : f32
        %max3A_854 = vector.broadcast %max3A_853 : f32 to vector<16xf32>
        %max3A_855 = arith.maximumf %add3A_852, %max3A_854 : vector<16xf32>
        %mul3A_856 = vector.broadcast %squeeze3A_839 : f32 to vector<16xf32>
        %mul3A_857 = arith.mulf %max3A_855, %mul3A_856 : vector<16xf32>
        %swap3A_858 = arith.index_cast %add3A_843 : i32 to index
        %swap3A_859 = arith.constant 0 : index
        %swap3A_860 = tpu.vector_load %arg11[%swap3A_858, %swap3A_859] {strides = array<i32>} : memref<32x128xf32, #tpu.memory_space<vmem>>, vector<1x16xf32>,
        %swap3A_861 = vector.shape_cast %swap3A_860 : vector<1x16xf32> to vector<16xf32>
        %swap3A_862 = vector.shape_cast %mul3A_857 : vector<16xf32> to vector<1x16xf32>
        tpu.vector_store %arg11[%swap3A_858, %swap3A_859], %swap3A_862 {strides = array<i32>} : memref<32x128xf32, #tpu.memory_space<vmem>>, vector<1x16xf32>,
        %get3A_863 = arith.index_cast %add3A_843 : i32 to index
        %get3A_864 = arith.constant 16 : index
        %get3A_865 = tpu.vector_load %arg11[%get3A_863, %get3A_864] {strides = array<i32>} : memref<32x128xf32, #tpu.memory_space<vmem>>, vector<1x16xf32>,
        %get3A_866 = vector.shape_cast %get3A_865 : vector<1x16xf32> to vector<16xf32>
        %get3A_867 = arith.index_cast %add3A_843 : i32 to index
        %get3A_868 = arith.constant 16 : index
        %get3A_869 = tpu.vector_load %arg12[%get3A_867, %get3A_868] {strides = array<i32>} : memref<32x128xf32, #tpu.memory_space<vmem>>, vector<1x16xf32>,
        %get3A_870 = vector.shape_cast %get3A_869 : vector<1x16xf32> to vector<16xf32>
        %add3A_871 = arith.addf %get3A_866, %get3A_870 : vector<16xf32>
        %max3A_872 = arith.constant 0.000000e+00 : f32
        %max3A_873 = vector.broadcast %max3A_872 : f32 to vector<16xf32>
        %max3A_874 = arith.maximumf %add3A_871, %max3A_873 : vector<16xf32>
        %mul3A_875 = vector.broadcast %squeeze3A_839 : f32 to vector<16xf32>
        %mul3A_876 = arith.mulf %max3A_874, %mul3A_875 : vector<16xf32>
        %swap3A_877 = arith.index_cast %add3A_843 : i32 to index
        %swap3A_878 = arith.constant 16 : index
        %swap3A_879 = tpu.vector_load %arg11[%swap3A_877, %swap3A_878] {strides = array<i32>} : memref<32x128xf32, #tpu.memory_space<vmem>>, vector<1x16xf32>,
        %swap3A_880 = vector.shape_cast %swap3A_879 : vector<1x16xf32> to vector<16xf32>
        %swap3A_881 = vector.shape_cast %mul3A_876 : vector<16xf32> to vector<1x16xf32>
        tpu.vector_store %arg11[%swap3A_877, %swap3A_878], %swap3A_881 {strides = array<i32>} : memref<32x128xf32, #tpu.memory_space<vmem>>, vector<1x16xf32>,
        %get3A_882 = arith.index_cast %add3A_843 : i32 to index
        %get3A_883 = arith.constant 32 : index
        %get3A_884 = tpu.vector_load %arg11[%get3A_882, %get3A_883] {strides = array<i32>} : memref<32x128xf32, #tpu.memory_space<vmem>>, vector<1x16xf32>,
        %get3A_885 = vector.shape_cast %get3A_884 : vector<1x16xf32> to vector<16xf32>
        %get3A_886 = arith.index_cast %add3A_843 : i32 to index
        %get3A_887 = arith.constant 32 : index
        %get3A_888 = tpu.vector_load %arg12[%get3A_886, %get3A_887] {strides = array<i32>} : memref<32x128xf32, #tpu.memory_space<vmem>>, vector<1x16xf32>,
        %get3A_889 = vector.shape_cast %get3A_888 : vector<1x16xf32> to vector<16xf32>
        %add3A_890 = arith.addf %get3A_885, %get3A_889 : vector<16xf32>
        %max3A_891 = arith.constant 0.000000e+00 : f32
        %max3A_892 = vector.broadcast %max3A_891 : f32 to vector<16xf32>
        %max3A_893 = arith.maximumf %add3A_890, %max3A_892 : vector<16xf32>
        %mul3A_894 = vector.broadcast %squeeze3A_839 : f32 to vector<16xf32>
        %mul3A_895 = arith.mulf %max3A_893, %mul3A_894 : vector<16xf32>
        %swap3A_896 = arith.index_cast %add3A_843 : i32 to index
        %swap3A_897 = arith.constant 32 : index
        %swap3A_898 = tpu.vector_load %arg11[%swap3A_896, %swap3A_897] {strides = array<i32>} : memref<32x128xf32, #tpu.memory_space<vmem>>, vector<1x16xf32>,
        %swap3A_899 = vector.shape_cast %swap3A_898 : vector<1x16xf32> to vector<16xf32>
        %swap3A_900 = vector.shape_cast %mul3A_895 : vector<16xf32> to vector<1x16xf32>
        tpu.vector_store %arg11[%swap3A_896, %swap3A_897], %swap3A_900 {strides = array<i32>} : memref<32x128xf32, #tpu.memory_space<vmem>>, vector<1x16xf32>,
        %get3A_901 = arith.index_cast %add3A_843 : i32 to index
        %get3A_902 = arith.constant 48 : index
        %get3A_903 = tpu.vector_load %arg11[%get3A_901, %get3A_902] {strides = array<i32>} : memref<32x128xf32, #tpu.memory_space<vmem>>, vector<1x16xf32>,
        %get3A_904 = vector.shape_cast %get3A_903 : vector<1x16xf32> to vector<16xf32>
        %get3A_905 = arith.index_cast %add3A_843 : i32 to index
        %get3A_906 = arith.constant 48 : index
        %get3A_907 = tpu.vector_load %arg12[%get3A_905, %get3A_906] {strides = array<i32>} : memref<32x128xf32, #tpu.memory_space<vmem>>, vector<1x16xf32>,
        %get3A_908 = vector.shape_cast %get3A_907 : vector<1x16xf32> to vector<16xf32>
        %add3A_909 = arith.addf %get3A_904, %get3A_908 : vector<16xf32>
        %max3A_910 = arith.constant 0.000000e+00 : f32
        %max3A_911 = vector.broadcast %max3A_910 : f32 to vector<16xf32>
        %max3A_912 = arith.maximumf %add3A_909, %max3A_911 : vector<16xf32>
        %mul3A_913 = vector.broadcast %squeeze3A_839 : f32 to vector<16xf32>
        %mul3A_914 = arith.mulf %max3A_912, %mul3A_913 : vector<16xf32>
        %swap3A_915 = arith.index_cast %add3A_843 : i32 to index
        %swap3A_916 = arith.constant 48 : index
        %swap3A_917 = tpu.vector_load %arg11[%swap3A_915, %swap3A_916] {strides = array<i32>} : memref<32x128xf32, #tpu.memory_space<vmem>>, vector<1x16xf32>,
        %swap3A_918 = vector.shape_cast %swap3A_917 : vector<1x16xf32> to vector<16xf32>
        %swap3A_919 = vector.shape_cast %mul3A_914 : vector<16xf32> to vector<1x16xf32>
        tpu.vector_store %arg11[%swap3A_915, %swap3A_916], %swap3A_919 {strides = array<i32>} : memref<32x128xf32, #tpu.memory_space<vmem>>, vector<1x16xf32>,
        %get3A_920 = arith.index_cast %add3A_843 : i32 to index
        %get3A_921 = arith.constant 64 : index
        %get3A_922 = tpu.vector_load %arg11[%get3A_920, %get3A_921] {strides = array<i32>} : memref<32x128xf32, #tpu.memory_space<vmem>>, vector<1x16xf32>,
        %get3A_923 = vector.shape_cast %get3A_922 : vector<1x16xf32> to vector<16xf32>
        %get3A_924 = arith.index_cast %add3A_843 : i32 to index
        %get3A_925 = arith.constant 64 : index
        %get3A_926 = tpu.vector_load %arg12[%get3A_924, %get3A_925] {strides = array<i32>} : memref<32x128xf32, #tpu.memory_space<vmem>>, vector<1x16xf32>,
        %get3A_927 = vector.shape_cast %get3A_926 : vector<1x16xf32> to vector<16xf32>
        %add3A_928 = arith.addf %get3A_923, %get3A_927 : vector<16xf32>
        %max3A_929 = arith.constant 0.000000e+00 : f32
        %max3A_930 = vector.broadcast %max3A_929 : f32 to vector<16xf32>
        %max3A_931 = arith.maximumf %add3A_928, %max3A_930 : vector<16xf32>
        %mul3A_932 = vector.broadcast %squeeze3A_839 : f32 to vector<16xf32>
        %mul3A_933 = arith.mulf %max3A_931, %mul3A_932 : vector<16xf32>
        %swap3A_934 = arith.index_cast %add3A_843 : i32 to index
        %swap3A_935 = arith.constant 64 : index
        %swap3A_936 = tpu.vector_load %arg11[%swap3A_934, %swap3A_935] {strides = array<i32>} : memref<32x128xf32, #tpu.memory_space<vmem>>, vector<1x16xf32>,
        %swap3A_937 = vector.shape_cast %swap3A_936 : vector<1x16xf32> to vector<16xf32>
        %swap3A_938 = vector.shape_cast %mul3A_933 : vector<16xf32> to vector<1x16xf32>
        tpu.vector_store %arg11[%swap3A_934, %swap3A_935], %swap3A_938 {strides = array<i32>} : memref<32x128xf32, #tpu.memory_space<vmem>>, vector<1x16xf32>,
        %get3A_939 = arith.index_cast %add3A_843 : i32 to index
        %get3A_940 = arith.constant 80 : index
        %get3A_941 = tpu.vector_load %arg11[%get3A_939, %get3A_940] {strides = array<i32>} : memref<32x128xf32, #tpu.memory_space<vmem>>, vector<1x16xf32>,
        %get3A_942 = vector.shape_cast %get3A_941 : vector<1x16xf32> to vector<16xf32>
        %get3A_943 = arith.index_cast %add3A_843 : i32 to index
        %get3A_944 = arith.constant 80 : index
        %get3A_945 = tpu.vector_load %arg12[%get3A_943, %get3A_944] {strides = array<i32>} : memref<32x128xf32, #tpu.memory_space<vmem>>, vector<1x16xf32>,
        %get3A_946 = vector.shape_cast %get3A_945 : vector<1x16xf32> to vector<16xf32>
        %add3A_947 = arith.addf %get3A_942, %get3A_946 : vector<16xf32>
        %max3A_948 = arith.constant 0.000000e+00 : f32
        %max3A_949 = vector.broadcast %max3A_948 : f32 to vector<16xf32>
        %max3A_950 = arith.maximumf %add3A_947, %max3A_949 : vector<16xf32>
        %mul3A_951 = vector.broadcast %squeeze3A_839 : f32 to vector<16xf32>
        %mul3A_952 = arith.mulf %max3A_950, %mul3A_951 : vector<16xf32>
        %swap3A_953 = arith.index_cast %add3A_843 : i32 to index
        %swap3A_954 = arith.constant 80 : index
        %swap3A_955 = tpu.vector_load %arg11[%swap3A_953, %swap3A_954] {strides = array<i32>} : memref<32x128xf32, #tpu.memory_space<vmem>>, vector<1x16xf32>,
        %swap3A_956 = vector.shape_cast %swap3A_955 : vector<1x16xf32> to vector<16xf32>
        %swap3A_957 = vector.shape_cast %mul3A_952 : vector<16xf32> to vector<1x16xf32>
        tpu.vector_store %arg11[%swap3A_953, %swap3A_954], %swap3A_957 {strides = array<i32>} : memref<32x128xf32, #tpu.memory_space<vmem>>, vector<1x16xf32>,
        %get3A_958 = arith.index_cast %add3A_843 : i32 to index
        %get3A_959 = arith.constant 96 : index
        %get3A_960 = tpu.vector_load %arg11[%get3A_958, %get3A_959] {strides = array<i32>} : memref<32x128xf32, #tpu.memory_space<vmem>>, vector<1x16xf32>,
        %get3A_961 = vector.shape_cast %get3A_960 : vector<1x16xf32> to vector<16xf32>
        %get3A_962 = arith.index_cast %add3A_843 : i32 to index
        %get3A_963 = arith.constant 96 : index
        %get3A_964 = tpu.vector_load %arg12[%get3A_962, %get3A_963] {strides = array<i32>} : memref<32x128xf32, #tpu.memory_space<vmem>>, vector<1x16xf32>,
        %get3A_965 = vector.shape_cast %get3A_964 : vector<1x16xf32> to vector<16xf32>
        %add3A_966 = arith.addf %get3A_961, %get3A_965 : vector<16xf32>
        %max3A_967 = arith.constant 0.000000e+00 : f32
        %max3A_968 = vector.broadcast %max3A_967 : f32 to vector<16xf32>
        %max3A_969 = arith.maximumf %add3A_966, %max3A_968 : vector<16xf32>
        %mul3A_970 = vector.broadcast %squeeze3A_839 : f32 to vector<16xf32>
        %mul3A_971 = arith.mulf %max3A_969, %mul3A_970 : vector<16xf32>
        %swap3A_972 = arith.index_cast %add3A_843 : i32 to index
        %swap3A_973 = arith.constant 96 : index
        %swap3A_974 = tpu.vector_load %arg11[%swap3A_972, %swap3A_973] {strides = array<i32>} : memref<32x128xf32, #tpu.memory_space<vmem>>, vector<1x16xf32>,
        %swap3A_975 = vector.shape_cast %swap3A_974 : vector<1x16xf32> to vector<16xf32>
        %swap3A_976 = vector.shape_cast %mul3A_971 : vector<16xf32> to vector<1x16xf32>
        tpu.vector_store %arg11[%swap3A_972, %swap3A_973], %swap3A_976 {strides = array<i32>} : memref<32x128xf32, #tpu.memory_space<vmem>>, vector<1x16xf32>,
        %get3A_977 = arith.index_cast %add3A_843 : i32 to index
        %get3A_978 = arith.constant 112 : index
        %get3A_979 = tpu.vector_load %arg11[%get3A_977, %get3A_978] {strides = array<i32>} : memref<32x128xf32, #tpu.memory_space<vmem>>, vector<1x16xf32>,
        %get3A_980 = vector.shape_cast %get3A_979 : vector<1x16xf32> to vector<16xf32>
        %get3A_981 = arith.index_cast %add3A_843 : i32 to index
        %get3A_982 = arith.constant 112 : index
        %get3A_983 = tpu.vector_load %arg12[%get3A_981, %get3A_982] {strides = array<i32>} : memref<32x128xf32, #tpu.memory_space<vmem>>, vector<1x16xf32>,
        %get3A_984 = vector.shape_cast %get3A_983 : vector<1x16xf32> to vector<16xf32>
        %add3A_985 = arith.addf %get3A_980, %get3A_984 : vector<16xf32>
        %max3A_986 = arith.constant 0.000000e+00 : f32
        %max3A_987 = vector.broadcast %max3A_986 : f32 to vector<16xf32>
        %max3A_988 = arith.maximumf %add3A_985, %max3A_987 : vector<16xf32>
        %mul3A_989 = vector.broadcast %squeeze3A_839 : f32 to vector<16xf32>
        %mul3A_990 = arith.mulf %max3A_988, %mul3A_989 : vector<16xf32>
        %swap3A_991 = arith.index_cast %add3A_843 : i32 to index
        %swap3A_992 = arith.constant 112 : index
        %swap3A_993 = tpu.vector_load %arg11[%swap3A_991, %swap3A_992] {strides = array<i32>} : memref<32x128xf32, #tpu.memory_space<vmem>>, vector<1x16xf32>,
        %swap3A_994 = vector.shape_cast %swap3A_993 : vector<1x16xf32> to vector<16xf32>
        %swap3A_995 = vector.shape_cast %mul3A_990 : vector<16xf32> to vector<1x16xf32>
        tpu.vector_store %arg11[%swap3A_991, %swap3A_992], %swap3A_995 {strides = array<i32>} : memref<32x128xf32, #tpu.memory_space<vmem>>, vector<1x16xf32>,
        %slice3A_996 = vector.extract_strided_slice %get3A_51 {offsets = [6], sizes = [1], strides = [1]} : vector<16xf32> to vector<1xf32>
        %squeeze3A_997 = vector.extract %slice3A_996[0] : f32 from vector<1xf32>
        %mul3A_998 = arith.constant 16 : i32
        %mul3A_999 = arith.muli %scan3A_47, %mul3A_998 : i32
        %add3A_1000 = arith.constant 6 : i32
        %add3A_1001 = arith.addi %mul3A_999, %add3A_1000 : i32
        %get3A_1002 = arith.index_cast %add3A_1001 : i32 to index
        %get3A_1003 = arith.constant 0 : index
        %get3A_1004 = tpu.vector_load %arg11[%get3A_1002, %get3A_1003] {strides = array<i32>} : memref<32x128xf32, #tpu.memory_space<vmem>>, vector<1x16xf32>,
        %get3A_1005 = vector.shape_cast %get3A_1004 : vector<1x16xf32> to vector<16xf32>
        %get3A_1006 = arith.index_cast %add3A_1001 : i32 to index
        %get3A_1007 = arith.constant 0 : index
        %get3A_1008 = tpu.vector_load %arg12[%get3A_1006, %get3A_1007] {strides = array<i32>} : memref<32x128xf32, #tpu.memory_space<vmem>>, vector<1x16xf32>,
        %get3A_1009 = vector.shape_cast %get3A_1008 : vector<1x16xf32> to vector<16xf32>
        %add3A_1010 = arith.addf %get3A_1005, %get3A_1009 : vector<16xf32>
        %max3A_1011 = arith.constant 0.000000e+00 : f32
        %max3A_1012 = vector.broadcast %max3A_1011 : f32 to vector<16xf32>
        %max3A_1013 = arith.maximumf %add3A_1010, %max3A_1012 : vector<16xf32>
        %mul3A_1014 = vector.broadcast %squeeze3A_997 : f32 to vector<16xf32>
        %mul3A_1015 = arith.mulf %max3A_1013, %mul3A_1014 : vector<16xf32>
        %swap3A_1016 = arith.index_cast %add3A_1001 : i32 to index
        %swap3A_1017 = arith.constant 0 : index
        %swap3A_1018 = tpu.vector_load %arg11[%swap3A_1016, %swap3A_1017] {strides = array<i32>} : memref<32x128xf32, #tpu.memory_space<vmem>>, vector<1x16xf32>,
        %swap3A_1019 = vector.shape_cast %swap3A_1018 : vector<1x16xf32> to vector<16xf32>
        %swap3A_1020 = vector.shape_cast %mul3A_1015 : vector<16xf32> to vector<1x16xf32>
        tpu.vector_store %arg11[%swap3A_1016, %swap3A_1017], %swap3A_1020 {strides = array<i32>} : memref<32x128xf32, #tpu.memory_space<vmem>>, vector<1x16xf32>,
        %get3A_1021 = arith.index_cast %add3A_1001 : i32 to index
        %get3A_1022 = arith.constant 16 : index
        %get3A_1023 = tpu.vector_load %arg11[%get3A_1021, %get3A_1022] {strides = array<i32>} : memref<32x128xf32, #tpu.memory_space<vmem>>, vector<1x16xf32>,
        %get3A_1024 = vector.shape_cast %get3A_1023 : vector<1x16xf32> to vector<16xf32>
        %get3A_1025 = arith.index_cast %add3A_1001 : i32 to index
        %get3A_1026 = arith.constant 16 : index
        %get3A_1027 = tpu.vector_load %arg12[%get3A_1025, %get3A_1026] {strides = array<i32>} : memref<32x128xf32, #tpu.memory_space<vmem>>, vector<1x16xf32>,
        %get3A_1028 = vector.shape_cast %get3A_1027 : vector<1x16xf32> to vector<16xf32>
        %add3A_1029 = arith.addf %get3A_1024, %get3A_1028 : vector<16xf32>
        %max3A_1030 = arith.constant 0.000000e+00 : f32
        %max3A_1031 = vector.broadcast %max3A_1030 : f32 to vector<16xf32>
        %max3A_1032 = arith.maximumf %add3A_1029, %max3A_1031 : vector<16xf32>
        %mul3A_1033 = vector.broadcast %squeeze3A_997 : f32 to vector<16xf32>
        %mul3A_1034 = arith.mulf %max3A_1032, %mul3A_1033 : vector<16xf32>
        %swap3A_1035 = arith.index_cast %add3A_1001 : i32 to index
        %swap3A_1036 = arith.constant 16 : index
        %swap3A_1037 = tpu.vector_load %arg11[%swap3A_1035, %swap3A_1036] {strides = array<i32>} : memref<32x128xf32, #tpu.memory_space<vmem>>, vector<1x16xf32>,
        %swap3A_1038 = vector.shape_cast %swap3A_1037 : vector<1x16xf32> to vector<16xf32>
        %swap3A_1039 = vector.shape_cast %mul3A_1034 : vector<16xf32> to vector<1x16xf32>
        tpu.vector_store %arg11[%swap3A_1035, %swap3A_1036], %swap3A_1039 {strides = array<i32>} : memref<32x128xf32, #tpu.memory_space<vmem>>, vector<1x16xf32>,
        %get3A_1040 = arith.index_cast %add3A_1001 : i32 to index
        %get3A_1041 = arith.constant 32 : index
        %get3A_1042 = tpu.vector_load %arg11[%get3A_1040, %get3A_1041] {strides = array<i32>} : memref<32x128xf32, #tpu.memory_space<vmem>>, vector<1x16xf32>,
        %get3A_1043 = vector.shape_cast %get3A_1042 : vector<1x16xf32> to vector<16xf32>
        %get3A_1044 = arith.index_cast %add3A_1001 : i32 to index
        %get3A_1045 = arith.constant 32 : index
        %get3A_1046 = tpu.vector_load %arg12[%get3A_1044, %get3A_1045] {strides = array<i32>} : memref<32x128xf32, #tpu.memory_space<vmem>>, vector<1x16xf32>,
        %get3A_1047 = vector.shape_cast %get3A_1046 : vector<1x16xf32> to vector<16xf32>
        %add3A_1048 = arith.addf %get3A_1043, %get3A_1047 : vector<16xf32>
        %max3A_1049 = arith.constant 0.000000e+00 : f32
        %max3A_1050 = vector.broadcast %max3A_1049 : f32 to vector<16xf32>
        %max3A_1051 = arith.maximumf %add3A_1048, %max3A_1050 : vector<16xf32>
        %mul3A_1052 = vector.broadcast %squeeze3A_997 : f32 to vector<16xf32>
        %mul3A_1053 = arith.mulf %max3A_1051, %mul3A_1052 : vector<16xf32>
        %swap3A_1054 = arith.index_cast %add3A_1001 : i32 to index
        %swap3A_1055 = arith.constant 32 : index
        %swap3A_1056 = tpu.vector_load %arg11[%swap3A_1054, %swap3A_1055] {strides = array<i32>} : memref<32x128xf32, #tpu.memory_space<vmem>>, vector<1x16xf32>,
        %swap3A_1057 = vector.shape_cast %swap3A_1056 : vector<1x16xf32> to vector<16xf32>
        %swap3A_1058 = vector.shape_cast %mul3A_1053 : vector<16xf32> to vector<1x16xf32>
        tpu.vector_store %arg11[%swap3A_1054, %swap3A_1055], %swap3A_1058 {strides = array<i32>} : memref<32x128xf32, #tpu.memory_space<vmem>>, vector<1x16xf32>,
        %get3A_1059 = arith.index_cast %add3A_1001 : i32 to index
        %get3A_1060 = arith.constant 48 : index
        %get3A_1061 = tpu.vector_load %arg11[%get3A_1059, %get3A_1060] {strides = array<i32>} : memref<32x128xf32, #tpu.memory_space<vmem>>, vector<1x16xf32>,
        %get3A_1062 = vector.shape_cast %get3A_1061 : vector<1x16xf32> to vector<16xf32>
        %get3A_1063 = arith.index_cast %add3A_1001 : i32 to index
        %get3A_1064 = arith.constant 48 : index
        %get3A_1065 = tpu.vector_load %arg12[%get3A_1063, %get3A_1064] {strides = array<i32>} : memref<32x128xf32, #tpu.memory_space<vmem>>, vector<1x16xf32>,
        %get3A_1066 = vector.shape_cast %get3A_1065 : vector<1x16xf32> to vector<16xf32>
        %add3A_1067 = arith.addf %get3A_1062, %get3A_1066 : vector<16xf32>
        %max3A_1068 = arith.constant 0.000000e+00 : f32
        %max3A_1069 = vector.broadcast %max3A_1068 : f32 to vector<16xf32>
        %max3A_1070 = arith.maximumf %add3A_1067, %max3A_1069 : vector<16xf32>
        %mul3A_1071 = vector.broadcast %squeeze3A_997 : f32 to vector<16xf32>
        %mul3A_1072 = arith.mulf %max3A_1070, %mul3A_1071 : vector<16xf32>
        %swap3A_1073 = arith.index_cast %add3A_1001 : i32 to index
        %swap3A_1074 = arith.constant 48 : index
        %swap3A_1075 = tpu.vector_load %arg11[%swap3A_1073, %swap3A_1074] {strides = array<i32>} : memref<32x128xf32, #tpu.memory_space<vmem>>, vector<1x16xf32>,
        %swap3A_1076 = vector.shape_cast %swap3A_1075 : vector<1x16xf32> to vector<16xf32>
        %swap3A_1077 = vector.shape_cast %mul3A_1072 : vector<16xf32> to vector<1x16xf32>
        tpu.vector_store %arg11[%swap3A_1073, %swap3A_1074], %swap3A_1077 {strides = array<i32>} : memref<32x128xf32, #tpu.memory_space<vmem>>, vector<1x16xf32>,
        %get3A_1078 = arith.index_cast %add3A_1001 : i32 to index
        %get3A_1079 = arith.constant 64 : index
        %get3A_1080 = tpu.vector_load %arg11[%get3A_1078, %get3A_1079] {strides = array<i32>} : memref<32x128xf32, #tpu.memory_space<vmem>>, vector<1x16xf32>,
        %get3A_1081 = vector.shape_cast %get3A_1080 : vector<1x16xf32> to vector<16xf32>
        %get3A_1082 = arith.index_cast %add3A_1001 : i32 to index
        %get3A_1083 = arith.constant 64 : index
        %get3A_1084 = tpu.vector_load %arg12[%get3A_1082, %get3A_1083] {strides = array<i32>} : memref<32x128xf32, #tpu.memory_space<vmem>>, vector<1x16xf32>,
        %get3A_1085 = vector.shape_cast %get3A_1084 : vector<1x16xf32> to vector<16xf32>
        %add3A_1086 = arith.addf %get3A_1081, %get3A_1085 : vector<16xf32>
        %max3A_1087 = arith.constant 0.000000e+00 : f32
        %max3A_1088 = vector.broadcast %max3A_1087 : f32 to vector<16xf32>
        %max3A_1089 = arith.maximumf %add3A_1086, %max3A_1088 : vector<16xf32>
        %mul3A_1090 = vector.broadcast %squeeze3A_997 : f32 to vector<16xf32>
        %mul3A_1091 = arith.mulf %max3A_1089, %mul3A_1090 : vector<16xf32>
        %swap3A_1092 = arith.index_cast %add3A_1001 : i32 to index
        %swap3A_1093 = arith.constant 64 : index
        %swap3A_1094 = tpu.vector_load %arg11[%swap3A_1092, %swap3A_1093] {strides = array<i32>} : memref<32x128xf32, #tpu.memory_space<vmem>>, vector<1x16xf32>,
        %swap3A_1095 = vector.shape_cast %swap3A_1094 : vector<1x16xf32> to vector<16xf32>
        %swap3A_1096 = vector.shape_cast %mul3A_1091 : vector<16xf32> to vector<1x16xf32>
        tpu.vector_store %arg11[%swap3A_1092, %swap3A_1093], %swap3A_1096 {strides = array<i32>} : memref<32x128xf32, #tpu.memory_space<vmem>>, vector<1x16xf32>,
        %get3A_1097 = arith.index_cast %add3A_1001 : i32 to index
        %get3A_1098 = arith.constant 80 : index
        %get3A_1099 = tpu.vector_load %arg11[%get3A_1097, %get3A_1098] {strides = array<i32>} : memref<32x128xf32, #tpu.memory_space<vmem>>, vector<1x16xf32>,
        %get3A_1100 = vector.shape_cast %get3A_1099 : vector<1x16xf32> to vector<16xf32>
        %get3A_1101 = arith.index_cast %add3A_1001 : i32 to index
        %get3A_1102 = arith.constant 80 : index
        %get3A_1103 = tpu.vector_load %arg12[%get3A_1101, %get3A_1102] {strides = array<i32>} : memref<32x128xf32, #tpu.memory_space<vmem>>, vector<1x16xf32>,
        %get3A_1104 = vector.shape_cast %get3A_1103 : vector<1x16xf32> to vector<16xf32>
        %add3A_1105 = arith.addf %get3A_1100, %get3A_1104 : vector<16xf32>
        %max3A_1106 = arith.constant 0.000000e+00 : f32
        %max3A_1107 = vector.broadcast %max3A_1106 : f32 to vector<16xf32>
        %max3A_1108 = arith.maximumf %add3A_1105, %max3A_1107 : vector<16xf32>
        %mul3A_1109 = vector.broadcast %squeeze3A_997 : f32 to vector<16xf32>
        %mul3A_1110 = arith.mulf %max3A_1108, %mul3A_1109 : vector<16xf32>
        %swap3A_1111 = arith.index_cast %add3A_1001 : i32 to index
        %swap3A_1112 = arith.constant 80 : index
        %swap3A_1113 = tpu.vector_load %arg11[%swap3A_1111, %swap3A_1112] {strides = array<i32>} : memref<32x128xf32, #tpu.memory_space<vmem>>, vector<1x16xf32>,
        %swap3A_1114 = vector.shape_cast %swap3A_1113 : vector<1x16xf32> to vector<16xf32>
        %swap3A_1115 = vector.shape_cast %mul3A_1110 : vector<16xf32> to vector<1x16xf32>
        tpu.vector_store %arg11[%swap3A_1111, %swap3A_1112], %swap3A_1115 {strides = array<i32>} : memref<32x128xf32, #tpu.memory_space<vmem>>, vector<1x16xf32>,
        %get3A_1116 = arith.index_cast %add3A_1001 : i32 to index
        %get3A_1117 = arith.constant 96 : index
        %get3A_1118 = tpu.vector_load %arg11[%get3A_1116, %get3A_1117] {strides = array<i32>} : memref<32x128xf32, #tpu.memory_space<vmem>>, vector<1x16xf32>,
        %get3A_1119 = vector.shape_cast %get3A_1118 : vector<1x16xf32> to vector<16xf32>
        %get3A_1120 = arith.index_cast %add3A_1001 : i32 to index
        %get3A_1121 = arith.constant 96 : index
        %get3A_1122 = tpu.vector_load %arg12[%get3A_1120, %get3A_1121] {strides = array<i32>} : memref<32x128xf32, #tpu.memory_space<vmem>>, vector<1x16xf32>,
        %get3A_1123 = vector.shape_cast %get3A_1122 : vector<1x16xf32> to vector<16xf32>
        %add3A_1124 = arith.addf %get3A_1119, %get3A_1123 : vector<16xf32>
        %max3A_1125 = arith.constant 0.000000e+00 : f32
        %max3A_1126 = vector.broadcast %max3A_1125 : f32 to vector<16xf32>
        %max3A_1127 = arith.maximumf %add3A_1124, %max3A_1126 : vector<16xf32>
        %mul3A_1128 = vector.broadcast %squeeze3A_997 : f32 to vector<16xf32>
        %mul3A_1129 = arith.mulf %max3A_1127, %mul3A_1128 : vector<16xf32>
        %swap3A_1130 = arith.index_cast %add3A_1001 : i32 to index
        %swap3A_1131 = arith.constant 96 : index
        %swap3A_1132 = tpu.vector_load %arg11[%swap3A_1130, %swap3A_1131] {strides = array<i32>} : memref<32x128xf32, #tpu.memory_space<vmem>>, vector<1x16xf32>,
        %swap3A_1133 = vector.shape_cast %swap3A_1132 : vector<1x16xf32> to vector<16xf32>
        %swap3A_1134 = vector.shape_cast %mul3A_1129 : vector<16xf32> to vector<1x16xf32>
        tpu.vector_store %arg11[%swap3A_1130, %swap3A_1131], %swap3A_1134 {strides = array<i32>} : memref<32x128xf32, #tpu.memory_space<vmem>>, vector<1x16xf32>,
        %get3A_1135 = arith.index_cast %add3A_1001 : i32 to index
        %get3A_1136 = arith.constant 112 : index
        %get3A_1137 = tpu.vector_load %arg11[%get3A_1135, %get3A_1136] {strides = array<i32>} : memref<32x128xf32, #tpu.memory_space<vmem>>, vector<1x16xf32>,
        %get3A_1138 = vector.shape_cast %get3A_1137 : vector<1x16xf32> to vector<16xf32>
        %get3A_1139 = arith.index_cast %add3A_1001 : i32 to index
        %get3A_1140 = arith.constant 112 : index
        %get3A_1141 = tpu.vector_load %arg12[%get3A_1139, %get3A_1140] {strides = array<i32>} : memref<32x128xf32, #tpu.memory_space<vmem>>, vector<1x16xf32>,
        %get3A_1142 = vector.shape_cast %get3A_1141 : vector<1x16xf32> to vector<16xf32>
        %add3A_1143 = arith.addf %get3A_1138, %get3A_1142 : vector<16xf32>
        %max3A_1144 = arith.constant 0.000000e+00 : f32
        %max3A_1145 = vector.broadcast %max3A_1144 : f32 to vector<16xf32>
        %max3A_1146 = arith.maximumf %add3A_1143, %max3A_1145 : vector<16xf32>
        %mul3A_1147 = vector.broadcast %squeeze3A_997 : f32 to vector<16xf32>
        %mul3A_1148 = arith.mulf %max3A_1146, %mul3A_1147 : vector<16xf32>
        %swap3A_1149 = arith.index_cast %add3A_1001 : i32 to index
        %swap3A_1150 = arith.constant 112 : index
        %swap3A_1151 = tpu.vector_load %arg11[%swap3A_1149, %swap3A_1150] {strides = array<i32>} : memref<32x128xf32, #tpu.memory_space<vmem>>, vector<1x16xf32>,
        %swap3A_1152 = vector.shape_cast %swap3A_1151 : vector<1x16xf32> to vector<16xf32>
        %swap3A_1153 = vector.shape_cast %mul3A_1148 : vector<16xf32> to vector<1x16xf32>
        tpu.vector_store %arg11[%swap3A_1149, %swap3A_1150], %swap3A_1153 {strides = array<i32>} : memref<32x128xf32, #tpu.memory_space<vmem>>, vector<1x16xf32>,
        %slice3A_1154 = vector.extract_strided_slice %get3A_51 {offsets = [7], sizes = [1], strides = [1]} : vector<16xf32> to vector<1xf32>
        %squeeze3A_1155 = vector.extract %slice3A_1154[0] : f32 from vector<1xf32>
        %mul3A_1156 = arith.constant 16 : i32
        %mul3A_1157 = arith.muli %scan3A_47, %mul3A_1156 : i32
        %add3A_1158 = arith.constant 7 : i32
        %add3A_1159 = arith.addi %mul3A_1157, %add3A_1158 : i32
        %get3A_1160 = arith.index_cast %add3A_1159 : i32 to index
        %get3A_1161 = arith.constant 0 : index
        %get3A_1162 = tpu.vector_load %arg11[%get3A_1160, %get3A_1161] {strides = array<i32>} : memref<32x128xf32, #tpu.memory_space<vmem>>, vector<1x16xf32>,
        %get3A_1163 = vector.shape_cast %get3A_1162 : vector<1x16xf32> to vector<16xf32>
        %get3A_1164 = arith.index_cast %add3A_1159 : i32 to index
        %get3A_1165 = arith.constant 0 : index
        %get3A_1166 = tpu.vector_load %arg12[%get3A_1164, %get3A_1165] {strides = array<i32>} : memref<32x128xf32, #tpu.memory_space<vmem>>, vector<1x16xf32>,
        %get3A_1167 = vector.shape_cast %get3A_1166 : vector<1x16xf32> to vector<16xf32>
        %add3A_1168 = arith.addf %get3A_1163, %get3A_1167 : vector<16xf32>
        %max3A_1169 = arith.constant 0.000000e+00 : f32
        %max3A_1170 = vector.broadcast %max3A_1169 : f32 to vector<16xf32>
        %max3A_1171 = arith.maximumf %add3A_1168, %max3A_1170 : vector<16xf32>
        %mul3A_1172 = vector.broadcast %squeeze3A_1155 : f32 to vector<16xf32>
        %mul3A_1173 = arith.mulf %max3A_1171, %mul3A_1172 : vector<16xf32>
        %swap3A_1174 = arith.index_cast %add3A_1159 : i32 to index
        %swap3A_1175 = arith.constant 0 : index
        %swap3A_1176 = tpu.vector_load %arg11[%swap3A_1174, %swap3A_1175] {strides = array<i32>} : memref<32x128xf32, #tpu.memory_space<vmem>>, vector<1x16xf32>,
        %swap3A_1177 = vector.shape_cast %swap3A_1176 : vector<1x16xf32> to vector<16xf32>
        %swap3A_1178 = vector.shape_cast %mul3A_1173 : vector<16xf32> to vector<1x16xf32>
        tpu.vector_store %arg11[%swap3A_1174, %swap3A_1175], %swap3A_1178 {strides = array<i32>} : memref<32x128xf32, #tpu.memory_space<vmem>>, vector<1x16xf32>,
        %get3A_1179 = arith.index_cast %add3A_1159 : i32 to index
        %get3A_1180 = arith.constant 16 : index
        %get3A_1181 = tpu.vector_load %arg11[%get3A_1179, %get3A_1180] {strides = array<i32>} : memref<32x128xf32, #tpu.memory_space<vmem>>, vector<1x16xf32>,
        %get3A_1182 = vector.shape_cast %get3A_1181 : vector<1x16xf32> to vector<16xf32>
        %get3A_1183 = arith.index_cast %add3A_1159 : i32 to index
        %get3A_1184 = arith.constant 16 : index
        %get3A_1185 = tpu.vector_load %arg12[%get3A_1183, %get3A_1184] {strides = array<i32>} : memref<32x128xf32, #tpu.memory_space<vmem>>, vector<1x16xf32>,
        %get3A_1186 = vector.shape_cast %get3A_1185 : vector<1x16xf32> to vector<16xf32>
        %add3A_1187 = arith.addf %get3A_1182, %get3A_1186 : vector<16xf32>
        %max3A_1188 = arith.constant 0.000000e+00 : f32
        %max3A_1189 = vector.broadcast %max3A_1188 : f32 to vector<16xf32>
        %max3A_1190 = arith.maximumf %add3A_1187, %max3A_1189 : vector<16xf32>
        %mul3A_1191 = vector.broadcast %squeeze3A_1155 : f32 to vector<16xf32>
        %mul3A_1192 = arith.mulf %max3A_1190, %mul3A_1191 : vector<16xf32>
        %swap3A_1193 = arith.index_cast %add3A_1159 : i32 to index
        %swap3A_1194 = arith.constant 16 : index
        %swap3A_1195 = tpu.vector_load %arg11[%swap3A_1193, %swap3A_1194] {strides = array<i32>} : memref<32x128xf32, #tpu.memory_space<vmem>>, vector<1x16xf32>,
        %swap3A_1196 = vector.shape_cast %swap3A_1195 : vector<1x16xf32> to vector<16xf32>
        %swap3A_1197 = vector.shape_cast %mul3A_1192 : vector<16xf32> to vector<1x16xf32>
        tpu.vector_store %arg11[%swap3A_1193, %swap3A_1194], %swap3A_1197 {strides = array<i32>} : memref<32x128xf32, #tpu.memory_space<vmem>>, vector<1x16xf32>,
        %get3A_1198 = arith.index_cast %add3A_1159 : i32 to index
        %get3A_1199 = arith.constant 32 : index
        %get3A_1200 = tpu.vector_load %arg11[%get3A_1198, %get3A_1199] {strides = array<i32>} : memref<32x128xf32, #tpu.memory_space<vmem>>, vector<1x16xf32>,
        %get3A_1201 = vector.shape_cast %get3A_1200 : vector<1x16xf32> to vector<16xf32>
        %get3A_1202 = arith.index_cast %add3A_1159 : i32 to index
        %get3A_1203 = arith.constant 32 : index
        %get3A_1204 = tpu.vector_load %arg12[%get3A_1202, %get3A_1203] {strides = array<i32>} : memref<32x128xf32, #tpu.memory_space<vmem>>, vector<1x16xf32>,
        %get3A_1205 = vector.shape_cast %get3A_1204 : vector<1x16xf32> to vector<16xf32>
        %add3A_1206 = arith.addf %get3A_1201, %get3A_1205 : vector<16xf32>
        %max3A_1207 = arith.constant 0.000000e+00 : f32
        %max3A_1208 = vector.broadcast %max3A_1207 : f32 to vector<16xf32>
        %max3A_1209 = arith.maximumf %add3A_1206, %max3A_1208 : vector<16xf32>
        %mul3A_1210 = vector.broadcast %squeeze3A_1155 : f32 to vector<16xf32>
        %mul3A_1211 = arith.mulf %max3A_1209, %mul3A_1210 : vector<16xf32>
        %swap3A_1212 = arith.index_cast %add3A_1159 : i32 to index
        %swap3A_1213 = arith.constant 32 : index
        %swap3A_1214 = tpu.vector_load %arg11[%swap3A_1212, %swap3A_1213] {strides = array<i32>} : memref<32x128xf32, #tpu.memory_space<vmem>>, vector<1x16xf32>,
        %swap3A_1215 = vector.shape_cast %swap3A_1214 : vector<1x16xf32> to vector<16xf32>
        %swap3A_1216 = vector.shape_cast %mul3A_1211 : vector<16xf32> to vector<1x16xf32>
        tpu.vector_store %arg11[%swap3A_1212, %swap3A_1213], %swap3A_1216 {strides = array<i32>} : memref<32x128xf32, #tpu.memory_space<vmem>>, vector<1x16xf32>,
        %get3A_1217 = arith.index_cast %add3A_1159 : i32 to index
        %get3A_1218 = arith.constant 48 : index
        %get3A_1219 = tpu.vector_load %arg11[%get3A_1217, %get3A_1218] {strides = array<i32>} : memref<32x128xf32, #tpu.memory_space<vmem>>, vector<1x16xf32>,
        %get3A_1220 = vector.shape_cast %get3A_1219 : vector<1x16xf32> to vector<16xf32>
        %get3A_1221 = arith.index_cast %add3A_1159 : i32 to index
        %get3A_1222 = arith.constant 48 : index
        %get3A_1223 = tpu.vector_load %arg12[%get3A_1221, %get3A_1222] {strides = array<i32>} : memref<32x128xf32, #tpu.memory_space<vmem>>, vector<1x16xf32>,
        %get3A_1224 = vector.shape_cast %get3A_1223 : vector<1x16xf32> to vector<16xf32>
        %add3A_1225 = arith.addf %get3A_1220, %get3A_1224 : vector<16xf32>
        %max3A_1226 = arith.constant 0.000000e+00 : f32
        %max3A_1227 = vector.broadcast %max3A_1226 : f32 to vector<16xf32>
        %max3A_1228 = arith.maximumf %add3A_1225, %max3A_1227 : vector<16xf32>
        %mul3A_1229 = vector.broadcast %squeeze3A_1155 : f32 to vector<16xf32>
        %mul3A_1230 = arith.mulf %max3A_1228, %mul3A_1229 : vector<16xf32>
        %swap3A_1231 = arith.index_cast %add3A_1159 : i32 to index
        %swap3A_1232 = arith.constant 48 : index
        %swap3A_1233 = tpu.vector_load %arg11[%swap3A_1231, %swap3A_1232] {strides = array<i32>} : memref<32x128xf32, #tpu.memory_space<vmem>>, vector<1x16xf32>,
        %swap3A_1234 = vector.shape_cast %swap3A_1233 : vector<1x16xf32> to vector<16xf32>
        %swap3A_1235 = vector.shape_cast %mul3A_1230 : vector<16xf32> to vector<1x16xf32>
        tpu.vector_store %arg11[%swap3A_1231, %swap3A_1232], %swap3A_1235 {strides = array<i32>} : memref<32x128xf32, #tpu.memory_space<vmem>>, vector<1x16xf32>,
        %get3A_1236 = arith.index_cast %add3A_1159 : i32 to index
        %get3A_1237 = arith.constant 64 : index
        %get3A_1238 = tpu.vector_load %arg11[%get3A_1236, %get3A_1237] {strides = array<i32>} : memref<32x128xf32, #tpu.memory_space<vmem>>, vector<1x16xf32>,
        %get3A_1239 = vector.shape_cast %get3A_1238 : vector<1x16xf32> to vector<16xf32>
        %get3A_1240 = arith.index_cast %add3A_1159 : i32 to index
        %get3A_1241 = arith.constant 64 : index
        %get3A_1242 = tpu.vector_load %arg12[%get3A_1240, %get3A_1241] {strides = array<i32>} : memref<32x128xf32, #tpu.memory_space<vmem>>, vector<1x16xf32>,
        %get3A_1243 = vector.shape_cast %get3A_1242 : vector<1x16xf32> to vector<16xf32>
        %add3A_1244 = arith.addf %get3A_1239, %get3A_1243 : vector<16xf32>
        %max3A_1245 = arith.constant 0.000000e+00 : f32
        %max3A_1246 = vector.broadcast %max3A_1245 : f32 to vector<16xf32>
        %max3A_1247 = arith.maximumf %add3A_1244, %max3A_1246 : vector<16xf32>
        %mul3A_1248 = vector.broadcast %squeeze3A_1155 : f32 to vector<16xf32>
        %mul3A_1249 = arith.mulf %max3A_1247, %mul3A_1248 : vector<16xf32>
        %swap3A_1250 = arith.index_cast %add3A_1159 : i32 to index
        %swap3A_1251 = arith.constant 64 : index
        %swap3A_1252 = tpu.vector_load %arg11[%swap3A_1250, %swap3A_1251] {strides = array<i32>} : memref<32x128xf32, #tpu.memory_space<vmem>>, vector<1x16xf32>,
        %swap3A_1253 = vector.shape_cast %swap3A_1252 : vector<1x16xf32> to vector<16xf32>
        %swap3A_1254 = vector.shape_cast %mul3A_1249 : vector<16xf32> to vector<1x16xf32>
        tpu.vector_store %arg11[%swap3A_1250, %swap3A_1251], %swap3A_1254 {strides = array<i32>} : memref<32x128xf32, #tpu.memory_space<vmem>>, vector<1x16xf32>,
        %get3A_1255 = arith.index_cast %add3A_1159 : i32 to index
        %get3A_1256 = arith.constant 80 : index
        %get3A_1257 = tpu.vector_load %arg11[%get3A_1255, %get3A_1256] {strides = array<i32>} : memref<32x128xf32, #tpu.memory_space<vmem>>, vector<1x16xf32>,
        %get3A_1258 = vector.shape_cast %get3A_1257 : vector<1x16xf32> to vector<16xf32>
        %get3A_1259 = arith.index_cast %add3A_1159 : i32 to index
        %get3A_1260 = arith.constant 80 : index
        %get3A_1261 = tpu.vector_load %arg12[%get3A_1259, %get3A_1260] {strides = array<i32>} : memref<32x128xf32, #tpu.memory_space<vmem>>, vector<1x16xf32>,
        %get3A_1262 = vector.shape_cast %get3A_1261 : vector<1x16xf32> to vector<16xf32>
        %add3A_1263 = arith.addf %get3A_1258, %get3A_1262 : vector<16xf32>
        %max3A_1264 = arith.constant 0.000000e+00 : f32
        %max3A_1265 = vector.broadcast %max3A_1264 : f32 to vector<16xf32>
        %max3A_1266 = arith.maximumf %add3A_1263, %max3A_1265 : vector<16xf32>
        %mul3A_1267 = vector.broadcast %squeeze3A_1155 : f32 to vector<16xf32>
        %mul3A_1268 = arith.mulf %max3A_1266, %mul3A_1267 : vector<16xf32>
        %swap3A_1269 = arith.index_cast %add3A_1159 : i32 to index
        %swap3A_1270 = arith.constant 80 : index
        %swap3A_1271 = tpu.vector_load %arg11[%swap3A_1269, %swap3A_1270] {strides = array<i32>} : memref<32x128xf32, #tpu.memory_space<vmem>>, vector<1x16xf32>,
        %swap3A_1272 = vector.shape_cast %swap3A_1271 : vector<1x16xf32> to vector<16xf32>
        %swap3A_1273 = vector.shape_cast %mul3A_1268 : vector<16xf32> to vector<1x16xf32>
        tpu.vector_store %arg11[%swap3A_1269, %swap3A_1270], %swap3A_1273 {strides = array<i32>} : memref<32x128xf32, #tpu.memory_space<vmem>>, vector<1x16xf32>,
        %get3A_1274 = arith.index_cast %add3A_1159 : i32 to index
        %get3A_1275 = arith.constant 96 : index
        %get3A_1276 = tpu.vector_load %arg11[%get3A_1274, %get3A_1275] {strides = array<i32>} : memref<32x128xf32, #tpu.memory_space<vmem>>, vector<1x16xf32>,
        %get3A_1277 = vector.shape_cast %get3A_1276 : vector<1x16xf32> to vector<16xf32>
        %get3A_1278 = arith.index_cast %add3A_1159 : i32 to index
        %get3A_1279 = arith.constant 96 : index
        %get3A_1280 = tpu.vector_load %arg12[%get3A_1278, %get3A_1279] {strides = array<i32>} : memref<32x128xf32, #tpu.memory_space<vmem>>, vector<1x16xf32>,
        %get3A_1281 = vector.shape_cast %get3A_1280 : vector<1x16xf32> to vector<16xf32>
        %add3A_1282 = arith.addf %get3A_1277, %get3A_1281 : vector<16xf32>
        %max3A_1283 = arith.constant 0.000000e+00 : f32
        %max3A_1284 = vector.broadcast %max3A_1283 : f32 to vector<16xf32>
        %max3A_1285 = arith.maximumf %add3A_1282, %max3A_1284 : vector<16xf32>
        %mul3A_1286 = vector.broadcast %squeeze3A_1155 : f32 to vector<16xf32>
        %mul3A_1287 = arith.mulf %max3A_1285, %mul3A_1286 : vector<16xf32>
        %swap3A_1288 = arith.index_cast %add3A_1159 : i32 to index
        %swap3A_1289 = arith.constant 96 : index
        %swap3A_1290 = tpu.vector_load %arg11[%swap3A_1288, %swap3A_1289] {strides = array<i32>} : memref<32x128xf32, #tpu.memory_space<vmem>>, vector<1x16xf32>,
        %swap3A_1291 = vector.shape_cast %swap3A_1290 : vector<1x16xf32> to vector<16xf32>
        %swap3A_1292 = vector.shape_cast %mul3A_1287 : vector<16xf32> to vector<1x16xf32>
        tpu.vector_store %arg11[%swap3A_1288, %swap3A_1289], %swap3A_1292 {strides = array<i32>} : memref<32x128xf32, #tpu.memory_space<vmem>>, vector<1x16xf32>,
        %get3A_1293 = arith.index_cast %add3A_1159 : i32 to index
        %get3A_1294 = arith.constant 112 : index
        %get3A_1295 = tpu.vector_load %arg11[%get3A_1293, %get3A_1294] {strides = array<i32>} : memref<32x128xf32, #tpu.memory_space<vmem>>, vector<1x16xf32>,
        %get3A_1296 = vector.shape_cast %get3A_1295 : vector<1x16xf32> to vector<16xf32>
        %get3A_1297 = arith.index_cast %add3A_1159 : i32 to index
        %get3A_1298 = arith.constant 112 : index
        %get3A_1299 = tpu.vector_load %arg12[%get3A_1297, %get3A_1298] {strides = array<i32>} : memref<32x128xf32, #tpu.memory_space<vmem>>, vector<1x16xf32>,
        %get3A_1300 = vector.shape_cast %get3A_1299 : vector<1x16xf32> to vector<16xf32>
        %add3A_1301 = arith.addf %get3A_1296, %get3A_1300 : vector<16xf32>
        %max3A_1302 = arith.constant 0.000000e+00 : f32
        %max3A_1303 = vector.broadcast %max3A_1302 : f32 to vector<16xf32>
        %max3A_1304 = arith.maximumf %add3A_1301, %max3A_1303 : vector<16xf32>
        %mul3A_1305 = vector.broadcast %squeeze3A_1155 : f32 to vector<16xf32>
        %mul3A_1306 = arith.mulf %max3A_1304, %mul3A_1305 : vector<16xf32>
        %swap3A_1307 = arith.index_cast %add3A_1159 : i32 to index
        %swap3A_1308 = arith.constant 112 : index
        %swap3A_1309 = tpu.vector_load %arg11[%swap3A_1307, %swap3A_1308] {strides = array<i32>} : memref<32x128xf32, #tpu.memory_space<vmem>>, vector<1x16xf32>,
        %swap3A_1310 = vector.shape_cast %swap3A_1309 : vector<1x16xf32> to vector<16xf32>
        %swap3A_1311 = vector.shape_cast %mul3A_1306 : vector<16xf32> to vector<1x16xf32>
        tpu.vector_store %arg11[%swap3A_1307, %swap3A_1308], %swap3A_1311 {strides = array<i32>} : memref<32x128xf32, #tpu.memory_space<vmem>>, vector<1x16xf32>,
        %slice3A_1312 = vector.extract_strided_slice %get3A_51 {offsets = [8], sizes = [1], strides = [1]} : vector<16xf32> to vector<1xf32>
        %squeeze3A_1313 = vector.extract %slice3A_1312[0] : f32 from vector<1xf32>
        %mul3A_1314 = arith.constant 16 : i32
        %mul3A_1315 = arith.muli %scan3A_47, %mul3A_1314 : i32
        %add3A_1316 = arith.constant 8 : i32
        %add3A_1317 = arith.addi %mul3A_1315, %add3A_1316 : i32
        %get3A_1318 = arith.index_cast %add3A_1317 : i32 to index
        %get3A_1319 = arith.constant 0 : index
        %get3A_1320 = tpu.vector_load %arg11[%get3A_1318, %get3A_1319] {strides = array<i32>} : memref<32x128xf32, #tpu.memory_space<vmem>>, vector<1x16xf32>,
        %get3A_1321 = vector.shape_cast %get3A_1320 : vector<1x16xf32> to vector<16xf32>
        %get3A_1322 = arith.index_cast %add3A_1317 : i32 to index
        %get3A_1323 = arith.constant 0 : index
        %get3A_1324 = tpu.vector_load %arg12[%get3A_1322, %get3A_1323] {strides = array<i32>} : memref<32x128xf32, #tpu.memory_space<vmem>>, vector<1x16xf32>,
        %get3A_1325 = vector.shape_cast %get3A_1324 : vector<1x16xf32> to vector<16xf32>
        %add3A_1326 = arith.addf %get3A_1321, %get3A_1325 : vector<16xf32>
        %max3A_1327 = arith.constant 0.000000e+00 : f32
        %max3A_1328 = vector.broadcast %max3A_1327 : f32 to vector<16xf32>
        %max3A_1329 = arith.maximumf %add3A_1326, %max3A_1328 : vector<16xf32>
        %mul3A_1330 = vector.broadcast %squeeze3A_1313 : f32 to vector<16xf32>
        %mul3A_1331 = arith.mulf %max3A_1329, %mul3A_1330 : vector<16xf32>
        %swap3A_1332 = arith.index_cast %add3A_1317 : i32 to index
        %swap3A_1333 = arith.constant 0 : index
        %swap3A_1334 = tpu.vector_load %arg11[%swap3A_1332, %swap3A_1333] {strides = array<i32>} : memref<32x128xf32, #tpu.memory_space<vmem>>, vector<1x16xf32>,
        %swap3A_1335 = vector.shape_cast %swap3A_1334 : vector<1x16xf32> to vector<16xf32>
        %swap3A_1336 = vector.shape_cast %mul3A_1331 : vector<16xf32> to vector<1x16xf32>
        tpu.vector_store %arg11[%swap3A_1332, %swap3A_1333], %swap3A_1336 {strides = array<i32>} : memref<32x128xf32, #tpu.memory_space<vmem>>, vector<1x16xf32>,
        %get3A_1337 = arith.index_cast %add3A_1317 : i32 to index
        %get3A_1338 = arith.constant 16 : index
        %get3A_1339 = tpu.vector_load %arg11[%get3A_1337, %get3A_1338] {strides = array<i32>} : memref<32x128xf32, #tpu.memory_space<vmem>>, vector<1x16xf32>,
        %get3A_1340 = vector.shape_cast %get3A_1339 : vector<1x16xf32> to vector<16xf32>
        %get3A_1341 = arith.index_cast %add3A_1317 : i32 to index
        %get3A_1342 = arith.constant 16 : index
        %get3A_1343 = tpu.vector_load %arg12[%get3A_1341, %get3A_1342] {strides = array<i32>} : memref<32x128xf32, #tpu.memory_space<vmem>>, vector<1x16xf32>,
        %get3A_1344 = vector.shape_cast %get3A_1343 : vector<1x16xf32> to vector<16xf32>
        %add3A_1345 = arith.addf %get3A_1340, %get3A_1344 : vector<16xf32>
        %max3A_1346 = arith.constant 0.000000e+00 : f32
        %max3A_1347 = vector.broadcast %max3A_1346 : f32 to vector<16xf32>
        %max3A_1348 = arith.maximumf %add3A_1345, %max3A_1347 : vector<16xf32>
        %mul3A_1349 = vector.broadcast %squeeze3A_1313 : f32 to vector<16xf32>
        %mul3A_1350 = arith.mulf %max3A_1348, %mul3A_1349 : vector<16xf32>
        %swap3A_1351 = arith.index_cast %add3A_1317 : i32 to index
        %swap3A_1352 = arith.constant 16 : index
        %swap3A_1353 = tpu.vector_load %arg11[%swap3A_1351, %swap3A_1352] {strides = array<i32>} : memref<32x128xf32, #tpu.memory_space<vmem>>, vector<1x16xf32>,
        %swap3A_1354 = vector.shape_cast %swap3A_1353 : vector<1x16xf32> to vector<16xf32>
        %swap3A_1355 = vector.shape_cast %mul3A_1350 : vector<16xf32> to vector<1x16xf32>
        tpu.vector_store %arg11[%swap3A_1351, %swap3A_1352], %swap3A_1355 {strides = array<i32>} : memref<32x128xf32, #tpu.memory_space<vmem>>, vector<1x16xf32>,
        %get3A_1356 = arith.index_cast %add3A_1317 : i32 to index
        %get3A_1357 = arith.constant 32 : index
        %get3A_1358 = tpu.vector_load %arg11[%get3A_1356, %get3A_1357] {strides = array<i32>} : memref<32x128xf32, #tpu.memory_space<vmem>>, vector<1x16xf32>,
        %get3A_1359 = vector.shape_cast %get3A_1358 : vector<1x16xf32> to vector<16xf32>
        %get3A_1360 = arith.index_cast %add3A_1317 : i32 to index
        %get3A_1361 = arith.constant 32 : index
        %get3A_1362 = tpu.vector_load %arg12[%get3A_1360, %get3A_1361] {strides = array<i32>} : memref<32x128xf32, #tpu.memory_space<vmem>>, vector<1x16xf32>,
        %get3A_1363 = vector.shape_cast %get3A_1362 : vector<1x16xf32> to vector<16xf32>
        %add3A_1364 = arith.addf %get3A_1359, %get3A_1363 : vector<16xf32>
        %max3A_1365 = arith.constant 0.000000e+00 : f32
        %max3A_1366 = vector.broadcast %max3A_1365 : f32 to vector<16xf32>
        %max3A_1367 = arith.maximumf %add3A_1364, %max3A_1366 : vector<16xf32>
        %mul3A_1368 = vector.broadcast %squeeze3A_1313 : f32 to vector<16xf32>
        %mul3A_1369 = arith.mulf %max3A_1367, %mul3A_1368 : vector<16xf32>
        %swap3A_1370 = arith.index_cast %add3A_1317 : i32 to index
        %swap3A_1371 = arith.constant 32 : index
        %swap3A_1372 = tpu.vector_load %arg11[%swap3A_1370, %swap3A_1371] {strides = array<i32>} : memref<32x128xf32, #tpu.memory_space<vmem>>, vector<1x16xf32>,
        %swap3A_1373 = vector.shape_cast %swap3A_1372 : vector<1x16xf32> to vector<16xf32>
        %swap3A_1374 = vector.shape_cast %mul3A_1369 : vector<16xf32> to vector<1x16xf32>
        tpu.vector_store %arg11[%swap3A_1370, %swap3A_1371], %swap3A_1374 {strides = array<i32>} : memref<32x128xf32, #tpu.memory_space<vmem>>, vector<1x16xf32>,
        %get3A_1375 = arith.index_cast %add3A_1317 : i32 to index
        %get3A_1376 = arith.constant 48 : index
        %get3A_1377 = tpu.vector_load %arg11[%get3A_1375, %get3A_1376] {strides = array<i32>} : memref<32x128xf32, #tpu.memory_space<vmem>>, vector<1x16xf32>,
        %get3A_1378 = vector.shape_cast %get3A_1377 : vector<1x16xf32> to vector<16xf32>
        %get3A_1379 = arith.index_cast %add3A_1317 : i32 to index
        %get3A_1380 = arith.constant 48 : index
        %get3A_1381 = tpu.vector_load %arg12[%get3A_1379, %get3A_1380] {strides = array<i32>} : memref<32x128xf32, #tpu.memory_space<vmem>>, vector<1x16xf32>,
        %get3A_1382 = vector.shape_cast %get3A_1381 : vector<1x16xf32> to vector<16xf32>
        %add3A_1383 = arith.addf %get3A_1378, %get3A_1382 : vector<16xf32>
        %max3A_1384 = arith.constant 0.000000e+00 : f32
        %max3A_1385 = vector.broadcast %max3A_1384 : f32 to vector<16xf32>
        %max3A_1386 = arith.maximumf %add3A_1383, %max3A_1385 : vector<16xf32>
        %mul3A_1387 = vector.broadcast %squeeze3A_1313 : f32 to vector<16xf32>
        %mul3A_1388 = arith.mulf %max3A_1386, %mul3A_1387 : vector<16xf32>
        %swap3A_1389 = arith.index_cast %add3A_1317 : i32 to index
        %swap3A_1390 = arith.constant 48 : index
        %swap3A_1391 = tpu.vector_load %arg11[%swap3A_1389, %swap3A_1390] {strides = array<i32>} : memref<32x128xf32, #tpu.memory_space<vmem>>, vector<1x16xf32>,
        %swap3A_1392 = vector.shape_cast %swap3A_1391 : vector<1x16xf32> to vector<16xf32>
        %swap3A_1393 = vector.shape_cast %mul3A_1388 : vector<16xf32> to vector<1x16xf32>
        tpu.vector_store %arg11[%swap3A_1389, %swap3A_1390], %swap3A_1393 {strides = array<i32>} : memref<32x128xf32, #tpu.memory_space<vmem>>, vector<1x16xf32>,
        %get3A_1394 = arith.index_cast %add3A_1317 : i32 to index
        %get3A_1395 = arith.constant 64 : index
        %get3A_1396 = tpu.vector_load %arg11[%get3A_1394, %get3A_1395] {strides = array<i32>} : memref<32x128xf32, #tpu.memory_space<vmem>>, vector<1x16xf32>,
        %get3A_1397 = vector.shape_cast %get3A_1396 : vector<1x16xf32> to vector<16xf32>
        %get3A_1398 = arith.index_cast %add3A_1317 : i32 to index
        %get3A_1399 = arith.constant 64 : index
        %get3A_1400 = tpu.vector_load %arg12[%get3A_1398, %get3A_1399] {strides = array<i32>} : memref<32x128xf32, #tpu.memory_space<vmem>>, vector<1x16xf32>,
        %get3A_1401 = vector.shape_cast %get3A_1400 : vector<1x16xf32> to vector<16xf32>
        %add3A_1402 = arith.addf %get3A_1397, %get3A_1401 : vector<16xf32>
        %max3A_1403 = arith.constant 0.000000e+00 : f32
        %max3A_1404 = vector.broadcast %max3A_1403 : f32 to vector<16xf32>
        %max3A_1405 = arith.maximumf %add3A_1402, %max3A_1404 : vector<16xf32>
        %mul3A_1406 = vector.broadcast %squeeze3A_1313 : f32 to vector<16xf32>
        %mul3A_1407 = arith.mulf %max3A_1405, %mul3A_1406 : vector<16xf32>
        %swap3A_1408 = arith.index_cast %add3A_1317 : i32 to index
        %swap3A_1409 = arith.constant 64 : index
        %swap3A_1410 = tpu.vector_load %arg11[%swap3A_1408, %swap3A_1409] {strides = array<i32>} : memref<32x128xf32, #tpu.memory_space<vmem>>, vector<1x16xf32>,
        %swap3A_1411 = vector.shape_cast %swap3A_1410 : vector<1x16xf32> to vector<16xf32>
        %swap3A_1412 = vector.shape_cast %mul3A_1407 : vector<16xf32> to vector<1x16xf32>
        tpu.vector_store %arg11[%swap3A_1408, %swap3A_1409], %swap3A_1412 {strides = array<i32>} : memref<32x128xf32, #tpu.memory_space<vmem>>, vector<1x16xf32>,
        %get3A_1413 = arith.index_cast %add3A_1317 : i32 to index
        %get3A_1414 = arith.constant 80 : index
        %get3A_1415 = tpu.vector_load %arg11[%get3A_1413, %get3A_1414] {strides = array<i32>} : memref<32x128xf32, #tpu.memory_space<vmem>>, vector<1x16xf32>,
        %get3A_1416 = vector.shape_cast %get3A_1415 : vector<1x16xf32> to vector<16xf32>
        %get3A_1417 = arith.index_cast %add3A_1317 : i32 to index
        %get3A_1418 = arith.constant 80 : index
        %get3A_1419 = tpu.vector_load %arg12[%get3A_1417, %get3A_1418] {strides = array<i32>} : memref<32x128xf32, #tpu.memory_space<vmem>>, vector<1x16xf32>,
        %get3A_1420 = vector.shape_cast %get3A_1419 : vector<1x16xf32> to vector<16xf32>
        %add3A_1421 = arith.addf %get3A_1416, %get3A_1420 : vector<16xf32>
        %max3A_1422 = arith.constant 0.000000e+00 : f32
        %max3A_1423 = vector.broadcast %max3A_1422 : f32 to vector<16xf32>
        %max3A_1424 = arith.maximumf %add3A_1421, %max3A_1423 : vector<16xf32>
        %mul3A_1425 = vector.broadcast %squeeze3A_1313 : f32 to vector<16xf32>
        %mul3A_1426 = arith.mulf %max3A_1424, %mul3A_1425 : vector<16xf32>
        %swap3A_1427 = arith.index_cast %add3A_1317 : i32 to index
        %swap3A_1428 = arith.constant 80 : index
        %swap3A_1429 = tpu.vector_load %arg11[%swap3A_1427, %swap3A_1428] {strides = array<i32>} : memref<32x128xf32, #tpu.memory_space<vmem>>, vector<1x16xf32>,
        %swap3A_1430 = vector.shape_cast %swap3A_1429 : vector<1x16xf32> to vector<16xf32>
        %swap3A_1431 = vector.shape_cast %mul3A_1426 : vector<16xf32> to vector<1x16xf32>
        tpu.vector_store %arg11[%swap3A_1427, %swap3A_1428], %swap3A_1431 {strides = array<i32>} : memref<32x128xf32, #tpu.memory_space<vmem>>, vector<1x16xf32>,
        %get3A_1432 = arith.index_cast %add3A_1317 : i32 to index
        %get3A_1433 = arith.constant 96 : index
        %get3A_1434 = tpu.vector_load %arg11[%get3A_1432, %get3A_1433] {strides = array<i32>} : memref<32x128xf32, #tpu.memory_space<vmem>>, vector<1x16xf32>,
        %get3A_1435 = vector.shape_cast %get3A_1434 : vector<1x16xf32> to vector<16xf32>
        %get3A_1436 = arith.index_cast %add3A_1317 : i32 to index
        %get3A_1437 = arith.constant 96 : index
        %get3A_1438 = tpu.vector_load %arg12[%get3A_1436, %get3A_1437] {strides = array<i32>} : memref<32x128xf32, #tpu.memory_space<vmem>>, vector<1x16xf32>,
        %get3A_1439 = vector.shape_cast %get3A_1438 : vector<1x16xf32> to vector<16xf32>
        %add3A_1440 = arith.addf %get3A_1435, %get3A_1439 : vector<16xf32>
        %max3A_1441 = arith.constant 0.000000e+00 : f32
        %max3A_1442 = vector.broadcast %max3A_1441 : f32 to vector<16xf32>
        %max3A_1443 = arith.maximumf %add3A_1440, %max3A_1442 : vector<16xf32>
        %mul3A_1444 = vector.broadcast %squeeze3A_1313 : f32 to vector<16xf32>
        %mul3A_1445 = arith.mulf %max3A_1443, %mul3A_1444 : vector<16xf32>
        %swap3A_1446 = arith.index_cast %add3A_1317 : i32 to index
        %swap3A_1447 = arith.constant 96 : index
        %swap3A_1448 = tpu.vector_load %arg11[%swap3A_1446, %swap3A_1447] {strides = array<i32>} : memref<32x128xf32, #tpu.memory_space<vmem>>, vector<1x16xf32>,
        %swap3A_1449 = vector.shape_cast %swap3A_1448 : vector<1x16xf32> to vector<16xf32>
        %swap3A_1450 = vector.shape_cast %mul3A_1445 : vector<16xf32> to vector<1x16xf32>
        tpu.vector_store %arg11[%swap3A_1446, %swap3A_1447], %swap3A_1450 {strides = array<i32>} : memref<32x128xf32, #tpu.memory_space<vmem>>, vector<1x16xf32>,
        %get3A_1451 = arith.index_cast %add3A_1317 : i32 to index
        %get3A_1452 = arith.constant 112 : index
        %get3A_1453 = tpu.vector_load %arg11[%get3A_1451, %get3A_1452] {strides = array<i32>} : memref<32x128xf32, #tpu.memory_space<vmem>>, vector<1x16xf32>,
        %get3A_1454 = vector.shape_cast %get3A_1453 : vector<1x16xf32> to vector<16xf32>
        %get3A_1455 = arith.index_cast %add3A_1317 : i32 to index
        %get3A_1456 = arith.constant 112 : index
        %get3A_1457 = tpu.vector_load %arg12[%get3A_1455, %get3A_1456] {strides = array<i32>} : memref<32x128xf32, #tpu.memory_space<vmem>>, vector<1x16xf32>,
        %get3A_1458 = vector.shape_cast %get3A_1457 : vector<1x16xf32> to vector<16xf32>
        %add3A_1459 = arith.addf %get3A_1454, %get3A_1458 : vector<16xf32>
        %max3A_1460 = arith.constant 0.000000e+00 : f32
        %max3A_1461 = vector.broadcast %max3A_1460 : f32 to vector<16xf32>
        %max3A_1462 = arith.maximumf %add3A_1459, %max3A_1461 : vector<16xf32>
        %mul3A_1463 = vector.broadcast %squeeze3A_1313 : f32 to vector<16xf32>
        %mul3A_1464 = arith.mulf %max3A_1462, %mul3A_1463 : vector<16xf32>
        %swap3A_1465 = arith.index_cast %add3A_1317 : i32 to index
        %swap3A_1466 = arith.constant 112 : index
        %swap3A_1467 = tpu.vector_load %arg11[%swap3A_1465, %swap3A_1466] {strides = array<i32>} : memref<32x128xf32, #tpu.memory_space<vmem>>, vector<1x16xf32>,
        %swap3A_1468 = vector.shape_cast %swap3A_1467 : vector<1x16xf32> to vector<16xf32>
        %swap3A_1469 = vector.shape_cast %mul3A_1464 : vector<16xf32> to vector<1x16xf32>
        tpu.vector_store %arg11[%swap3A_1465, %swap3A_1466], %swap3A_1469 {strides = array<i32>} : memref<32x128xf32, #tpu.memory_space<vmem>>, vector<1x16xf32>,
        %slice3A_1470 = vector.extract_strided_slice %get3A_51 {offsets = [9], sizes = [1], strides = [1]} : vector<16xf32> to vector<1xf32>
        %squeeze3A_1471 = vector.extract %slice3A_1470[0] : f32 from vector<1xf32>
        %mul3A_1472 = arith.constant 16 : i32
        %mul3A_1473 = arith.muli %scan3A_47, %mul3A_1472 : i32
        %add3A_1474 = arith.constant 9 : i32
        %add3A_1475 = arith.addi %mul3A_1473, %add3A_1474 : i32
        %get3A_1476 = arith.index_cast %add3A_1475 : i32 to index
        %get3A_1477 = arith.constant 0 : index
        %get3A_1478 = tpu.vector_load %arg11[%get3A_1476, %get3A_1477] {strides = array<i32>} : memref<32x128xf32, #tpu.memory_space<vmem>>, vector<1x16xf32>,
        %get3A_1479 = vector.shape_cast %get3A_1478 : vector<1x16xf32> to vector<16xf32>
        %get3A_1480 = arith.index_cast %add3A_1475 : i32 to index
        %get3A_1481 = arith.constant 0 : index
        %get3A_1482 = tpu.vector_load %arg12[%get3A_1480, %get3A_1481] {strides = array<i32>} : memref<32x128xf32, #tpu.memory_space<vmem>>, vector<1x16xf32>,
        %get3A_1483 = vector.shape_cast %get3A_1482 : vector<1x16xf32> to vector<16xf32>
        %add3A_1484 = arith.addf %get3A_1479, %get3A_1483 : vector<16xf32>
        %max3A_1485 = arith.constant 0.000000e+00 : f32
        %max3A_1486 = vector.broadcast %max3A_1485 : f32 to vector<16xf32>
        %max3A_1487 = arith.maximumf %add3A_1484, %max3A_1486 : vector<16xf32>
        %mul3A_1488 = vector.broadcast %squeeze3A_1471 : f32 to vector<16xf32>
        %mul3A_1489 = arith.mulf %max3A_1487, %mul3A_1488 : vector<16xf32>
        %swap3A_1490 = arith.index_cast %add3A_1475 : i32 to index
        %swap3A_1491 = arith.constant 0 : index
        %swap3A_1492 = tpu.vector_load %arg11[%swap3A_1490, %swap3A_1491] {strides = array<i32>} : memref<32x128xf32, #tpu.memory_space<vmem>>, vector<1x16xf32>,
        %swap3A_1493 = vector.shape_cast %swap3A_1492 : vector<1x16xf32> to vector<16xf32>
        %swap3A_1494 = vector.shape_cast %mul3A_1489 : vector<16xf32> to vector<1x16xf32>
        tpu.vector_store %arg11[%swap3A_1490, %swap3A_1491], %swap3A_1494 {strides = array<i32>} : memref<32x128xf32, #tpu.memory_space<vmem>>, vector<1x16xf32>,
        %get3A_1495 = arith.index_cast %add3A_1475 : i32 to index
        %get3A_1496 = arith.constant 16 : index
        %get3A_1497 = tpu.vector_load %arg11[%get3A_1495, %get3A_1496] {strides = array<i32>} : memref<32x128xf32, #tpu.memory_space<vmem>>, vector<1x16xf32>,
        %get3A_1498 = vector.shape_cast %get3A_1497 : vector<1x16xf32> to vector<16xf32>
        %get3A_1499 = arith.index_cast %add3A_1475 : i32 to index
        %get3A_1500 = arith.constant 16 : index
        %get3A_1501 = tpu.vector_load %arg12[%get3A_1499, %get3A_1500] {strides = array<i32>} : memref<32x128xf32, #tpu.memory_space<vmem>>, vector<1x16xf32>,
        %get3A_1502 = vector.shape_cast %get3A_1501 : vector<1x16xf32> to vector<16xf32>
        %add3A_1503 = arith.addf %get3A_1498, %get3A_1502 : vector<16xf32>
        %max3A_1504 = arith.constant 0.000000e+00 : f32
        %max3A_1505 = vector.broadcast %max3A_1504 : f32 to vector<16xf32>
        %max3A_1506 = arith.maximumf %add3A_1503, %max3A_1505 : vector<16xf32>
        %mul3A_1507 = vector.broadcast %squeeze3A_1471 : f32 to vector<16xf32>
        %mul3A_1508 = arith.mulf %max3A_1506, %mul3A_1507 : vector<16xf32>
        %swap3A_1509 = arith.index_cast %add3A_1475 : i32 to index
        %swap3A_1510 = arith.constant 16 : index
        %swap3A_1511 = tpu.vector_load %arg11[%swap3A_1509, %swap3A_1510] {strides = array<i32>} : memref<32x128xf32, #tpu.memory_space<vmem>>, vector<1x16xf32>,
        %swap3A_1512 = vector.shape_cast %swap3A_1511 : vector<1x16xf32> to vector<16xf32>
        %swap3A_1513 = vector.shape_cast %mul3A_1508 : vector<16xf32> to vector<1x16xf32>
        tpu.vector_store %arg11[%swap3A_1509, %swap3A_1510], %swap3A_1513 {strides = array<i32>} : memref<32x128xf32, #tpu.memory_space<vmem>>, vector<1x16xf32>,
        %get3A_1514 = arith.index_cast %add3A_1475 : i32 to index
        %get3A_1515 = arith.constant 32 : index
        %get3A_1516 = tpu.vector_load %arg11[%get3A_1514, %get3A_1515] {strides = array<i32>} : memref<32x128xf32, #tpu.memory_space<vmem>>, vector<1x16xf32>,
        %get3A_1517 = vector.shape_cast %get3A_1516 : vector<1x16xf32> to vector<16xf32>
        %get3A_1518 = arith.index_cast %add3A_1475 : i32 to index
        %get3A_1519 = arith.constant 32 : index
        %get3A_1520 = tpu.vector_load %arg12[%get3A_1518, %get3A_1519] {strides = array<i32>} : memref<32x128xf32, #tpu.memory_space<vmem>>, vector<1x16xf32>,
        %get3A_1521 = vector.shape_cast %get3A_1520 : vector<1x16xf32> to vector<16xf32>
        %add3A_1522 = arith.addf %get3A_1517, %get3A_1521 : vector<16xf32>
        %max3A_1523 = arith.constant 0.000000e+00 : f32
        %max3A_1524 = vector.broadcast %max3A_1523 : f32 to vector<16xf32>
        %max3A_1525 = arith.maximumf %add3A_1522, %max3A_1524 : vector<16xf32>
        %mul3A_1526 = vector.broadcast %squeeze3A_1471 : f32 to vector<16xf32>
        %mul3A_1527 = arith.mulf %max3A_1525, %mul3A_1526 : vector<16xf32>
        %swap3A_1528 = arith.index_cast %add3A_1475 : i32 to index
        %swap3A_1529 = arith.constant 32 : index
        %swap3A_1530 = tpu.vector_load %arg11[%swap3A_1528, %swap3A_1529] {strides = array<i32>} : memref<32x128xf32, #tpu.memory_space<vmem>>, vector<1x16xf32>,
        %swap3A_1531 = vector.shape_cast %swap3A_1530 : vector<1x16xf32> to vector<16xf32>
        %swap3A_1532 = vector.shape_cast %mul3A_1527 : vector<16xf32> to vector<1x16xf32>
        tpu.vector_store %arg11[%swap3A_1528, %swap3A_1529], %swap3A_1532 {strides = array<i32>} : memref<32x128xf32, #tpu.memory_space<vmem>>, vector<1x16xf32>,
        %get3A_1533 = arith.index_cast %add3A_1475 : i32 to index
        %get3A_1534 = arith.constant 48 : index
        %get3A_1535 = tpu.vector_load %arg11[%get3A_1533, %get3A_1534] {strides = array<i32>} : memref<32x128xf32, #tpu.memory_space<vmem>>, vector<1x16xf32>,
        %get3A_1536 = vector.shape_cast %get3A_1535 : vector<1x16xf32> to vector<16xf32>
        %get3A_1537 = arith.index_cast %add3A_1475 : i32 to index
        %get3A_1538 = arith.constant 48 : index
        %get3A_1539 = tpu.vector_load %arg12[%get3A_1537, %get3A_1538] {strides = array<i32>} : memref<32x128xf32, #tpu.memory_space<vmem>>, vector<1x16xf32>,
        %get3A_1540 = vector.shape_cast %get3A_1539 : vector<1x16xf32> to vector<16xf32>
        %add3A_1541 = arith.addf %get3A_1536, %get3A_1540 : vector<16xf32>
        %max3A_1542 = arith.constant 0.000000e+00 : f32
        %max3A_1543 = vector.broadcast %max3A_1542 : f32 to vector<16xf32>
        %max3A_1544 = arith.maximumf %add3A_1541, %max3A_1543 : vector<16xf32>
        %mul3A_1545 = vector.broadcast %squeeze3A_1471 : f32 to vector<16xf32>
        %mul3A_1546 = arith.mulf %max3A_1544, %mul3A_1545 : vector<16xf32>
        %swap3A_1547 = arith.index_cast %add3A_1475 : i32 to index
        %swap3A_1548 = arith.constant 48 : index
        %swap3A_1549 = tpu.vector_load %arg11[%swap3A_1547, %swap3A_1548] {strides = array<i32>} : memref<32x128xf32, #tpu.memory_space<vmem>>, vector<1x16xf32>,
        %swap3A_1550 = vector.shape_cast %swap3A_1549 : vector<1x16xf32> to vector<16xf32>
        %swap3A_1551 = vector.shape_cast %mul3A_1546 : vector<16xf32> to vector<1x16xf32>
        tpu.vector_store %arg11[%swap3A_1547, %swap3A_1548], %swap3A_1551 {strides = array<i32>} : memref<32x128xf32, #tpu.memory_space<vmem>>, vector<1x16xf32>,
        %get3A_1552 = arith.index_cast %add3A_1475 : i32 to index
        %get3A_1553 = arith.constant 64 : index
        %get3A_1554 = tpu.vector_load %arg11[%get3A_1552, %get3A_1553] {strides = array<i32>} : memref<32x128xf32, #tpu.memory_space<vmem>>, vector<1x16xf32>,
        %get3A_1555 = vector.shape_cast %get3A_1554 : vector<1x16xf32> to vector<16xf32>
        %get3A_1556 = arith.index_cast %add3A_1475 : i32 to index
        %get3A_1557 = arith.constant 64 : index
        %get3A_1558 = tpu.vector_load %arg12[%get3A_1556, %get3A_1557] {strides = array<i32>} : memref<32x128xf32, #tpu.memory_space<vmem>>, vector<1x16xf32>,
        %get3A_1559 = vector.shape_cast %get3A_1558 : vector<1x16xf32> to vector<16xf32>
        %add3A_1560 = arith.addf %get3A_1555, %get3A_1559 : vector<16xf32>
        %max3A_1561 = arith.constant 0.000000e+00 : f32
        %max3A_1562 = vector.broadcast %max3A_1561 : f32 to vector<16xf32>
        %max3A_1563 = arith.maximumf %add3A_1560, %max3A_1562 : vector<16xf32>
        %mul3A_1564 = vector.broadcast %squeeze3A_1471 : f32 to vector<16xf32>
        %mul3A_1565 = arith.mulf %max3A_1563, %mul3A_1564 : vector<16xf32>
        %swap3A_1566 = arith.index_cast %add3A_1475 : i32 to index
        %swap3A_1567 = arith.constant 64 : index
        %swap3A_1568 = tpu.vector_load %arg11[%swap3A_1566, %swap3A_1567] {strides = array<i32>} : memref<32x128xf32, #tpu.memory_space<vmem>>, vector<1x16xf32>,
        %swap3A_1569 = vector.shape_cast %swap3A_1568 : vector<1x16xf32> to vector<16xf32>
        %swap3A_1570 = vector.shape_cast %mul3A_1565 : vector<16xf32> to vector<1x16xf32>
        tpu.vector_store %arg11[%swap3A_1566, %swap3A_1567], %swap3A_1570 {strides = array<i32>} : memref<32x128xf32, #tpu.memory_space<vmem>>, vector<1x16xf32>,
        %get3A_1571 = arith.index_cast %add3A_1475 : i32 to index
        %get3A_1572 = arith.constant 80 : index
        %get3A_1573 = tpu.vector_load %arg11[%get3A_1571, %get3A_1572] {strides = array<i32>} : memref<32x128xf32, #tpu.memory_space<vmem>>, vector<1x16xf32>,
        %get3A_1574 = vector.shape_cast %get3A_1573 : vector<1x16xf32> to vector<16xf32>
        %get3A_1575 = arith.index_cast %add3A_1475 : i32 to index
        %get3A_1576 = arith.constant 80 : index
        %get3A_1577 = tpu.vector_load %arg12[%get3A_1575, %get3A_1576] {strides = array<i32>} : memref<32x128xf32, #tpu.memory_space<vmem>>, vector<1x16xf32>,
        %get3A_1578 = vector.shape_cast %get3A_1577 : vector<1x16xf32> to vector<16xf32>
        %add3A_1579 = arith.addf %get3A_1574, %get3A_1578 : vector<16xf32>
        %max3A_1580 = arith.constant 0.000000e+00 : f32
        %max3A_1581 = vector.broadcast %max3A_1580 : f32 to vector<16xf32>
        %max3A_1582 = arith.maximumf %add3A_1579, %max3A_1581 : vector<16xf32>
        %mul3A_1583 = vector.broadcast %squeeze3A_1471 : f32 to vector<16xf32>
        %mul3A_1584 = arith.mulf %max3A_1582, %mul3A_1583 : vector<16xf32>
        %swap3A_1585 = arith.index_cast %add3A_1475 : i32 to index
        %swap3A_1586 = arith.constant 80 : index
        %swap3A_1587 = tpu.vector_load %arg11[%swap3A_1585, %swap3A_1586] {strides = array<i32>} : memref<32x128xf32, #tpu.memory_space<vmem>>, vector<1x16xf32>,
        %swap3A_1588 = vector.shape_cast %swap3A_1587 : vector<1x16xf32> to vector<16xf32>
        %swap3A_1589 = vector.shape_cast %mul3A_1584 : vector<16xf32> to vector<1x16xf32>
        tpu.vector_store %arg11[%swap3A_1585, %swap3A_1586], %swap3A_1589 {strides = array<i32>} : memref<32x128xf32, #tpu.memory_space<vmem>>, vector<1x16xf32>,
        %get3A_1590 = arith.index_cast %add3A_1475 : i32 to index
        %get3A_1591 = arith.constant 96 : index
        %get3A_1592 = tpu.vector_load %arg11[%get3A_1590, %get3A_1591] {strides = array<i32>} : memref<32x128xf32, #tpu.memory_space<vmem>>, vector<1x16xf32>,
        %get3A_1593 = vector.shape_cast %get3A_1592 : vector<1x16xf32> to vector<16xf32>
        %get3A_1594 = arith.index_cast %add3A_1475 : i32 to index
        %get3A_1595 = arith.constant 96 : index
        %get3A_1596 = tpu.vector_load %arg12[%get3A_1594, %get3A_1595] {strides = array<i32>} : memref<32x128xf32, #tpu.memory_space<vmem>>, vector<1x16xf32>,
        %get3A_1597 = vector.shape_cast %get3A_1596 : vector<1x16xf32> to vector<16xf32>
        %add3A_1598 = arith.addf %get3A_1593, %get3A_1597 : vector<16xf32>
        %max3A_1599 = arith.constant 0.000000e+00 : f32
        %max3A_1600 = vector.broadcast %max3A_1599 : f32 to vector<16xf32>
        %max3A_1601 = arith.maximumf %add3A_1598, %max3A_1600 : vector<16xf32>
        %mul3A_1602 = vector.broadcast %squeeze3A_1471 : f32 to vector<16xf32>
        %mul3A_1603 = arith.mulf %max3A_1601, %mul3A_1602 : vector<16xf32>
        %swap3A_1604 = arith.index_cast %add3A_1475 : i32 to index
        %swap3A_1605 = arith.constant 96 : index
        %swap3A_1606 = tpu.vector_load %arg11[%swap3A_1604, %swap3A_1605] {strides = array<i32>} : memref<32x128xf32, #tpu.memory_space<vmem>>, vector<1x16xf32>,
        %swap3A_1607 = vector.shape_cast %swap3A_1606 : vector<1x16xf32> to vector<16xf32>
        %swap3A_1608 = vector.shape_cast %mul3A_1603 : vector<16xf32> to vector<1x16xf32>
        tpu.vector_store %arg11[%swap3A_1604, %swap3A_1605], %swap3A_1608 {strides = array<i32>} : memref<32x128xf32, #tpu.memory_space<vmem>>, vector<1x16xf32>,
        %get3A_1609 = arith.index_cast %add3A_1475 : i32 to index
        %get3A_1610 = arith.constant 112 : index
        %get3A_1611 = tpu.vector_load %arg11[%get3A_1609, %get3A_1610] {strides = array<i32>} : memref<32x128xf32, #tpu.memory_space<vmem>>, vector<1x16xf32>,
        %get3A_1612 = vector.shape_cast %get3A_1611 : vector<1x16xf32> to vector<16xf32>
        %get3A_1613 = arith.index_cast %add3A_1475 : i32 to index
        %get3A_1614 = arith.constant 112 : index
        %get3A_1615 = tpu.vector_load %arg12[%get3A_1613, %get3A_1614] {strides = array<i32>} : memref<32x128xf32, #tpu.memory_space<vmem>>, vector<1x16xf32>,
        %get3A_1616 = vector.shape_cast %get3A_1615 : vector<1x16xf32> to vector<16xf32>
        %add3A_1617 = arith.addf %get3A_1612, %get3A_1616 : vector<16xf32>
        %max3A_1618 = arith.constant 0.000000e+00 : f32
        %max3A_1619 = vector.broadcast %max3A_1618 : f32 to vector<16xf32>
        %max3A_1620 = arith.maximumf %add3A_1617, %max3A_1619 : vector<16xf32>
        %mul3A_1621 = vector.broadcast %squeeze3A_1471 : f32 to vector<16xf32>
        %mul3A_1622 = arith.mulf %max3A_1620, %mul3A_1621 : vector<16xf32>
        %swap3A_1623 = arith.index_cast %add3A_1475 : i32 to index
        %swap3A_1624 = arith.constant 112 : index
        %swap3A_1625 = tpu.vector_load %arg11[%swap3A_1623, %swap3A_1624] {strides = array<i32>} : memref<32x128xf32, #tpu.memory_space<vmem>>, vector<1x16xf32>,
        %swap3A_1626 = vector.shape_cast %swap3A_1625 : vector<1x16xf32> to vector<16xf32>
        %swap3A_1627 = vector.shape_cast %mul3A_1622 : vector<16xf32> to vector<1x16xf32>
        tpu.vector_store %arg11[%swap3A_1623, %swap3A_1624], %swap3A_1627 {strides = array<i32>} : memref<32x128xf32, #tpu.memory_space<vmem>>, vector<1x16xf32>,
        %slice3A_1628 = vector.extract_strided_slice %get3A_51 {offsets = [10], sizes = [1], strides = [1]} : vector<16xf32> to vector<1xf32>
        %squeeze3A_1629 = vector.extract %slice3A_1628[0] : f32 from vector<1xf32>
        %mul3A_1630 = arith.constant 16 : i32
        %mul3A_1631 = arith.muli %scan3A_47, %mul3A_1630 : i32
        %add3A_1632 = arith.constant 10 : i32
        %add3A_1633 = arith.addi %mul3A_1631, %add3A_1632 : i32
        %get3A_1634 = arith.index_cast %add3A_1633 : i32 to index
        %get3A_1635 = arith.constant 0 : index
        %get3A_1636 = tpu.vector_load %arg11[%get3A_1634, %get3A_1635] {strides = array<i32>} : memref<32x128xf32, #tpu.memory_space<vmem>>, vector<1x16xf32>,
        %get3A_1637 = vector.shape_cast %get3A_1636 : vector<1x16xf32> to vector<16xf32>
        %get3A_1638 = arith.index_cast %add3A_1633 : i32 to index
        %get3A_1639 = arith.constant 0 : index
        %get3A_1640 = tpu.vector_load %arg12[%get3A_1638, %get3A_1639] {strides = array<i32>} : memref<32x128xf32, #tpu.memory_space<vmem>>, vector<1x16xf32>,
        %get3A_1641 = vector.shape_cast %get3A_1640 : vector<1x16xf32> to vector<16xf32>
        %add3A_1642 = arith.addf %get3A_1637, %get3A_1641 : vector<16xf32>
        %max3A_1643 = arith.constant 0.000000e+00 : f32
        %max3A_1644 = vector.broadcast %max3A_1643 : f32 to vector<16xf32>
        %max3A_1645 = arith.maximumf %add3A_1642, %max3A_1644 : vector<16xf32>
        %mul3A_1646 = vector.broadcast %squeeze3A_1629 : f32 to vector<16xf32>
        %mul3A_1647 = arith.mulf %max3A_1645, %mul3A_1646 : vector<16xf32>
        %swap3A_1648 = arith.index_cast %add3A_1633 : i32 to index
        %swap3A_1649 = arith.constant 0 : index
        %swap3A_1650 = tpu.vector_load %arg11[%swap3A_1648, %swap3A_1649] {strides = array<i32>} : memref<32x128xf32, #tpu.memory_space<vmem>>, vector<1x16xf32>,
        %swap3A_1651 = vector.shape_cast %swap3A_1650 : vector<1x16xf32> to vector<16xf32>
        %swap3A_1652 = vector.shape_cast %mul3A_1647 : vector<16xf32> to vector<1x16xf32>
        tpu.vector_store %arg11[%swap3A_1648, %swap3A_1649], %swap3A_1652 {strides = array<i32>} : memref<32x128xf32, #tpu.memory_space<vmem>>, vector<1x16xf32>,
        %get3A_1653 = arith.index_cast %add3A_1633 : i32 to index
        %get3A_1654 = arith.constant 16 : index
        %get3A_1655 = tpu.vector_load %arg11[%get3A_1653, %get3A_1654] {strides = array<i32>} : memref<32x128xf32, #tpu.memory_space<vmem>>, vector<1x16xf32>,
        %get3A_1656 = vector.shape_cast %get3A_1655 : vector<1x16xf32> to vector<16xf32>
        %get3A_1657 = arith.index_cast %add3A_1633 : i32 to index
        %get3A_1658 = arith.constant 16 : index
        %get3A_1659 = tpu.vector_load %arg12[%get3A_1657, %get3A_1658] {strides = array<i32>} : memref<32x128xf32, #tpu.memory_space<vmem>>, vector<1x16xf32>,
        %get3A_1660 = vector.shape_cast %get3A_1659 : vector<1x16xf32> to vector<16xf32>
        %add3A_1661 = arith.addf %get3A_1656, %get3A_1660 : vector<16xf32>
        %max3A_1662 = arith.constant 0.000000e+00 : f32
        %max3A_1663 = vector.broadcast %max3A_1662 : f32 to vector<16xf32>
        %max3A_1664 = arith.maximumf %add3A_1661, %max3A_1663 : vector<16xf32>
        %mul3A_1665 = vector.broadcast %squeeze3A_1629 : f32 to vector<16xf32>
        %mul3A_1666 = arith.mulf %max3A_1664, %mul3A_1665 : vector<16xf32>
        %swap3A_1667 = arith.index_cast %add3A_1633 : i32 to index
        %swap3A_1668 = arith.constant 16 : index
        %swap3A_1669 = tpu.vector_load %arg11[%swap3A_1667, %swap3A_1668] {strides = array<i32>} : memref<32x128xf32, #tpu.memory_space<vmem>>, vector<1x16xf32>,
        %swap3A_1670 = vector.shape_cast %swap3A_1669 : vector<1x16xf32> to vector<16xf32>
        %swap3A_1671 = vector.shape_cast %mul3A_1666 : vector<16xf32> to vector<1x16xf32>
        tpu.vector_store %arg11[%swap3A_1667, %swap3A_1668], %swap3A_1671 {strides = array<i32>} : memref<32x128xf32, #tpu.memory_space<vmem>>, vector<1x16xf32>,
        %get3A_1672 = arith.index_cast %add3A_1633 : i32 to index
        %get3A_1673 = arith.constant 32 : index
        %get3A_1674 = tpu.vector_load %arg11[%get3A_1672, %get3A_1673] {strides = array<i32>} : memref<32x128xf32, #tpu.memory_space<vmem>>, vector<1x16xf32>,
        %get3A_1675 = vector.shape_cast %get3A_1674 : vector<1x16xf32> to vector<16xf32>
        %get3A_1676 = arith.index_cast %add3A_1633 : i32 to index
        %get3A_1677 = arith.constant 32 : index
        %get3A_1678 = tpu.vector_load %arg12[%get3A_1676, %get3A_1677] {strides = array<i32>} : memref<32x128xf32, #tpu.memory_space<vmem>>, vector<1x16xf32>,
        %get3A_1679 = vector.shape_cast %get3A_1678 : vector<1x16xf32> to vector<16xf32>
        %add3A_1680 = arith.addf %get3A_1675, %get3A_1679 : vector<16xf32>
        %max3A_1681 = arith.constant 0.000000e+00 : f32
        %max3A_1682 = vector.broadcast %max3A_1681 : f32 to vector<16xf32>
        %max3A_1683 = arith.maximumf %add3A_1680, %max3A_1682 : vector<16xf32>
        %mul3A_1684 = vector.broadcast %squeeze3A_1629 : f32 to vector<16xf32>
        %mul3A_1685 = arith.mulf %max3A_1683, %mul3A_1684 : vector<16xf32>
        %swap3A_1686 = arith.index_cast %add3A_1633 : i32 to index
        %swap3A_1687 = arith.constant 32 : index
        %swap3A_1688 = tpu.vector_load %arg11[%swap3A_1686, %swap3A_1687] {strides = array<i32>} : memref<32x128xf32, #tpu.memory_space<vmem>>, vector<1x16xf32>,
        %swap3A_1689 = vector.shape_cast %swap3A_1688 : vector<1x16xf32> to vector<16xf32>
        %swap3A_1690 = vector.shape_cast %mul3A_1685 : vector<16xf32> to vector<1x16xf32>
        tpu.vector_store %arg11[%swap3A_1686, %swap3A_1687], %swap3A_1690 {strides = array<i32>} : memref<32x128xf32, #tpu.memory_space<vmem>>, vector<1x16xf32>,
        %get3A_1691 = arith.index_cast %add3A_1633 : i32 to index
        %get3A_1692 = arith.constant 48 : index
        %get3A_1693 = tpu.vector_load %arg11[%get3A_1691, %get3A_1692] {strides = array<i32>} : memref<32x128xf32, #tpu.memory_space<vmem>>, vector<1x16xf32>,
        %get3A_1694 = vector.shape_cast %get3A_1693 : vector<1x16xf32> to vector<16xf32>
        %get3A_1695 = arith.index_cast %add3A_1633 : i32 to index
        %get3A_1696 = arith.constant 48 : index
        %get3A_1697 = tpu.vector_load %arg12[%get3A_1695, %get3A_1696] {strides = array<i32>} : memref<32x128xf32, #tpu.memory_space<vmem>>, vector<1x16xf32>,
        %get3A_1698 = vector.shape_cast %get3A_1697 : vector<1x16xf32> to vector<16xf32>
        %add3A_1699 = arith.addf %get3A_1694, %get3A_1698 : vector<16xf32>
        %max3A_1700 = arith.constant 0.000000e+00 : f32
        %max3A_1701 = vector.broadcast %max3A_1700 : f32 to vector<16xf32>
        %max3A_1702 = arith.maximumf %add3A_1699, %max3A_1701 : vector<16xf32>
        %mul3A_1703 = vector.broadcast %squeeze3A_1629 : f32 to vector<16xf32>
        %mul3A_1704 = arith.mulf %max3A_1702, %mul3A_1703 : vector<16xf32>
        %swap3A_1705 = arith.index_cast %add3A_1633 : i32 to index
        %swap3A_1706 = arith.constant 48 : index
        %swap3A_1707 = tpu.vector_load %arg11[%swap3A_1705, %swap3A_1706] {strides = array<i32>} : memref<32x128xf32, #tpu.memory_space<vmem>>, vector<1x16xf32>,
        %swap3A_1708 = vector.shape_cast %swap3A_1707 : vector<1x16xf32> to vector<16xf32>
        %swap3A_1709 = vector.shape_cast %mul3A_1704 : vector<16xf32> to vector<1x16xf32>
        tpu.vector_store %arg11[%swap3A_1705, %swap3A_1706], %swap3A_1709 {strides = array<i32>} : memref<32x128xf32, #tpu.memory_space<vmem>>, vector<1x16xf32>,
        %get3A_1710 = arith.index_cast %add3A_1633 : i32 to index
        %get3A_1711 = arith.constant 64 : index
        %get3A_1712 = tpu.vector_load %arg11[%get3A_1710, %get3A_1711] {strides = array<i32>} : memref<32x128xf32, #tpu.memory_space<vmem>>, vector<1x16xf32>,
        %get3A_1713 = vector.shape_cast %get3A_1712 : vector<1x16xf32> to vector<16xf32>
        %get3A_1714 = arith.index_cast %add3A_1633 : i32 to index
        %get3A_1715 = arith.constant 64 : index
        %get3A_1716 = tpu.vector_load %arg12[%get3A_1714, %get3A_1715] {strides = array<i32>} : memref<32x128xf32, #tpu.memory_space<vmem>>, vector<1x16xf32>,
        %get3A_1717 = vector.shape_cast %get3A_1716 : vector<1x16xf32> to vector<16xf32>
        %add3A_1718 = arith.addf %get3A_1713, %get3A_1717 : vector<16xf32>
        %max3A_1719 = arith.constant 0.000000e+00 : f32
        %max3A_1720 = vector.broadcast %max3A_1719 : f32 to vector<16xf32>
        %max3A_1721 = arith.maximumf %add3A_1718, %max3A_1720 : vector<16xf32>
        %mul3A_1722 = vector.broadcast %squeeze3A_1629 : f32 to vector<16xf32>
        %mul3A_1723 = arith.mulf %max3A_1721, %mul3A_1722 : vector<16xf32>
        %swap3A_1724 = arith.index_cast %add3A_1633 : i32 to index
        %swap3A_1725 = arith.constant 64 : index
        %swap3A_1726 = tpu.vector_load %arg11[%swap3A_1724, %swap3A_1725] {strides = array<i32>} : memref<32x128xf32, #tpu.memory_space<vmem>>, vector<1x16xf32>,
        %swap3A_1727 = vector.shape_cast %swap3A_1726 : vector<1x16xf32> to vector<16xf32>
        %swap3A_1728 = vector.shape_cast %mul3A_1723 : vector<16xf32> to vector<1x16xf32>
        tpu.vector_store %arg11[%swap3A_1724, %swap3A_1725], %swap3A_1728 {strides = array<i32>} : memref<32x128xf32, #tpu.memory_space<vmem>>, vector<1x16xf32>,
        %get3A_1729 = arith.index_cast %add3A_1633 : i32 to index
        %get3A_1730 = arith.constant 80 : index
        %get3A_1731 = tpu.vector_load %arg11[%get3A_1729, %get3A_1730] {strides = array<i32>} : memref<32x128xf32, #tpu.memory_space<vmem>>, vector<1x16xf32>,
        %get3A_1732 = vector.shape_cast %get3A_1731 : vector<1x16xf32> to vector<16xf32>
        %get3A_1733 = arith.index_cast %add3A_1633 : i32 to index
        %get3A_1734 = arith.constant 80 : index
        %get3A_1735 = tpu.vector_load %arg12[%get3A_1733, %get3A_1734] {strides = array<i32>} : memref<32x128xf32, #tpu.memory_space<vmem>>, vector<1x16xf32>,
        %get3A_1736 = vector.shape_cast %get3A_1735 : vector<1x16xf32> to vector<16xf32>
        %add3A_1737 = arith.addf %get3A_1732, %get3A_1736 : vector<16xf32>
        %max3A_1738 = arith.constant 0.000000e+00 : f32
        %max3A_1739 = vector.broadcast %max3A_1738 : f32 to vector<16xf32>
        %max3A_1740 = arith.maximumf %add3A_1737, %max3A_1739 : vector<16xf32>
        %mul3A_1741 = vector.broadcast %squeeze3A_1629 : f32 to vector<16xf32>
        %mul3A_1742 = arith.mulf %max3A_1740, %mul3A_1741 : vector<16xf32>
        %swap3A_1743 = arith.index_cast %add3A_1633 : i32 to index
        %swap3A_1744 = arith.constant 80 : index
        %swap3A_1745 = tpu.vector_load %arg11[%swap3A_1743, %swap3A_1744] {strides = array<i32>} : memref<32x128xf32, #tpu.memory_space<vmem>>, vector<1x16xf32>,
        %swap3A_1746 = vector.shape_cast %swap3A_1745 : vector<1x16xf32> to vector<16xf32>
        %swap3A_1747 = vector.shape_cast %mul3A_1742 : vector<16xf32> to vector<1x16xf32>
        tpu.vector_store %arg11[%swap3A_1743, %swap3A_1744], %swap3A_1747 {strides = array<i32>} : memref<32x128xf32, #tpu.memory_space<vmem>>, vector<1x16xf32>,
        %get3A_1748 = arith.index_cast %add3A_1633 : i32 to index
        %get3A_1749 = arith.constant 96 : index
        %get3A_1750 = tpu.vector_load %arg11[%get3A_1748, %get3A_1749] {strides = array<i32>} : memref<32x128xf32, #tpu.memory_space<vmem>>, vector<1x16xf32>,
        %get3A_1751 = vector.shape_cast %get3A_1750 : vector<1x16xf32> to vector<16xf32>
        %get3A_1752 = arith.index_cast %add3A_1633 : i32 to index
        %get3A_1753 = arith.constant 96 : index
        %get3A_1754 = tpu.vector_load %arg12[%get3A_1752, %get3A_1753] {strides = array<i32>} : memref<32x128xf32, #tpu.memory_space<vmem>>, vector<1x16xf32>,
        %get3A_1755 = vector.shape_cast %get3A_1754 : vector<1x16xf32> to vector<16xf32>
        %add3A_1756 = arith.addf %get3A_1751, %get3A_1755 : vector<16xf32>
        %max3A_1757 = arith.constant 0.000000e+00 : f32
        %max3A_1758 = vector.broadcast %max3A_1757 : f32 to vector<16xf32>
        %max3A_1759 = arith.maximumf %add3A_1756, %max3A_1758 : vector<16xf32>
        %mul3A_1760 = vector.broadcast %squeeze3A_1629 : f32 to vector<16xf32>
        %mul3A_1761 = arith.mulf %max3A_1759, %mul3A_1760 : vector<16xf32>
        %swap3A_1762 = arith.index_cast %add3A_1633 : i32 to index
        %swap3A_1763 = arith.constant 96 : index
        %swap3A_1764 = tpu.vector_load %arg11[%swap3A_1762, %swap3A_1763] {strides = array<i32>} : memref<32x128xf32, #tpu.memory_space<vmem>>, vector<1x16xf32>,
        %swap3A_1765 = vector.shape_cast %swap3A_1764 : vector<1x16xf32> to vector<16xf32>
        %swap3A_1766 = vector.shape_cast %mul3A_1761 : vector<16xf32> to vector<1x16xf32>
        tpu.vector_store %arg11[%swap3A_1762, %swap3A_1763], %swap3A_1766 {strides = array<i32>} : memref<32x128xf32, #tpu.memory_space<vmem>>, vector<1x16xf32>,
        %get3A_1767 = arith.index_cast %add3A_1633 : i32 to index
        %get3A_1768 = arith.constant 112 : index
        %get3A_1769 = tpu.vector_load %arg11[%get3A_1767, %get3A_1768] {strides = array<i32>} : memref<32x128xf32, #tpu.memory_space<vmem>>, vector<1x16xf32>,
        %get3A_1770 = vector.shape_cast %get3A_1769 : vector<1x16xf32> to vector<16xf32>
        %get3A_1771 = arith.index_cast %add3A_1633 : i32 to index
        %get3A_1772 = arith.constant 112 : index
        %get3A_1773 = tpu.vector_load %arg12[%get3A_1771, %get3A_1772] {strides = array<i32>} : memref<32x128xf32, #tpu.memory_space<vmem>>, vector<1x16xf32>,
        %get3A_1774 = vector.shape_cast %get3A_1773 : vector<1x16xf32> to vector<16xf32>
        %add3A_1775 = arith.addf %get3A_1770, %get3A_1774 : vector<16xf32>
        %max3A_1776 = arith.constant 0.000000e+00 : f32
        %max3A_1777 = vector.broadcast %max3A_1776 : f32 to vector<16xf32>
        %max3A_1778 = arith.maximumf %add3A_1775, %max3A_1777 : vector<16xf32>
        %mul3A_1779 = vector.broadcast %squeeze3A_1629 : f32 to vector<16xf32>
        %mul3A_1780 = arith.mulf %max3A_1778, %mul3A_1779 : vector<16xf32>
        %swap3A_1781 = arith.index_cast %add3A_1633 : i32 to index
        %swap3A_1782 = arith.constant 112 : index
        %swap3A_1783 = tpu.vector_load %arg11[%swap3A_1781, %swap3A_1782] {strides = array<i32>} : memref<32x128xf32, #tpu.memory_space<vmem>>, vector<1x16xf32>,
        %swap3A_1784 = vector.shape_cast %swap3A_1783 : vector<1x16xf32> to vector<16xf32>
        %swap3A_1785 = vector.shape_cast %mul3A_1780 : vector<16xf32> to vector<1x16xf32>
        tpu.vector_store %arg11[%swap3A_1781, %swap3A_1782], %swap3A_1785 {strides = array<i32>} : memref<32x128xf32, #tpu.memory_space<vmem>>, vector<1x16xf32>,
        %slice3A_1786 = vector.extract_strided_slice %get3A_51 {offsets = [11], sizes = [1], strides = [1]} : vector<16xf32> to vector<1xf32>
        %squeeze3A_1787 = vector.extract %slice3A_1786[0] : f32 from vector<1xf32>
        %mul3A_1788 = arith.constant 16 : i32
        %mul3A_1789 = arith.muli %scan3A_47, %mul3A_1788 : i32
        %add3A_1790 = arith.constant 11 : i32
        %add3A_1791 = arith.addi %mul3A_1789, %add3A_1790 : i32
        %get3A_1792 = arith.index_cast %add3A_1791 : i32 to index
        %get3A_1793 = arith.constant 0 : index
        %get3A_1794 = tpu.vector_load %arg11[%get3A_1792, %get3A_1793] {strides = array<i32>} : memref<32x128xf32, #tpu.memory_space<vmem>>, vector<1x16xf32>,
        %get3A_1795 = vector.shape_cast %get3A_1794 : vector<1x16xf32> to vector<16xf32>
        %get3A_1796 = arith.index_cast %add3A_1791 : i32 to index
        %get3A_1797 = arith.constant 0 : index
        %get3A_1798 = tpu.vector_load %arg12[%get3A_1796, %get3A_1797] {strides = array<i32>} : memref<32x128xf32, #tpu.memory_space<vmem>>, vector<1x16xf32>,
        %get3A_1799 = vector.shape_cast %get3A_1798 : vector<1x16xf32> to vector<16xf32>
        %add3A_1800 = arith.addf %get3A_1795, %get3A_1799 : vector<16xf32>
        %max3A_1801 = arith.constant 0.000000e+00 : f32
        %max3A_1802 = vector.broadcast %max3A_1801 : f32 to vector<16xf32>
        %max3A_1803 = arith.maximumf %add3A_1800, %max3A_1802 : vector<16xf32>
        %mul3A_1804 = vector.broadcast %squeeze3A_1787 : f32 to vector<16xf32>
        %mul3A_1805 = arith.mulf %max3A_1803, %mul3A_1804 : vector<16xf32>
        %swap3A_1806 = arith.index_cast %add3A_1791 : i32 to index
        %swap3A_1807 = arith.constant 0 : index
        %swap3A_1808 = tpu.vector_load %arg11[%swap3A_1806, %swap3A_1807] {strides = array<i32>} : memref<32x128xf32, #tpu.memory_space<vmem>>, vector<1x16xf32>,
        %swap3A_1809 = vector.shape_cast %swap3A_1808 : vector<1x16xf32> to vector<16xf32>
        %swap3A_1810 = vector.shape_cast %mul3A_1805 : vector<16xf32> to vector<1x16xf32>
        tpu.vector_store %arg11[%swap3A_1806, %swap3A_1807], %swap3A_1810 {strides = array<i32>} : memref<32x128xf32, #tpu.memory_space<vmem>>, vector<1x16xf32>,
        %get3A_1811 = arith.index_cast %add3A_1791 : i32 to index
        %get3A_1812 = arith.constant 16 : index
        %get3A_1813 = tpu.vector_load %arg11[%get3A_1811, %get3A_1812] {strides = array<i32>} : memref<32x128xf32, #tpu.memory_space<vmem>>, vector<1x16xf32>,
        %get3A_1814 = vector.shape_cast %get3A_1813 : vector<1x16xf32> to vector<16xf32>
        %get3A_1815 = arith.index_cast %add3A_1791 : i32 to index
        %get3A_1816 = arith.constant 16 : index
        %get3A_1817 = tpu.vector_load %arg12[%get3A_1815, %get3A_1816] {strides = array<i32>} : memref<32x128xf32, #tpu.memory_space<vmem>>, vector<1x16xf32>,
        %get3A_1818 = vector.shape_cast %get3A_1817 : vector<1x16xf32> to vector<16xf32>
        %add3A_1819 = arith.addf %get3A_1814, %get3A_1818 : vector<16xf32>
        %max3A_1820 = arith.constant 0.000000e+00 : f32
        %max3A_1821 = vector.broadcast %max3A_1820 : f32 to vector<16xf32>
        %max3A_1822 = arith.maximumf %add3A_1819, %max3A_1821 : vector<16xf32>
        %mul3A_1823 = vector.broadcast %squeeze3A_1787 : f32 to vector<16xf32>
        %mul3A_1824 = arith.mulf %max3A_1822, %mul3A_1823 : vector<16xf32>
        %swap3A_1825 = arith.index_cast %add3A_1791 : i32 to index
        %swap3A_1826 = arith.constant 16 : index
        %swap3A_1827 = tpu.vector_load %arg11[%swap3A_1825, %swap3A_1826] {strides = array<i32>} : memref<32x128xf32, #tpu.memory_space<vmem>>, vector<1x16xf32>,
        %swap3A_1828 = vector.shape_cast %swap3A_1827 : vector<1x16xf32> to vector<16xf32>
        %swap3A_1829 = vector.shape_cast %mul3A_1824 : vector<16xf32> to vector<1x16xf32>
        tpu.vector_store %arg11[%swap3A_1825, %swap3A_1826], %swap3A_1829 {strides = array<i32>} : memref<32x128xf32, #tpu.memory_space<vmem>>, vector<1x16xf32>,
        %get3A_1830 = arith.index_cast %add3A_1791 : i32 to index
        %get3A_1831 = arith.constant 32 : index
        %get3A_1832 = tpu.vector_load %arg11[%get3A_1830, %get3A_1831] {strides = array<i32>} : memref<32x128xf32, #tpu.memory_space<vmem>>, vector<1x16xf32>,
        %get3A_1833 = vector.shape_cast %get3A_1832 : vector<1x16xf32> to vector<16xf32>
        %get3A_1834 = arith.index_cast %add3A_1791 : i32 to index
        %get3A_1835 = arith.constant 32 : index
        %get3A_1836 = tpu.vector_load %arg12[%get3A_1834, %get3A_1835] {strides = array<i32>} : memref<32x128xf32, #tpu.memory_space<vmem>>, vector<1x16xf32>,
        %get3A_1837 = vector.shape_cast %get3A_1836 : vector<1x16xf32> to vector<16xf32>
        %add3A_1838 = arith.addf %get3A_1833, %get3A_1837 : vector<16xf32>
        %max3A_1839 = arith.constant 0.000000e+00 : f32
        %max3A_1840 = vector.broadcast %max3A_1839 : f32 to vector<16xf32>
        %max3A_1841 = arith.maximumf %add3A_1838, %max3A_1840 : vector<16xf32>
        %mul3A_1842 = vector.broadcast %squeeze3A_1787 : f32 to vector<16xf32>
        %mul3A_1843 = arith.mulf %max3A_1841, %mul3A_1842 : vector<16xf32>
        %swap3A_1844 = arith.index_cast %add3A_1791 : i32 to index
        %swap3A_1845 = arith.constant 32 : index
        %swap3A_1846 = tpu.vector_load %arg11[%swap3A_1844, %swap3A_1845] {strides = array<i32>} : memref<32x128xf32, #tpu.memory_space<vmem>>, vector<1x16xf32>,
        %swap3A_1847 = vector.shape_cast %swap3A_1846 : vector<1x16xf32> to vector<16xf32>
        %swap3A_1848 = vector.shape_cast %mul3A_1843 : vector<16xf32> to vector<1x16xf32>
        tpu.vector_store %arg11[%swap3A_1844, %swap3A_1845], %swap3A_1848 {strides = array<i32>} : memref<32x128xf32, #tpu.memory_space<vmem>>, vector<1x16xf32>,
        %get3A_1849 = arith.index_cast %add3A_1791 : i32 to index
        %get3A_1850 = arith.constant 48 : index
        %get3A_1851 = tpu.vector_load %arg11[%get3A_1849, %get3A_1850] {strides = array<i32>} : memref<32x128xf32, #tpu.memory_space<vmem>>, vector<1x16xf32>,
        %get3A_1852 = vector.shape_cast %get3A_1851 : vector<1x16xf32> to vector<16xf32>
        %get3A_1853 = arith.index_cast %add3A_1791 : i32 to index
        %get3A_1854 = arith.constant 48 : index
        %get3A_1855 = tpu.vector_load %arg12[%get3A_1853, %get3A_1854] {strides = array<i32>} : memref<32x128xf32, #tpu.memory_space<vmem>>, vector<1x16xf32>,
        %get3A_1856 = vector.shape_cast %get3A_1855 : vector<1x16xf32> to vector<16xf32>
        %add3A_1857 = arith.addf %get3A_1852, %get3A_1856 : vector<16xf32>
        %max3A_1858 = arith.constant 0.000000e+00 : f32
        %max3A_1859 = vector.broadcast %max3A_1858 : f32 to vector<16xf32>
        %max3A_1860 = arith.maximumf %add3A_1857, %max3A_1859 : vector<16xf32>
        %mul3A_1861 = vector.broadcast %squeeze3A_1787 : f32 to vector<16xf32>
        %mul3A_1862 = arith.mulf %max3A_1860, %mul3A_1861 : vector<16xf32>
        %swap3A_1863 = arith.index_cast %add3A_1791 : i32 to index
        %swap3A_1864 = arith.constant 48 : index
        %swap3A_1865 = tpu.vector_load %arg11[%swap3A_1863, %swap3A_1864] {strides = array<i32>} : memref<32x128xf32, #tpu.memory_space<vmem>>, vector<1x16xf32>,
        %swap3A_1866 = vector.shape_cast %swap3A_1865 : vector<1x16xf32> to vector<16xf32>
        %swap3A_1867 = vector.shape_cast %mul3A_1862 : vector<16xf32> to vector<1x16xf32>
        tpu.vector_store %arg11[%swap3A_1863, %swap3A_1864], %swap3A_1867 {strides = array<i32>} : memref<32x128xf32, #tpu.memory_space<vmem>>, vector<1x16xf32>,
        %get3A_1868 = arith.index_cast %add3A_1791 : i32 to index
        %get3A_1869 = arith.constant 64 : index
        %get3A_1870 = tpu.vector_load %arg11[%get3A_1868, %get3A_1869] {strides = array<i32>} : memref<32x128xf32, #tpu.memory_space<vmem>>, vector<1x16xf32>,
        %get3A_1871 = vector.shape_cast %get3A_1870 : vector<1x16xf32> to vector<16xf32>
        %get3A_1872 = arith.index_cast %add3A_1791 : i32 to index
        %get3A_1873 = arith.constant 64 : index
        %get3A_1874 = tpu.vector_load %arg12[%get3A_1872, %get3A_1873] {strides = array<i32>} : memref<32x128xf32, #tpu.memory_space<vmem>>, vector<1x16xf32>,
        %get3A_1875 = vector.shape_cast %get3A_1874 : vector<1x16xf32> to vector<16xf32>
        %add3A_1876 = arith.addf %get3A_1871, %get3A_1875 : vector<16xf32>
        %max3A_1877 = arith.constant 0.000000e+00 : f32
        %max3A_1878 = vector.broadcast %max3A_1877 : f32 to vector<16xf32>
        %max3A_1879 = arith.maximumf %add3A_1876, %max3A_1878 : vector<16xf32>
        %mul3A_1880 = vector.broadcast %squeeze3A_1787 : f32 to vector<16xf32>
        %mul3A_1881 = arith.mulf %max3A_1879, %mul3A_1880 : vector<16xf32>
        %swap3A_1882 = arith.index_cast %add3A_1791 : i32 to index
        %swap3A_1883 = arith.constant 64 : index
        %swap3A_1884 = tpu.vector_load %arg11[%swap3A_1882, %swap3A_1883] {strides = array<i32>} : memref<32x128xf32, #tpu.memory_space<vmem>>, vector<1x16xf32>,
        %swap3A_1885 = vector.shape_cast %swap3A_1884 : vector<1x16xf32> to vector<16xf32>
        %swap3A_1886 = vector.shape_cast %mul3A_1881 : vector<16xf32> to vector<1x16xf32>
        tpu.vector_store %arg11[%swap3A_1882, %swap3A_1883], %swap3A_1886 {strides = array<i32>} : memref<32x128xf32, #tpu.memory_space<vmem>>, vector<1x16xf32>,
        %get3A_1887 = arith.index_cast %add3A_1791 : i32 to index
        %get3A_1888 = arith.constant 80 : index
        %get3A_1889 = tpu.vector_load %arg11[%get3A_1887, %get3A_1888] {strides = array<i32>} : memref<32x128xf32, #tpu.memory_space<vmem>>, vector<1x16xf32>,
        %get3A_1890 = vector.shape_cast %get3A_1889 : vector<1x16xf32> to vector<16xf32>
        %get3A_1891 = arith.index_cast %add3A_1791 : i32 to index
        %get3A_1892 = arith.constant 80 : index
        %get3A_1893 = tpu.vector_load %arg12[%get3A_1891, %get3A_1892] {strides = array<i32>} : memref<32x128xf32, #tpu.memory_space<vmem>>, vector<1x16xf32>,
        %get3A_1894 = vector.shape_cast %get3A_1893 : vector<1x16xf32> to vector<16xf32>
        %add3A_1895 = arith.addf %get3A_1890, %get3A_1894 : vector<16xf32>
        %max3A_1896 = arith.constant 0.000000e+00 : f32
        %max3A_1897 = vector.broadcast %max3A_1896 : f32 to vector<16xf32>
        %max3A_1898 = arith.maximumf %add3A_1895, %max3A_1897 : vector<16xf32>
        %mul3A_1899 = vector.broadcast %squeeze3A_1787 : f32 to vector<16xf32>
        %mul3A_1900 = arith.mulf %max3A_1898, %mul3A_1899 : vector<16xf32>
        %swap3A_1901 = arith.index_cast %add3A_1791 : i32 to index
        %swap3A_1902 = arith.constant 80 : index
        %swap3A_1903 = tpu.vector_load %arg11[%swap3A_1901, %swap3A_1902] {strides = array<i32>} : memref<32x128xf32, #tpu.memory_space<vmem>>, vector<1x16xf32>,
        %swap3A_1904 = vector.shape_cast %swap3A_1903 : vector<1x16xf32> to vector<16xf32>
        %swap3A_1905 = vector.shape_cast %mul3A_1900 : vector<16xf32> to vector<1x16xf32>
        tpu.vector_store %arg11[%swap3A_1901, %swap3A_1902], %swap3A_1905 {strides = array<i32>} : memref<32x128xf32, #tpu.memory_space<vmem>>, vector<1x16xf32>,
        %get3A_1906 = arith.index_cast %add3A_1791 : i32 to index
        %get3A_1907 = arith.constant 96 : index
        %get3A_1908 = tpu.vector_load %arg11[%get3A_1906, %get3A_1907] {strides = array<i32>} : memref<32x128xf32, #tpu.memory_space<vmem>>, vector<1x16xf32>,
        %get3A_1909 = vector.shape_cast %get3A_1908 : vector<1x16xf32> to vector<16xf32>
        %get3A_1910 = arith.index_cast %add3A_1791 : i32 to index
        %get3A_1911 = arith.constant 96 : index
        %get3A_1912 = tpu.vector_load %arg12[%get3A_1910, %get3A_1911] {strides = array<i32>} : memref<32x128xf32, #tpu.memory_space<vmem>>, vector<1x16xf32>,
        %get3A_1913 = vector.shape_cast %get3A_1912 : vector<1x16xf32> to vector<16xf32>
        %add3A_1914 = arith.addf %get3A_1909, %get3A_1913 : vector<16xf32>
        %max3A_1915 = arith.constant 0.000000e+00 : f32
        %max3A_1916 = vector.broadcast %max3A_1915 : f32 to vector<16xf32>
        %max3A_1917 = arith.maximumf %add3A_1914, %max3A_1916 : vector<16xf32>
        %mul3A_1918 = vector.broadcast %squeeze3A_1787 : f32 to vector<16xf32>
        %mul3A_1919 = arith.mulf %max3A_1917, %mul3A_1918 : vector<16xf32>
        %swap3A_1920 = arith.index_cast %add3A_1791 : i32 to index
        %swap3A_1921 = arith.constant 96 : index
        %swap3A_1922 = tpu.vector_load %arg11[%swap3A_1920, %swap3A_1921] {strides = array<i32>} : memref<32x128xf32, #tpu.memory_space<vmem>>, vector<1x16xf32>,
        %swap3A_1923 = vector.shape_cast %swap3A_1922 : vector<1x16xf32> to vector<16xf32>
        %swap3A_1924 = vector.shape_cast %mul3A_1919 : vector<16xf32> to vector<1x16xf32>
        tpu.vector_store %arg11[%swap3A_1920, %swap3A_1921], %swap3A_1924 {strides = array<i32>} : memref<32x128xf32, #tpu.memory_space<vmem>>, vector<1x16xf32>,
        %get3A_1925 = arith.index_cast %add3A_1791 : i32 to index
        %get3A_1926 = arith.constant 112 : index
        %get3A_1927 = tpu.vector_load %arg11[%get3A_1925, %get3A_1926] {strides = array<i32>} : memref<32x128xf32, #tpu.memory_space<vmem>>, vector<1x16xf32>,
        %get3A_1928 = vector.shape_cast %get3A_1927 : vector<1x16xf32> to vector<16xf32>
        %get3A_1929 = arith.index_cast %add3A_1791 : i32 to index
        %get3A_1930 = arith.constant 112 : index
        %get3A_1931 = tpu.vector_load %arg12[%get3A_1929, %get3A_1930] {strides = array<i32>} : memref<32x128xf32, #tpu.memory_space<vmem>>, vector<1x16xf32>,
        %get3A_1932 = vector.shape_cast %get3A_1931 : vector<1x16xf32> to vector<16xf32>
        %add3A_1933 = arith.addf %get3A_1928, %get3A_1932 : vector<16xf32>
        %max3A_1934 = arith.constant 0.000000e+00 : f32
        %max3A_1935 = vector.broadcast %max3A_1934 : f32 to vector<16xf32>
        %max3A_1936 = arith.maximumf %add3A_1933, %max3A_1935 : vector<16xf32>
        %mul3A_1937 = vector.broadcast %squeeze3A_1787 : f32 to vector<16xf32>
        %mul3A_1938 = arith.mulf %max3A_1936, %mul3A_1937 : vector<16xf32>
        %swap3A_1939 = arith.index_cast %add3A_1791 : i32 to index
        %swap3A_1940 = arith.constant 112 : index
        %swap3A_1941 = tpu.vector_load %arg11[%swap3A_1939, %swap3A_1940] {strides = array<i32>} : memref<32x128xf32, #tpu.memory_space<vmem>>, vector<1x16xf32>,
        %swap3A_1942 = vector.shape_cast %swap3A_1941 : vector<1x16xf32> to vector<16xf32>
        %swap3A_1943 = vector.shape_cast %mul3A_1938 : vector<16xf32> to vector<1x16xf32>
        tpu.vector_store %arg11[%swap3A_1939, %swap3A_1940], %swap3A_1943 {strides = array<i32>} : memref<32x128xf32, #tpu.memory_space<vmem>>, vector<1x16xf32>,
        %slice3A_1944 = vector.extract_strided_slice %get3A_51 {offsets = [12], sizes = [1], strides = [1]} : vector<16xf32> to vector<1xf32>
        %squeeze3A_1945 = vector.extract %slice3A_1944[0] : f32 from vector<1xf32>
        %mul3A_1946 = arith.constant 16 : i32
        %mul3A_1947 = arith.muli %scan3A_47, %mul3A_1946 : i32
        %add3A_1948 = arith.constant 12 : i32
        %add3A_1949 = arith.addi %mul3A_1947, %add3A_1948 : i32
        %get3A_1950 = arith.index_cast %add3A_1949 : i32 to index
        %get3A_1951 = arith.constant 0 : index
        %get3A_1952 = tpu.vector_load %arg11[%get3A_1950, %get3A_1951] {strides = array<i32>} : memref<32x128xf32, #tpu.memory_space<vmem>>, vector<1x16xf32>,
        %get3A_1953 = vector.shape_cast %get3A_1952 : vector<1x16xf32> to vector<16xf32>
        %get3A_1954 = arith.index_cast %add3A_1949 : i32 to index
        %get3A_1955 = arith.constant 0 : index
        %get3A_1956 = tpu.vector_load %arg12[%get3A_1954, %get3A_1955] {strides = array<i32>} : memref<32x128xf32, #tpu.memory_space<vmem>>, vector<1x16xf32>,
        %get3A_1957 = vector.shape_cast %get3A_1956 : vector<1x16xf32> to vector<16xf32>
        %add3A_1958 = arith.addf %get3A_1953, %get3A_1957 : vector<16xf32>
        %max3A_1959 = arith.constant 0.000000e+00 : f32
        %max3A_1960 = vector.broadcast %max3A_1959 : f32 to vector<16xf32>
        %max3A_1961 = arith.maximumf %add3A_1958, %max3A_1960 : vector<16xf32>
        %mul3A_1962 = vector.broadcast %squeeze3A_1945 : f32 to vector<16xf32>
        %mul3A_1963 = arith.mulf %max3A_1961, %mul3A_1962 : vector<16xf32>
        %swap3A_1964 = arith.index_cast %add3A_1949 : i32 to index
        %swap3A_1965 = arith.constant 0 : index
        %swap3A_1966 = tpu.vector_load %arg11[%swap3A_1964, %swap3A_1965] {strides = array<i32>} : memref<32x128xf32, #tpu.memory_space<vmem>>, vector<1x16xf32>,
        %swap3A_1967 = vector.shape_cast %swap3A_1966 : vector<1x16xf32> to vector<16xf32>
        %swap3A_1968 = vector.shape_cast %mul3A_1963 : vector<16xf32> to vector<1x16xf32>
        tpu.vector_store %arg11[%swap3A_1964, %swap3A_1965], %swap3A_1968 {strides = array<i32>} : memref<32x128xf32, #tpu.memory_space<vmem>>, vector<1x16xf32>,
        %get3A_1969 = arith.index_cast %add3A_1949 : i32 to index
        %get3A_1970 = arith.constant 16 : index
        %get3A_1971 = tpu.vector_load %arg11[%get3A_1969, %get3A_1970] {strides = array<i32>} : memref<32x128xf32, #tpu.memory_space<vmem>>, vector<1x16xf32>,
        %get3A_1972 = vector.shape_cast %get3A_1971 : vector<1x16xf32> to vector<16xf32>
        %get3A_1973 = arith.index_cast %add3A_1949 : i32 to index
        %get3A_1974 = arith.constant 16 : index
        %get3A_1975 = tpu.vector_load %arg12[%get3A_1973, %get3A_1974] {strides = array<i32>} : memref<32x128xf32, #tpu.memory_space<vmem>>, vector<1x16xf32>,
        %get3A_1976 = vector.shape_cast %get3A_1975 : vector<1x16xf32> to vector<16xf32>
        %add3A_1977 = arith.addf %get3A_1972, %get3A_1976 : vector<16xf32>
        %max3A_1978 = arith.constant 0.000000e+00 : f32
        %max3A_1979 = vector.broadcast %max3A_1978 : f32 to vector<16xf32>
        %max3A_1980 = arith.maximumf %add3A_1977, %max3A_1979 : vector<16xf32>
        %mul3A_1981 = vector.broadcast %squeeze3A_1945 : f32 to vector<16xf32>
        %mul3A_1982 = arith.mulf %max3A_1980, %mul3A_1981 : vector<16xf32>
        %swap3A_1983 = arith.index_cast %add3A_1949 : i32 to index
        %swap3A_1984 = arith.constant 16 : index
        %swap3A_1985 = tpu.vector_load %arg11[%swap3A_1983, %swap3A_1984] {strides = array<i32>} : memref<32x128xf32, #tpu.memory_space<vmem>>, vector<1x16xf32>,
        %swap3A_1986 = vector.shape_cast %swap3A_1985 : vector<1x16xf32> to vector<16xf32>
        %swap3A_1987 = vector.shape_cast %mul3A_1982 : vector<16xf32> to vector<1x16xf32>
        tpu.vector_store %arg11[%swap3A_1983, %swap3A_1984], %swap3A_1987 {strides = array<i32>} : memref<32x128xf32, #tpu.memory_space<vmem>>, vector<1x16xf32>,
        %get3A_1988 = arith.index_cast %add3A_1949 : i32 to index
        %get3A_1989 = arith.constant 32 : index
        %get3A_1990 = tpu.vector_load %arg11[%get3A_1988, %get3A_1989] {strides = array<i32>} : memref<32x128xf32, #tpu.memory_space<vmem>>, vector<1x16xf32>,
        %get3A_1991 = vector.shape_cast %get3A_1990 : vector<1x16xf32> to vector<16xf32>
        %get3A_1992 = arith.index_cast %add3A_1949 : i32 to index
        %get3A_1993 = arith.constant 32 : index
        %get3A_1994 = tpu.vector_load %arg12[%get3A_1992, %get3A_1993] {strides = array<i32>} : memref<32x128xf32, #tpu.memory_space<vmem>>, vector<1x16xf32>,
        %get3A_1995 = vector.shape_cast %get3A_1994 : vector<1x16xf32> to vector<16xf32>
        %add3A_1996 = arith.addf %get3A_1991, %get3A_1995 : vector<16xf32>
        %max3A_1997 = arith.constant 0.000000e+00 : f32
        %max3A_1998 = vector.broadcast %max3A_1997 : f32 to vector<16xf32>
        %max3A_1999 = arith.maximumf %add3A_1996, %max3A_1998 : vector<16xf32>
        %mul3A_2000 = vector.broadcast %squeeze3A_1945 : f32 to vector<16xf32>
        %mul3A_2001 = arith.mulf %max3A_1999, %mul3A_2000 : vector<16xf32>
        %swap3A_2002 = arith.index_cast %add3A_1949 : i32 to index
        %swap3A_2003 = arith.constant 32 : index
        %swap3A_2004 = tpu.vector_load %arg11[%swap3A_2002, %swap3A_2003] {strides = array<i32>} : memref<32x128xf32, #tpu.memory_space<vmem>>, vector<1x16xf32>,
        %swap3A_2005 = vector.shape_cast %swap3A_2004 : vector<1x16xf32> to vector<16xf32>
        %swap3A_2006 = vector.shape_cast %mul3A_2001 : vector<16xf32> to vector<1x16xf32>
        tpu.vector_store %arg11[%swap3A_2002, %swap3A_2003], %swap3A_2006 {strides = array<i32>} : memref<32x128xf32, #tpu.memory_space<vmem>>, vector<1x16xf32>,
        %get3A_2007 = arith.index_cast %add3A_1949 : i32 to index
        %get3A_2008 = arith.constant 48 : index
        %get3A_2009 = tpu.vector_load %arg11[%get3A_2007, %get3A_2008] {strides = array<i32>} : memref<32x128xf32, #tpu.memory_space<vmem>>, vector<1x16xf32>,
        %get3A_2010 = vector.shape_cast %get3A_2009 : vector<1x16xf32> to vector<16xf32>
        %get3A_2011 = arith.index_cast %add3A_1949 : i32 to index
        %get3A_2012 = arith.constant 48 : index
        %get3A_2013 = tpu.vector_load %arg12[%get3A_2011, %get3A_2012] {strides = array<i32>} : memref<32x128xf32, #tpu.memory_space<vmem>>, vector<1x16xf32>,
        %get3A_2014 = vector.shape_cast %get3A_2013 : vector<1x16xf32> to vector<16xf32>
        %add3A_2015 = arith.addf %get3A_2010, %get3A_2014 : vector<16xf32>
        %max3A_2016 = arith.constant 0.000000e+00 : f32
        %max3A_2017 = vector.broadcast %max3A_2016 : f32 to vector<16xf32>
        %max3A_2018 = arith.maximumf %add3A_2015, %max3A_2017 : vector<16xf32>
        %mul3A_2019 = vector.broadcast %squeeze3A_1945 : f32 to vector<16xf32>
        %mul3A_2020 = arith.mulf %max3A_2018, %mul3A_2019 : vector<16xf32>
        %swap3A_2021 = arith.index_cast %add3A_1949 : i32 to index
        %swap3A_2022 = arith.constant 48 : index
        %swap3A_2023 = tpu.vector_load %arg11[%swap3A_2021, %swap3A_2022] {strides = array<i32>} : memref<32x128xf32, #tpu.memory_space<vmem>>, vector<1x16xf32>,
        %swap3A_2024 = vector.shape_cast %swap3A_2023 : vector<1x16xf32> to vector<16xf32>
        %swap3A_2025 = vector.shape_cast %mul3A_2020 : vector<16xf32> to vector<1x16xf32>
        tpu.vector_store %arg11[%swap3A_2021, %swap3A_2022], %swap3A_2025 {strides = array<i32>} : memref<32x128xf32, #tpu.memory_space<vmem>>, vector<1x16xf32>,
        %get3A_2026 = arith.index_cast %add3A_1949 : i32 to index
        %get3A_2027 = arith.constant 64 : index
        %get3A_2028 = tpu.vector_load %arg11[%get3A_2026, %get3A_2027] {strides = array<i32>} : memref<32x128xf32, #tpu.memory_space<vmem>>, vector<1x16xf32>,
        %get3A_2029 = vector.shape_cast %get3A_2028 : vector<1x16xf32> to vector<16xf32>
        %get3A_2030 = arith.index_cast %add3A_1949 : i32 to index
        %get3A_2031 = arith.constant 64 : index
        %get3A_2032 = tpu.vector_load %arg12[%get3A_2030, %get3A_2031] {strides = array<i32>} : memref<32x128xf32, #tpu.memory_space<vmem>>, vector<1x16xf32>,
        %get3A_2033 = vector.shape_cast %get3A_2032 : vector<1x16xf32> to vector<16xf32>
        %add3A_2034 = arith.addf %get3A_2029, %get3A_2033 : vector<16xf32>
        %max3A_2035 = arith.constant 0.000000e+00 : f32
        %max3A_2036 = vector.broadcast %max3A_2035 : f32 to vector<16xf32>
        %max3A_2037 = arith.maximumf %add3A_2034, %max3A_2036 : vector<16xf32>
        %mul3A_2038 = vector.broadcast %squeeze3A_1945 : f32 to vector<16xf32>
        %mul3A_2039 = arith.mulf %max3A_2037, %mul3A_2038 : vector<16xf32>
        %swap3A_2040 = arith.index_cast %add3A_1949 : i32 to index
        %swap3A_2041 = arith.constant 64 : index
        %swap3A_2042 = tpu.vector_load %arg11[%swap3A_2040, %swap3A_2041] {strides = array<i32>} : memref<32x128xf32, #tpu.memory_space<vmem>>, vector<1x16xf32>,
        %swap3A_2043 = vector.shape_cast %swap3A_2042 : vector<1x16xf32> to vector<16xf32>
        %swap3A_2044 = vector.shape_cast %mul3A_2039 : vector<16xf32> to vector<1x16xf32>
        tpu.vector_store %arg11[%swap3A_2040, %swap3A_2041], %swap3A_2044 {strides = array<i32>} : memref<32x128xf32, #tpu.memory_space<vmem>>, vector<1x16xf32>,
        %get3A_2045 = arith.index_cast %add3A_1949 : i32 to index
        %get3A_2046 = arith.constant 80 : index
        %get3A_2047 = tpu.vector_load %arg11[%get3A_2045, %get3A_2046] {strides = array<i32>} : memref<32x128xf32, #tpu.memory_space<vmem>>, vector<1x16xf32>,
        %get3A_2048 = vector.shape_cast %get3A_2047 : vector<1x16xf32> to vector<16xf32>
        %get3A_2049 = arith.index_cast %add3A_1949 : i32 to index
        %get3A_2050 = arith.constant 80 : index
        %get3A_2051 = tpu.vector_load %arg12[%get3A_2049, %get3A_2050] {strides = array<i32>} : memref<32x128xf32, #tpu.memory_space<vmem>>, vector<1x16xf32>,
        %get3A_2052 = vector.shape_cast %get3A_2051 : vector<1x16xf32> to vector<16xf32>
        %add3A_2053 = arith.addf %get3A_2048, %get3A_2052 : vector<16xf32>
        %max3A_2054 = arith.constant 0.000000e+00 : f32
        %max3A_2055 = vector.broadcast %max3A_2054 : f32 to vector<16xf32>
        %max3A_2056 = arith.maximumf %add3A_2053, %max3A_2055 : vector<16xf32>
        %mul3A_2057 = vector.broadcast %squeeze3A_1945 : f32 to vector<16xf32>
        %mul3A_2058 = arith.mulf %max3A_2056, %mul3A_2057 : vector<16xf32>
        %swap3A_2059 = arith.index_cast %add3A_1949 : i32 to index
        %swap3A_2060 = arith.constant 80 : index
        %swap3A_2061 = tpu.vector_load %arg11[%swap3A_2059, %swap3A_2060] {strides = array<i32>} : memref<32x128xf32, #tpu.memory_space<vmem>>, vector<1x16xf32>,
        %swap3A_2062 = vector.shape_cast %swap3A_2061 : vector<1x16xf32> to vector<16xf32>
        %swap3A_2063 = vector.shape_cast %mul3A_2058 : vector<16xf32> to vector<1x16xf32>
        tpu.vector_store %arg11[%swap3A_2059, %swap3A_2060], %swap3A_2063 {strides = array<i32>} : memref<32x128xf32, #tpu.memory_space<vmem>>, vector<1x16xf32>,
        %get3A_2064 = arith.index_cast %add3A_1949 : i32 to index
        %get3A_2065 = arith.constant 96 : index
        %get3A_2066 = tpu.vector_load %arg11[%get3A_2064, %get3A_2065] {strides = array<i32>} : memref<32x128xf32, #tpu.memory_space<vmem>>, vector<1x16xf32>,
        %get3A_2067 = vector.shape_cast %get3A_2066 : vector<1x16xf32> to vector<16xf32>
        %get3A_2068 = arith.index_cast %add3A_1949 : i32 to index
        %get3A_2069 = arith.constant 96 : index
        %get3A_2070 = tpu.vector_load %arg12[%get3A_2068, %get3A_2069] {strides = array<i32>} : memref<32x128xf32, #tpu.memory_space<vmem>>, vector<1x16xf32>,
        %get3A_2071 = vector.shape_cast %get3A_2070 : vector<1x16xf32> to vector<16xf32>
        %add3A_2072 = arith.addf %get3A_2067, %get3A_2071 : vector<16xf32>
        %max3A_2073 = arith.constant 0.000000e+00 : f32
        %max3A_2074 = vector.broadcast %max3A_2073 : f32 to vector<16xf32>
        %max3A_2075 = arith.maximumf %add3A_2072, %max3A_2074 : vector<16xf32>
        %mul3A_2076 = vector.broadcast %squeeze3A_1945 : f32 to vector<16xf32>
        %mul3A_2077 = arith.mulf %max3A_2075, %mul3A_2076 : vector<16xf32>
        %swap3A_2078 = arith.index_cast %add3A_1949 : i32 to index
        %swap3A_2079 = arith.constant 96 : index
        %swap3A_2080 = tpu.vector_load %arg11[%swap3A_2078, %swap3A_2079] {strides = array<i32>} : memref<32x128xf32, #tpu.memory_space<vmem>>, vector<1x16xf32>,
        %swap3A_2081 = vector.shape_cast %swap3A_2080 : vector<1x16xf32> to vector<16xf32>
        %swap3A_2082 = vector.shape_cast %mul3A_2077 : vector<16xf32> to vector<1x16xf32>
        tpu.vector_store %arg11[%swap3A_2078, %swap3A_2079], %swap3A_2082 {strides = array<i32>} : memref<32x128xf32, #tpu.memory_space<vmem>>, vector<1x16xf32>,
        %get3A_2083 = arith.index_cast %add3A_1949 : i32 to index
        %get3A_2084 = arith.constant 112 : index
        %get3A_2085 = tpu.vector_load %arg11[%get3A_2083, %get3A_2084] {strides = array<i32>} : memref<32x128xf32, #tpu.memory_space<vmem>>, vector<1x16xf32>,
        %get3A_2086 = vector.shape_cast %get3A_2085 : vector<1x16xf32> to vector<16xf32>
        %get3A_2087 = arith.index_cast %add3A_1949 : i32 to index
        %get3A_2088 = arith.constant 112 : index
        %get3A_2089 = tpu.vector_load %arg12[%get3A_2087, %get3A_2088] {strides = array<i32>} : memref<32x128xf32, #tpu.memory_space<vmem>>, vector<1x16xf32>,
        %get3A_2090 = vector.shape_cast %get3A_2089 : vector<1x16xf32> to vector<16xf32>
        %add3A_2091 = arith.addf %get3A_2086, %get3A_2090 : vector<16xf32>
        %max3A_2092 = arith.constant 0.000000e+00 : f32
        %max3A_2093 = vector.broadcast %max3A_2092 : f32 to vector<16xf32>
        %max3A_2094 = arith.maximumf %add3A_2091, %max3A_2093 : vector<16xf32>
        %mul3A_2095 = vector.broadcast %squeeze3A_1945 : f32 to vector<16xf32>
        %mul3A_2096 = arith.mulf %max3A_2094, %mul3A_2095 : vector<16xf32>
        %swap3A_2097 = arith.index_cast %add3A_1949 : i32 to index
        %swap3A_2098 = arith.constant 112 : index
        %swap3A_2099 = tpu.vector_load %arg11[%swap3A_2097, %swap3A_2098] {strides = array<i32>} : memref<32x128xf32, #tpu.memory_space<vmem>>, vector<1x16xf32>,
        %swap3A_2100 = vector.shape_cast %swap3A_2099 : vector<1x16xf32> to vector<16xf32>
        %swap3A_2101 = vector.shape_cast %mul3A_2096 : vector<16xf32> to vector<1x16xf32>
        tpu.vector_store %arg11[%swap3A_2097, %swap3A_2098], %swap3A_2101 {strides = array<i32>} : memref<32x128xf32, #tpu.memory_space<vmem>>, vector<1x16xf32>,
        %slice3A_2102 = vector.extract_strided_slice %get3A_51 {offsets = [13], sizes = [1], strides = [1]} : vector<16xf32> to vector<1xf32>
        %squeeze3A_2103 = vector.extract %slice3A_2102[0] : f32 from vector<1xf32>
        %mul3A_2104 = arith.constant 16 : i32
        %mul3A_2105 = arith.muli %scan3A_47, %mul3A_2104 : i32
        %add3A_2106 = arith.constant 13 : i32
        %add3A_2107 = arith.addi %mul3A_2105, %add3A_2106 : i32
        %get3A_2108 = arith.index_cast %add3A_2107 : i32 to index
        %get3A_2109 = arith.constant 0 : index
        %get3A_2110 = tpu.vector_load %arg11[%get3A_2108, %get3A_2109] {strides = array<i32>} : memref<32x128xf32, #tpu.memory_space<vmem>>, vector<1x16xf32>,
        %get3A_2111 = vector.shape_cast %get3A_2110 : vector<1x16xf32> to vector<16xf32>
        %get3A_2112 = arith.index_cast %add3A_2107 : i32 to index
        %get3A_2113 = arith.constant 0 : index
        %get3A_2114 = tpu.vector_load %arg12[%get3A_2112, %get3A_2113] {strides = array<i32>} : memref<32x128xf32, #tpu.memory_space<vmem>>, vector<1x16xf32>,
        %get3A_2115 = vector.shape_cast %get3A_2114 : vector<1x16xf32> to vector<16xf32>
        %add3A_2116 = arith.addf %get3A_2111, %get3A_2115 : vector<16xf32>
        %max3A_2117 = arith.constant 0.000000e+00 : f32
        %max3A_2118 = vector.broadcast %max3A_2117 : f32 to vector<16xf32>
        %max3A_2119 = arith.maximumf %add3A_2116, %max3A_2118 : vector<16xf32>
        %mul3A_2120 = vector.broadcast %squeeze3A_2103 : f32 to vector<16xf32>
        %mul3A_2121 = arith.mulf %max3A_2119, %mul3A_2120 : vector<16xf32>
        %swap3A_2122 = arith.index_cast %add3A_2107 : i32 to index
        %swap3A_2123 = arith.constant 0 : index
        %swap3A_2124 = tpu.vector_load %arg11[%swap3A_2122, %swap3A_2123] {strides = array<i32>} : memref<32x128xf32, #tpu.memory_space<vmem>>, vector<1x16xf32>,
        %swap3A_2125 = vector.shape_cast %swap3A_2124 : vector<1x16xf32> to vector<16xf32>
        %swap3A_2126 = vector.shape_cast %mul3A_2121 : vector<16xf32> to vector<1x16xf32>
        tpu.vector_store %arg11[%swap3A_2122, %swap3A_2123], %swap3A_2126 {strides = array<i32>} : memref<32x128xf32, #tpu.memory_space<vmem>>, vector<1x16xf32>,
        %get3A_2127 = arith.index_cast %add3A_2107 : i32 to index
        %get3A_2128 = arith.constant 16 : index
        %get3A_2129 = tpu.vector_load %arg11[%get3A_2127, %get3A_2128] {strides = array<i32>} : memref<32x128xf32, #tpu.memory_space<vmem>>, vector<1x16xf32>,
        %get3A_2130 = vector.shape_cast %get3A_2129 : vector<1x16xf32> to vector<16xf32>
        %get3A_2131 = arith.index_cast %add3A_2107 : i32 to index
        %get3A_2132 = arith.constant 16 : index
        %get3A_2133 = tpu.vector_load %arg12[%get3A_2131, %get3A_2132] {strides = array<i32>} : memref<32x128xf32, #tpu.memory_space<vmem>>, vector<1x16xf32>,
        %get3A_2134 = vector.shape_cast %get3A_2133 : vector<1x16xf32> to vector<16xf32>
        %add3A_2135 = arith.addf %get3A_2130, %get3A_2134 : vector<16xf32>
        %max3A_2136 = arith.constant 0.000000e+00 : f32
        %max3A_2137 = vector.broadcast %max3A_2136 : f32 to vector<16xf32>
        %max3A_2138 = arith.maximumf %add3A_2135, %max3A_2137 : vector<16xf32>
        %mul3A_2139 = vector.broadcast %squeeze3A_2103 : f32 to vector<16xf32>
        %mul3A_2140 = arith.mulf %max3A_2138, %mul3A_2139 : vector<16xf32>
        %swap3A_2141 = arith.index_cast %add3A_2107 : i32 to index
        %swap3A_2142 = arith.constant 16 : index
        %swap3A_2143 = tpu.vector_load %arg11[%swap3A_2141, %swap3A_2142] {strides = array<i32>} : memref<32x128xf32, #tpu.memory_space<vmem>>, vector<1x16xf32>,
        %swap3A_2144 = vector.shape_cast %swap3A_2143 : vector<1x16xf32> to vector<16xf32>
        %swap3A_2145 = vector.shape_cast %mul3A_2140 : vector<16xf32> to vector<1x16xf32>
        tpu.vector_store %arg11[%swap3A_2141, %swap3A_2142], %swap3A_2145 {strides = array<i32>} : memref<32x128xf32, #tpu.memory_space<vmem>>, vector<1x16xf32>,
        %get3A_2146 = arith.index_cast %add3A_2107 : i32 to index
        %get3A_2147 = arith.constant 32 : index
        %get3A_2148 = tpu.vector_load %arg11[%get3A_2146, %get3A_2147] {strides = array<i32>} : memref<32x128xf32, #tpu.memory_space<vmem>>, vector<1x16xf32>,
        %get3A_2149 = vector.shape_cast %get3A_2148 : vector<1x16xf32> to vector<16xf32>
        %get3A_2150 = arith.index_cast %add3A_2107 : i32 to index
        %get3A_2151 = arith.constant 32 : index
        %get3A_2152 = tpu.vector_load %arg12[%get3A_2150, %get3A_2151] {strides = array<i32>} : memref<32x128xf32, #tpu.memory_space<vmem>>, vector<1x16xf32>,
        %get3A_2153 = vector.shape_cast %get3A_2152 : vector<1x16xf32> to vector<16xf32>
        %add3A_2154 = arith.addf %get3A_2149, %get3A_2153 : vector<16xf32>
        %max3A_2155 = arith.constant 0.000000e+00 : f32
        %max3A_2156 = vector.broadcast %max3A_2155 : f32 to vector<16xf32>
        %max3A_2157 = arith.maximumf %add3A_2154, %max3A_2156 : vector<16xf32>
        %mul3A_2158 = vector.broadcast %squeeze3A_2103 : f32 to vector<16xf32>
        %mul3A_2159 = arith.mulf %max3A_2157, %mul3A_2158 : vector<16xf32>
        %swap3A_2160 = arith.index_cast %add3A_2107 : i32 to index
        %swap3A_2161 = arith.constant 32 : index
        %swap3A_2162 = tpu.vector_load %arg11[%swap3A_2160, %swap3A_2161] {strides = array<i32>} : memref<32x128xf32, #tpu.memory_space<vmem>>, vector<1x16xf32>,
        %swap3A_2163 = vector.shape_cast %swap3A_2162 : vector<1x16xf32> to vector<16xf32>
        %swap3A_2164 = vector.shape_cast %mul3A_2159 : vector<16xf32> to vector<1x16xf32>
        tpu.vector_store %arg11[%swap3A_2160, %swap3A_2161], %swap3A_2164 {strides = array<i32>} : memref<32x128xf32, #tpu.memory_space<vmem>>, vector<1x16xf32>,
        %get3A_2165 = arith.index_cast %add3A_2107 : i32 to index
        %get3A_2166 = arith.constant 48 : index
        %get3A_2167 = tpu.vector_load %arg11[%get3A_2165, %get3A_2166] {strides = array<i32>} : memref<32x128xf32, #tpu.memory_space<vmem>>, vector<1x16xf32>,
        %get3A_2168 = vector.shape_cast %get3A_2167 : vector<1x16xf32> to vector<16xf32>
        %get3A_2169 = arith.index_cast %add3A_2107 : i32 to index
        %get3A_2170 = arith.constant 48 : index
        %get3A_2171 = tpu.vector_load %arg12[%get3A_2169, %get3A_2170] {strides = array<i32>} : memref<32x128xf32, #tpu.memory_space<vmem>>, vector<1x16xf32>,
        %get3A_2172 = vector.shape_cast %get3A_2171 : vector<1x16xf32> to vector<16xf32>
        %add3A_2173 = arith.addf %get3A_2168, %get3A_2172 : vector<16xf32>
        %max3A_2174 = arith.constant 0.000000e+00 : f32
        %max3A_2175 = vector.broadcast %max3A_2174 : f32 to vector<16xf32>
        %max3A_2176 = arith.maximumf %add3A_2173, %max3A_2175 : vector<16xf32>
        %mul3A_2177 = vector.broadcast %squeeze3A_2103 : f32 to vector<16xf32>
        %mul3A_2178 = arith.mulf %max3A_2176, %mul3A_2177 : vector<16xf32>
        %swap3A_2179 = arith.index_cast %add3A_2107 : i32 to index
        %swap3A_2180 = arith.constant 48 : index
        %swap3A_2181 = tpu.vector_load %arg11[%swap3A_2179, %swap3A_2180] {strides = array<i32>} : memref<32x128xf32, #tpu.memory_space<vmem>>, vector<1x16xf32>,
        %swap3A_2182 = vector.shape_cast %swap3A_2181 : vector<1x16xf32> to vector<16xf32>
        %swap3A_2183 = vector.shape_cast %mul3A_2178 : vector<16xf32> to vector<1x16xf32>
        tpu.vector_store %arg11[%swap3A_2179, %swap3A_2180], %swap3A_2183 {strides = array<i32>} : memref<32x128xf32, #tpu.memory_space<vmem>>, vector<1x16xf32>,
        %get3A_2184 = arith.index_cast %add3A_2107 : i32 to index
        %get3A_2185 = arith.constant 64 : index
        %get3A_2186 = tpu.vector_load %arg11[%get3A_2184, %get3A_2185] {strides = array<i32>} : memref<32x128xf32, #tpu.memory_space<vmem>>, vector<1x16xf32>,
        %get3A_2187 = vector.shape_cast %get3A_2186 : vector<1x16xf32> to vector<16xf32>
        %get3A_2188 = arith.index_cast %add3A_2107 : i32 to index
        %get3A_2189 = arith.constant 64 : index
        %get3A_2190 = tpu.vector_load %arg12[%get3A_2188, %get3A_2189] {strides = array<i32>} : memref<32x128xf32, #tpu.memory_space<vmem>>, vector<1x16xf32>,
        %get3A_2191 = vector.shape_cast %get3A_2190 : vector<1x16xf32> to vector<16xf32>
        %add3A_2192 = arith.addf %get3A_2187, %get3A_2191 : vector<16xf32>
        %max3A_2193 = arith.constant 0.000000e+00 : f32
        %max3A_2194 = vector.broadcast %max3A_2193 : f32 to vector<16xf32>
        %max3A_2195 = arith.maximumf %add3A_2192, %max3A_2194 : vector<16xf32>
        %mul3A_2196 = vector.broadcast %squeeze3A_2103 : f32 to vector<16xf32>
        %mul3A_2197 = arith.mulf %max3A_2195, %mul3A_2196 : vector<16xf32>
        %swap3A_2198 = arith.index_cast %add3A_2107 : i32 to index
        %swap3A_2199 = arith.constant 64 : index
        %swap3A_2200 = tpu.vector_load %arg11[%swap3A_2198, %swap3A_2199] {strides = array<i32>} : memref<32x128xf32, #tpu.memory_space<vmem>>, vector<1x16xf32>,
        %swap3A_2201 = vector.shape_cast %swap3A_2200 : vector<1x16xf32> to vector<16xf32>
        %swap3A_2202 = vector.shape_cast %mul3A_2197 : vector<16xf32> to vector<1x16xf32>
        tpu.vector_store %arg11[%swap3A_2198, %swap3A_2199], %swap3A_2202 {strides = array<i32>} : memref<32x128xf32, #tpu.memory_space<vmem>>, vector<1x16xf32>,
        %get3A_2203 = arith.index_cast %add3A_2107 : i32 to index
        %get3A_2204 = arith.constant 80 : index
        %get3A_2205 = tpu.vector_load %arg11[%get3A_2203, %get3A_2204] {strides = array<i32>} : memref<32x128xf32, #tpu.memory_space<vmem>>, vector<1x16xf32>,
        %get3A_2206 = vector.shape_cast %get3A_2205 : vector<1x16xf32> to vector<16xf32>
        %get3A_2207 = arith.index_cast %add3A_2107 : i32 to index
        %get3A_2208 = arith.constant 80 : index
        %get3A_2209 = tpu.vector_load %arg12[%get3A_2207, %get3A_2208] {strides = array<i32>} : memref<32x128xf32, #tpu.memory_space<vmem>>, vector<1x16xf32>,
        %get3A_2210 = vector.shape_cast %get3A_2209 : vector<1x16xf32> to vector<16xf32>
        %add3A_2211 = arith.addf %get3A_2206, %get3A_2210 : vector<16xf32>
        %max3A_2212 = arith.constant 0.000000e+00 : f32
        %max3A_2213 = vector.broadcast %max3A_2212 : f32 to vector<16xf32>
        %max3A_2214 = arith.maximumf %add3A_2211, %max3A_2213 : vector<16xf32>
        %mul3A_2215 = vector.broadcast %squeeze3A_2103 : f32 to vector<16xf32>
        %mul3A_2216 = arith.mulf %max3A_2214, %mul3A_2215 : vector<16xf32>
        %swap3A_2217 = arith.index_cast %add3A_2107 : i32 to index
        %swap3A_2218 = arith.constant 80 : index
        %swap3A_2219 = tpu.vector_load %arg11[%swap3A_2217, %swap3A_2218] {strides = array<i32>} : memref<32x128xf32, #tpu.memory_space<vmem>>, vector<1x16xf32>,
        %swap3A_2220 = vector.shape_cast %swap3A_2219 : vector<1x16xf32> to vector<16xf32>
        %swap3A_2221 = vector.shape_cast %mul3A_2216 : vector<16xf32> to vector<1x16xf32>
        tpu.vector_store %arg11[%swap3A_2217, %swap3A_2218], %swap3A_2221 {strides = array<i32>} : memref<32x128xf32, #tpu.memory_space<vmem>>, vector<1x16xf32>,
        %get3A_2222 = arith.index_cast %add3A_2107 : i32 to index
        %get3A_2223 = arith.constant 96 : index
        %get3A_2224 = tpu.vector_load %arg11[%get3A_2222, %get3A_2223] {strides = array<i32>} : memref<32x128xf32, #tpu.memory_space<vmem>>, vector<1x16xf32>,
        %get3A_2225 = vector.shape_cast %get3A_2224 : vector<1x16xf32> to vector<16xf32>
        %get3A_2226 = arith.index_cast %add3A_2107 : i32 to index
        %get3A_2227 = arith.constant 96 : index
        %get3A_2228 = tpu.vector_load %arg12[%get3A_2226, %get3A_2227] {strides = array<i32>} : memref<32x128xf32, #tpu.memory_space<vmem>>, vector<1x16xf32>,
        %get3A_2229 = vector.shape_cast %get3A_2228 : vector<1x16xf32> to vector<16xf32>
        %add3A_2230 = arith.addf %get3A_2225, %get3A_2229 : vector<16xf32>
        %max3A_2231 = arith.constant 0.000000e+00 : f32
        %max3A_2232 = vector.broadcast %max3A_2231 : f32 to vector<16xf32>
        %max3A_2233 = arith.maximumf %add3A_2230, %max3A_2232 : vector<16xf32>
        %mul3A_2234 = vector.broadcast %squeeze3A_2103 : f32 to vector<16xf32>
        %mul3A_2235 = arith.mulf %max3A_2233, %mul3A_2234 : vector<16xf32>
        %swap3A_2236 = arith.index_cast %add3A_2107 : i32 to index
        %swap3A_2237 = arith.constant 96 : index
        %swap3A_2238 = tpu.vector_load %arg11[%swap3A_2236, %swap3A_2237] {strides = array<i32>} : memref<32x128xf32, #tpu.memory_space<vmem>>, vector<1x16xf32>,
        %swap3A_2239 = vector.shape_cast %swap3A_2238 : vector<1x16xf32> to vector<16xf32>
        %swap3A_2240 = vector.shape_cast %mul3A_2235 : vector<16xf32> to vector<1x16xf32>
        tpu.vector_store %arg11[%swap3A_2236, %swap3A_2237], %swap3A_2240 {strides = array<i32>} : memref<32x128xf32, #tpu.memory_space<vmem>>, vector<1x16xf32>,
        %get3A_2241 = arith.index_cast %add3A_2107 : i32 to index
        %get3A_2242 = arith.constant 112 : index
        %get3A_2243 = tpu.vector_load %arg11[%get3A_2241, %get3A_2242] {strides = array<i32>} : memref<32x128xf32, #tpu.memory_space<vmem>>, vector<1x16xf32>,
        %get3A_2244 = vector.shape_cast %get3A_2243 : vector<1x16xf32> to vector<16xf32>
        %get3A_2245 = arith.index_cast %add3A_2107 : i32 to index
        %get3A_2246 = arith.constant 112 : index
        %get3A_2247 = tpu.vector_load %arg12[%get3A_2245, %get3A_2246] {strides = array<i32>} : memref<32x128xf32, #tpu.memory_space<vmem>>, vector<1x16xf32>,
        %get3A_2248 = vector.shape_cast %get3A_2247 : vector<1x16xf32> to vector<16xf32>
        %add3A_2249 = arith.addf %get3A_2244, %get3A_2248 : vector<16xf32>
        %max3A_2250 = arith.constant 0.000000e+00 : f32
        %max3A_2251 = vector.broadcast %max3A_2250 : f32 to vector<16xf32>
        %max3A_2252 = arith.maximumf %add3A_2249, %max3A_2251 : vector<16xf32>
        %mul3A_2253 = vector.broadcast %squeeze3A_2103 : f32 to vector<16xf32>
        %mul3A_2254 = arith.mulf %max3A_2252, %mul3A_2253 : vector<16xf32>
        %swap3A_2255 = arith.index_cast %add3A_2107 : i32 to index
        %swap3A_2256 = arith.constant 112 : index
        %swap3A_2257 = tpu.vector_load %arg11[%swap3A_2255, %swap3A_2256] {strides = array<i32>} : memref<32x128xf32, #tpu.memory_space<vmem>>, vector<1x16xf32>,
        %swap3A_2258 = vector.shape_cast %swap3A_2257 : vector<1x16xf32> to vector<16xf32>
        %swap3A_2259 = vector.shape_cast %mul3A_2254 : vector<16xf32> to vector<1x16xf32>
        tpu.vector_store %arg11[%swap3A_2255, %swap3A_2256], %swap3A_2259 {strides = array<i32>} : memref<32x128xf32, #tpu.memory_space<vmem>>, vector<1x16xf32>,
        %slice3A_2260 = vector.extract_strided_slice %get3A_51 {offsets = [14], sizes = [1], strides = [1]} : vector<16xf32> to vector<1xf32>
        %squeeze3A_2261 = vector.extract %slice3A_2260[0] : f32 from vector<1xf32>
        %mul3A_2262 = arith.constant 16 : i32
        %mul3A_2263 = arith.muli %scan3A_47, %mul3A_2262 : i32
        %add3A_2264 = arith.constant 14 : i32
        %add3A_2265 = arith.addi %mul3A_2263, %add3A_2264 : i32
        %get3A_2266 = arith.index_cast %add3A_2265 : i32 to index
        %get3A_2267 = arith.constant 0 : index
        %get3A_2268 = tpu.vector_load %arg11[%get3A_2266, %get3A_2267] {strides = array<i32>} : memref<32x128xf32, #tpu.memory_space<vmem>>, vector<1x16xf32>,
        %get3A_2269 = vector.shape_cast %get3A_2268 : vector<1x16xf32> to vector<16xf32>
        %get3A_2270 = arith.index_cast %add3A_2265 : i32 to index
        %get3A_2271 = arith.constant 0 : index
        %get3A_2272 = tpu.vector_load %arg12[%get3A_2270, %get3A_2271] {strides = array<i32>} : memref<32x128xf32, #tpu.memory_space<vmem>>, vector<1x16xf32>,
        %get3A_2273 = vector.shape_cast %get3A_2272 : vector<1x16xf32> to vector<16xf32>
        %add3A_2274 = arith.addf %get3A_2269, %get3A_2273 : vector<16xf32>
        %max3A_2275 = arith.constant 0.000000e+00 : f32
        %max3A_2276 = vector.broadcast %max3A_2275 : f32 to vector<16xf32>
        %max3A_2277 = arith.maximumf %add3A_2274, %max3A_2276 : vector<16xf32>
        %mul3A_2278 = vector.broadcast %squeeze3A_2261 : f32 to vector<16xf32>
        %mul3A_2279 = arith.mulf %max3A_2277, %mul3A_2278 : vector<16xf32>
        %swap3A_2280 = arith.index_cast %add3A_2265 : i32 to index
        %swap3A_2281 = arith.constant 0 : index
        %swap3A_2282 = tpu.vector_load %arg11[%swap3A_2280, %swap3A_2281] {strides = array<i32>} : memref<32x128xf32, #tpu.memory_space<vmem>>, vector<1x16xf32>,
        %swap3A_2283 = vector.shape_cast %swap3A_2282 : vector<1x16xf32> to vector<16xf32>
        %swap3A_2284 = vector.shape_cast %mul3A_2279 : vector<16xf32> to vector<1x16xf32>
        tpu.vector_store %arg11[%swap3A_2280, %swap3A_2281], %swap3A_2284 {strides = array<i32>} : memref<32x128xf32, #tpu.memory_space<vmem>>, vector<1x16xf32>,
        %get3A_2285 = arith.index_cast %add3A_2265 : i32 to index
        %get3A_2286 = arith.constant 16 : index
        %get3A_2287 = tpu.vector_load %arg11[%get3A_2285, %get3A_2286] {strides = array<i32>} : memref<32x128xf32, #tpu.memory_space<vmem>>, vector<1x16xf32>,
        %get3A_2288 = vector.shape_cast %get3A_2287 : vector<1x16xf32> to vector<16xf32>
        %get3A_2289 = arith.index_cast %add3A_2265 : i32 to index
        %get3A_2290 = arith.constant 16 : index
        %get3A_2291 = tpu.vector_load %arg12[%get3A_2289, %get3A_2290] {strides = array<i32>} : memref<32x128xf32, #tpu.memory_space<vmem>>, vector<1x16xf32>,
        %get3A_2292 = vector.shape_cast %get3A_2291 : vector<1x16xf32> to vector<16xf32>
        %add3A_2293 = arith.addf %get3A_2288, %get3A_2292 : vector<16xf32>
        %max3A_2294 = arith.constant 0.000000e+00 : f32
        %max3A_2295 = vector.broadcast %max3A_2294 : f32 to vector<16xf32>
        %max3A_2296 = arith.maximumf %add3A_2293, %max3A_2295 : vector<16xf32>
        %mul3A_2297 = vector.broadcast %squeeze3A_2261 : f32 to vector<16xf32>
        %mul3A_2298 = arith.mulf %max3A_2296, %mul3A_2297 : vector<16xf32>
        %swap3A_2299 = arith.index_cast %add3A_2265 : i32 to index
        %swap3A_2300 = arith.constant 16 : index
        %swap3A_2301 = tpu.vector_load %arg11[%swap3A_2299, %swap3A_2300] {strides = array<i32>} : memref<32x128xf32, #tpu.memory_space<vmem>>, vector<1x16xf32>,
        %swap3A_2302 = vector.shape_cast %swap3A_2301 : vector<1x16xf32> to vector<16xf32>
        %swap3A_2303 = vector.shape_cast %mul3A_2298 : vector<16xf32> to vector<1x16xf32>
        tpu.vector_store %arg11[%swap3A_2299, %swap3A_2300], %swap3A_2303 {strides = array<i32>} : memref<32x128xf32, #tpu.memory_space<vmem>>, vector<1x16xf32>,
        %get3A_2304 = arith.index_cast %add3A_2265 : i32 to index
        %get3A_2305 = arith.constant 32 : index
        %get3A_2306 = tpu.vector_load %arg11[%get3A_2304, %get3A_2305] {strides = array<i32>} : memref<32x128xf32, #tpu.memory_space<vmem>>, vector<1x16xf32>,
        %get3A_2307 = vector.shape_cast %get3A_2306 : vector<1x16xf32> to vector<16xf32>
        %get3A_2308 = arith.index_cast %add3A_2265 : i32 to index
        %get3A_2309 = arith.constant 32 : index
        %get3A_2310 = tpu.vector_load %arg12[%get3A_2308, %get3A_2309] {strides = array<i32>} : memref<32x128xf32, #tpu.memory_space<vmem>>, vector<1x16xf32>,
        %get3A_2311 = vector.shape_cast %get3A_2310 : vector<1x16xf32> to vector<16xf32>
        %add3A_2312 = arith.addf %get3A_2307, %get3A_2311 : vector<16xf32>
        %max3A_2313 = arith.constant 0.000000e+00 : f32
        %max3A_2314 = vector.broadcast %max3A_2313 : f32 to vector<16xf32>
        %max3A_2315 = arith.maximumf %add3A_2312, %max3A_2314 : vector<16xf32>
        %mul3A_2316 = vector.broadcast %squeeze3A_2261 : f32 to vector<16xf32>
        %mul3A_2317 = arith.mulf %max3A_2315, %mul3A_2316 : vector<16xf32>
        %swap3A_2318 = arith.index_cast %add3A_2265 : i32 to index
        %swap3A_2319 = arith.constant 32 : index
        %swap3A_2320 = tpu.vector_load %arg11[%swap3A_2318, %swap3A_2319] {strides = array<i32>} : memref<32x128xf32, #tpu.memory_space<vmem>>, vector<1x16xf32>,
        %swap3A_2321 = vector.shape_cast %swap3A_2320 : vector<1x16xf32> to vector<16xf32>
        %swap3A_2322 = vector.shape_cast %mul3A_2317 : vector<16xf32> to vector<1x16xf32>
        tpu.vector_store %arg11[%swap3A_2318, %swap3A_2319], %swap3A_2322 {strides = array<i32>} : memref<32x128xf32, #tpu.memory_space<vmem>>, vector<1x16xf32>,
        %get3A_2323 = arith.index_cast %add3A_2265 : i32 to index
        %get3A_2324 = arith.constant 48 : index
        %get3A_2325 = tpu.vector_load %arg11[%get3A_2323, %get3A_2324] {strides = array<i32>} : memref<32x128xf32, #tpu.memory_space<vmem>>, vector<1x16xf32>,
        %get3A_2326 = vector.shape_cast %get3A_2325 : vector<1x16xf32> to vector<16xf32>
        %get3A_2327 = arith.index_cast %add3A_2265 : i32 to index
        %get3A_2328 = arith.constant 48 : index
        %get3A_2329 = tpu.vector_load %arg12[%get3A_2327, %get3A_2328] {strides = array<i32>} : memref<32x128xf32, #tpu.memory_space<vmem>>, vector<1x16xf32>,
        %get3A_2330 = vector.shape_cast %get3A_2329 : vector<1x16xf32> to vector<16xf32>
        %add3A_2331 = arith.addf %get3A_2326, %get3A_2330 : vector<16xf32>
        %max3A_2332 = arith.constant 0.000000e+00 : f32
        %max3A_2333 = vector.broadcast %max3A_2332 : f32 to vector<16xf32>
        %max3A_2334 = arith.maximumf %add3A_2331, %max3A_2333 : vector<16xf32>
        %mul3A_2335 = vector.broadcast %squeeze3A_2261 : f32 to vector<16xf32>
        %mul3A_2336 = arith.mulf %max3A_2334, %mul3A_2335 : vector<16xf32>
        %swap3A_2337 = arith.index_cast %add3A_2265 : i32 to index
        %swap3A_2338 = arith.constant 48 : index
        %swap3A_2339 = tpu.vector_load %arg11[%swap3A_2337, %swap3A_2338] {strides = array<i32>} : memref<32x128xf32, #tpu.memory_space<vmem>>, vector<1x16xf32>,
        %swap3A_2340 = vector.shape_cast %swap3A_2339 : vector<1x16xf32> to vector<16xf32>
        %swap3A_2341 = vector.shape_cast %mul3A_2336 : vector<16xf32> to vector<1x16xf32>
        tpu.vector_store %arg11[%swap3A_2337, %swap3A_2338], %swap3A_2341 {strides = array<i32>} : memref<32x128xf32, #tpu.memory_space<vmem>>, vector<1x16xf32>,
        %get3A_2342 = arith.index_cast %add3A_2265 : i32 to index
        %get3A_2343 = arith.constant 64 : index
        %get3A_2344 = tpu.vector_load %arg11[%get3A_2342, %get3A_2343] {strides = array<i32>} : memref<32x128xf32, #tpu.memory_space<vmem>>, vector<1x16xf32>,
        %get3A_2345 = vector.shape_cast %get3A_2344 : vector<1x16xf32> to vector<16xf32>
        %get3A_2346 = arith.index_cast %add3A_2265 : i32 to index
        %get3A_2347 = arith.constant 64 : index
        %get3A_2348 = tpu.vector_load %arg12[%get3A_2346, %get3A_2347] {strides = array<i32>} : memref<32x128xf32, #tpu.memory_space<vmem>>, vector<1x16xf32>,
        %get3A_2349 = vector.shape_cast %get3A_2348 : vector<1x16xf32> to vector<16xf32>
        %add3A_2350 = arith.addf %get3A_2345, %get3A_2349 : vector<16xf32>
        %max3A_2351 = arith.constant 0.000000e+00 : f32
        %max3A_2352 = vector.broadcast %max3A_2351 : f32 to vector<16xf32>
        %max3A_2353 = arith.maximumf %add3A_2350, %max3A_2352 : vector<16xf32>
        %mul3A_2354 = vector.broadcast %squeeze3A_2261 : f32 to vector<16xf32>
        %mul3A_2355 = arith.mulf %max3A_2353, %mul3A_2354 : vector<16xf32>
        %swap3A_2356 = arith.index_cast %add3A_2265 : i32 to index
        %swap3A_2357 = arith.constant 64 : index
        %swap3A_2358 = tpu.vector_load %arg11[%swap3A_2356, %swap3A_2357] {strides = array<i32>} : memref<32x128xf32, #tpu.memory_space<vmem>>, vector<1x16xf32>,
        %swap3A_2359 = vector.shape_cast %swap3A_2358 : vector<1x16xf32> to vector<16xf32>
        %swap3A_2360 = vector.shape_cast %mul3A_2355 : vector<16xf32> to vector<1x16xf32>
        tpu.vector_store %arg11[%swap3A_2356, %swap3A_2357], %swap3A_2360 {strides = array<i32>} : memref<32x128xf32, #tpu.memory_space<vmem>>, vector<1x16xf32>,
        %get3A_2361 = arith.index_cast %add3A_2265 : i32 to index
        %get3A_2362 = arith.constant 80 : index
        %get3A_2363 = tpu.vector_load %arg11[%get3A_2361, %get3A_2362] {strides = array<i32>} : memref<32x128xf32, #tpu.memory_space<vmem>>, vector<1x16xf32>,
        %get3A_2364 = vector.shape_cast %get3A_2363 : vector<1x16xf32> to vector<16xf32>
        %get3A_2365 = arith.index_cast %add3A_2265 : i32 to index
        %get3A_2366 = arith.constant 80 : index
        %get3A_2367 = tpu.vector_load %arg12[%get3A_2365, %get3A_2366] {strides = array<i32>} : memref<32x128xf32, #tpu.memory_space<vmem>>, vector<1x16xf32>,
        %get3A_2368 = vector.shape_cast %get3A_2367 : vector<1x16xf32> to vector<16xf32>
        %add3A_2369 = arith.addf %get3A_2364, %get3A_2368 : vector<16xf32>
        %max3A_2370 = arith.constant 0.000000e+00 : f32
        %max3A_2371 = vector.broadcast %max3A_2370 : f32 to vector<16xf32>
        %max3A_2372 = arith.maximumf %add3A_2369, %max3A_2371 : vector<16xf32>
        %mul3A_2373 = vector.broadcast %squeeze3A_2261 : f32 to vector<16xf32>
        %mul3A_2374 = arith.mulf %max3A_2372, %mul3A_2373 : vector<16xf32>
        %swap3A_2375 = arith.index_cast %add3A_2265 : i32 to index
        %swap3A_2376 = arith.constant 80 : index
        %swap3A_2377 = tpu.vector_load %arg11[%swap3A_2375, %swap3A_2376] {strides = array<i32>} : memref<32x128xf32, #tpu.memory_space<vmem>>, vector<1x16xf32>,
        %swap3A_2378 = vector.shape_cast %swap3A_2377 : vector<1x16xf32> to vector<16xf32>
        %swap3A_2379 = vector.shape_cast %mul3A_2374 : vector<16xf32> to vector<1x16xf32>
        tpu.vector_store %arg11[%swap3A_2375, %swap3A_2376], %swap3A_2379 {strides = array<i32>} : memref<32x128xf32, #tpu.memory_space<vmem>>, vector<1x16xf32>,
        %get3A_2380 = arith.index_cast %add3A_2265 : i32 to index
        %get3A_2381 = arith.constant 96 : index
        %get3A_2382 = tpu.vector_load %arg11[%get3A_2380, %get3A_2381] {strides = array<i32>} : memref<32x128xf32, #tpu.memory_space<vmem>>, vector<1x16xf32>,
        %get3A_2383 = vector.shape_cast %get3A_2382 : vector<1x16xf32> to vector<16xf32>
        %get3A_2384 = arith.index_cast %add3A_2265 : i32 to index
        %get3A_2385 = arith.constant 96 : index
        %get3A_2386 = tpu.vector_load %arg12[%get3A_2384, %get3A_2385] {strides = array<i32>} : memref<32x128xf32, #tpu.memory_space<vmem>>, vector<1x16xf32>,
        %get3A_2387 = vector.shape_cast %get3A_2386 : vector<1x16xf32> to vector<16xf32>
        %add3A_2388 = arith.addf %get3A_2383, %get3A_2387 : vector<16xf32>
        %max3A_2389 = arith.constant 0.000000e+00 : f32
        %max3A_2390 = vector.broadcast %max3A_2389 : f32 to vector<16xf32>
        %max3A_2391 = arith.maximumf %add3A_2388, %max3A_2390 : vector<16xf32>
        %mul3A_2392 = vector.broadcast %squeeze3A_2261 : f32 to vector<16xf32>
        %mul3A_2393 = arith.mulf %max3A_2391, %mul3A_2392 : vector<16xf32>
        %swap3A_2394 = arith.index_cast %add3A_2265 : i32 to index
        %swap3A_2395 = arith.constant 96 : index
        %swap3A_2396 = tpu.vector_load %arg11[%swap3A_2394, %swap3A_2395] {strides = array<i32>} : memref<32x128xf32, #tpu.memory_space<vmem>>, vector<1x16xf32>,
        %swap3A_2397 = vector.shape_cast %swap3A_2396 : vector<1x16xf32> to vector<16xf32>
        %swap3A_2398 = vector.shape_cast %mul3A_2393 : vector<16xf32> to vector<1x16xf32>
        tpu.vector_store %arg11[%swap3A_2394, %swap3A_2395], %swap3A_2398 {strides = array<i32>} : memref<32x128xf32, #tpu.memory_space<vmem>>, vector<1x16xf32>,
        %get3A_2399 = arith.index_cast %add3A_2265 : i32 to index
        %get3A_2400 = arith.constant 112 : index
        %get3A_2401 = tpu.vector_load %arg11[%get3A_2399, %get3A_2400] {strides = array<i32>} : memref<32x128xf32, #tpu.memory_space<vmem>>, vector<1x16xf32>,
        %get3A_2402 = vector.shape_cast %get3A_2401 : vector<1x16xf32> to vector<16xf32>
        %get3A_2403 = arith.index_cast %add3A_2265 : i32 to index
        %get3A_2404 = arith.constant 112 : index
        %get3A_2405 = tpu.vector_load %arg12[%get3A_2403, %get3A_2404] {strides = array<i32>} : memref<32x128xf32, #tpu.memory_space<vmem>>, vector<1x16xf32>,
        %get3A_2406 = vector.shape_cast %get3A_2405 : vector<1x16xf32> to vector<16xf32>
        %add3A_2407 = arith.addf %get3A_2402, %get3A_2406 : vector<16xf32>
        %max3A_2408 = arith.constant 0.000000e+00 : f32
        %max3A_2409 = vector.broadcast %max3A_2408 : f32 to vector<16xf32>
        %max3A_2410 = arith.maximumf %add3A_2407, %max3A_2409 : vector<16xf32>
        %mul3A_2411 = vector.broadcast %squeeze3A_2261 : f32 to vector<16xf32>
        %mul3A_2412 = arith.mulf %max3A_2410, %mul3A_2411 : vector<16xf32>
        %swap3A_2413 = arith.index_cast %add3A_2265 : i32 to index
        %swap3A_2414 = arith.constant 112 : index
        %swap3A_2415 = tpu.vector_load %arg11[%swap3A_2413, %swap3A_2414] {strides = array<i32>} : memref<32x128xf32, #tpu.memory_space<vmem>>, vector<1x16xf32>,
        %swap3A_2416 = vector.shape_cast %swap3A_2415 : vector<1x16xf32> to vector<16xf32>
        %swap3A_2417 = vector.shape_cast %mul3A_2412 : vector<16xf32> to vector<1x16xf32>
        tpu.vector_store %arg11[%swap3A_2413, %swap3A_2414], %swap3A_2417 {strides = array<i32>} : memref<32x128xf32, #tpu.memory_space<vmem>>, vector<1x16xf32>,
        %slice3A_2418 = vector.extract_strided_slice %get3A_51 {offsets = [15], sizes = [1], strides = [1]} : vector<16xf32> to vector<1xf32>
        %squeeze3A_2419 = vector.extract %slice3A_2418[0] : f32 from vector<1xf32>
        %mul3A_2420 = arith.constant 16 : i32
        %mul3A_2421 = arith.muli %scan3A_47, %mul3A_2420 : i32
        %add3A_2422 = arith.constant 15 : i32
        %add3A_2423 = arith.addi %mul3A_2421, %add3A_2422 : i32
        %get3A_2424 = arith.index_cast %add3A_2423 : i32 to index
        %get3A_2425 = arith.constant 0 : index
        %get3A_2426 = tpu.vector_load %arg11[%get3A_2424, %get3A_2425] {strides = array<i32>} : memref<32x128xf32, #tpu.memory_space<vmem>>, vector<1x16xf32>,
        %get3A_2427 = vector.shape_cast %get3A_2426 : vector<1x16xf32> to vector<16xf32>
        %get3A_2428 = arith.index_cast %add3A_2423 : i32 to index
        %get3A_2429 = arith.constant 0 : index
        %get3A_2430 = tpu.vector_load %arg12[%get3A_2428, %get3A_2429] {strides = array<i32>} : memref<32x128xf32, #tpu.memory_space<vmem>>, vector<1x16xf32>,
        %get3A_2431 = vector.shape_cast %get3A_2430 : vector<1x16xf32> to vector<16xf32>
        %add3A_2432 = arith.addf %get3A_2427, %get3A_2431 : vector<16xf32>
        %max3A_2433 = arith.constant 0.000000e+00 : f32
        %max3A_2434 = vector.broadcast %max3A_2433 : f32 to vector<16xf32>
        %max3A_2435 = arith.maximumf %add3A_2432, %max3A_2434 : vector<16xf32>
        %mul3A_2436 = vector.broadcast %squeeze3A_2419 : f32 to vector<16xf32>
        %mul3A_2437 = arith.mulf %max3A_2435, %mul3A_2436 : vector<16xf32>
        %swap3A_2438 = arith.index_cast %add3A_2423 : i32 to index
        %swap3A_2439 = arith.constant 0 : index
        %swap3A_2440 = tpu.vector_load %arg11[%swap3A_2438, %swap3A_2439] {strides = array<i32>} : memref<32x128xf32, #tpu.memory_space<vmem>>, vector<1x16xf32>,
        %swap3A_2441 = vector.shape_cast %swap3A_2440 : vector<1x16xf32> to vector<16xf32>
        %swap3A_2442 = vector.shape_cast %mul3A_2437 : vector<16xf32> to vector<1x16xf32>
        tpu.vector_store %arg11[%swap3A_2438, %swap3A_2439], %swap3A_2442 {strides = array<i32>} : memref<32x128xf32, #tpu.memory_space<vmem>>, vector<1x16xf32>,
        %get3A_2443 = arith.index_cast %add3A_2423 : i32 to index
        %get3A_2444 = arith.constant 16 : index
        %get3A_2445 = tpu.vector_load %arg11[%get3A_2443, %get3A_2444] {strides = array<i32>} : memref<32x128xf32, #tpu.memory_space<vmem>>, vector<1x16xf32>,
        %get3A_2446 = vector.shape_cast %get3A_2445 : vector<1x16xf32> to vector<16xf32>
        %get3A_2447 = arith.index_cast %add3A_2423 : i32 to index
        %get3A_2448 = arith.constant 16 : index
        %get3A_2449 = tpu.vector_load %arg12[%get3A_2447, %get3A_2448] {strides = array<i32>} : memref<32x128xf32, #tpu.memory_space<vmem>>, vector<1x16xf32>,
        %get3A_2450 = vector.shape_cast %get3A_2449 : vector<1x16xf32> to vector<16xf32>
        %add3A_2451 = arith.addf %get3A_2446, %get3A_2450 : vector<16xf32>
        %max3A_2452 = arith.constant 0.000000e+00 : f32
        %max3A_2453 = vector.broadcast %max3A_2452 : f32 to vector<16xf32>
        %max3A_2454 = arith.maximumf %add3A_2451, %max3A_2453 : vector<16xf32>
        %mul3A_2455 = vector.broadcast %squeeze3A_2419 : f32 to vector<16xf32>
        %mul3A_2456 = arith.mulf %max3A_2454, %mul3A_2455 : vector<16xf32>
        %swap3A_2457 = arith.index_cast %add3A_2423 : i32 to index
        %swap3A_2458 = arith.constant 16 : index
        %swap3A_2459 = tpu.vector_load %arg11[%swap3A_2457, %swap3A_2458] {strides = array<i32>} : memref<32x128xf32, #tpu.memory_space<vmem>>, vector<1x16xf32>,
        %swap3A_2460 = vector.shape_cast %swap3A_2459 : vector<1x16xf32> to vector<16xf32>
        %swap3A_2461 = vector.shape_cast %mul3A_2456 : vector<16xf32> to vector<1x16xf32>
        tpu.vector_store %arg11[%swap3A_2457, %swap3A_2458], %swap3A_2461 {strides = array<i32>} : memref<32x128xf32, #tpu.memory_space<vmem>>, vector<1x16xf32>,
        %get3A_2462 = arith.index_cast %add3A_2423 : i32 to index
        %get3A_2463 = arith.constant 32 : index
        %get3A_2464 = tpu.vector_load %arg11[%get3A_2462, %get3A_2463] {strides = array<i32>} : memref<32x128xf32, #tpu.memory_space<vmem>>, vector<1x16xf32>,
        %get3A_2465 = vector.shape_cast %get3A_2464 : vector<1x16xf32> to vector<16xf32>
        %get3A_2466 = arith.index_cast %add3A_2423 : i32 to index
        %get3A_2467 = arith.constant 32 : index
        %get3A_2468 = tpu.vector_load %arg12[%get3A_2466, %get3A_2467] {strides = array<i32>} : memref<32x128xf32, #tpu.memory_space<vmem>>, vector<1x16xf32>,
        %get3A_2469 = vector.shape_cast %get3A_2468 : vector<1x16xf32> to vector<16xf32>
        %add3A_2470 = arith.addf %get3A_2465, %get3A_2469 : vector<16xf32>
        %max3A_2471 = arith.constant 0.000000e+00 : f32
        %max3A_2472 = vector.broadcast %max3A_2471 : f32 to vector<16xf32>
        %max3A_2473 = arith.maximumf %add3A_2470, %max3A_2472 : vector<16xf32>
        %mul3A_2474 = vector.broadcast %squeeze3A_2419 : f32 to vector<16xf32>
        %mul3A_2475 = arith.mulf %max3A_2473, %mul3A_2474 : vector<16xf32>
        %swap3A_2476 = arith.index_cast %add3A_2423 : i32 to index
        %swap3A_2477 = arith.constant 32 : index
        %swap3A_2478 = tpu.vector_load %arg11[%swap3A_2476, %swap3A_2477] {strides = array<i32>} : memref<32x128xf32, #tpu.memory_space<vmem>>, vector<1x16xf32>,
        %swap3A_2479 = vector.shape_cast %swap3A_2478 : vector<1x16xf32> to vector<16xf32>
        %swap3A_2480 = vector.shape_cast %mul3A_2475 : vector<16xf32> to vector<1x16xf32>
        tpu.vector_store %arg11[%swap3A_2476, %swap3A_2477], %swap3A_2480 {strides = array<i32>} : memref<32x128xf32, #tpu.memory_space<vmem>>, vector<1x16xf32>,
        %get3A_2481 = arith.index_cast %add3A_2423 : i32 to index
        %get3A_2482 = arith.constant 48 : index
        %get3A_2483 = tpu.vector_load %arg11[%get3A_2481, %get3A_2482] {strides = array<i32>} : memref<32x128xf32, #tpu.memory_space<vmem>>, vector<1x16xf32>,
        %get3A_2484 = vector.shape_cast %get3A_2483 : vector<1x16xf32> to vector<16xf32>
        %get3A_2485 = arith.index_cast %add3A_2423 : i32 to index
        %get3A_2486 = arith.constant 48 : index
        %get3A_2487 = tpu.vector_load %arg12[%get3A_2485, %get3A_2486] {strides = array<i32>} : memref<32x128xf32, #tpu.memory_space<vmem>>, vector<1x16xf32>,
        %get3A_2488 = vector.shape_cast %get3A_2487 : vector<1x16xf32> to vector<16xf32>
        %add3A_2489 = arith.addf %get3A_2484, %get3A_2488 : vector<16xf32>
        %max3A_2490 = arith.constant 0.000000e+00 : f32
        %max3A_2491 = vector.broadcast %max3A_2490 : f32 to vector<16xf32>
        %max3A_2492 = arith.maximumf %add3A_2489, %max3A_2491 : vector<16xf32>
        %mul3A_2493 = vector.broadcast %squeeze3A_2419 : f32 to vector<16xf32>
        %mul3A_2494 = arith.mulf %max3A_2492, %mul3A_2493 : vector<16xf32>
        %swap3A_2495 = arith.index_cast %add3A_2423 : i32 to index
        %swap3A_2496 = arith.constant 48 : index
        %swap3A_2497 = tpu.vector_load %arg11[%swap3A_2495, %swap3A_2496] {strides = array<i32>} : memref<32x128xf32, #tpu.memory_space<vmem>>, vector<1x16xf32>,
        %swap3A_2498 = vector.shape_cast %swap3A_2497 : vector<1x16xf32> to vector<16xf32>
        %swap3A_2499 = vector.shape_cast %mul3A_2494 : vector<16xf32> to vector<1x16xf32>
        tpu.vector_store %arg11[%swap3A_2495, %swap3A_2496], %swap3A_2499 {strides = array<i32>} : memref<32x128xf32, #tpu.memory_space<vmem>>, vector<1x16xf32>,
        %get3A_2500 = arith.index_cast %add3A_2423 : i32 to index
        %get3A_2501 = arith.constant 64 : index
        %get3A_2502 = tpu.vector_load %arg11[%get3A_2500, %get3A_2501] {strides = array<i32>} : memref<32x128xf32, #tpu.memory_space<vmem>>, vector<1x16xf32>,
        %get3A_2503 = vector.shape_cast %get3A_2502 : vector<1x16xf32> to vector<16xf32>
        %get3A_2504 = arith.index_cast %add3A_2423 : i32 to index
        %get3A_2505 = arith.constant 64 : index
        %get3A_2506 = tpu.vector_load %arg12[%get3A_2504, %get3A_2505] {strides = array<i32>} : memref<32x128xf32, #tpu.memory_space<vmem>>, vector<1x16xf32>,
        %get3A_2507 = vector.shape_cast %get3A_2506 : vector<1x16xf32> to vector<16xf32>
        %add3A_2508 = arith.addf %get3A_2503, %get3A_2507 : vector<16xf32>
        %max3A_2509 = arith.constant 0.000000e+00 : f32
        %max3A_2510 = vector.broadcast %max3A_2509 : f32 to vector<16xf32>
        %max3A_2511 = arith.maximumf %add3A_2508, %max3A_2510 : vector<16xf32>
        %mul3A_2512 = vector.broadcast %squeeze3A_2419 : f32 to vector<16xf32>
        %mul3A_2513 = arith.mulf %max3A_2511, %mul3A_2512 : vector<16xf32>
        %swap3A_2514 = arith.index_cast %add3A_2423 : i32 to index
        %swap3A_2515 = arith.constant 64 : index
        %swap3A_2516 = tpu.vector_load %arg11[%swap3A_2514, %swap3A_2515] {strides = array<i32>} : memref<32x128xf32, #tpu.memory_space<vmem>>, vector<1x16xf32>,
        %swap3A_2517 = vector.shape_cast %swap3A_2516 : vector<1x16xf32> to vector<16xf32>
        %swap3A_2518 = vector.shape_cast %mul3A_2513 : vector<16xf32> to vector<1x16xf32>
        tpu.vector_store %arg11[%swap3A_2514, %swap3A_2515], %swap3A_2518 {strides = array<i32>} : memref<32x128xf32, #tpu.memory_space<vmem>>, vector<1x16xf32>,
        %get3A_2519 = arith.index_cast %add3A_2423 : i32 to index
        %get3A_2520 = arith.constant 80 : index
        %get3A_2521 = tpu.vector_load %arg11[%get3A_2519, %get3A_2520] {strides = array<i32>} : memref<32x128xf32, #tpu.memory_space<vmem>>, vector<1x16xf32>,
        %get3A_2522 = vector.shape_cast %get3A_2521 : vector<1x16xf32> to vector<16xf32>
        %get3A_2523 = arith.index_cast %add3A_2423 : i32 to index
        %get3A_2524 = arith.constant 80 : index
        %get3A_2525 = tpu.vector_load %arg12[%get3A_2523, %get3A_2524] {strides = array<i32>} : memref<32x128xf32, #tpu.memory_space<vmem>>, vector<1x16xf32>,
        %get3A_2526 = vector.shape_cast %get3A_2525 : vector<1x16xf32> to vector<16xf32>
        %add3A_2527 = arith.addf %get3A_2522, %get3A_2526 : vector<16xf32>
        %max3A_2528 = arith.constant 0.000000e+00 : f32
        %max3A_2529 = vector.broadcast %max3A_2528 : f32 to vector<16xf32>
        %max3A_2530 = arith.maximumf %add3A_2527, %max3A_2529 : vector<16xf32>
        %mul3A_2531 = vector.broadcast %squeeze3A_2419 : f32 to vector<16xf32>
        %mul3A_2532 = arith.mulf %max3A_2530, %mul3A_2531 : vector<16xf32>
        %swap3A_2533 = arith.index_cast %add3A_2423 : i32 to index
        %swap3A_2534 = arith.constant 80 : index
        %swap3A_2535 = tpu.vector_load %arg11[%swap3A_2533, %swap3A_2534] {strides = array<i32>} : memref<32x128xf32, #tpu.memory_space<vmem>>, vector<1x16xf32>,
        %swap3A_2536 = vector.shape_cast %swap3A_2535 : vector<1x16xf32> to vector<16xf32>
        %swap3A_2537 = vector.shape_cast %mul3A_2532 : vector<16xf32> to vector<1x16xf32>
        tpu.vector_store %arg11[%swap3A_2533, %swap3A_2534], %swap3A_2537 {strides = array<i32>} : memref<32x128xf32, #tpu.memory_space<vmem>>, vector<1x16xf32>,
        %get3A_2538 = arith.index_cast %add3A_2423 : i32 to index
        %get3A_2539 = arith.constant 96 : index
        %get3A_2540 = tpu.vector_load %arg11[%get3A_2538, %get3A_2539] {strides = array<i32>} : memref<32x128xf32, #tpu.memory_space<vmem>>, vector<1x16xf32>,
        %get3A_2541 = vector.shape_cast %get3A_2540 : vector<1x16xf32> to vector<16xf32>
        %get3A_2542 = arith.index_cast %add3A_2423 : i32 to index
        %get3A_2543 = arith.constant 96 : index
        %get3A_2544 = tpu.vector_load %arg12[%get3A_2542, %get3A_2543] {strides = array<i32>} : memref<32x128xf32, #tpu.memory_space<vmem>>, vector<1x16xf32>,
        %get3A_2545 = vector.shape_cast %get3A_2544 : vector<1x16xf32> to vector<16xf32>
        %add3A_2546 = arith.addf %get3A_2541, %get3A_2545 : vector<16xf32>
        %max3A_2547 = arith.constant 0.000000e+00 : f32
        %max3A_2548 = vector.broadcast %max3A_2547 : f32 to vector<16xf32>
        %max3A_2549 = arith.maximumf %add3A_2546, %max3A_2548 : vector<16xf32>
        %mul3A_2550 = vector.broadcast %squeeze3A_2419 : f32 to vector<16xf32>
        %mul3A_2551 = arith.mulf %max3A_2549, %mul3A_2550 : vector<16xf32>
        %swap3A_2552 = arith.index_cast %add3A_2423 : i32 to index
        %swap3A_2553 = arith.constant 96 : index
        %swap3A_2554 = tpu.vector_load %arg11[%swap3A_2552, %swap3A_2553] {strides = array<i32>} : memref<32x128xf32, #tpu.memory_space<vmem>>, vector<1x16xf32>,
        %swap3A_2555 = vector.shape_cast %swap3A_2554 : vector<1x16xf32> to vector<16xf32>
        %swap3A_2556 = vector.shape_cast %mul3A_2551 : vector<16xf32> to vector<1x16xf32>
        tpu.vector_store %arg11[%swap3A_2552, %swap3A_2553], %swap3A_2556 {strides = array<i32>} : memref<32x128xf32, #tpu.memory_space<vmem>>, vector<1x16xf32>,
        %get3A_2557 = arith.index_cast %add3A_2423 : i32 to index
        %get3A_2558 = arith.constant 112 : index
        %get3A_2559 = tpu.vector_load %arg11[%get3A_2557, %get3A_2558] {strides = array<i32>} : memref<32x128xf32, #tpu.memory_space<vmem>>, vector<1x16xf32>,
        %get3A_2560 = vector.shape_cast %get3A_2559 : vector<1x16xf32> to vector<16xf32>
        %get3A_2561 = arith.index_cast %add3A_2423 : i32 to index
        %get3A_2562 = arith.constant 112 : index
        %get3A_2563 = tpu.vector_load %arg12[%get3A_2561, %get3A_2562] {strides = array<i32>} : memref<32x128xf32, #tpu.memory_space<vmem>>, vector<1x16xf32>,
        %get3A_2564 = vector.shape_cast %get3A_2563 : vector<1x16xf32> to vector<16xf32>
        %add3A_2565 = arith.addf %get3A_2560, %get3A_2564 : vector<16xf32>
        %max3A_2566 = arith.constant 0.000000e+00 : f32
        %max3A_2567 = vector.broadcast %max3A_2566 : f32 to vector<16xf32>
        %max3A_2568 = arith.maximumf %add3A_2565, %max3A_2567 : vector<16xf32>
        %mul3A_2569 = vector.broadcast %squeeze3A_2419 : f32 to vector<16xf32>
        %mul3A_2570 = arith.mulf %max3A_2568, %mul3A_2569 : vector<16xf32>
        %swap3A_2571 = arith.index_cast %add3A_2423 : i32 to index
        %swap3A_2572 = arith.constant 112 : index
        %swap3A_2573 = tpu.vector_load %arg11[%swap3A_2571, %swap3A_2572] {strides = array<i32>} : memref<32x128xf32, #tpu.memory_space<vmem>>, vector<1x16xf32>,
        %swap3A_2574 = vector.shape_cast %swap3A_2573 : vector<1x16xf32> to vector<16xf32>
        %swap3A_2575 = vector.shape_cast %mul3A_2570 : vector<16xf32> to vector<1x16xf32>
        tpu.vector_store %arg11[%swap3A_2571, %swap3A_2572], %swap3A_2575 {strides = array<i32>} : memref<32x128xf32, #tpu.memory_space<vmem>>, vector<1x16xf32>,
      }
      %scan3A_46 = arith.constant 2 : i32
      "tpu.region"() ({
        %run_scoped3A = tpu.sem_alloc : memref<!tpu.dma_semaphore, #tpu.memory_space<semaphore_mem>>
        %dma_start3A_47 = arith.constant 0 : i32
        %dma_start3A_48 = arith.constant 0 : i32
        %dma_start3A_49 = tpu.memref_slice %arg13[%dma_start3A_47, %dma_start3A_48] : memref<10240x128xf32, #tpu.memory_space<vmem_shared>> -> memref<10240x128xf32, #tpu.memory_space<vmem_shared>>
        tpu.enqueue_indirect_dma source(%arg11 : memref<32x128xf32, #tpu.memory_space<vmem>>) target(%dma_start3A_49 : memref<10240x128xf32, #tpu.memory_space<vmem_shared>>) offsets(%arg8 : memref<32xi32, #tpu.memory_space<vmem>>) semaphore(%run_scoped3A : memref<!tpu.dma_semaphore, #tpu.memory_space<semaphore_mem>>) {add = true}
        %dma_wait3A_50 = arith.constant 0 : i32
        %dma_wait3A_51 = arith.constant 0 : i32
        %dma_wait3A_52 = tpu.memref_slice %arg13[%dma_wait3A_50, %dma_wait3A_51] : memref<10240x128xf32, #tpu.memory_space<vmem_shared>> -> memref<10240x128xf32, #tpu.memory_space<vmem_shared>>
        tpu.wait_indirect_dma semaphore(%run_scoped3A : memref<!tpu.dma_semaphore, #tpu.memory_space<semaphore_mem>>) src(%arg11 : memref<32x128xf32, #tpu.memory_space<vmem>>) dst(%dma_wait3A_52 : memref<10240x128xf32, #tpu.memory_space<vmem_shared>>)
        tpu.yield
      }) : () -> ()
    }
    %scan3A_19 = arith.constant 316 : i32
    %barrier3A_20 = arith.constant 0 : index
    tpu.barrier barrier_id(%barrier3A_20)
    %scan3A_21 = arith.constant 0 : i32
    %scan3A_22 = arith.constant 0 : i32
    %scan3A_23 = arith.constant 20 : i32
    %scan3A_24 = arith.addi %scan3A_22, %scan3A_23 : i32
    %scan3A_25 = arith.constant 1 : i32
    scf.for %scan3A_27 = %scan3A_22 to %scan3A_24 step %scan3A_25  : i32 {
      %mul3A_28 = arith.constant 20 : i32
      %mul3A_29 = arith.muli %arg1, %mul3A_28 : i32
      %add3A_30 = arith.addi %mul3A_29, %scan3A_27 : i32
      %mul3A_31 = arith.constant 32 : i32
      %mul3A_32 = arith.muli %add3A_30, %mul3A_31 : i32
      "tpu.region"() ({
        %run_scoped3A = tpu.sem_alloc : memref<!tpu.dma_semaphore, #tpu.memory_space<semaphore_mem>>
        %dma_start3A = arith.constant 0 : i32
        %dma_start3A_35 = tpu.memref_slice %arg13[%mul3A_32, %dma_start3A] : memref<10240x128xf32, #tpu.memory_space<vmem_shared>> -> memref<32x128xf32, #tpu.memory_space<vmem_shared>>
        %dma_start3A_36 = arith.constant 0 : i32
        %dma_start3A_37 = tpu.memref_slice %arg13[%mul3A_32, %dma_start3A_36] : memref<10240x128xf32, #tpu.memory_space<vmem_shared>> -> memref<32x128xf32, #tpu.memory_space<vmem_shared>>
        tpu.enqueue_dma source(%dma_start3A_37 : memref<32x128xf32, #tpu.memory_space<vmem_shared>>) target(%arg11 : memref<32x128xf32, #tpu.memory_space<vmem>>) target_semaphore(%run_scoped3A : memref<!tpu.dma_semaphore, #tpu.memory_space<semaphore_mem>>)
        %dma_wait3A = arith.constant 0 : i32
        %dma_wait3A_38 = tpu.memref_slice %arg13[%mul3A_32, %dma_wait3A] : memref<10240x128xf32, #tpu.memory_space<vmem_shared>> -> memref<32x128xf32, #tpu.memory_space<vmem_shared>>
        %dma_wait3A_39 = arith.constant 0 : i32
        %dma_wait3A_40 = tpu.memref_slice %arg13[%mul3A_32, %dma_wait3A_39] : memref<10240x128xf32, #tpu.memory_space<vmem_shared>> -> memref<32x128xf32, #tpu.memory_space<vmem_shared>>
        tpu.wait_dma2 semaphore(%run_scoped3A : memref<!tpu.dma_semaphore, #tpu.memory_space<semaphore_mem>>) src(%dma_wait3A_40 : memref<32x128xf32, #tpu.memory_space<vmem_shared>>) dst(%arg11 : memref<32x128xf32, #tpu.memory_space<vmem>>)
        tpu.yield
      }) : () -> ()
      %mul3A_33 = arith.constant 32 : i32
      %mul3A_34 = arith.muli %add3A_30, %mul3A_33 : i32
      "tpu.region"() ({
        %run_scoped3A = tpu.sem_alloc : memref<!tpu.dma_semaphore, #tpu.memory_space<semaphore_mem>>
        %dma_start3A = arith.constant 0 : i32
        %dma_start3A_35 = tpu.memref_slice %arg7[%arg0, %mul3A_34, %dma_start3A] : memref<2x10240x128xf32, #tpu.memory_space<hbm>> -> memref<1x32x128xf32, #tpu.memory_space<hbm>>
        %dma_start3A_36 = tpu.memref_squeeze %dma_start3A_35 : memref<1x32x128xf32, #tpu.memory_space<hbm>> -> memref<32x128xf32, #tpu.memory_space<hbm>>
        %dma_start3A_37 = arith.constant 0 : i32
        %dma_start3A_38 = tpu.memref_slice %arg7[%arg0, %mul3A_34, %dma_start3A_37] : memref<2x10240x128xf32, #tpu.memory_space<hbm>> -> memref<1x32x128xf32, #tpu.memory_space<hbm>>
        %dma_start3A_39 = tpu.memref_squeeze %dma_start3A_38 : memref<1x32x128xf32, #tpu.memory_space<hbm>> -> memref<32x128xf32, #tpu.memory_space<hbm>>
        tpu.enqueue_dma source(%arg11 : memref<32x128xf32, #tpu.memory_space<vmem>>) target(%dma_start3A_39 : memref<32x128xf32, #tpu.memory_space<hbm>>) target_semaphore(%run_scoped3A : memref<!tpu.dma_semaphore, #tpu.memory_space<semaphore_mem>>)
        %dma_wait3A = arith.constant 0 : i32
        %dma_wait3A_40 = tpu.memref_slice %arg7[%arg0, %mul3A_34, %dma_wait3A] : memref<2x10240x128xf32, #tpu.memory_space<hbm>> -> memref<1x32x128xf32, #tpu.memory_space<hbm>>
        %dma_wait3A_41 = tpu.memref_squeeze %dma_wait3A_40 : memref<1x32x128xf32, #tpu.memory_space<hbm>> -> memref<32x128xf32, #tpu.memory_space<hbm>>
        %dma_wait3A_42 = arith.constant 0 : i32
        %dma_wait3A_43 = tpu.memref_slice %arg7[%arg0, %mul3A_34, %dma_wait3A_42] : memref<2x10240x128xf32, #tpu.memory_space<hbm>> -> memref<1x32x128xf32, #tpu.memory_space<hbm>>
        %dma_wait3A_44 = tpu.memref_squeeze %dma_wait3A_43 : memref<1x32x128xf32, #tpu.memory_space<hbm>> -> memref<32x128xf32, #tpu.memory_space<hbm>>
        tpu.wait_dma2 semaphore(%run_scoped3A : memref<!tpu.dma_semaphore, #tpu.memory_space<semaphore_mem>>) src(%arg11 : memref<32x128xf32, #tpu.memory_space<vmem>>) dst(%dma_wait3A_44 : memref<32x128xf32, #tpu.memory_space<hbm>>)
        tpu.yield
      }) : () -> ()
    }
    %scan3A_26 = arith.constant 20 : i32
    return
  }
}

#map = affine_map<(d0, d1) -> (0)>
#map1 = affine_map<(d0, d1) -> (0, 0, 0)>
module attributes {stable_mosaic.version = 14 : i64} {
  func.func @_cnt_body(%arg0: i32, %arg1: i32, %arg2: memref<323584xi32, #tpu.memory_space<hbm>>, %arg3: memref<2x10240x128xf32, #tpu.memory_space<hbm>>, %arg4: memref<64xi32, #tpu.memory_space<vmem>>, %arg5: memref<64x128xf32, #tpu.memory_space<vmem>>, %arg6: memref<10240x128xf32, #tpu.memory_space<vmem_shared>>) attributes {dimension_semantics = [#tpu.dimension_semantics<core_parallel>, #tpu.dimension_semantics<subcore_parallel>], iteration_bounds = array<i64: 2, 16>, scalar_prefetch = 0 : i64, scratch_operands = 3 : i64, tpu.core_type = #tpu.core_type<sc_vector_subcore>, window_params = [{transform_indices = #map}, {transform_indices = #map1}]} {
    %scan3A = arith.constant 0 : i32
    %scan3A_0 = arith.constant 0 : i32
    %scan3A_1 = arith.constant 64 : i32
    %scan3A_2 = arith.addi %scan3A_0, %scan3A_1 : i32
    %scan3A_3 = arith.constant 1 : i32
    scf.for %scan3A_33 = %scan3A_0 to %scan3A_2 step %scan3A_3  : i32 {
      %broadcast_in_dim3A = arith.constant 0.000000e+00 : f32
      %broadcast_in_dim3A_34 = vector.broadcast %broadcast_in_dim3A : f32 to vector<16xf32>
      %swap3A = arith.index_cast %scan3A_33 : i32 to index
      %swap3A_35 = arith.constant 0 : index
      %swap3A_36 = tpu.vector_load %arg5[%swap3A, %swap3A_35] {strides = array<i32>} : memref<64x128xf32, #tpu.memory_space<vmem>>, vector<1x16xf32>,
      %swap3A_37 = vector.shape_cast %swap3A_36 : vector<1x16xf32> to vector<16xf32>
      %swap3A_38 = vector.shape_cast %broadcast_in_dim3A_34 : vector<16xf32> to vector<1x16xf32>
      tpu.vector_store %arg5[%swap3A, %swap3A_35], %swap3A_38 {strides = array<i32>} : memref<64x128xf32, #tpu.memory_space<vmem>>, vector<1x16xf32>,
      %broadcast_in_dim3A_39 = arith.constant 0.000000e+00 : f32
      %broadcast_in_dim3A_40 = vector.broadcast %broadcast_in_dim3A_39 : f32 to vector<16xf32>
      %swap3A_41 = arith.index_cast %scan3A_33 : i32 to index
      %swap3A_42 = arith.constant 16 : index
      %swap3A_43 = tpu.vector_load %arg5[%swap3A_41, %swap3A_42] {strides = array<i32>} : memref<64x128xf32, #tpu.memory_space<vmem>>, vector<1x16xf32>,
      %swap3A_44 = vector.shape_cast %swap3A_43 : vector<1x16xf32> to vector<16xf32>
      %swap3A_45 = vector.shape_cast %broadcast_in_dim3A_40 : vector<16xf32> to vector<1x16xf32>
      tpu.vector_store %arg5[%swap3A_41, %swap3A_42], %swap3A_45 {strides = array<i32>} : memref<64x128xf32, #tpu.memory_space<vmem>>, vector<1x16xf32>,
      %broadcast_in_dim3A_46 = arith.constant 0.000000e+00 : f32
      %broadcast_in_dim3A_47 = vector.broadcast %broadcast_in_dim3A_46 : f32 to vector<16xf32>
      %swap3A_48 = arith.index_cast %scan3A_33 : i32 to index
      %swap3A_49 = arith.constant 32 : index
      %swap3A_50 = tpu.vector_load %arg5[%swap3A_48, %swap3A_49] {strides = array<i32>} : memref<64x128xf32, #tpu.memory_space<vmem>>, vector<1x16xf32>,
      %swap3A_51 = vector.shape_cast %swap3A_50 : vector<1x16xf32> to vector<16xf32>
      %swap3A_52 = vector.shape_cast %broadcast_in_dim3A_47 : vector<16xf32> to vector<1x16xf32>
      tpu.vector_store %arg5[%swap3A_48, %swap3A_49], %swap3A_52 {strides = array<i32>} : memref<64x128xf32, #tpu.memory_space<vmem>>, vector<1x16xf32>,
      %broadcast_in_dim3A_53 = arith.constant 0.000000e+00 : f32
      %broadcast_in_dim3A_54 = vector.broadcast %broadcast_in_dim3A_53 : f32 to vector<16xf32>
      %swap3A_55 = arith.index_cast %scan3A_33 : i32 to index
      %swap3A_56 = arith.constant 48 : index
      %swap3A_57 = tpu.vector_load %arg5[%swap3A_55, %swap3A_56] {strides = array<i32>} : memref<64x128xf32, #tpu.memory_space<vmem>>, vector<1x16xf32>,
      %swap3A_58 = vector.shape_cast %swap3A_57 : vector<1x16xf32> to vector<16xf32>
      %swap3A_59 = vector.shape_cast %broadcast_in_dim3A_54 : vector<16xf32> to vector<1x16xf32>
      tpu.vector_store %arg5[%swap3A_55, %swap3A_56], %swap3A_59 {strides = array<i32>} : memref<64x128xf32, #tpu.memory_space<vmem>>, vector<1x16xf32>,
      %broadcast_in_dim3A_60 = arith.constant 0.000000e+00 : f32
      %broadcast_in_dim3A_61 = vector.broadcast %broadcast_in_dim3A_60 : f32 to vector<16xf32>
      %swap3A_62 = arith.index_cast %scan3A_33 : i32 to index
      %swap3A_63 = arith.constant 64 : index
      %swap3A_64 = tpu.vector_load %arg5[%swap3A_62, %swap3A_63] {strides = array<i32>} : memref<64x128xf32, #tpu.memory_space<vmem>>, vector<1x16xf32>,
      %swap3A_65 = vector.shape_cast %swap3A_64 : vector<1x16xf32> to vector<16xf32>
      %swap3A_66 = vector.shape_cast %broadcast_in_dim3A_61 : vector<16xf32> to vector<1x16xf32>
      tpu.vector_store %arg5[%swap3A_62, %swap3A_63], %swap3A_66 {strides = array<i32>} : memref<64x128xf32, #tpu.memory_space<vmem>>, vector<1x16xf32>,
      %broadcast_in_dim3A_67 = arith.constant 0.000000e+00 : f32
      %broadcast_in_dim3A_68 = vector.broadcast %broadcast_in_dim3A_67 : f32 to vector<16xf32>
      %swap3A_69 = arith.index_cast %scan3A_33 : i32 to index
      %swap3A_70 = arith.constant 80 : index
      %swap3A_71 = tpu.vector_load %arg5[%swap3A_69, %swap3A_70] {strides = array<i32>} : memref<64x128xf32, #tpu.memory_space<vmem>>, vector<1x16xf32>,
      %swap3A_72 = vector.shape_cast %swap3A_71 : vector<1x16xf32> to vector<16xf32>
      %swap3A_73 = vector.shape_cast %broadcast_in_dim3A_68 : vector<16xf32> to vector<1x16xf32>
      tpu.vector_store %arg5[%swap3A_69, %swap3A_70], %swap3A_73 {strides = array<i32>} : memref<64x128xf32, #tpu.memory_space<vmem>>, vector<1x16xf32>,
      %broadcast_in_dim3A_74 = arith.constant 0.000000e+00 : f32
      %broadcast_in_dim3A_75 = vector.broadcast %broadcast_in_dim3A_74 : f32 to vector<16xf32>
      %swap3A_76 = arith.index_cast %scan3A_33 : i32 to index
      %swap3A_77 = arith.constant 96 : index
      %swap3A_78 = tpu.vector_load %arg5[%swap3A_76, %swap3A_77] {strides = array<i32>} : memref<64x128xf32, #tpu.memory_space<vmem>>, vector<1x16xf32>,
      %swap3A_79 = vector.shape_cast %swap3A_78 : vector<1x16xf32> to vector<16xf32>
      %swap3A_80 = vector.shape_cast %broadcast_in_dim3A_75 : vector<16xf32> to vector<1x16xf32>
      tpu.vector_store %arg5[%swap3A_76, %swap3A_77], %swap3A_80 {strides = array<i32>} : memref<64x128xf32, #tpu.memory_space<vmem>>, vector<1x16xf32>,
      %broadcast_in_dim3A_81 = arith.constant 0.000000e+00 : f32
      %broadcast_in_dim3A_82 = vector.broadcast %broadcast_in_dim3A_81 : f32 to vector<16xf32>
      %swap3A_83 = arith.index_cast %scan3A_33 : i32 to index
      %swap3A_84 = arith.constant 112 : index
      %swap3A_85 = tpu.vector_load %arg5[%swap3A_83, %swap3A_84] {strides = array<i32>} : memref<64x128xf32, #tpu.memory_space<vmem>>, vector<1x16xf32>,
      %swap3A_86 = vector.shape_cast %swap3A_85 : vector<1x16xf32> to vector<16xf32>
      %swap3A_87 = vector.shape_cast %broadcast_in_dim3A_82 : vector<16xf32> to vector<1x16xf32>
      tpu.vector_store %arg5[%swap3A_83, %swap3A_84], %swap3A_87 {strides = array<i32>} : memref<64x128xf32, #tpu.memory_space<vmem>>, vector<1x16xf32>,
    }
    %scan3A_4 = arith.constant 64 : i32
    %scan3A_5 = arith.constant 0 : i32
    %scan3A_6 = arith.constant 0 : i32
    %scan3A_7 = arith.constant 10 : i32
    %scan3A_8 = arith.addi %scan3A_6, %scan3A_7 : i32
    %scan3A_9 = arith.constant 1 : i32
    scf.for %scan3A_33 = %scan3A_6 to %scan3A_8 step %scan3A_9  : i32 {
      %mul3A_34 = arith.constant 10 : i32
      %mul3A_35 = arith.muli %arg1, %mul3A_34 : i32
      %add3A_36 = arith.addi %mul3A_35, %scan3A_33 : i32
      %mul3A_37 = arith.constant 64 : i32
      %mul3A_38 = arith.muli %add3A_36, %mul3A_37 : i32
      "tpu.region"() ({
        %run_scoped3A = tpu.sem_alloc : memref<!tpu.dma_semaphore, #tpu.memory_space<semaphore_mem>>
        %dma_start3A = arith.constant 0 : i32
        %dma_start3A_39 = tpu.memref_slice %arg6[%mul3A_38, %dma_start3A] : memref<10240x128xf32, #tpu.memory_space<vmem_shared>> -> memref<64x128xf32, #tpu.memory_space<vmem_shared>>
        %dma_start3A_40 = arith.constant 0 : i32
        %dma_start3A_41 = tpu.memref_slice %arg6[%mul3A_38, %dma_start3A_40] : memref<10240x128xf32, #tpu.memory_space<vmem_shared>> -> memref<64x128xf32, #tpu.memory_space<vmem_shared>>
        tpu.enqueue_dma source(%arg5 : memref<64x128xf32, #tpu.memory_space<vmem>>) target(%dma_start3A_41 : memref<64x128xf32, #tpu.memory_space<vmem_shared>>) target_semaphore(%run_scoped3A : memref<!tpu.dma_semaphore, #tpu.memory_space<semaphore_mem>>)
        %dma_wait3A = arith.constant 0 : i32
        %dma_wait3A_42 = tpu.memref_slice %arg6[%mul3A_38, %dma_wait3A] : memref<10240x128xf32, #tpu.memory_space<vmem_shared>> -> memref<64x128xf32, #tpu.memory_space<vmem_shared>>
        %dma_wait3A_43 = arith.constant 0 : i32
        %dma_wait3A_44 = tpu.memref_slice %arg6[%mul3A_38, %dma_wait3A_43] : memref<10240x128xf32, #tpu.memory_space<vmem_shared>> -> memref<64x128xf32, #tpu.memory_space<vmem_shared>>
        tpu.wait_dma2 semaphore(%run_scoped3A : memref<!tpu.dma_semaphore, #tpu.memory_space<semaphore_mem>>) src(%arg5 : memref<64x128xf32, #tpu.memory_space<vmem>>) dst(%dma_wait3A_44 : memref<64x128xf32, #tpu.memory_space<vmem_shared>>)
        tpu.yield
      }) : () -> ()
    }
    %scan3A_10 = arith.constant 10 : i32
    %scan3A_11 = arith.constant 0 : i32
    %scan3A_12 = arith.constant 0 : i32
    %scan3A_13 = arith.constant 64 : i32
    %scan3A_14 = arith.addi %scan3A_12, %scan3A_13 : i32
    %scan3A_15 = arith.constant 1 : i32
    scf.for %scan3A_33 = %scan3A_12 to %scan3A_14 step %scan3A_15  : i32 {
      %broadcast_in_dim3A = arith.constant 1.000000e+00 : f32
      %broadcast_in_dim3A_34 = vector.broadcast %broadcast_in_dim3A : f32 to vector<16xf32>
      %swap3A = arith.index_cast %scan3A_33 : i32 to index
      %swap3A_35 = arith.constant 0 : index
      %swap3A_36 = tpu.vector_load %arg5[%swap3A, %swap3A_35] {strides = array<i32>} : memref<64x128xf32, #tpu.memory_space<vmem>>, vector<1x16xf32>,
      %swap3A_37 = vector.shape_cast %swap3A_36 : vector<1x16xf32> to vector<16xf32>
      %swap3A_38 = vector.shape_cast %broadcast_in_dim3A_34 : vector<16xf32> to vector<1x16xf32>
      tpu.vector_store %arg5[%swap3A, %swap3A_35], %swap3A_38 {strides = array<i32>} : memref<64x128xf32, #tpu.memory_space<vmem>>, vector<1x16xf32>,
      %broadcast_in_dim3A_39 = arith.constant 1.000000e+00 : f32
      %broadcast_in_dim3A_40 = vector.broadcast %broadcast_in_dim3A_39 : f32 to vector<16xf32>
      %swap3A_41 = arith.index_cast %scan3A_33 : i32 to index
      %swap3A_42 = arith.constant 16 : index
      %swap3A_43 = tpu.vector_load %arg5[%swap3A_41, %swap3A_42] {strides = array<i32>} : memref<64x128xf32, #tpu.memory_space<vmem>>, vector<1x16xf32>,
      %swap3A_44 = vector.shape_cast %swap3A_43 : vector<1x16xf32> to vector<16xf32>
      %swap3A_45 = vector.shape_cast %broadcast_in_dim3A_40 : vector<16xf32> to vector<1x16xf32>
      tpu.vector_store %arg5[%swap3A_41, %swap3A_42], %swap3A_45 {strides = array<i32>} : memref<64x128xf32, #tpu.memory_space<vmem>>, vector<1x16xf32>,
      %broadcast_in_dim3A_46 = arith.constant 1.000000e+00 : f32
      %broadcast_in_dim3A_47 = vector.broadcast %broadcast_in_dim3A_46 : f32 to vector<16xf32>
      %swap3A_48 = arith.index_cast %scan3A_33 : i32 to index
      %swap3A_49 = arith.constant 32 : index
      %swap3A_50 = tpu.vector_load %arg5[%swap3A_48, %swap3A_49] {strides = array<i32>} : memref<64x128xf32, #tpu.memory_space<vmem>>, vector<1x16xf32>,
      %swap3A_51 = vector.shape_cast %swap3A_50 : vector<1x16xf32> to vector<16xf32>
      %swap3A_52 = vector.shape_cast %broadcast_in_dim3A_47 : vector<16xf32> to vector<1x16xf32>
      tpu.vector_store %arg5[%swap3A_48, %swap3A_49], %swap3A_52 {strides = array<i32>} : memref<64x128xf32, #tpu.memory_space<vmem>>, vector<1x16xf32>,
      %broadcast_in_dim3A_53 = arith.constant 1.000000e+00 : f32
      %broadcast_in_dim3A_54 = vector.broadcast %broadcast_in_dim3A_53 : f32 to vector<16xf32>
      %swap3A_55 = arith.index_cast %scan3A_33 : i32 to index
      %swap3A_56 = arith.constant 48 : index
      %swap3A_57 = tpu.vector_load %arg5[%swap3A_55, %swap3A_56] {strides = array<i32>} : memref<64x128xf32, #tpu.memory_space<vmem>>, vector<1x16xf32>,
      %swap3A_58 = vector.shape_cast %swap3A_57 : vector<1x16xf32> to vector<16xf32>
      %swap3A_59 = vector.shape_cast %broadcast_in_dim3A_54 : vector<16xf32> to vector<1x16xf32>
      tpu.vector_store %arg5[%swap3A_55, %swap3A_56], %swap3A_59 {strides = array<i32>} : memref<64x128xf32, #tpu.memory_space<vmem>>, vector<1x16xf32>,
      %broadcast_in_dim3A_60 = arith.constant 1.000000e+00 : f32
      %broadcast_in_dim3A_61 = vector.broadcast %broadcast_in_dim3A_60 : f32 to vector<16xf32>
      %swap3A_62 = arith.index_cast %scan3A_33 : i32 to index
      %swap3A_63 = arith.constant 64 : index
      %swap3A_64 = tpu.vector_load %arg5[%swap3A_62, %swap3A_63] {strides = array<i32>} : memref<64x128xf32, #tpu.memory_space<vmem>>, vector<1x16xf32>,
      %swap3A_65 = vector.shape_cast %swap3A_64 : vector<1x16xf32> to vector<16xf32>
      %swap3A_66 = vector.shape_cast %broadcast_in_dim3A_61 : vector<16xf32> to vector<1x16xf32>
      tpu.vector_store %arg5[%swap3A_62, %swap3A_63], %swap3A_66 {strides = array<i32>} : memref<64x128xf32, #tpu.memory_space<vmem>>, vector<1x16xf32>,
      %broadcast_in_dim3A_67 = arith.constant 1.000000e+00 : f32
      %broadcast_in_dim3A_68 = vector.broadcast %broadcast_in_dim3A_67 : f32 to vector<16xf32>
      %swap3A_69 = arith.index_cast %scan3A_33 : i32 to index
      %swap3A_70 = arith.constant 80 : index
      %swap3A_71 = tpu.vector_load %arg5[%swap3A_69, %swap3A_70] {strides = array<i32>} : memref<64x128xf32, #tpu.memory_space<vmem>>, vector<1x16xf32>,
      %swap3A_72 = vector.shape_cast %swap3A_71 : vector<1x16xf32> to vector<16xf32>
      %swap3A_73 = vector.shape_cast %broadcast_in_dim3A_68 : vector<16xf32> to vector<1x16xf32>
      tpu.vector_store %arg5[%swap3A_69, %swap3A_70], %swap3A_73 {strides = array<i32>} : memref<64x128xf32, #tpu.memory_space<vmem>>, vector<1x16xf32>,
      %broadcast_in_dim3A_74 = arith.constant 1.000000e+00 : f32
      %broadcast_in_dim3A_75 = vector.broadcast %broadcast_in_dim3A_74 : f32 to vector<16xf32>
      %swap3A_76 = arith.index_cast %scan3A_33 : i32 to index
      %swap3A_77 = arith.constant 96 : index
      %swap3A_78 = tpu.vector_load %arg5[%swap3A_76, %swap3A_77] {strides = array<i32>} : memref<64x128xf32, #tpu.memory_space<vmem>>, vector<1x16xf32>,
      %swap3A_79 = vector.shape_cast %swap3A_78 : vector<1x16xf32> to vector<16xf32>
      %swap3A_80 = vector.shape_cast %broadcast_in_dim3A_75 : vector<16xf32> to vector<1x16xf32>
      tpu.vector_store %arg5[%swap3A_76, %swap3A_77], %swap3A_80 {strides = array<i32>} : memref<64x128xf32, #tpu.memory_space<vmem>>, vector<1x16xf32>,
      %broadcast_in_dim3A_81 = arith.constant 1.000000e+00 : f32
      %broadcast_in_dim3A_82 = vector.broadcast %broadcast_in_dim3A_81 : f32 to vector<16xf32>
      %swap3A_83 = arith.index_cast %scan3A_33 : i32 to index
      %swap3A_84 = arith.constant 112 : index
      %swap3A_85 = tpu.vector_load %arg5[%swap3A_83, %swap3A_84] {strides = array<i32>} : memref<64x128xf32, #tpu.memory_space<vmem>>, vector<1x16xf32>,
      %swap3A_86 = vector.shape_cast %swap3A_85 : vector<1x16xf32> to vector<16xf32>
      %swap3A_87 = vector.shape_cast %broadcast_in_dim3A_82 : vector<16xf32> to vector<1x16xf32>
      tpu.vector_store %arg5[%swap3A_83, %swap3A_84], %swap3A_87 {strides = array<i32>} : memref<64x128xf32, #tpu.memory_space<vmem>>, vector<1x16xf32>,
    }
    %scan3A_16 = arith.constant 64 : i32
    %barrier3A = arith.constant 0 : index
    tpu.barrier barrier_id(%barrier3A)
    %mul3A = arith.constant 16 : i32
    %mul3A_17 = arith.muli %arg0, %mul3A : i32
    %add3A = arith.addi %mul3A_17, %arg1 : i32
    %mul3A_18 = arith.constant 10112 : i32
    %mul3A_19 = arith.muli %add3A, %mul3A_18 : i32
    %scan3A_20 = arith.constant 0 : i32
    %scan3A_21 = arith.constant 0 : i32
    %scan3A_22 = arith.constant 158 : i32
    %scan3A_23 = arith.addi %scan3A_21, %scan3A_22 : i32
    %scan3A_24 = arith.constant 1 : i32
    scf.for %scan3A_33 = %scan3A_21 to %scan3A_23 step %scan3A_24  : i32 {
      %mul3A_34 = arith.constant 64 : i32
      %mul3A_35 = arith.muli %scan3A_33, %mul3A_34 : i32
      %add3A_36 = arith.addi %mul3A_19, %mul3A_35 : i32
      "tpu.region"() ({
        %run_scoped3A = tpu.sem_alloc : memref<!tpu.dma_semaphore, #tpu.memory_space<semaphore_mem>>
        %dma_start3A = tpu.memref_slice %arg2[%add3A_36] : memref<323584xi32, #tpu.memory_space<hbm>> -> memref<64xi32, #tpu.memory_space<hbm>>
        %dma_start3A_37 = tpu.memref_slice %arg2[%add3A_36] : memref<323584xi32, #tpu.memory_space<hbm>> -> memref<64xi32, #tpu.memory_space<hbm>>
        tpu.enqueue_dma source(%dma_start3A_37 : memref<64xi32, #tpu.memory_space<hbm>>) target(%arg4 : memref<64xi32, #tpu.memory_space<vmem>>) target_semaphore(%run_scoped3A : memref<!tpu.dma_semaphore, #tpu.memory_space<semaphore_mem>>)
        %dma_wait3A = tpu.memref_slice %arg2[%add3A_36] : memref<323584xi32, #tpu.memory_space<hbm>> -> memref<64xi32, #tpu.memory_space<hbm>>
        %dma_wait3A_38 = tpu.memref_slice %arg2[%add3A_36] : memref<323584xi32, #tpu.memory_space<hbm>> -> memref<64xi32, #tpu.memory_space<hbm>>
        tpu.wait_dma2 semaphore(%run_scoped3A : memref<!tpu.dma_semaphore, #tpu.memory_space<semaphore_mem>>) src(%dma_wait3A_38 : memref<64xi32, #tpu.memory_space<hbm>>) dst(%arg4 : memref<64xi32, #tpu.memory_space<vmem>>)
        tpu.yield
      }) : () -> ()
      "tpu.region"() ({
        %run_scoped3A = tpu.sem_alloc : memref<!tpu.dma_semaphore, #tpu.memory_space<semaphore_mem>>
        %dma_start3A = arith.constant 0 : i32
        %dma_start3A_37 = arith.constant 0 : i32
        %dma_start3A_38 = tpu.memref_slice %arg6[%dma_start3A, %dma_start3A_37] : memref<10240x128xf32, #tpu.memory_space<vmem_shared>> -> memref<10240x128xf32, #tpu.memory_space<vmem_shared>>
        tpu.enqueue_indirect_dma source(%arg5 : memref<64x128xf32, #tpu.memory_space<vmem>>) target(%dma_start3A_38 : memref<10240x128xf32, #tpu.memory_space<vmem_shared>>) offsets(%arg4 : memref<64xi32, #tpu.memory_space<vmem>>) semaphore(%run_scoped3A : memref<!tpu.dma_semaphore, #tpu.memory_space<semaphore_mem>>) {add = true}
        %dma_wait3A = arith.constant 0 : i32
        %dma_wait3A_39 = arith.constant 0 : i32
        %dma_wait3A_40 = tpu.memref_slice %arg6[%dma_wait3A, %dma_wait3A_39] : memref<10240x128xf32, #tpu.memory_space<vmem_shared>> -> memref<10240x128xf32, #tpu.memory_space<vmem_shared>>
        tpu.wait_indirect_dma semaphore(%run_scoped3A : memref<!tpu.dma_semaphore, #tpu.memory_space<semaphore_mem>>) src(%arg5 : memref<64x128xf32, #tpu.memory_space<vmem>>) dst(%dma_wait3A_40 : memref<10240x128xf32, #tpu.memory_space<vmem_shared>>)
        tpu.yield
      }) : () -> ()
    }
    %scan3A_25 = arith.constant 158 : i32
    %barrier3A_26 = arith.constant 0 : index
    tpu.barrier barrier_id(%barrier3A_26)
    %scan3A_27 = arith.constant 0 : i32
    %scan3A_28 = arith.constant 0 : i32
    %scan3A_29 = arith.constant 10 : i32
    %scan3A_30 = arith.addi %scan3A_28, %scan3A_29 : i32
    %scan3A_31 = arith.constant 1 : i32
    scf.for %scan3A_33 = %scan3A_28 to %scan3A_30 step %scan3A_31  : i32 {
      %mul3A_34 = arith.constant 10 : i32
      %mul3A_35 = arith.muli %arg1, %mul3A_34 : i32
      %add3A_36 = arith.addi %mul3A_35, %scan3A_33 : i32
      %mul3A_37 = arith.constant 64 : i32
      %mul3A_38 = arith.muli %add3A_36, %mul3A_37 : i32
      "tpu.region"() ({
        %run_scoped3A = tpu.sem_alloc : memref<!tpu.dma_semaphore, #tpu.memory_space<semaphore_mem>>
        %dma_start3A = arith.constant 0 : i32
        %dma_start3A_41 = tpu.memref_slice %arg6[%mul3A_38, %dma_start3A] : memref<10240x128xf32, #tpu.memory_space<vmem_shared>> -> memref<64x128xf32, #tpu.memory_space<vmem_shared>>
        %dma_start3A_42 = arith.constant 0 : i32
        %dma_start3A_43 = tpu.memref_slice %arg6[%mul3A_38, %dma_start3A_42] : memref<10240x128xf32, #tpu.memory_space<vmem_shared>> -> memref<64x128xf32, #tpu.memory_space<vmem_shared>>
        tpu.enqueue_dma source(%dma_start3A_43 : memref<64x128xf32, #tpu.memory_space<vmem_shared>>) target(%arg5 : memref<64x128xf32, #tpu.memory_space<vmem>>) target_semaphore(%run_scoped3A : memref<!tpu.dma_semaphore, #tpu.memory_space<semaphore_mem>>)
        %dma_wait3A = arith.constant 0 : i32
        %dma_wait3A_44 = tpu.memref_slice %arg6[%mul3A_38, %dma_wait3A] : memref<10240x128xf32, #tpu.memory_space<vmem_shared>> -> memref<64x128xf32, #tpu.memory_space<vmem_shared>>
        %dma_wait3A_45 = arith.constant 0 : i32
        %dma_wait3A_46 = tpu.memref_slice %arg6[%mul3A_38, %dma_wait3A_45] : memref<10240x128xf32, #tpu.memory_space<vmem_shared>> -> memref<64x128xf32, #tpu.memory_space<vmem_shared>>
        tpu.wait_dma2 semaphore(%run_scoped3A : memref<!tpu.dma_semaphore, #tpu.memory_space<semaphore_mem>>) src(%dma_wait3A_46 : memref<64x128xf32, #tpu.memory_space<vmem_shared>>) dst(%arg5 : memref<64x128xf32, #tpu.memory_space<vmem>>)
        tpu.yield
      }) : () -> ()
      %mul3A_39 = arith.constant 64 : i32
      %mul3A_40 = arith.muli %add3A_36, %mul3A_39 : i32
      "tpu.region"() ({
        %run_scoped3A = tpu.sem_alloc : memref<!tpu.dma_semaphore, #tpu.memory_space<semaphore_mem>>
        %dma_start3A = arith.constant 0 : i32
        %dma_start3A_41 = tpu.memref_slice %arg3[%arg0, %mul3A_40, %dma_start3A] : memref<2x10240x128xf32, #tpu.memory_space<hbm>> -> memref<1x64x128xf32, #tpu.memory_space<hbm>>
        %dma_start3A_42 = tpu.memref_squeeze %dma_start3A_41 : memref<1x64x128xf32, #tpu.memory_space<hbm>> -> memref<64x128xf32, #tpu.memory_space<hbm>>
        %dma_start3A_43 = arith.constant 0 : i32
        %dma_start3A_44 = tpu.memref_slice %arg3[%arg0, %mul3A_40, %dma_start3A_43] : memref<2x10240x128xf32, #tpu.memory_space<hbm>> -> memref<1x64x128xf32, #tpu.memory_space<hbm>>
        %dma_start3A_45 = tpu.memref_squeeze %dma_start3A_44 : memref<1x64x128xf32, #tpu.memory_space<hbm>> -> memref<64x128xf32, #tpu.memory_space<hbm>>
        tpu.enqueue_dma source(%arg5 : memref<64x128xf32, #tpu.memory_space<vmem>>) target(%dma_start3A_45 : memref<64x128xf32, #tpu.memory_space<hbm>>) target_semaphore(%run_scoped3A : memref<!tpu.dma_semaphore, #tpu.memory_space<semaphore_mem>>)
        %dma_wait3A = arith.constant 0 : i32
        %dma_wait3A_46 = tpu.memref_slice %arg3[%arg0, %mul3A_40, %dma_wait3A] : memref<2x10240x128xf32, #tpu.memory_space<hbm>> -> memref<1x64x128xf32, #tpu.memory_space<hbm>>
        %dma_wait3A_47 = tpu.memref_squeeze %dma_wait3A_46 : memref<1x64x128xf32, #tpu.memory_space<hbm>> -> memref<64x128xf32, #tpu.memory_space<hbm>>
        %dma_wait3A_48 = arith.constant 0 : i32
        %dma_wait3A_49 = tpu.memref_slice %arg3[%arg0, %mul3A_40, %dma_wait3A_48] : memref<2x10240x128xf32, #tpu.memory_space<hbm>> -> memref<1x64x128xf32, #tpu.memory_space<hbm>>
        %dma_wait3A_50 = tpu.memref_squeeze %dma_wait3A_49 : memref<1x64x128xf32, #tpu.memory_space<hbm>> -> memref<64x128xf32, #tpu.memory_space<hbm>>
        tpu.wait_dma2 semaphore(%run_scoped3A : memref<!tpu.dma_semaphore, #tpu.memory_space<semaphore_mem>>) src(%arg5 : memref<64x128xf32, #tpu.memory_space<vmem>>) dst(%dma_wait3A_50 : memref<64x128xf32, #tpu.memory_space<hbm>>)
        tpu.yield
      }) : () -> ()
    }
    %scan3A_32 = arith.constant 10 : i32
    return
  }
}

module attributes {stable_mosaic.version = 14 : i64} {
  func.func @_pq_body(%arg0: i32, %arg1: memref<1280x128xf32, #tpu.memory_space<vmem>>, %arg2: memref<256x128xf32, #tpu.memory_space<vmem>>, %arg3: memref<1x128xf32, #tpu.memory_space<vmem>>, %arg4: memref<1280x128xf32, #tpu.memory_space<vmem>>, %arg5: memref<1280x128xf32, #tpu.memory_space<vmem>>) attributes {dimension_semantics = [#tpu.dimension_semantics<arbitrary>], iteration_bounds = array<i64: 8>, scalar_prefetch = 0 : i64, scratch_operands = 0 : i64, tpu.core_type = #tpu.core_type<tc>, window_params = [{transform_indices = @transform_0, window_bounds = array<i64: 1280, 128>}, {pipeline_mode = #tpu.pipeline_mode<synchronous>, transform_indices = @transform_1, window_bounds = array<i64: 256, 128>}, {pipeline_mode = #tpu.pipeline_mode<synchronous>, transform_indices = @transform_2, window_bounds = array<i64: 1, 128>}, {transform_indices = @transform_3, window_bounds = array<i64: 1280, 128>}, {transform_indices = @transform_4, window_bounds = array<i64: 1280, 128>}]} {
    %get3A = arith.constant 0 : index
    %get3A_0 = arith.constant 0 : index
    %get3A_1 = vector.load %arg1[%get3A, %get3A_0] : memref<1280x128xf32, #tpu.memory_space<vmem>>, vector<1280x128xf32>
    %get3A_2 = arith.constant 0 : index
    %get3A_3 = arith.constant 0 : index
    %get3A_4 = vector.load %arg2[%get3A_2, %get3A_3] : memref<256x128xf32, #tpu.memory_space<vmem>>, vector<256x128xf32>
    %slice3A = vector.extract_strided_slice %get3A_4 {offsets = [0, 0], sizes = [128, 128], strides = [1, 1]} : vector<256x128xf32> to vector<128x128xf32>
    %dot_general3A = arith.constant dense<0.000000e+00> : vector<1280x128xf32>
    %dot_general3A_5 = tpu.matmul %get3A_1, %slice3A, %dot_general3A {dimension_numbers = #tpu.dot_dimension_numbers<[1], [0], [0], [1], [0, 0, 1, 1], [], []>, transpose_lhs_hint = false} : vector<1280x128xf32>, vector<128x128xf32>, vector<1280x128xf32> -> vector<1280x128xf32>
    %get3A_6 = arith.constant 0 : index
    %get3A_7 = arith.constant 0 : index
    %get3A_8 = vector.load %arg3[%get3A_6, %get3A_7] : memref<1x128xf32, #tpu.memory_space<vmem>>, vector<1x128xf32>
    %add3A = vector.broadcast %get3A_8 : vector<1x128xf32> to vector<1280x128xf32>
    %add3A_9 = arith.addf %dot_general3A_5, %add3A : vector<1280x128xf32>
    %swap3A = arith.constant 0 : index
    %swap3A_10 = arith.constant 0 : index
    %swap3A_11 = vector.load %arg4[%swap3A, %swap3A_10] : memref<1280x128xf32, #tpu.memory_space<vmem>>, vector<1280x128xf32>
    tpu.vector_store %arg4[%swap3A, %swap3A_10], %add3A_9 {strides = array<i32>} : memref<1280x128xf32, #tpu.memory_space<vmem>>, vector<1280x128xf32>,
    %slice3A_12 = vector.extract_strided_slice %get3A_4 {offsets = [128, 0], sizes = [128, 128], strides = [1, 1]} : vector<256x128xf32> to vector<128x128xf32>
    %dot_general3A_13 = arith.constant dense<0.000000e+00> : vector<1280x128xf32>
    %dot_general3A_14 = tpu.matmul %get3A_1, %slice3A_12, %dot_general3A_13 {dimension_numbers = #tpu.dot_dimension_numbers<[1], [0], [0], [1], [0, 0, 1, 1], [], []>, transpose_lhs_hint = false} : vector<1280x128xf32>, vector<128x128xf32>, vector<1280x128xf32> -> vector<1280x128xf32>
    %swap3A_15 = arith.constant 0 : index
    %swap3A_16 = arith.constant 0 : index
    %swap3A_17 = vector.load %arg5[%swap3A_15, %swap3A_16] : memref<1280x128xf32, #tpu.memory_space<vmem>>, vector<1280x128xf32>
    tpu.vector_store %arg5[%swap3A_15, %swap3A_16], %dot_general3A_14 {strides = array<i32>} : memref<1280x128xf32, #tpu.memory_space<vmem>>, vector<1280x128xf32>,
    return
  }
  func.func @transform_0(%arg0: i32) -> (i32, i32) {
    %c0_i32 = arith.constant 0 : i32
    %c0_i32_0 = arith.constant 0 : i32
    return %arg0, %c0_i32 : i32, i32
  }
  func.func @transform_1(%arg0: i32) -> (i32, i32) {
    %c0_i32 = arith.constant 0 : i32
    %c0_i32_0 = arith.constant 0 : i32
    %c0_i32_1 = arith.constant 0 : i32
    return %c0_i32, %c0_i32_0 : i32, i32
  }
  func.func @transform_2(%arg0: i32) -> (i32, i32) {
    %c0_i32 = arith.constant 0 : i32
    %c0_i32_0 = arith.constant 0 : i32
    %c0_i32_1 = arith.constant 0 : i32
    return %c0_i32, %c0_i32_0 : i32, i32
  }
  func.func @transform_3(%arg0: i32) -> (i32, i32) {
    %c0_i32 = arith.constant 0 : i32
    %c0_i32_0 = arith.constant 0 : i32
    return %arg0, %c0_i32 : i32, i32
  }
  func.func @transform_4(%arg0: i32) -> (i32, i32) {
    %c0_i32 = arith.constant 0 : i32
    %c0_i32_0 = arith.constant 0 : i32
    return %arg0, %c0_i32 : i32, i32
  }
}

module attributes {stable_mosaic.version = 14 : i64} {
  func.func @_upd_body(%arg0: i32, %arg1: memref<1000x128xf32, #tpu.memory_space<vmem>>, %arg2: memref<1000x128xf32, #tpu.memory_space<vmem>>, %arg3: memref<1000x128xf32, #tpu.memory_space<vmem>>, %arg4: memref<1000x128xf32, #tpu.memory_space<vmem>>, %arg5: memref<1000x128xf32, #tpu.memory_space<vmem>>, %arg6: memref<256x128xf32, #tpu.memory_space<vmem>>, %arg7: memref<1x128xf32, #tpu.memory_space<vmem>>, %arg8: memref<1000x128xf32, #tpu.memory_space<vmem>>) attributes {dimension_semantics = [#tpu.dimension_semantics<arbitrary>], iteration_bounds = array<i64: 10>, scalar_prefetch = 0 : i64, scratch_operands = 0 : i64, tpu.core_type = #tpu.core_type<tc>, window_params = [{transform_indices = @transform_0, window_bounds = array<i64: 1000, 128>}, {transform_indices = @transform_1, window_bounds = array<i64: 1000, 128>}, {transform_indices = @transform_2, window_bounds = array<i64: 1000, 128>}, {transform_indices = @transform_3, window_bounds = array<i64: 1000, 128>}, {transform_indices = @transform_4, window_bounds = array<i64: 1000, 128>}, {pipeline_mode = #tpu.pipeline_mode<synchronous>, transform_indices = @transform_5, window_bounds = array<i64: 256, 128>}, {pipeline_mode = #tpu.pipeline_mode<synchronous>, transform_indices = @transform_6, window_bounds = array<i64: 1, 128>}, {transform_indices = @transform_7, window_bounds = array<i64: 1000, 128>}]} {
    %get3A = arith.constant 0 : index
    %get3A_0 = arith.constant 0 : index
    %get3A_1 = vector.load %arg1[%get3A, %get3A_0] : memref<1000x128xf32, #tpu.memory_space<vmem>>, vector<1000x128xf32>
    %get3A_2 = arith.constant 0 : index
    %get3A_3 = arith.constant 0 : index
    %get3A_4 = vector.load %arg2[%get3A_2, %get3A_3] : memref<1000x128xf32, #tpu.memory_space<vmem>>, vector<1000x128xf32>
    %get3A_5 = arith.constant 0 : index
    %get3A_6 = arith.constant 0 : index
    %get3A_7 = vector.load %arg3[%get3A_5, %get3A_6] : memref<1000x128xf32, #tpu.memory_space<vmem>>, vector<1000x128xf32>
    %add3A = arith.addf %get3A_4, %get3A_7 : vector<1000x128xf32>
    %get3A_8 = arith.constant 0 : index
    %get3A_9 = arith.constant 0 : index
    %get3A_10 = vector.load %arg4[%get3A_8, %get3A_9] : memref<1000x128xf32, #tpu.memory_space<vmem>>, vector<1000x128xf32>
    %slice3A = vector.extract_strided_slice %get3A_10 {offsets = [0, 0], sizes = [1000, 1], strides = [1, 1]} : vector<1000x128xf32> to vector<1000x1xf32>
    %get3A_11 = arith.constant 0 : index
    %get3A_12 = arith.constant 0 : index
    %get3A_13 = vector.load %arg5[%get3A_11, %get3A_12] : memref<1000x128xf32, #tpu.memory_space<vmem>>, vector<1000x128xf32>
    %slice3A_14 = vector.extract_strided_slice %get3A_13 {offsets = [0, 0], sizes = [1000, 1], strides = [1, 1]} : vector<1000x128xf32> to vector<1000x1xf32>
    %add3A_15 = arith.addf %slice3A, %slice3A_14 : vector<1000x1xf32>
    %gt3A = arith.constant 0.000000e+00 : f32
    %gt3A_16 = vector.broadcast %gt3A : f32 to vector<1000x1xf32>
    %gt3A_17 = arith.cmpf ogt, %add3A_15, %gt3A_16 : vector<1000x1xf32>
    %max3A = arith.constant 1.000000e+00 : f32
    %max3A_18 = vector.broadcast %max3A : f32 to vector<1000x1xf32>
    %max3A_19 = arith.maximumf %add3A_15, %max3A_18 : vector<1000x1xf32>
    %div3A = vector.broadcast %max3A_19 : vector<1000x1xf32> to vector<1000x128xf32>
    %div3A_20 = arith.divf %add3A, %div3A : vector<1000x128xf32>
    %jit3A = arith.constant 0.000000e+00 : f32
    %broadcast_in_dim3A = vector.shape_cast %gt3A_17 : vector<1000x1xi1> to vector<1000x1xi1>
    %broadcast_in_dim3A_21 = vector.broadcast %broadcast_in_dim3A : vector<1000x1xi1> to vector<1000x128xi1>
    %broadcast_in_dim3A_22 = vector.broadcast %jit3A : f32 to vector<1000x128xf32>
    %select_n3A = arith.select %broadcast_in_dim3A_21, %div3A_20, %broadcast_in_dim3A_22 : vector<1000x128xi1>, vector<1000x128xf32>
    %get3A_23 = arith.constant 0 : index
    %get3A_24 = arith.constant 0 : index
    %get3A_25 = vector.load %arg6[%get3A_23, %get3A_24] : memref<256x128xf32, #tpu.memory_space<vmem>>, vector<256x128xf32>
    %slice3A_26 = vector.extract_strided_slice %get3A_25 {offsets = [0, 0], sizes = [128, 128], strides = [1, 1]} : vector<256x128xf32> to vector<128x128xf32>
    %dot_general3A = arith.constant dense<0.000000e+00> : vector<1000x128xf32>
    %dot_general3A_27 = tpu.matmul %get3A_1, %slice3A_26, %dot_general3A {dimension_numbers = #tpu.dot_dimension_numbers<[1], [0], [0], [1], [0, 0, 1, 1], [], []>, transpose_lhs_hint = false} : vector<1000x128xf32>, vector<128x128xf32>, vector<1000x128xf32> -> vector<1000x128xf32>
    %slice3A_28 = vector.extract_strided_slice %get3A_25 {offsets = [128, 0], sizes = [128, 128], strides = [1, 1]} : vector<256x128xf32> to vector<128x128xf32>
    %dot_general3A_29 = arith.constant dense<0.000000e+00> : vector<1000x128xf32>
    %dot_general3A_30 = tpu.matmul %select_n3A, %slice3A_28, %dot_general3A_29 {dimension_numbers = #tpu.dot_dimension_numbers<[1], [0], [0], [1], [0, 0, 1, 1], [], []>, transpose_lhs_hint = false} : vector<1000x128xf32>, vector<128x128xf32>, vector<1000x128xf32> -> vector<1000x128xf32>
    %add3A_31 = arith.addf %dot_general3A_27, %dot_general3A_30 : vector<1000x128xf32>
    %get3A_32 = arith.constant 0 : index
    %get3A_33 = arith.constant 0 : index
    %get3A_34 = vector.load %arg7[%get3A_32, %get3A_33] : memref<1x128xf32, #tpu.memory_space<vmem>>, vector<1x128xf32>
    %add3A_35 = vector.broadcast %get3A_34 : vector<1x128xf32> to vector<1000x128xf32>
    %add3A_36 = arith.addf %add3A_31, %add3A_35 : vector<1000x128xf32>
    %max3A_37 = arith.constant 0.000000e+00 : f32
    %max3A_38 = vector.broadcast %max3A_37 : f32 to vector<1000x128xf32>
    %max3A_39 = arith.maximumf %add3A_36, %max3A_38 : vector<1000x128xf32>
    %swap3A = arith.constant 0 : index
    %swap3A_40 = arith.constant 0 : index
    %swap3A_41 = vector.load %arg8[%swap3A, %swap3A_40] : memref<1000x128xf32, #tpu.memory_space<vmem>>, vector<1000x128xf32>
    tpu.vector_store %arg8[%swap3A, %swap3A_40], %max3A_39 {strides = array<i32>} : memref<1000x128xf32, #tpu.memory_space<vmem>>, vector<1000x128xf32>,
    return
  }
  func.func @transform_0(%arg0: i32) -> (i32, i32) {
    %c0_i32 = arith.constant 0 : i32
    %c0_i32_0 = arith.constant 0 : i32
    return %arg0, %c0_i32 : i32, i32
  }
  func.func @transform_1(%arg0: i32) -> (i32, i32) {
    %c0_i32 = arith.constant 0 : i32
    %c0_i32_0 = arith.constant 0 : i32
    return %arg0, %c0_i32 : i32, i32
  }
  func.func @transform_2(%arg0: i32) -> (i32, i32) {
    %c0_i32 = arith.constant 0 : i32
    %c0_i32_0 = arith.constant 0 : i32
    return %arg0, %c0_i32 : i32, i32
  }
  func.func @transform_3(%arg0: i32) -> (i32, i32) {
    %c0_i32 = arith.constant 0 : i32
    %c0_i32_0 = arith.constant 0 : i32
    return %arg0, %c0_i32 : i32, i32
  }
  func.func @transform_4(%arg0: i32) -> (i32, i32) {
    %c0_i32 = arith.constant 0 : i32
    %c0_i32_0 = arith.constant 0 : i32
    return %arg0, %c0_i32 : i32, i32
  }
  func.func @transform_5(%arg0: i32) -> (i32, i32) {
    %c0_i32 = arith.constant 0 : i32
    %c0_i32_0 = arith.constant 0 : i32
    %c0_i32_1 = arith.constant 0 : i32
    return %c0_i32, %c0_i32_0 : i32, i32
  }
  func.func @transform_6(%arg0: i32) -> (i32, i32) {
    %c0_i32 = arith.constant 0 : i32
    %c0_i32_0 = arith.constant 0 : i32
    %c0_i32_1 = arith.constant 0 : i32
    return %c0_i32, %c0_i32_0 : i32, i32
  }
  func.func @transform_7(%arg0: i32) -> (i32, i32) {
    %c0_i32 = arith.constant 0 : i32
    %c0_i32_0 = arith.constant 0 : i32
    return %arg0, %c0_i32 : i32, i32
  }
}

</mosaic_0001>

<sc_bundles>
// kernel: kernel.6.cloned.1.call-start
scs
__scs_entry_jumppad:
0x0: {  	(pc) =	sbr.rel $0x88, $3  }
0x1: {  	(tag) =	ssettag $0x0;
	lr =	simm.s32 $0x1  }
0x2: {  	[smem:$0x3F99] =	sst lr;
	_ =	strace $0xD0000000  }
0x3: {  	_ = 	snop  }
0x4: {  	_ = 	snop  }
0x5: {  	_ = 	snop  }
0x6: {  	_ = 	snop  }
0x7: {  	_ = 	snop  }
__scs_overlays_trampoline_lowered:
0x8: {  	[smem:$0x3FA8] =	sst s0  }
0x9: {  	[smem:$0x3FA9] =	sst s1  }
0xa: {  	[smem:$0x3FAA] =	sst s2  }
0xb: {  	[smem:$0x3FAB] =	sst s3  }
0xc: {  	[smem:$0x3FAC] =	sst s4  }
0xd: {  	[smem:$0x3FAD] =	sst s5  }
0xe: {  	[smem:$0x3FAE] =	sst s6  }
0xf: {  	[smem:$0x3FAF] =	sst s7  }
0x10: {  	[smem:$0x3FB0] =	sst s8  }
0x11: {  	[smem:$0x3FB1] =	sst s9;
	s0 =	simm.s32 @!p0 $0x0  }
0x12: {  	s1 =	sld [smem:$0x3F97];
	s0 =	simm.s32 @p0 $0x1  }
0x13: {  	[smem:$0x3FB2] =	sst s0;
	s0 =	simm.s32 @!p1 $0x0  }
0x14: {  	s2 =	sld [smem:$0x3F96];
	s0 =	simm.s32 @p1 $0x1  }
0x15: {  	[smem:$0x3FB3] =	sst s0;
	s0 =	simm.s32 @!p2 $0x0  }
0x16: {  	s3 =	sld [smem:$0x3FDB];
	s0 =	simm.s32 @p2 $0x1  }
0x17: {  	s4 =	simm.s32 $0x1BF5;
	[smem:$0x3FB5] =	sst s0  }
0x18: {  	s0 =	sld [smem:$0x3F98];
	_ =	swait.ge [sflag:s4], $0x0  }
0x19: {  	s7 =	sld [smem:$0x3F99]  }
0x1a: {  	s8 =	sadd.s32 $0xFFFFE003, lr  }
0x1b: {  	s9 =	sadd.s32 $0xFFFFFEF7, lr;
	s5 =	simm.s32 $0xFFFFFFFF;
	p2 =	slt.u32 s8, $0xFFFFF086  }
0x1c: {  	p1 =	slt.u32 s9, $0xF7A;
	s5 =	simm.s32 @!p2 $0x0  }
0x1d: {  	s5 =	simm.s32 @p1 $0x1;
	p0 =	seq.s32 s7, s2  }
0x1e: {  	s7 =	smul.u32 @!p0 $0xF7A, s2;
	p2 =	seq.s32 @!p0 s5, $0x0  }
0x1f: {  	s9 =	smul.u32 $0xF7A, s1;
	s8 =	simm.s32 @!p0 $0x1BF5;
	p2 =	por !p2, p0  }
0x20: {  	[sflag:s8] =	ssyncset.s32 @!p0 $0xFFFFF086;
	s6 =	sadd.s32 @!p0 s3, s7;
	s7 =	simm.s32 @!p0 $0x108  }
0x21: {  	s3 =	sadd.s32 s3, s9;
	s6 =	sadd.s32 @!p0 $0x88, s6;
	s7 =	simm.s32 @p2 $0x1082  }
0x22: {  	[simem:s7], [sflag:s8] =	dma.local @!p0 [hbm:s6], $0xF7A  }
0x23: {  	s9 =	sor.u32 $0xD0000000, s2;
	s6 =	simm.s32 $0x108;
	_ =	swait.ge @!p0 [sflag:s8], $0x0  }
0x24: {  	s3 =	sadd.s32 $0x88, s3;
	s6 =	simm.s32 @!p1 $0x1082;
	[sflag:s4] =	ssyncset.s32 $0xFFFFF086  }
0x25: {  	[simem:s6], [sflag:s4] =	dma.local [hbm:s3], $0xF7A  }
0x26: {  	[smem:$0x3F99] =	sst s1;
	(tag) =	ssettag s2;
	_ =	strace s9  }
0x27: {  	s1 =	sld [smem:$0x3FA9]  }
0x28: {  	s2 =	sld [smem:$0x3FAA]  }
0x29: {  	s4 =	sld [smem:$0x3FAC]  }
0x2a: {  	p0 =	seq.s32 s5, $0x0;
	s5 =	sld [smem:$0x3FAD]  }
0x2b: {  	s6 =	sld [smem:$0x3FAE]  }
0x2c: {  	s7 =	sld [smem:$0x3FAF]  }
0x2d: {  	s3 =	simm.s32 $0x108;
	s8 =	sld [smem:$0x3FB0]  }
0x2e: {  	s3 =	simm.s32 @!p0 $0x1082;
	s9 =	sld [smem:$0x3FB1]  }
0x2f: {  	lr =	sadd.s32 s0, s3;
	s0 =	sld [smem:$0x3FA8]  }
0x30: {  	s3 =	sld [smem:$0x3FAB]  }
0x31: {  	[smem:$0x3FB4] =	sst s10  }
0x32: {  	s10 =	sld [smem:$0x3FB2];
	_ =	sdelay $0x3  }
0x33: {  	p0 =	seq.s32 s10, $0x1;
	s10 =	sld [smem:$0x3FB4];
	_ =	sdelay $0x3  }
0x34: {  	[smem:$0x3FB4] =	sst s10  }
0x35: {  	s10 =	sld [smem:$0x3FB3];
	_ =	sdelay $0x3  }
0x36: {  	p1 =	seq.s32 s10, $0x1;
	s10 =	sld [smem:$0x3FB4];
	_ =	sdelay $0x3  }
0x37: {  	[smem:$0x3FB4] =	sst s10  }
0x38: {  	s10 =	sld [smem:$0x3FB5]  }
0x39: {  	_ = 	snop;
	(pc) =	sbr.ind lr, $3  }
0x3a: {  	_ = 	snop  }
0x3b: {  	_ = 	snop  }
0x3c: {  	p2 =	seq.s32 s10, $0x1;
	s10 =	sld [smem:$0x3FB4]  }
0x3d: {  	_ =	shalt  }
0x3e: {  	_ =	shalt  }
0x3f: {  	_ =	shalt  }
0x40: {  	_ =	shalt  }
0x41: {  	_ =	shalt  }
0x42: {  	_ =	shalt  }
0x43: {  	_ =	shalt  }
0x44: {  	_ =	shalt  }
0x45: {  	_ =	shalt  }
0x46: {  	_ =	shalt  }
0x47: {  	_ =	shalt  }
0x48: {  	_ =	shalt  }
0x49: {  	_ =	shalt  }
0x4a: {  	_ =	shalt  }
0x4b: {  	_ =	shalt  }
0x4c: {  	_ =	shalt  }
0x4d: {  	_ =	shalt  }
0x4e: {  	_ =	shalt  }
0x4f: {  	_ =	shalt  }
0x50: {  	_ =	shalt  }
0x51: {  	_ =	shalt  }
0x52: {  	_ =	shalt  }
0x53: {  	_ =	shalt  }
0x54: {  	_ =	shalt  }
0x55: {  	_ =	shalt  }
0x56: {  	_ =	shalt  }
0x57: {  	_ =	shalt  }
0x58: {  	_ =	shalt  }
0x59: {  	_ =	shalt  }
0x5a: {  	_ =	shalt  }
0x5b: {  	_ =	shalt  }
0x5c: {  	_ =	shalt  }
0x5d: {  	_ =	shalt  }
0x5e: {  	_ =	shalt  }
0x5f: {  	_ =	shalt  }
0x60: {  	_ =	shalt  }
0x61: {  	_ =	shalt  }
0x62: {  	_ =	shalt  }
0x63: {  	_ =	shalt  }
0x64: {  	_ =	shalt  }
0x65: {  	_ =	shalt  }
0x66: {  	_ =	shalt  }
0x67: {  	_ =	shalt  }
0x68: {  	_ =	shalt  }
0x69: {  	_ =	shalt  }
0x6a: {  	_ =	shalt  }
0x6b: {  	_ =	shalt  }
0x6c: {  	_ =	shalt  }
0x6d: {  	_ =	shalt  }
0x6e: {  	_ =	shalt  }
0x6f: {  	_ =	shalt  }
0x70: {  	_ =	shalt  }
0x71: {  	_ =	shalt  }
0x72: {  	_ =	shalt  }
0x73: {  	_ =	shalt  }
0x74: {  	_ =	shalt  }
0x75: {  	_ =	shalt  }
0x76: {  	_ =	shalt  }
0x77: {  	_ =	shalt  }
0x78: {  	_ =	shalt  }
0x79: {  	_ =	shalt  }
0x7a: {  	_ =	shalt  }
0x7b: {  	_ =	shalt  }
0x7c: {  	_ =	shalt  }
0x7d: {  	_ =	shalt  }
0x7e: {  	_ =	shalt  }
0x7f: {  	_ =	shalt  }
0x80: {  	_ =	shalt  }
0x81: {  	_ =	shalt  }
0x82: {  	_ =	shalt  }
0x83: {  	_ =	shalt  }
0x84: {  	_ =	shalt  }
0x85: {  	_ =	shalt  }
0x86: {  	_ =	shalt  }
0x87: {  	_ =	shalt  }
.Lfunc_end0:
.L_simem_size_0:
called_computation_lowered:
.L_overlay_start_0:
0x88: {  	s2 =	sld [smem:$0x3FD9]  }
0x89: {  	s3 =	sld [smem:$0x3FFE];
	_ =	sdelay $0x1  }
0x8a: {  	s1 =	srdreg.scid  }
0x8b: {  	s0 =	sand.u32 $0x1, s1  }
0x8c: {  	s17 =	sshll.u32 s0, $0xA;
	s2 =	sadd.s32 s3, s2  }
0x8d: {  	s2 =	sadd.s32 s2, s17  }
0x8e: {  	[smem:$0x3FC0] =	sst s2  }
0x8f: {  	_ = 	snop  }
0x90: {  	s2 =	sld [smem:$0x3FD0];
	(tm) =	ssettm $0x1  }
0x91: {  	s18 =	sld [smem:$0x3FFB];
	_ =	sdelay $0x3  }
0x92: {  	_ =	strace s18  }
0x93: {  	s3 =	sld [smem:$0x3FFC];
	_ =	sdelay $0x3  }
0x94: {  	_ =	strace s3  }
0x95: {  	s3 =	sld [smem:$0x3FFD];
	_ =	sdelay $0x3  }
0x96: {  	_ =	strace s3  }
0x97: {  	_ =	strace $0x8FFFFFFF  }
0x98: {  	s19 =	sld [smem:$0x3FDB];
	_ =	sdelay $0x1  }
0x99: {  	s4 =	simm.s32 $_scs_section_size  }
0x9a: {  	s5 =	simm.s32 $_size__tile_overlayer_lowered;
	s6 =	simm.s32 $_tile_overlayer_lowered  }
0x9b: {  	s22 =	simm.s32 $0x1BFF;
	s21 =	sshll.u32 s6, $0x1;
	s3 =	sadd.s32 s4, s19  }
0x9c: {  	s7 =	simm.s32 $0x0;
	s20 =	sshll.u32 s5, $0x1;
	s5 =	sadd.s32 s21, s3  }
0x9d: {  	[timem:s7], [sflag:s22] =	dma.local [hbm:s5], s20  }
0x9e: {  	_ =	swait.ge [sflag:s22], s20  }
0x9f: {  	s4 =	ssub.s32 $0x0, s20;
	[sflag:s22] =	ssyncset.done $0x0  }
0xa0: {  	[sflag:s22] =	ssyncadd.s32 s4;
	_ =	sdelay $0x1  }
0xa1: {  	s23 =	simm.s32 $0x1B8B  }
0xa2: {  	_ =	swait.ge [sflag:s23], $0x1  }
0xa3: {  	[sflag:s23] =	ssyncset.done $0x0  }
0xa4: {  	s25 =	simm.s32 $0x1B8E;
	s24 =	sld [smem:$0x3FFE];
	[sflag:s23] =	ssyncadd.s32 $0xFFFFFFFF  }
0xa5: {  	s26 =	simm.s32 $execute0_lowered;
	[smem:$0x3FD2] =	sst s25  }
0xa6: {  	s5 =	sshll.u32 s26, $0x1;
	_ =	strace $0x80000046;
	[dreg:$0x1] =	wrdreg $0xFFFFFFFF  }
0xa7: {  	s28 =	simm.s32 $_size_execute0_lowered;
	s3 =	sadd.s32 s3, s5;
	[dreg:$0x0] =	wrdreg $0x0  }
0xa8: {  	s5 =	sshll.u32 s28, $0x1;
	[dreg:$0x2] =	wrdreg s3  }
0xa9: {  	[dreg:$0x3] =	wrdreg s5  }
0xaa: {  	[dreg:$0x4] =	wrdreg $0xC0  }
0xab: {  	_ =	task [dreg:s7], $0x5FFFF  }
0xac: {  	[dreg:$0x1] =	wrdreg $0xFFFFFFFF  }
0xad: {  	[dreg:$0x0] =	wrdreg $0x60  }
0xae: {  	[dreg:$0x2] =	wrdreg s24  }
0xaf: {  	[dreg:$0x3] =	wrdreg s2  }
0xb0: {  	[dreg:$0x4] =	wrdreg $0x21800  }
0xb1: {  	[dreg:$0x5] =	wrdreg $0x9  }
0xb2: {  	_ =	task.clear_ibuf [dreg:s7], $0x6FFFF;
	_ =	strace $0x90000046  }
0xb3: {  	s29 =	simm.s32 $0x9;
	_ =	strace $0x80000048  }
0xb4: {  	_ =	swait.ge [sflag:s29], $0x1  }
0xb5: {  	[sflag:s29] =	ssyncadd.s32 $0xFFFFFFFF  }
0xb6: {  	_ =	strace $0x90000048  }
0xb7: {  	_ =	sfence  }
0xb8: {  	s30 =	sld [smem:$0x0];
	_ =	sdelay $0x2  }
0xb9: {  	s31 =	sshll.u32 s1, $0xD;
	s1 =	sshrl.u32 s1, $0x2  }
0xba: {  	s3 =	sand.u32 $0x4000, s31;
	s1 =	sadd.s32 s1, s30  }
0xbb: {  	s0 =	sor.u32 s3, s0;
	s1 =	sshll.u32 s1, $0x11  }
0xbc: {  	s0 =	sor.u32 s1, s0  }
0xbd: {  	s0 =	sadd.s32 $0x8F2B, s0  }
0xbe: {  	[sflag:s0] =	ssyncadd.remote.s32 $0x1  }
0xbf: {  	_ =	sfence.sel $0xFFFF  }
0xc0: {  	[dreg:$0x0] =	wrdreg $0xFFFFFFFF;
	(pc) =	sbr.abs _section_cstart, $3  }
0xc1: {  	[dreg:$0x1] =	wrdreg $0xFFFFFFFF  }
0xc2: {  	_ =	task.clear_ibuf [dreg:s7], $0x2FFFF;
	_ =	strace $0x9FFFFFFF  }
0xc3: {  	(tm) =	ssettm $0x7FFFFFFF  }
tec
execute0_lowered:
.L_overlay_start_1:
0x0: {  	(tag) =	ssettag $0x1  }
0x1: {  	s0 =	rddreg [dreg:$0x0]  }
0x2: {  	s1 =	rddreg [dreg:$0x1]  }
0x3: {  	s2 =	rddreg [dreg:$0x2]  }
0x4: {  	s3 =	srdreg.scid;
	s4 =	simm.s32 $0x0;
	s12 =	stileid.u32  }
0x5: {  	s13 =	simm.s32 $0x100;
	s3 =	sand.u32 $0x1, s3;
	[smem:$0x7FF] =	sst s4  }
0x6: {  	s9 =	smul.u32 $0x14000, s12;
	s5 =	sadd.s32 $0xC600, s0;
	s6 =	sadd.s32 $0x34600, s0  }
0x7: {  	s7 =	sadd.s32 $0x5C600, s0;
	s10 =	smul.u32 $0x50000, s12;
	s14 =	ssub.s32 $0x2, s3  }
0x8: {  	s8 =	smul.u32 $0x140000, s3;
	_ =	strace $0x80000047;
	s11 =	sshrl.u32 s14, $0x1  }
0x9: {  	s3 =	sshll.u32 s3, $0x4;
	s10 =	sshrl.u32 s10, $0x2;
	s11 =	ssub.s32 s14, s11  }
0xa: {  	s3 =	sor.u32 s12, s3;
	s10 =	sadd.s32 s10, s2;
	s15 =	smax.u32 s11, $0x1  }
0xb: {  	s12 =	simm.s32 $0x80;
	s16 =	sadd.s32 $0x1000, s10;
	[dreg:$0x4] =	wrdreg s15  }
0xc: {  	s9 =	sadd.s32 s9, s8;
	s17 =	sadd.s32 $0x2000, s10;
	[dreg:$0x5] =	wrdreg s16  }
0xd: {  	s8 =	sadd.s32 $0x2800, s0;
	s18 =	sadd.s32 $0x3000, s10;
	[dreg:$0x6] =	wrdreg s17  }
0xe: {  	s14 =	simm.s32 $0x20;
	s19 =	sadd.s32 $0x4000, s10;
	[dreg:$0x7] =	wrdreg s18  }
0xf: {  	s9 =	sshrl.u32 s9, $0x3;
	s20 =	sadd.s32 $0x5000, s10;
	[dreg:$0x8] =	wrdreg s19  }
0x10: {  	s21 =	sadd.s32 $0x6000, s10;
	s22 =	sadd.s32 $0x7000, s10;
	[dreg:$0x9] =	wrdreg s20  }
0x11: {  	s23 =	sadd.s32 $0x8000, s10;
	s24 =	sadd.s32 $0x9000, s10;
	[dreg:$0xa] =	wrdreg s21  }
0x12: {  	s25 =	sadd.s32 $0xA000, s10;
	s26 =	sadd.s32 $0xB000, s10;
	[dreg:$0xb] =	wrdreg s22  }
0x13: {  	s28 =	sadd.s32 $0xF000, s10;
	s29 =	sadd.s32 $0x10000, s10;
	[dreg:$0xc] =	wrdreg s23  }
0x14: {  	s30 =	sadd.s32 $0x11000, s10;
	s31 =	sadd.s32 $0x12000, s10;
	[dreg:$0xd] =	wrdreg s24  }
0x15: {  	s11 =	simm.s32 $0x3;
	s0 =	sadd.s32 s9, s0;
	[dreg:$0xe] =	wrdreg s25  }
0x16: {  	s9 =	smul.u32 $0x2780, s3;
	[dreg:$0xf] =	wrdreg s26;
	s23 =	sadd.s32 $0xC000, s10  }
0x17: {  	s24 =	sadd.s32 $0xD000, s10;
	s26 =	sadd.s32 $0xE000, s10;
	s3 =	simm.s32 $0x180  }
0x18: {  	s15 =	simm.s32 $0x1180;
	s16 =	simm.s32 $0x1;
	s17 =	simm.s32 $0x2  }
0x19: {  	v0 =	vimm.f32 $0.0e+00;
	s18 =	simm.s32 $0x0;
	s25 =	sadd.s32 $0x66400, s0;
	s0 =	sadd.s32 $0x13000, s10  }
.LBB2_1:
0x1a: {  	s19 =	simm.s32 $0x0;
	s20 =	simm.s32 $0x200  }
.LBB2_2:
0x1b: {  	p0 =	sne.s32 s20, $0x3E00;
	[tilespmem:s19+$0x1F0] =	vst v0  }
0x1c: {  	[tilespmem:s19+$0x180] =	vst v0  }
0x1d: {  	[tilespmem:s19+$0x190] =	vst v0  }
.Ltmp0:
0x1e: {  	[tilespmem:s19+$0x1A0] =	vst v0;
	(pc) =	sbr.rel @p0 .LBB2_2-.Ltmp0, $4  }
0x1f: {  	[tilespmem:s19+$0x1B0] =	vst v0  }
0x20: {  	[tilespmem:s19+$0x1C0] =	vst v0  }
0x21: {  	[tilespmem:s19+$0x1D0] =	vst v0  }
0x22: {  	[tilespmem:s19+$0x1E0] =	vst v0;
	s19 =	sshra.s32 s20, $0x2;
	s20 =	sadd.s32 $0x200, s20  }
0x23: {  	[tilespmem:s19+$0x1F0] =	vst v0  }
0x24: {  	[tilespmem:s19+$0x180] =	vst v0  }
0x25: {  	[tilespmem:s19+$0x190] =	vst v0  }
0x26: {  	[tilespmem:s19+$0x1A0] =	vst v0  }
0x27: {  	[tilespmem:s19+$0x1B0] =	vst v0  }
0x28: {  	[tilespmem:s19+$0x1C0] =	vst v0  }
0x29: {  	[tilespmem:s19+$0x1D0] =	vst v0  }
0x2a: {  	[tilespmem:s19+$0x1E0] =	vst v0  }
0x2b: {  	[spmem:s10] =	stream.linear.scatter [tilespmem:s3], [sflag:$0x3], $0x1000, $0x38;
	[tilespmem:$0x16180] =	vst v63  }
0x2c: {  	_ =	swait.ge [sflag:s11], $0x1000  }
0x2d: {  	[sflag:s11] =	ssyncset.done $0x0  }
0x2e: {  	s21 =	rddreg [dreg:$0x5];
	[sflag:s11] =	ssyncadd.s32 $0xFFFFF000  }
0x2f: {  	[spmem:s21] =	stream.linear.scatter [tilespmem:s3], [sflag:$0x3], $0x1000, $0x38;
	[tilespmem:$0x16180] =	vst v63  }
0x30: {  	_ =	swait.ge [sflag:s11], $0x1000  }
0x31: {  	[sflag:s11] =	ssyncset.done $0x0  }
0x32: {  	s22 =	rddreg [dreg:$0x6];
	[sflag:s11] =	ssyncadd.s32 $0xFFFFF000  }
0x33: {  	[spmem:s22] =	stream.linear.scatter [tilespmem:s3], [sflag:$0x3], $0x1000, $0x38;
	[tilespmem:$0x16180] =	vst v63  }
0x34: {  	_ =	swait.ge [sflag:s11], $0x1000  }
0x35: {  	[sflag:s11] =	ssyncset.done $0x0  }
0x36: {  	s20 =	rddreg [dreg:$0x7];
	[sflag:s11] =	ssyncadd.s32 $0xFFFFF000  }
0x37: {  	[spmem:s20] =	stream.linear.scatter [tilespmem:s3], [sflag:$0x3], $0x1000, $0x38;
	[tilespmem:$0x16180] =	vst v63  }
0x38: {  	_ =	swait.ge [sflag:s11], $0x1000  }
0x39: {  	[sflag:s11] =	ssyncset.done $0x0  }
0x3a: {  	s21 =	rddreg [dreg:$0x8];
	[sflag:s11] =	ssyncadd.s32 $0xFFFFF000  }
0x3b: {  	[spmem:s21] =	stream.linear.scatter [tilespmem:s3], [sflag:$0x3], $0x1000, $0x38;
	[tilespmem:$0x16180] =	vst v63  }
0x3c: {  	_ =	swait.ge [sflag:s11], $0x1000  }
0x3d: {  	[sflag:s11] =	ssyncset.done $0x0  }
0x3e: {  	s22 =	rddreg [dreg:$0x9];
	[sflag:s11] =	ssyncadd.s32 $0xFFFFF000  }
0x3f: {  	[spmem:s22] =	stream.linear.scatter [tilespmem:s3], [sflag:$0x3], $0x1000, $0x38;
	[tilespmem:$0x16180] =	vst v63  }
0x40: {  	_ =	swait.ge [sflag:s11], $0x1000  }
0x41: {  	[sflag:s11] =	ssyncset.done $0x0  }
0x42: {  	s20 =	rddreg [dreg:$0xa];
	[sflag:s11] =	ssyncadd.s32 $0xFFFFF000  }
0x43: {  	[spmem:s20] =	stream.linear.scatter [tilespmem:s3], [sflag:$0x3], $0x1000, $0x38;
	[tilespmem:$0x16180] =	vst v63  }
0x44: {  	_ =	swait.ge [sflag:s11], $0x1000  }
0x45: {  	[sflag:s11] =	ssyncset.done $0x0  }
0x46: {  	s21 =	rddreg [dreg:$0xb];
	[sflag:s11] =	ssyncadd.s32 $0xFFFFF000  }
0x47: {  	[spmem:s21] =	stream.linear.scatter [tilespmem:s3], [sflag:$0x3], $0x1000, $0x38;
	[tilespmem:$0x16180] =	vst v63  }
0x48: {  	_ =	swait.ge [sflag:s11], $0x1000  }
0x49: {  	[sflag:s11] =	ssyncset.done $0x0  }
0x4a: {  	s22 =	rddreg [dreg:$0xc];
	[sflag:s11] =	ssyncadd.s32 $0xFFFFF000  }
0x4b: {  	[spmem:s22] =	stream.linear.scatter [tilespmem:s3], [sflag:$0x3], $0x1000, $0x38;
	[tilespmem:$0x16180] =	vst v63  }
0x4c: {  	_ =	swait.ge [sflag:s11], $0x1000  }
0x4d: {  	[sflag:s11] =	ssyncset.done $0x0  }
0x4e: {  	s20 =	rddreg [dreg:$0xd];
	[sflag:s11] =	ssyncadd.s32 $0xFFFFF000  }
0x4f: {  	[spmem:s20] =	stream.linear.scatter [tilespmem:s3], [sflag:$0x3], $0x1000, $0x38;
	[tilespmem:$0x16180] =	vst v63  }
0x50: {  	_ =	swait.ge [sflag:s11], $0x1000  }
0x51: {  	[sflag:s11] =	ssyncset.done $0x0  }
0x52: {  	s21 =	rddreg [dreg:$0xe];
	[sflag:s11] =	ssyncadd.s32 $0xFFFFF000  }
0x53: {  	[spmem:s21] =	stream.linear.scatter [tilespmem:s3], [sflag:$0x3], $0x1000, $0x38;
	[tilespmem:$0x16180] =	vst v63  }
0x54: {  	_ =	swait.ge [sflag:s11], $0x1000  }
0x55: {  	[sflag:s11] =	ssyncset.done $0x0  }
0x56: {  	s22 =	rddreg [dreg:$0xf];
	[sflag:s11] =	ssyncadd.s32 $0xFFFFF000  }
0x57: {  	[spmem:s22] =	stream.linear.scatter [tilespmem:s3], [sflag:$0x3], $0x1000, $0x38;
	[tilespmem:$0x16180] =	vst v63  }
0x58: {  	_ =	swait.ge [sflag:s11], $0x1000  }
0x59: {  	[sflag:s11] =	ssyncset.done $0x0  }
0x5a: {  	[sflag:s11] =	ssyncadd.s32 $0xFFFFF000  }
0x5b: {  	[spmem:s23] =	stream.linear.scatter [tilespmem:s3], [sflag:$0x3], $0x1000, $0x38;
	[tilespmem:$0x16180] =	vst v63  }
0x5c: {  	_ =	swait.ge [sflag:s11], $0x1000  }
0x5d: {  	[sflag:s11] =	ssyncset.done $0x0  }
0x5e: {  	[sflag:s11] =	ssyncadd.s32 $0xFFFFF000  }
0x5f: {  	[spmem:s24] =	stream.linear.scatter [tilespmem:s3], [sflag:$0x3], $0x1000, $0x38;
	[tilespmem:$0x16180] =	vst v63  }
0x60: {  	_ =	swait.ge [sflag:s11], $0x1000  }
0x61: {  	[sflag:s11] =	ssyncset.done $0x0  }
0x62: {  	[sflag:s11] =	ssyncadd.s32 $0xFFFFF000  }
0x63: {  	[spmem:s26] =	stream.linear.scatter [tilespmem:s3], [sflag:$0x3], $0x1000, $0x38;
	[tilespmem:$0x16180] =	vst v63  }
0x64: {  	_ =	swait.ge [sflag:s11], $0x1000  }
0x65: {  	[sflag:s11] =	ssyncset.done $0x0  }
0x66: {  	[sflag:s11] =	ssyncadd.s32 $0xFFFFF000  }
0x67: {  	[spmem:s28] =	stream.linear.scatter [tilespmem:s3], [sflag:$0x3], $0x1000, $0x38;
	[tilespmem:$0x16180] =	vst v63  }
0x68: {  	_ =	swait.ge [sflag:s11], $0x1000  }
0x69: {  	[sflag:s11] =	ssyncset.done $0x0  }
0x6a: {  	[sflag:s11] =	ssyncadd.s32 $0xFFFFF000  }
0x6b: {  	[spmem:s29] =	stream.linear.scatter [tilespmem:s3], [sflag:$0x3], $0x1000, $0x38;
	[tilespmem:$0x16180] =	vst v63  }
0x6c: {  	_ =	swait.ge [sflag:s11], $0x1000  }
0x6d: {  	[sflag:s11] =	ssyncset.done $0x0  }
0x6e: {  	[sflag:s11] =	ssyncadd.s32 $0xFFFFF000  }
0x6f: {  	[spmem:s30] =	stream.linear.scatter [tilespmem:s3], [sflag:$0x3], $0x1000, $0x38;
	[tilespmem:$0x16180] =	vst v63  }
0x70: {  	_ =	swait.ge [sflag:s11], $0x1000  }
0x71: {  	[sflag:s11] =	ssyncset.done $0x0  }
0x72: {  	[sflag:s11] =	ssyncadd.s32 $0xFFFFF000  }
0x73: {  	[spmem:s31] =	stream.linear.scatter [tilespmem:s3], [sflag:$0x3], $0x1000, $0x38;
	[tilespmem:$0x16180] =	vst v63  }
0x74: {  	_ =	swait.ge [sflag:s11], $0x1000  }
0x75: {  	[sflag:s11] =	ssyncset.done $0x0  }
0x76: {  	[sflag:s11] =	ssyncadd.s32 $0xFFFFF000  }
0x77: {  	[spmem:s0] =	stream.linear.scatter [tilespmem:s3], [sflag:$0x3], $0x1000, $0x38;
	[tilespmem:$0x16180] =	vst v63  }
0x78: {  	_ =	swait.ge [sflag:s11], $0x1000  }
0x79: {  	[sflag:s11] =	ssyncset.done $0x0  }
0x7a: {  	[sflag:s11] =	ssyncadd.s32 $0xFFFFF000  }
0x7b: {  	s19 =	simm.s32 $0x0;
	s20 =	simm.s32 $0x0;
	[bflag:$0x0] =	sbarrier.arrive $0xFFFF  }
.LBB2_4:
0x7c: {  	s21 =	sshll.u32 s20, $0x5  }
0x7d: {  	s21 =	sadd.s32 s9, s21  }
0x7e: {  	s21 =	sshrl.u32 s21, $0x3  }
0x7f: {  	s22 =	sadd.s32 s1, s21  }
0x80: {  	[tilespmem:s19], [sflag:$0x3] =	stream.linear.gather [hbm4b:s22+s19], $0x20, $0x38;
	[tilespmem:$0x16180] =	vst v63  }
0x81: {  	_ =	swait.ge [sflag:s11], $0x20  }
0x82: {  	[sflag:s11] =	ssyncset.done $0x0  }
0x83: {  	s22 =	sadd.s32 s7, s21;
	[sflag:s11] =	ssyncadd.s32 $0xFFFFFFE0  }
0x84: {  	[tilespmem:s12], [sflag:$0x3] =	stream.linear.gather [hbm4b:s22+s19], $0x20, $0x38;
	[tilespmem:$0x16180] =	vst v63  }
0x85: {  	_ =	swait.ge [sflag:s11], $0x20  }
0x86: {  	[sflag:s11] =	ssyncset.done $0x0  }
0x87: {  	s21 =	sadd.s32 s8, s21;
	[sflag:s11] =	ssyncadd.s32 $0xFFFFFFE0  }
0x88: {  	[tilespmem:s13], [sflag:$0x3] =	stream.linear.gather [hbm4b:s21+s19], $0x20, $0x38;
	[tilespmem:$0x16180] =	vst v63  }
0x89: {  	_ =	swait.ge [sflag:s11], $0x20  }
0x8a: {  	[sflag:s11] =	ssyncset.done $0x0  }
0x8b: {  	[sflag:s11] =	ssyncadd.s32 $0xFFFFFFE0  }
0x8c: {  	[tilespmem:s3], [sflag:$0x1] =	stream.indirect.gather [hbm4b:s5+s14], $0x80, s19, s14, $0xb8;
	[tilespmem:$0x16180] =	vst v63  }
0x8d: {  	_ = 	snop  }
0x8e: {  	[tilespmem:s15], [sflag:$0x2] =	stream.indirect.gather [hbm4b:s6+s14], $0x80, s12, s14, $0xb8;
	[tilespmem:$0x16180] =	vst v63  }
0x8f: {  	_ =	swait.ge [sflag:s16], $0x1000  }
0x90: {  	[sflag:s16] =	ssyncset.done $0x0  }
0x91: {  	[sflag:s16] =	ssyncadd.s32 $0xFFFFF000  }
0x92: {  	_ =	swait.ge [sflag:s17], $0x1000  }
0x93: {  	[sflag:s17] =	ssyncset.done $0x0  }
0x94: {  	p0 =	por $0x1, $0x1;
	s21 =	simm.s32 $0x0;
	[sflag:s17] =	ssyncadd.s32 $0xFFFFF000  }
.LBB2_5:
0x95: {  	s22 =	sshll.u32 s21, $0x4  }
0x96: {  	s22 =	sand.u32 $0x3FFFFFF0, s22  }
0x97: {  	v1 =	vld [tilespmem:s22+$0x100];
	s22 =	sshll.u32 s21, $0xB  }
0x98: {  	v38 =	vld [tilespmem:s22+$0x180]  }
0x99: {  	v36 =	vld [tilespmem:s22+$0x1180]  }
0x9a: {  	v35 =	vld [tilespmem:s22+$0x190]  }
0x9b: {  	v32 =	vld [tilespmem:s22+$0x1190]  }
0x9c: {  	v37 =	vld [tilespmem:s22+$0x1A0]  }
0x9d: {  	v34 =	vld [tilespmem:s22+$0x11A0]  }
0x9e: {  	v31 =	vld [tilespmem:s22+$0x1B0]  }
0x9f: {  	v28 =	vld [tilespmem:s22+$0x11B0]  }
0xa0: {  	v33 =	vld [tilespmem:s22+$0x1C0]  }
0xa1: {  	v30 =	vld [tilespmem:s22+$0x11C0]  }
0xa2: {  	v27 =	vld [tilespmem:s22+$0x1D0]  }
0xa3: {  	v24 =	vld [tilespmem:s22+$0x11D0]  }
0xa4: {  	v29 =	vld [tilespmem:s22+$0x1E0]  }
0xa5: {  	v26 =	vld [tilespmem:s22+$0x11E0]  }
0xa6: {  	v23 =	vld [tilespmem:s22+$0x1F0]  }
0xa7: {  	v20 =	vld [tilespmem:s22+$0x11F0]  }
0xa8: {  	v25 =	vld [tilespmem:s22+$0x200]  }
0xa9: {  	v22 =	vld [tilespmem:s22+$0x1200]  }
0xaa: {  	v19 =	vld [tilespmem:s22+$0x210]  }
0xab: {  	v16 =	vld [tilespmem:s22+$0x1210]  }
0xac: {  	v21 =	vld [tilespmem:s22+$0x220]  }
0xad: {  	v18 =	vld [tilespmem:s22+$0x1220]  }
0xae: {  	v15 =	vld [tilespmem:s22+$0x230]  }
0xaf: {  	v14 =	vld [tilespmem:s22+$0x1230]  }
0xb0: {  	v17 =	vld [tilespmem:s22+$0x240]  }
0xb1: {  	v11 =	vld [tilespmem:s22+$0x1240]  }
0xb2: {  	v12 =	vld [tilespmem:s22+$0x250]  }
0xb3: {  	v4 =	vld [tilespmem:s22+$0x1250]  }
0xb4: {  	v10 =	vld [tilespmem:s22+$0x260]  }
0xb5: {  	v7 =	vld [tilespmem:s22+$0x1260]  }
0xb6: {  	v3 =	vld [tilespmem:s22+$0x270]  }
0xb7: {  	v0 =	vld [tilespmem:s22+$0x1270]  }
0xb8: {  	v9 =	vld [tilespmem:s22+$0x280]  }
0xb9: {  	v5 =	vld [tilespmem:s22+$0x1280]  }
0xba: {  	v6 =	vld [tilespmem:s22+$0x290]  }
0xbb: {  	v2 =	vld [tilespmem:s22+$0x1290]  }
0xbc: {  	v13 =	vld [tilespmem:s22+$0x2A0]  }
0xbd: {  	v8 =	vld [tilespmem:s22+$0x12A0]  }
0xbe: {  	v49 =	vld [tilespmem:s22+$0x2B0]  }
0xbf: {  	v41 =	vld [tilespmem:s22+$0x12B0]  }
0xc0: {  	v42 =	vld [tilespmem:s22+$0x2C0]  }
0xc1: {  	v39 =	vld [tilespmem:s22+$0x12C0]  }
0xc2: {  	v52 =	vld [tilespmem:s22+$0x2D0]  }
0xc3: {  	v43 =	vld [tilespmem:s22+$0x12D0]  }
0xc4: {  	v44 =	vld [tilespmem:s22+$0x2E0]  }
0xc5: {  	v40 =	vld [tilespmem:s22+$0x12E0]  }
0xc6: {  	v50 =	vld [tilespmem:s22+$0x2F0]  }
0xc7: {  	v47 =	vld [tilespmem:s22+$0x12F0]  }
0xc8: {  	v46 =	vld [tilespmem:s22+$0x300]  }
0xc9: {  	v45 =	vld [tilespmem:s22+$0x1300]  }
0xca: {  	v51 =	vld [tilespmem:s22+$0x310]  }
0xcb: {  	v48 =	vld [tilespmem:s22+$0x1310]  }
0xcc: {  	v63 =	vld [tilespmem:s22+$0x320]  }
0xcd: {  	v56 =	vld [tilespmem:s22+$0x1320]  }
0xce: {  	v57 =	vld [tilespmem:s22+$0x330]  }
0xcf: {  	v60 =	vld [tilespmem:s22+$0x380];
	_ =	sdelay $0x4  }
0xd0: {  	[tilespmem:$0x1FAD0] =	vst v60;
	v60 =	vld [tilespmem:s22+$0x1380];
	_ =	sdelay $0x4  }
0xd1: {  	[tilespmem:$0x1FAE0] =	vst v60;
	v60 =	vld [tilespmem:s22+$0x390];
	_ =	sdelay $0x4  }
0xd2: {  	[tilespmem:$0x1FAF0] =	vst v60;
	v60 =	vld [tilespmem:s22+$0x1390];
	_ =	sdelay $0x4  }
0xd3: {  	[tilespmem:$0x1FB00] =	vst v60;
	v60 =	vld [tilespmem:s22+$0x3A0];
	_ =	sdelay $0x4  }
0xd4: {  	[tilespmem:$0x1FB10] =	vst v60;
	v60 =	vld [tilespmem:s22+$0x13A0];
	_ =	sdelay $0x4  }
0xd5: {  	[tilespmem:$0x1FB20] =	vst v60;
	v60 =	vld [tilespmem:s22+$0x3B0];
	_ =	sdelay $0x4  }
0xd6: {  	[tilespmem:$0x1FB30] =	vst v60;
	v60 =	vld [tilespmem:s22+$0x13B0];
	_ =	sdelay $0x4  }
0xd7: {  	[tilespmem:$0x1FB40] =	vst v60;
	v60 =	vld [tilespmem:s22+$0x3C0];
	_ =	sdelay $0x4  }
0xd8: {  	[tilespmem:$0x1FB50] =	vst v60;
	v60 =	vld [tilespmem:s22+$0x13C0];
	_ =	sdelay $0x4  }
0xd9: {  	[tilespmem:$0x1FB60] =	vst v60;
	v60 =	vld [tilespmem:s22+$0x3D0];
	_ =	sdelay $0x4  }
0xda: {  	[tilespmem:$0x1FB70] =	vst v60;
	v60 =	vld [tilespmem:s22+$0x13D0];
	_ =	sdelay $0x4  }
0xdb: {  	[tilespmem:$0x1FB80] =	vst v60;
	v60 =	vld [tilespmem:s22+$0x3E0];
	_ =	sdelay $0x4  }
0xdc: {  	[tilespmem:$0x1FB90] =	vst v60;
	v60 =	vld [tilespmem:s22+$0x13E0];
	_ =	sdelay $0x4  }
0xdd: {  	[tilespmem:$0x1FBA0] =	vst v60;
	v60 =	vld [tilespmem:s22+$0x3F0];
	_ =	sdelay $0x4  }
0xde: {  	[tilespmem:$0x1FBB0] =	vst v60;
	v60 =	vld [tilespmem:s22+$0x13F0];
	_ =	sdelay $0x4  }
0xdf: {  	[tilespmem:$0x1FBC0] =	vst v60;
	v60 =	vld [tilespmem:s22+$0x400];
	_ =	sdelay $0x4  }
0xe0: {  	[tilespmem:$0x1FBD0] =	vst v60;
	v60 =	vld [tilespmem:s22+$0x1400];
	_ =	sdelay $0x4  }
0xe1: {  	[tilespmem:$0x1FBE0] =	vst v60;
	v60 =	vld [tilespmem:s22+$0x410];
	_ =	sdelay $0x4  }
0xe2: {  	[tilespmem:$0x1FBF0] =	vst v60;
	v60 =	vld [tilespmem:s22+$0x1410];
	_ =	sdelay $0x4  }
0xe3: {  	[tilespmem:$0x1FC00] =	vst v60;
	v60 =	vld [tilespmem:s22+$0x420];
	_ =	sdelay $0x4  }
0xe4: {  	[tilespmem:$0x1FC10] =	vst v60;
	v60 =	vld [tilespmem:s22+$0x1420];
	_ =	sdelay $0x4  }
0xe5: {  	[tilespmem:$0x1FC20] =	vst v60;
	v60 =	vld [tilespmem:s22+$0x430];
	_ =	sdelay $0x4  }
0xe6: {  	[tilespmem:$0x1FC30] =	vst v60;
	v60 =	vld [tilespmem:s22+$0x1430];
	_ =	sdelay $0x4  }
0xe7: {  	[tilespmem:$0x1FC40] =	vst v60;
	v60 =	vld [tilespmem:s22+$0x440];
	_ =	sdelay $0x4  }
0xe8: {  	[tilespmem:$0x1FC50] =	vst v60;
	v60 =	vld [tilespmem:s22+$0x1440];
	_ =	sdelay $0x4  }
0xe9: {  	[tilespmem:$0x1FC60] =	vst v60;
	v60 =	vld [tilespmem:s22+$0x450];
	_ =	sdelay $0x4  }
0xea: {  	[tilespmem:$0x1FC70] =	vst v60;
	v60 =	vld [tilespmem:s22+$0x1450];
	_ =	sdelay $0x4  }
0xeb: {  	[tilespmem:$0x1FC80] =	vst v60;
	v60 =	vld [tilespmem:s22+$0x460];
	_ =	sdelay $0x4  }
0xec: {  	[tilespmem:$0x1FC90] =	vst v60;
	v60 =	vld [tilespmem:s22+$0x1460];
	_ =	sdelay $0x4  }
0xed: {  	[tilespmem:$0x1FCA0] =	vst v60;
	v60 =	vld [tilespmem:s22+$0x470];
	_ =	sdelay $0x4  }
0xee: {  	[tilespmem:$0x1FCB0] =	vst v60;
	v60 =	vld [tilespmem:s22+$0x1470];
	_ =	sdelay $0x4  }
0xef: {  	[tilespmem:$0x1FCC0] =	vst v60;
	v60 =	vld [tilespmem:s22+$0x480];
	_ =	sdelay $0x4  }
0xf0: {  	[tilespmem:$0x1FCD0] =	vst v60;
	v60 =	vld [tilespmem:s22+$0x1480];
	_ =	sdelay $0x3  }
0xf1: {  	v54 =	vld [tilespmem:s22+$0x1330]  }
0xf2: {  	[tilespmem:$0x1FCE0] =	vst v60;
	v60 =	vld [tilespmem:s22+$0x490]  }
0xf3: {  	v53 =	vld [tilespmem:s22+$0x340]  }
0xf4: {  	v58 =	vld [tilespmem:s22+$0x1340]  }
0xf5: {  	v59 =	vld [tilespmem:s22+$0x350]  }
0xf6: {  	v55 =	vld [tilespmem:s22+$0x360]  }
0xf7: {  	[tilespmem:$0x1FCF0] =	vst v60;
	v60 =	vld [tilespmem:s22+$0x1490]  }
0xf8: {  	v61 =	vld [tilespmem:s22+$0x1360]  }
0xf9: {  	v62 =	vld [tilespmem:s22+$0x370]  }
0xfa: {  	[tilespmem:$0x1FAB0] =	vst v53;
	v53 =	vld [tilespmem:s22+$0x1350]  }
0xfb: {  	[tilespmem:$0x1FAC0] =	vst v55;
	v55 =	vld [tilespmem:s22+$0x1370]  }
0xfc: {  	[tilespmem:$0x1FD00] =	vst v60;
	v60 =	vld [tilespmem:s22+$0x4A0]  }
0xfd: {  	v36 =	vadd.f32 v36, v38;
	v38 =	vld [tilespmem:s22+$0x570]  }
0xfe: {  	v32 =	vadd.f32 v32, v35;
	v35 =	vld [tilespmem:s22+$0x580]  }
0xff: {  	v34 =	vadd.f32 v34, v37;
	v37 =	vld [tilespmem:s22+$0x1580]  }
0x100: {  	v16 =	vadd.f32 v16, v19;
	v19 =	vld [tilespmem:s22+$0x1590]  }
0x101: {  	[tilespmem:$0x1FD10] =	vst v60;
	v60 =	vld [tilespmem:s22+$0x14A0]  }
0x102: {  	v18 =	vadd.f32 v18, v21;
	v21 =	vld [tilespmem:s22+$0x5A0]  }
0x103: {  	v22 =	vadd.f32 v22, v25;
	v25 =	vld [tilespmem:s22+$0x15A0]  }
0x104: {  	v28 =	vadd.f32 v28, v31;
	v26 =	vadd.f32 v26, v29;
	v29 =	vld [tilespmem:s22+$0x5B0]  }
0x105: {  	v30 =	vadd.f32 v30, v33;
	v20 =	vadd.f32 v20, v23;
	v31 =	vmax.f32 v32, $0.0e+00;
	v32 =	vld [tilespmem:s22+$0x15B0]  }
0x106: {  	v24 =	vadd.f32 v24, v27;
	v23 =	vbroadcast v1, $0x0;
	v27 =	vmax.f32 v36, $0.0e+00;
	[tilespmem:$0x1FD20] =	vst v60;
	v60 =	vld [tilespmem:s22+$0x4B0]  }
0x107: {  	v36 =	vmax.f32 v30, $0.0e+00;
	v30 =	vmax.f32 v20, $0.0e+00;
	v20 =	vadd.f32 v45, v46;
	v46 =	vld [tilespmem:s22+$0x1600]  }
0x108: {  	v45 =	vld [tilespmem:$0x1FAD0]  }
0x109: {  	v2 =	vadd.f32 v2, v6;
	v6 =	vmul.f32 v27, v23;
	v27 =	vld [tilespmem:s22+$0x5D0]  }
0x10a: {  	v5 =	vadd.f32 v5, v9;
	v9 =	vmul.f32 v31, v23;
	v31 =	vld [tilespmem:s22+$0x15D0]  }
0x10b: {  	v33 =	vmax.f32 v34, $0.0e+00;
	[tilespmem:$0x1FD30] =	vst v60;
	v60 =	vld [tilespmem:s22+$0x14B0]  }
0x10c: {  	v7 =	vadd.f32 v7, v10;
	v34 =	vmax.f32 v28, $0.0e+00;
	v10 =	vmul.f32 v33, v23;
	v33 =	vld [tilespmem:s22+$0x5E0]  }
0x10d: {  	v4 =	vadd.f32 v4, v12;
	v12 =	vmul.f32 v34, v23;
	v34 =	vadd.f32 v43, v52;
	v52 =	vld [tilespmem:s22+$0x15E0]  }
0x10e: {  	v43 =	vld [tilespmem:s22+$0x600]  }
0x10f: {  	[tilespmem:$0x1FEA0] =	vst v38;
	v38 =	vld [tilespmem:s22+$0x1570]  }
0x110: {  	[tilespmem:$0x1FD40] =	vst v60;
	v60 =	vld [tilespmem:s22+$0x4C0]  }
0x111: {  	[tilespmem:$0x1FEC0] =	vst v35;
	v35 =	vld [tilespmem:s22+$0x5C0]  }
0x112: {  	v26 =	vmax.f32 v26, $0.0e+00;
	[tilespmem:$0x1FED0] =	vst v37;
	v37 =	vld [tilespmem:s22+$0x15C0]  }
0x113: {  	[tilespmem:$0x1FF20] =	vst v29;
	v29 =	vmul.f32 v26, v23;
	v26 =	vld [tilespmem:s22+$0x5F0]  }
0x114: {  	[tilespmem:s22+$0x1A0] =	vst v10;
	v10 =	vadd.f32 v41, v49;
	v49 =	vld [tilespmem:s22+$0x610]  }
0x115: {  	[tilespmem:$0x1FD50] =	vst v60;
	v60 =	vld [tilespmem:s22+$0x14C0]  }
0x116: {  	[tilespmem:$0x1FF10] =	vst v25;
	v41 =	vld [tilespmem:$0x1FAC0]  }
0x117: {  	[tilespmem:s22+$0x190] =	vst v9;
	v9 =	vadd.f32 v48, v51;
	v48 =	vld [tilespmem:s22+$0x1630]  }
0x118: {  	v25 =	vmax.f32 v24, $0.0e+00;
	v24 =	vadd.f32 v47, v50;
	v47 =	vld [tilespmem:$0x1FAE0];
	[tilespmem:$0x1FF30] =	vst v32  }
0x119: {  	v32 =	vadd.f32 v39, v42;
	v42 =	vld [tilespmem:s22+$0x15F0];
	[tilespmem:$0x1FF60] =	vst v27  }
0x11a: {  	v28 =	vmul.f32 v25, v23;
	v39 =	vbroadcast v1, $0x1;
	[tilespmem:$0x1FD60] =	vst v60;
	v60 =	vld [tilespmem:s22+$0x4D0]  }
0x11b: {  	v16 =	vmax.f32 v16, $0.0e+00;
	[tilespmem:$0x1FF90] =	vst v52;
	v52 =	vld [tilespmem:s22+$0x1610]  }
0x11c: {  	[tilespmem:s22+$0x1D0] =	vst v28;
	v28 =	vmax.f32 v18, $0.0e+00;
	v27 =	vmul.f32 v16, v39;
	v16 =	vadd.f32 v53, v59;
	v53 =	vld [tilespmem:s22+$0x640]  }
0x11d: {  	[tilespmem:s22+$0x1E0] =	vst v29;
	v29 =	vmul.f32 v28, v39;
	v28 =	vld [tilespmem:s22+$0x1680]  }
0x11e: {  	[tilespmem:$0x1FEB0] =	vst v38;
	v38 =	vld [tilespmem:s22+$0x590]  }
0x11f: {  	[tilespmem:$0x1FD70] =	vst v60;
	v60 =	vld [tilespmem:s22+$0x14D0]  }
0x120: {  	[tilespmem:$0x1FF50] =	vst v37;
	v37 =	vld [tilespmem:$0x1FAB0]  }
0x121: {  	v11 =	vadd.f32 v11, v17;
	[tilespmem:$0x1FF40] =	vst v35;
	v35 =	vadd.f32 v40, v44;
	v40 =	vld [tilespmem:s22+$0x1620]  }
0x122: {  	v4 =	vmax.f32 v4, $0.0e+00;
	v44 =	vld [tilespmem:s22+$0x630]  }
0x123: {  	v11 =	vmax.f32 v11, $0.0e+00;
	v4 =	vmul.f32 v4, v39;
	[tilespmem:$0x1FFE0] =	vst v48;
	v48 =	vld [tilespmem:s22+$0x1660]  }
0x124: {  	v11 =	vmul.f32 v11, v39;
	[tilespmem:$0x1FD80] =	vst v60;
	v60 =	vld [tilespmem:s22+$0x4E0]  }
0x125: {  	[tilespmem:s22+$0x250] =	vst v4;
	v4 =	vadd.f32 v47, v45;
	v45 =	vld [tilespmem:s22+$0x650]  }
0x126: {  	[tilespmem:s22+$0x240] =	vst v11;
	v11 =	vadd.f32 v61, v41;
	v41 =	vld [tilespmem:s22+$0x1650]  }
0x127: {  	v14 =	vadd.f32 v14, v15;
	[tilespmem:$0x1FEF0] =	vst v19;
	v15 =	vld [tilespmem:$0x1FAF0]  }
0x128: {  	[tilespmem:$0x1FFF0] =	vst v53;
	v53 =	vld [tilespmem:s22+$0x1670]  }
0x129: {  	[tilespmem:$0x1FD90] =	vst v60;
	v60 =	vld [tilespmem:s22+$0x14E0]  }
0x12a: {  	[tilespmem:$0x1FEE0] =	vst v38;
	v38 =	vmul.f32 v36, v23;
	v36 =	vld [tilespmem:s22+$0x620]  }
0x12b: {  	[tilespmem:$0x1FFC0] =	vst v40;
	v40 =	vld [tilespmem:s22+$0x1640]  }
0x12c: {  	[tilespmem:$0x1FFD0] =	vst v44;
	v44 =	vld [tilespmem:s22+$0x660]  }
0x12d: {  	v17 =	vld [tilespmem:$0x1FB00];
	[tilespmem:s22+$0x1C0] =	vst v38;
	v38 =	vbroadcast v1, $0x2  }
0x12e: {  	v0 =	vadd.f32 v0, v3;
	v51 =	vmax.f32 v10, $0.0e+00;
	[tilespmem:$0x1FDA0] =	vst v60;
	v60 =	vld [tilespmem:s22+$0x4F0]  }
0x12f: {  	[tilespmem:s22+$0x180] =	vst v6;
	v19 =	vadd.f32 v55, v62;
	v6 =	vmax.f32 v24, $0.0e+00;
	v55 =	vmul.f32 v51, v38;
	v51 =	vld [tilespmem:s22+$0x670]  }
0x130: {  	v3 =	vmul.f32 v30, v23;
	v30 =	vadd.f32 v56, v63;
	[tilespmem:$0x1FF00] =	vst v21;
	v63 =	vmul.f32 v6, v38;
	v6 =	vld [tilespmem:s22+$0x6B0]  }
0x131: {  	v25 =	vmax.f32 v22, $0.0e+00;
	[tilespmem:$0x1FF70] =	vst v31;
	v22 =	vld [tilespmem:$0x1FB30]  }
0x132: {  	[tilespmem:$0x1FFA0] =	vst v26;
	v23 =	vld [tilespmem:$0x1FB40]  }
0x133: {  	v7 =	vmax.f32 v7, $0.0e+00;
	v21 =	vmul.f32 v25, v39;
	[tilespmem:$0x1FDB0] =	vst v60;
	v60 =	vld [tilespmem:s22+$0x14F0]  }
0x134: {  	v5 =	vmax.f32 v5, $0.0e+00;
	v7 =	vmul.f32 v7, v39;
	[tilespmem:$0x1FFB0] =	vst v36;
	v36 =	vmax.f32 v20, $0.0e+00;
	v20 =	vld [tilespmem:s22+$0x1690]  }
0x135: {  	v26 =	vbroadcast v1, $0x3;
	[tilespmem:s22+$0x200] =	vst v21;
	v5 =	vmul.f32 v5, v38;
	v48 =	vadd.f32 v48, v44;
	v44 =	vld [tilespmem:s22+$0x800]  }
0x136: {  	v8 =	vadd.f32 v8, v13;
	[tilespmem:s22+$0x260] =	vst v7;
	v47 =	vmax.f32 v9, $0.0e+00;
	v18 =	vld [tilespmem:$0x1FB10]  }
0x137: {  	[tilespmem:s22+$0x280] =	vst v5;
	v5 =	vmul.f32 v47, v26;
	v47 =	vld [tilespmem:s22+$0x690]  }
0x138: {  	v50 =	vmax.f32 v8, $0.0e+00;
	v31 =	vadd.f32 v54, v57;
	v7 =	vadd.f32 v23, v22;
	[tilespmem:$0x1FDC0] =	vst v60;
	v60 =	vld [tilespmem:s22+$0x500]  }
0x139: {  	v56 =	vmax.f32 v32, $0.0e+00;
	[tilespmem:s22+$0x220] =	vst v29;
	v29 =	vbroadcast v1, $0x4;
	v54 =	vmul.f32 v50, v38;
	v21 =	vld [tilespmem:$0x1FB20]  }
0x13a: {  	v57 =	vmul.f32 v56, v38;
	v50 =	vmax.f32 v31, $0.0e+00;
	v24 =	vld [tilespmem:$0x1FB50];
	v7 =	vmax.f32 v7, $0.0e+00  }
0x13b: {  	v14 =	vmax.f32 v14, $0.0e+00;
	v56 =	vmul.f32 v50, v26;
	v50 =	vmul.f32 v7, v29;
	v7 =	vld [tilespmem:s22+$0x16D0]  }
0x13c: {  	v14 =	vmul.f32 v14, v39;
	v25 =	vld [tilespmem:$0x1FB60]  }
0x13d: {  	[tilespmem:$0x1FDD0] =	vst v60;
	v60 =	vld [tilespmem:s22+$0x1500]  }
0x13e: {  	[tilespmem:s22+$0x230] =	vst v14;
	v14 =	vadd.f32 v58, v37;
	v58 =	vmax.f32 v34, $0.0e+00;
	v34 =	vld [tilespmem:$0x1FB90]  }
0x13f: {  	[tilespmem:s22+$0x1F0] =	vst v3;
	v59 =	vmax.f32 v35, $0.0e+00;
	v35 =	vld [tilespmem:$0x1FBA0]  }
0x140: {  	v3 =	vmax.f32 v30, $0.0e+00;
	[tilespmem:s22+$0x2A0] =	vst v54;
	v54 =	vld [tilespmem:s22+$0x680]  }
0x141: {  	[tilespmem:s22+$0x2B0] =	vst v55;
	v55 =	vmul.f32 v3, v26;
	v3 =	vld [tilespmem:s22+$0x16C0]  }
0x142: {  	v2 =	vmax.f32 v2, $0.0e+00;
	[tilespmem:$0x1FDE0] =	vst v60;
	v60 =	vld [tilespmem:s22+$0x510]  }
0x143: {  	v2 =	vmul.f32 v2, v38;
	v37 =	vld [tilespmem:$0x1FBB0]  }
0x144: {  	[tilespmem:s22+$0x1B0] =	vst v12;
	v12 =	vadd.f32 v21, v18;
	v21 =	vadd.f32 v35, v34;
	v34 =	vmax.f32 v4, $0.0e+00;
	v4 =	vld [tilespmem:s22+$0x6C0]  }
0x145: {  	v61 =	vmul.f32 v58, v38;
	v62 =	vmul.f32 v59, v38;
	v38 =	vld [tilespmem:$0x1FBC0]  }
0x146: {  	v10 =	vadd.f32 v17, v15;
	v15 =	vld [tilespmem:$0x1FBD0]  }
0x147: {  	[tilespmem:$0x1FDF0] =	vst v60;
	v60 =	vld [tilespmem:s22+$0x1510]  }
0x148: {  	v59 =	vmax.f32 v16, $0.0e+00;
	v16 =	vld [tilespmem:$0x1FBE0]  }
0x149: {  	v32 =	vld [tilespmem:$0x1FB70]  }
0x14a: {  	[tilespmem:$0x1FF80] =	vst v33;
	v33 =	vld [tilespmem:$0x1FB80]  }
0x14b: {  	v3 =	vadd.f32 v3, v4;
	v4 =	vld [tilespmem:s22+$0x830]  }
0x14c: {  	[tilespmem:$0x1FE00] =	vst v60;
	v60 =	vld [tilespmem:s22+$0x520]  }
0x14d: {  	v22 =	vadd.f32 v38, v37;
	[tilespmem:s22+$0x2C0] =	vst v57;
	v57 =	vmax.f32 v14, $0.0e+00;
	v13 =	vadd.f32 v16, v15;
	v15 =	vld [tilespmem:s22+$0x16A0]  }
0x14e: {  	v37 =	vmax.f32 v10, $0.0e+00;
	v58 =	vmul.f32 v57, v26;
	v57 =	vmax.f32 v21, $0.0e+00;
	v21 =	vld [tilespmem:s22+$0x1720]  }
0x14f: {  	v38 =	vmul.f32 v37, v29;
	v37 =	vmax.f32 v13, $0.0e+00;
	v13 =	vld [tilespmem:s22+$0x700]  }
0x150: {  	v23 =	vld [tilespmem:$0x1FC00]  }
0x151: {  	[tilespmem:$0x1FE10] =	vst v60;
	v60 =	vld [tilespmem:s22+$0x1520]  }
0x152: {  	v17 =	vadd.f32 v25, v24;
	v24 =	vld [tilespmem:$0x1FC10]  }
0x153: {  	v25 =	vld [tilespmem:$0x1FC20]  }
0x154: {  	[tilespmem:s22+$0x2E0] =	vst v62;
	v62 =	vmax.f32 v19, $0.0e+00;
	v19 =	vld [tilespmem:$0x1FBF0]  }
0x155: {  	[tilespmem:s22+$0x210] =	vst v27;
	v27 =	vld [tilespmem:$0x1FC40]  }
0x156: {  	[tilespmem:$0x1FE20] =	vst v60;
	v60 =	vld [tilespmem:s22+$0x530]  }
0x157: {  	[tilespmem:s22+$0x2D0] =	vst v61;
	v61 =	vmax.f32 v11, $0.0e+00;
	v11 =	vld [tilespmem:s22+$0x6E0]  }
0x158: {  	v30 =	vld [tilespmem:$0x1FC50]  }
0x159: {  	v14 =	vadd.f32 v23, v19;
	v19 =	vld [tilespmem:s22+$0x6A0]  }
0x15a: {  	v31 =	vld [tilespmem:$0x1FC60]  }
0x15b: {  	[tilespmem:$0x1FE30] =	vst v60;
	v60 =	vld [tilespmem:s22+$0x1530]  }
0x15c: {  	v18 =	vadd.f32 v33, v32;
	v32 =	vld [tilespmem:$0x1FC70]  }
0x15d: {  	v33 =	vld [tilespmem:$0x1FC80]  }
0x15e: {  	v15 =	vadd.f32 v15, v19;
	v19 =	vld [tilespmem:s22+$0x820]  }
0x15f: {  	v0 =	vmax.f32 v0, $0.0e+00;
	v35 =	vld [tilespmem:$0x1FC90]  }
0x160: {  	v0 =	vmul.f32 v0, v39;
	[tilespmem:$0x1FE40] =	vst v60;
	v60 =	vld [tilespmem:s22+$0x540]  }
0x161: {  	v8 =	vmul.f32 v59, v26;
	v39 =	vmul.f32 v36, v26;
	v36 =	vld [tilespmem:$0x1FCA0]  }
0x162: {  	v9 =	vmul.f32 v61, v26;
	[tilespmem:s22+$0x2F0] =	vst v63;
	v63 =	vmul.f32 v62, v26;
	v26 =	vld [tilespmem:$0x1FC30]  }
0x163: {  	v61 =	vld [tilespmem:$0x1FCB0]  }
0x164: {  	v62 =	vld [tilespmem:$0x1FCC0]  }
0x165: {  	[tilespmem:$0x1FE50] =	vst v60;
	v60 =	vld [tilespmem:s22+$0x1540]  }
0x166: {  	[tilespmem:s22+$0x300] =	vst v39;
	v39 =	vmax.f32 v12, $0.0e+00;
	v12 =	vld [tilespmem:s22+$0x16F0]  }
0x167: {  	v23 =	vadd.f32 v27, v26;
	v27 =	vld [tilespmem:$0x1FCE0]  }
0x168: {  	[tilespmem:s22+$0x290] =	vst v2;
	v16 =	vadd.f32 v25, v24;
	v24 =	vadd.f32 v31, v30;
	v30 =	vld [tilespmem:$0x1FD00]  }
0x169: {  	v2 =	vmul.f32 v34, v29;
	v59 =	vmax.f32 v22, $0.0e+00;
	[tilespmem:s22+$0x320] =	vst v55;
	v31 =	vld [tilespmem:$0x1FD10]  }
0x16a: {  	v22 =	vmul.f32 v59, v29;
	v25 =	vadd.f32 v33, v32;
	v55 =	vmax.f32 v17, $0.0e+00;
	[tilespmem:$0x1FE60] =	vst v60;
	v60 =	vld [tilespmem:s22+$0x550]  }
0x16b: {  	v10 =	vmul.f32 v39, v29;
	v17 =	vmul.f32 v55, v29;
	v32 =	vld [tilespmem:$0x1FD20];
	[tilespmem:s22+$0x330] =	vst v56;
	v56 =	vmax.f32 v18, $0.0e+00  }
0x16c: {  	v18 =	vmul.f32 v57, v29;
	[tilespmem:s22+$0x340] =	vst v58;
	v58 =	vmul.f32 v56, v29;
	v29 =	vld [tilespmem:$0x1FCF0]  }
0x16d: {  	[tilespmem:s22+$0x310] =	vst v5;
	v5 =	vld [tilespmem:s22+$0x16B0]  }
0x16e: {  	v55 =	vmax.f32 v14, $0.0e+00;
	v14 =	vld [tilespmem:s22+$0x1700]  }
0x16f: {  	[tilespmem:$0x1FE70] =	vst v60;
	v60 =	vld [tilespmem:s22+$0x1550]  }
0x170: {  	v33 =	vld [tilespmem:$0x1FD30]  }
0x171: {  	v34 =	vld [tilespmem:$0x1FD40];
	v29 =	vadd.f32 v30, v29;
	v30 =	vadd.f32 v32, v31;
	v31 =	vbroadcast v1, $0x5  }
0x172: {  	v39 =	vld [tilespmem:$0x1FD80]  }
0x173: {  	v56 =	vmul.f32 v55, v31;
	v55 =	vld [tilespmem:$0x1FDA0]  }
0x174: {  	v57 =	vmax.f32 v16, $0.0e+00;
	[tilespmem:$0x1FE80] =	vst v60;
	v60 =	vld [tilespmem:s22+$0x560]  }
0x175: {  	v59 =	vmul.f32 v57, v31;
	v57 =	vld [tilespmem:$0x1FDC0]  }
0x176: {  	[tilespmem:s22+$0x350] =	vst v8;
	v8 =	vadd.f32 v36, v35;
	v35 =	vld [tilespmem:$0x1FD50]  }
0x177: {  	[tilespmem:s22+$0x370] =	vst v63;
	v63 =	vld [tilespmem:$0x1FCD0]  }
0x178: {  	v36 =	vld [tilespmem:$0x1FD60];
	[tilespmem:s22+$0x360] =	vst v9  }
0x179: {  	v9 =	vld [tilespmem:s22+$0x6F0];
	[tilespmem:$0x1FE90] =	vst v60  }
0x17a: {  	v60 =	vld [tilespmem:s22+$0x1560];
	[tilespmem:s22+$0x390] =	vst v38  }
0x17b: {  	v26 =	vadd.f32 v62, v61;
	v62 =	vmax.f32 v24, $0.0e+00;
	[tilespmem:s22+$0x3B0] =	vst v50;
	v38 =	vld [tilespmem:$0x1FD70]  }
0x17c: {  	v27 =	vadd.f32 v27, v63;
	v63 =	vmul.f32 v62, v31;
	v62 =	vld [tilespmem:$0x1FE00];
	[tilespmem:s22+$0x3D0] =	vst v58  }
0x17d: {  	v50 =	vmul.f32 v37, v31;
	[tilespmem:s22+$0x410] =	vst v56;
	v56 =	vld [tilespmem:$0x1FDB0]  }
0x17e: {  	[tilespmem:s22+$0x420] =	vst v59;
	v59 =	vld [tilespmem:$0x1FDE0]  }
0x17f: {  	v32 =	vadd.f32 v34, v33;
	v58 =	vmax.f32 v23, $0.0e+00;
	[tilespmem:s22+$0x400] =	vst v50;
	v50 =	vld [tilespmem:$0x1FD90]  }
0x180: {  	v61 =	vmul.f32 v58, v31;
	v58 =	vld [tilespmem:$0x1FDD0];
	v34 =	vadd.f32 v39, v38;
	v39 =	vmax.f32 v26, $0.0e+00  }
0x181: {  	v8 =	vmax.f32 v8, $0.0e+00;
	v38 =	vmax.f32 v25, $0.0e+00;
	v25 =	vmul.f32 v39, v31;
	v39 =	vld [tilespmem:$0x1FE30]  }
0x182: {  	v8 =	vmul.f32 v8, v31;
	v24 =	vmul.f32 v38, v31;
	v31 =	vadd.f32 v57, v56;
	v56 =	vld [tilespmem:$0x1FE50]  }
0x183: {  	v57 =	vld [tilespmem:$0x1FE60]  }
0x184: {  	v26 =	vadd.f32 v55, v50;
	v50 =	vld [tilespmem:$0x1FE40]  }
0x185: {  	[tilespmem:s22+$0x430] =	vst v61;
	v61 =	vld [tilespmem:$0x1FDF0]  }
0x186: {  	v37 =	vbroadcast v1, $0x6;
	[tilespmem:s22+$0x440] =	vst v63;
	v63 =	vld [tilespmem:$0x1FE10]  }
0x187: {  	v33 =	vadd.f32 v36, v35;
	v35 =	vadd.f32 v59, v58;
	v38 =	vld [tilespmem:$0x1FE20];
	v58 =	vmax.f32 v29, $0.0e+00  }
0x188: {  	v29 =	vmul.f32 v58, v37;
	v58 =	vld [tilespmem:$0x1FEA0]  }
0x189: {  	v59 =	vmax.f32 v30, $0.0e+00;
	v39 =	vadd.f32 v50, v39;
	v50 =	vadd.f32 v57, v56;
	v57 =	vld [tilespmem:$0x1FE90]  }
0x18a: {  	v36 =	vadd.f32 v62, v61;
	v61 =	vmax.f32 v32, $0.0e+00;
	v62 =	vmul.f32 v59, v37;
	v59 =	vld [tilespmem:$0x1FEB0]  }
0x18b: {  	v30 =	vmul.f32 v61, v37;
	v61 =	vld [tilespmem:$0x1FED0]  }
0x18c: {  	[tilespmem:s22+$0x4A0] =	vst v62;
	v62 =	vld [tilespmem:$0x1FEE0];
	v38 =	vadd.f32 v38, v63;
	v63 =	vmax.f32 v33, $0.0e+00  }
0x18d: {  	v33 =	vmul.f32 v63, v37;
	v63 =	vld [tilespmem:$0x1FEF0]  }
0x18e: {  	v57 =	vadd.f32 v60, v57;
	v60 =	vld [tilespmem:$0x1FEC0]  }
0x18f: {  	v32 =	vld [tilespmem:$0x1FE70]  }
0x190: {  	v56 =	vld [tilespmem:$0x1FE80]  }
0x191: {  	[tilespmem:s22+$0x270] =	vst v0;
	v45 =	vadd.f32 v41, v45;
	v16 =	vld [tilespmem:s22+$0x710];
	v9 =	vadd.f32 v12, v9;
	v0 =	vmax.f32 v34, $0.0e+00  }
0x192: {  	v55 =	vmax.f32 v27, $0.0e+00;
	v34 =	vmul.f32 v0, v37;
	v0 =	vld [tilespmem:$0x1FF20];
	v58 =	vadd.f32 v59, v58  }
0x193: {  	v26 =	vmax.f32 v26, $0.0e+00;
	v59 =	vadd.f32 v61, v60;
	v61 =	vadd.f32 v63, v62;
	v63 =	vld [tilespmem:$0x1FF30]  }
0x194: {  	v41 =	vld [tilespmem:s22+$0x17F0];
	[tilespmem:s22+$0x380] =	vst v2;
	v23 =	vmul.f32 v55, v37;
	v31 =	vmax.f32 v31, $0.0e+00;
	v55 =	vmul.f32 v26, v37  }
0x195: {  	v12 =	vld [tilespmem:s22+$0x850];
	[tilespmem:s22+$0x3A0] =	vst v10;
	v37 =	vmul.f32 v31, v37;
	v56 =	vadd.f32 v56, v32;
	v60 =	vbroadcast v1, $0x7  }
0x196: {  	v2 =	vld [tilespmem:s22+$0x6D0];
	[tilespmem:s22+$0x4E0] =	vst v55;
	v55 =	vmax.f32 v38, $0.0e+00  }
0x197: {  	v10 =	vld [tilespmem:s22+$0x16E0];
	[tilespmem:s22+$0x4F0] =	vst v37;
	v56 =	vmax.f32 v56, $0.0e+00;
	v37 =	vmul.f32 v55, v60  }
0x198: {  	[tilespmem:s22+$0x3C0] =	vst v17;
	v17 =	vld [tilespmem:s22+$0x1710];
	v55 =	vmax.f32 v50, $0.0e+00;
	v63 =	vadd.f32 v63, v0;
	v0 =	vmax.f32 v39, $0.0e+00  }
0x199: {  	v39 =	vmul.f32 v55, v60;
	v55 =	vmul.f32 v56, v60;
	v56 =	vmax.f32 v58, $0.0e+00;
	v58 =	vld [tilespmem:$0x1FF50]  }
0x19a: {  	[tilespmem:s22+$0x3E0] =	vst v18;
	v38 =	vmul.f32 v0, v60;
	v0 =	vmax.f32 v57, $0.0e+00;
	v57 =	vld [tilespmem:$0x1FF40]  }
0x19b: {  	[tilespmem:s22+$0x3F0] =	vst v22;
	v18 =	vld [tilespmem:s22+$0x720]  }
0x19c: {  	v22 =	vld [tilespmem:s22+$0x730];
	[tilespmem:s22+$0x460] =	vst v8;
	v36 =	vmax.f32 v36, $0.0e+00;
	v31 =	vmax.f32 v35, $0.0e+00  }
0x19d: {  	v8 =	vld [tilespmem:s22+$0x1740];
	[tilespmem:s22+$0x4D0] =	vst v34;
	v34 =	vmul.f32 v31, v60;
	v35 =	vmul.f32 v36, v60  }
0x19e: {  	v56 =	vmul.f32 v56, v60;
	v50 =	vmul.f32 v0, v60;
	v60 =	vld [tilespmem:$0x1FF60]  }
0x19f: {  	v57 =	vadd.f32 v58, v57;
	v58 =	vld [tilespmem:$0x1FF70]  }
0x1a0: {  	[tilespmem:s22+$0x4C0] =	vst v33;
	v33 =	vld [tilespmem:$0x1FF00]  }
0x1a1: {  	v62 =	vld [tilespmem:$0x1FF10]  }
0x1a2: {  	v0 =	vld [tilespmem:$0x1FF80]  }
0x1a3: {  	[tilespmem:s22+$0x530] =	vst v38;
	v38 =	vld [tilespmem:$0x1FFA0]  }
0x1a4: {  	v58 =	vadd.f32 v58, v60;
	v60 =	vld [tilespmem:$0x1FF90]  }
0x1a5: {  	v20 =	vadd.f32 v20, v47;
	v47 =	vld [tilespmem:s22+$0x1810]  }
0x1a6: {  	v5 =	vadd.f32 v5, v6;
	v6 =	vld [tilespmem:s22+$0x1820]  }
0x1a7: {  	v2 =	vadd.f32 v7, v2;
	v7 =	vld [tilespmem:s22+$0x1830];
	v10 =	vadd.f32 v10, v11;
	[tilespmem:s22+$0x450] =	vst v24  }
0x1a8: {  	v11 =	vld [tilespmem:s22+$0x840];
	v62 =	vadd.f32 v62, v33;
	[tilespmem:s22+$0x540] =	vst v39;
	v39 =	vadd.f32 v46, v43  }
0x1a9: {  	v27 =	vld [tilespmem:s22+$0x740];
	[tilespmem:s22+$0x470] =	vst v25;
	v60 =	vadd.f32 v60, v0;
	v0 =	vadd.f32 v42, v38;
	v38 =	vbroadcast v1, $0x8  }
0x1aa: {  	v24 =	vld [tilespmem:s22+$0x1730];
	[tilespmem:s22+$0x550] =	vst v55;
	v55 =	vmax.f32 v61, $0.0e+00;
	v42 =	vadd.f32 v52, v49;
	v52 =	vmax.f32 v59, $0.0e+00  }
0x1ab: {  	v25 =	vld [tilespmem:s22+$0x1750];
	[tilespmem:s22+$0x490] =	vst v29;
	v63 =	vmax.f32 v63, $0.0e+00;
	v49 =	vmax.f32 v62, $0.0e+00;
	v46 =	vmul.f32 v52, v38  }
0x1ac: {  	v29 =	vld [tilespmem:s22+$0x1760];
	[tilespmem:s22+$0x480] =	vst v23;
	v62 =	vmax.f32 v57, $0.0e+00;
	v52 =	vmul.f32 v55, v38;
	v55 =	vmul.f32 v49, v38  }
0x1ad: {  	v23 =	vld [tilespmem:s22+$0x750];
	[tilespmem:s22+$0x570] =	vst v56;
	v56 =	vmul.f32 v63, v38;
	v63 =	vmax.f32 v58, $0.0e+00;
	v58 =	vmul.f32 v62, v38  }
0x1ae: {  	v26 =	vld [tilespmem:s22+$0x760];
	v62 =	vmax.f32 v60, $0.0e+00;
	v0 =	vmax.f32 v0, $0.0e+00;
	v57 =	vmul.f32 v63, v38  }
0x1af: {  	v60 =	vmul.f32 v62, v38;
	v0 =	vmul.f32 v0, v38;
	v38 =	vld [tilespmem:$0x1FFB0]  }
0x1b0: {  	v63 =	vld [tilespmem:$0x1FFC0]  }
0x1b1: {  	[tilespmem:s22+$0x4B0] =	vst v30;
	v30 =	vld [tilespmem:s22+$0x770]  }
0x1b2: {  	v4 =	vadd.f32 v7, v4;
	v7 =	vld [tilespmem:s22+$0x18F0]  }
0x1b3: {  	v32 =	vld [tilespmem:s22+$0x780];
	[tilespmem:s22+$0x500] =	vst v34  }
0x1b4: {  	[tilespmem:s22+$0x5A0] =	vst v55;
	v55 =	vld [tilespmem:$0x1FFD0]  }
0x1b5: {  	[tilespmem:s22+$0x510] =	vst v35;
	v38 =	vadd.f32 v63, v38;
	v63 =	vld [tilespmem:$0x1FFE0]  }
0x1b6: {  	v31 =	vld [tilespmem:s22+$0x1770];
	[tilespmem:s22+$0x520] =	vst v37  }
0x1b7: {  	v36 =	vld [tilespmem:s22+$0x7A0];
	[tilespmem:s22+$0x560] =	vst v50  }
0x1b8: {  	v34 =	vld [tilespmem:s22+$0x790];
	[tilespmem:s22+$0x580] =	vst v46  }
0x1b9: {  	v35 =	vld [tilespmem:s22+$0x1790];
	[tilespmem:s22+$0x590] =	vst v52  }
0x1ba: {  	[tilespmem:s22+$0x5B0] =	vst v56;
	v56 =	vadd.f32 v63, v55;
	v63 =	vld [tilespmem:$0x1FFF0]  }
0x1bb: {  	v37 =	vld [tilespmem:s22+$0x17A0];
	v62 =	vbroadcast v1, $0x9;
	[tilespmem:s22+$0x5C0] =	vst v58  }
0x1bc: {  	v33 =	vld [tilespmem:s22+$0x1780];
	v39 =	vmax.f32 v39, $0.0e+00;
	[tilespmem:s22+$0x5D0] =	vst v57  }
0x1bd: {  	v61 =	vld [tilespmem:s22+$0x17B0];
	v42 =	vmax.f32 v42, $0.0e+00;
	v39 =	vmul.f32 v39, v62;
	[tilespmem:s22+$0x5E0] =	vst v60  }
0x1be: {  	v51 =	vadd.f32 v53, v51;
	v43 =	vld [tilespmem:s22+$0x17C0];
	v42 =	vmul.f32 v42, v62;
	[tilespmem:s22+$0x5F0] =	vst v0;
	v38 =	vmax.f32 v38, $0.0e+00  }
0x1bf: {  	v50 =	vld [tilespmem:s22+$0x7C0];
	[tilespmem:s22+$0x600] =	vst v39;
	v38 =	vmul.f32 v38, v62;
	v56 =	vmax.f32 v56, $0.0e+00;
	v58 =	vadd.f32 v40, v63  }
0x1c0: {  	v48 =	vmax.f32 v48, $0.0e+00;
	v59 =	vld [tilespmem:s22+$0x7B0];
	[tilespmem:s22+$0x610] =	vst v42;
	v56 =	vmul.f32 v56, v62;
	v63 =	vmax.f32 v45, $0.0e+00  }
0x1c1: {  	v49 =	vld [tilespmem:s22+$0x17D0];
	[tilespmem:s22+$0x620] =	vst v38;
	v57 =	vmul.f32 v63, v62;
	v63 =	vmax.f32 v51, $0.0e+00;
	v60 =	vmax.f32 v58, $0.0e+00  }
0x1c2: {  	v46 =	vld [tilespmem:s22+$0x7D0];
	[tilespmem:s22+$0x630] =	vst v56;
	v58 =	vadd.f32 v28, v54;
	v38 =	vmul.f32 v63, v62;
	v0 =	vmul.f32 v60, v62  }
0x1c3: {  	v52 =	vld [tilespmem:s22+$0x7E0];
	v60 =	vmul.f32 v48, v62;
	v48 =	vbroadcast v1, $0xA;
	[tilespmem:s22+$0x650] =	vst v57  }
0x1c4: {  	v39 =	vadd.f32 v21, v18;
	v18 =	vld [tilespmem:s22+$0x870];
	v54 =	vmax.f32 v58, $0.0e+00;
	[tilespmem:s22+$0x670] =	vst v38  }
0x1c5: {  	v21 =	vld [tilespmem:s22+$0x880];
	v56 =	vmax.f32 v20, $0.0e+00;
	v51 =	vmul.f32 v54, v48;
	[tilespmem:s22+$0x640] =	vst v0  }
0x1c6: {  	v3 =	vmax.f32 v3, $0.0e+00;
	v15 =	vmax.f32 v15, $0.0e+00;
	v55 =	vld [tilespmem:s22+$0x17E0];
	v0 =	vmul.f32 v56, v48;
	[tilespmem:s22+$0x660] =	vst v60  }
0x1c7: {  	v5 =	vmax.f32 v5, $0.0e+00;
	v8 =	vadd.f32 v8, v27;
	v40 =	vld [tilespmem:s22+$0x7F0];
	v15 =	vmul.f32 v15, v48;
	[tilespmem:s22+$0x680] =	vst v51  }
0x1c8: {  	v9 =	vmax.f32 v9, $0.0e+00;
	v2 =	vmax.f32 v2, $0.0e+00;
	v45 =	vld [tilespmem:s22+$0x1800];
	v5 =	vmul.f32 v5, v48;
	[tilespmem:s22+$0x690] =	vst v0  }
0x1c9: {  	v10 =	vmax.f32 v10, $0.0e+00;
	v8 =	vmax.f32 v8, $0.0e+00;
	v20 =	vld [tilespmem:s22+$0x1840];
	v3 =	vmul.f32 v3, v48;
	[tilespmem:s22+$0x6A0] =	vst v15  }
0x1ca: {  	v34 =	vadd.f32 v35, v34;
	v28 =	vld [tilespmem:s22+$0x810];
	v62 =	vadd.f32 v17, v16;
	v57 =	vmul.f32 v2, v48;
	[tilespmem:s22+$0x6B0] =	vst v5  }
0x1cb: {  	v16 =	vld [tilespmem:s22+$0x860];
	v58 =	vmul.f32 v10, v48;
	v60 =	vadd.f32 v14, v13;
	v14 =	vbroadcast v1, $0xB;
	[tilespmem:s22+$0x6C0] =	vst v3  }
0x1cc: {  	v36 =	vadd.f32 v37, v36;
	v17 =	vld [tilespmem:s22+$0x1860];
	v63 =	vmul.f32 v9, v48;
	v48 =	vmax.f32 v62, $0.0e+00;
	[tilespmem:s22+$0x6D0] =	vst v57  }
0x1cd: {  	v32 =	vadd.f32 v33, v32;
	v13 =	vld [tilespmem:s22+$0x1850];
	v54 =	vmax.f32 v39, $0.0e+00;
	v53 =	vmul.f32 v48, v14;
	[tilespmem:s22+$0x6E0] =	vst v58  }
0x1ce: {  	v10 =	vld [tilespmem:s22+$0x1870];
	v62 =	vadd.f32 v29, v26;
	v29 =	vadd.f32 v31, v30;
	v56 =	vmul.f32 v54, v14;
	[tilespmem:s22+$0x6F0] =	vst v63  }
0x1cf: {  	v26 =	vld [tilespmem:s22+$0x8A0];
	v9 =	vmax.f32 v32, $0.0e+00;
	v38 =	vmax.f32 v60, $0.0e+00;
	v63 =	vmul.f32 v8, v14;
	[tilespmem:s22+$0x710] =	vst v53  }
0x1d0: {  	v32 =	vld [tilespmem:s22+$0x18D0];
	v51 =	vadd.f32 v24, v22;
	v31 =	vmax.f32 v62, $0.0e+00;
	v42 =	vmul.f32 v38, v14;
	[tilespmem:s22+$0x720] =	vst v56  }
0x1d1: {  	v22 =	vld [tilespmem:s22+$0x1880];
	v8 =	vbroadcast v1, $0xC;
	v35 =	vmax.f32 v29, $0.0e+00;
	v33 =	vmul.f32 v31, v14;
	[tilespmem:s22+$0x740] =	vst v63  }
0x1d2: {  	v4 =	vmax.f32 v4, $0.0e+00;
	v58 =	vadd.f32 v25, v23;
	v23 =	vld [tilespmem:s22+$0x890];
	v37 =	vmul.f32 v35, v14;
	[tilespmem:s22+$0x700] =	vst v42  }
0x1d3: {  	v24 =	vld [tilespmem:s22+$0x1890];
	v15 =	vmax.f32 v36, $0.0e+00;
	v25 =	vbroadcast v1, $0xD;
	v38 =	vmul.f32 v9, v8;
	[tilespmem:s22+$0x760] =	vst v33  }
0x1d4: {  	v39 =	vadd.f32 v61, v59;
	v48 =	vadd.f32 v43, v50;
	v29 =	vld [tilespmem:s22+$0x18B0];
	v50 =	vmul.f32 v15, v8;
	[tilespmem:s22+$0x770] =	vst v37  }
0x1d5: {  	v62 =	vadd.f32 v45, v44;
	v36 =	vld [tilespmem:s22+$0x18E0];
	v57 =	vmax.f32 v51, $0.0e+00;
	v45 =	vmul.f32 v4, v25;
	[tilespmem:s22+$0x780] =	vst v38  }
0x1d6: {  	v28 =	vadd.f32 v47, v28;
	v31 =	vld [tilespmem:s22+$0x18C0];
	v27 =	vmax.f32 v58, $0.0e+00;
	v60 =	vmul.f32 v57, v14;
	[tilespmem:s22+$0x7A0] =	vst v50  }
0x1d7: {  	v47 =	vadd.f32 v17, v16;
	v53 =	vmax.f32 v39, $0.0e+00;
	v9 =	vld [tilespmem:s22+$0x8D0];
	v30 =	vmul.f32 v27, v14;
	[tilespmem:s22+$0x830] =	vst v45  }
0x1d8: {  	v54 =	vmax.f32 v48, $0.0e+00;
	v56 =	vadd.f32 v55, v52;
	v55 =	vld [tilespmem:s22+$0x920];
	v3 =	vmul.f32 v53, v8;
	[tilespmem:s22+$0x730] =	vst v60  }
0x1d9: {  	v39 =	vmax.f32 v28, $0.0e+00;
	v28 =	vld [tilespmem:s22+$0x940];
	v42 =	vmax.f32 v34, $0.0e+00;
	v57 =	vmul.f32 v54, v8;
	[tilespmem:s22+$0x750] =	vst v30  }
0x1da: {  	v6 =	vadd.f32 v6, v19;
	v27 =	vld [tilespmem:s22+$0x18A0];
	v37 =	vmax.f32 v62, $0.0e+00;
	v0 =	vmul.f32 v42, v8;
	[tilespmem:s22+$0x7B0] =	vst v3  }
0x1db: {  	v51 =	vadd.f32 v49, v46;
	v14 =	vld [tilespmem:s22+$0x8B0];
	v53 =	vmax.f32 v47, $0.0e+00;
	v38 =	vmul.f32 v37, v25;
	[tilespmem:s22+$0x7C0] =	vst v57  }
0x1dc: {  	v33 =	vld [tilespmem:s22+$0x8E0];
	v44 =	vadd.f32 v13, v12;
	v59 =	vmax.f32 v56, $0.0e+00;
	v56 =	vmul.f32 v53, v25;
	[tilespmem:s22+$0x790] =	vst v0  }
0x1dd: {  	v12 =	vld [tilespmem:s22+$0x1900];
	v58 =	vmax.f32 v51, $0.0e+00;
	v42 =	vadd.f32 v20, v11;
	v61 =	vmul.f32 v59, v8;
	[tilespmem:s22+$0x800] =	vst v38  }
0x1de: {  	v13 =	vld [tilespmem:s22+$0x910];
	v50 =	vadd.f32 v10, v18;
	v60 =	vadd.f32 v41, v40;
	v40 =	vmul.f32 v39, v25;
	[tilespmem:s22+$0x860] =	vst v56  }
0x1df: {  	v47 =	vld [tilespmem:s22+$0x1960];
	v41 =	vmax.f32 v6, $0.0e+00;
	v49 =	vmax.f32 v44, $0.0e+00;
	v0 =	vmul.f32 v58, v8;
	[tilespmem:s22+$0x7E0] =	vst v61  }
0x1e0: {  	v11 =	vld [tilespmem:s22+$0x900];
	v54 =	vadd.f32 v22, v21;
	v57 =	vbroadcast v1, $0xE;
	v43 =	vmul.f32 v41, v25;
	[tilespmem:s22+$0x810] =	vst v40  }
0x1e1: {  	v30 =	vld [tilespmem:s22+$0x8C0];
	v46 =	vmax.f32 v42, $0.0e+00;
	v52 =	vmul.f32 v49, v25;
	v58 =	vadd.f32 v24, v23;
	[tilespmem:s22+$0x7D0] =	vst v0  }
0x1e2: {  	v51 =	vld [tilespmem:s22+$0x1910];
	v63 =	vmax.f32 v60, $0.0e+00;
	v48 =	vmul.f32 v46, v25;
	v60 =	vmax.f32 v50, $0.0e+00;
	[tilespmem:s22+$0x820] =	vst v43  }
0x1e3: {  	v37 =	vld [tilespmem:s22+$0x950];
	v61 =	vmax.f32 v54, $0.0e+00;
	v3 =	vmul.f32 v63, v8;
	v62 =	vadd.f32 v27, v26;
	[tilespmem:s22+$0x850] =	vst v52  }
0x1e4: {  	v59 =	vld [tilespmem:s22+$0x1920];
	v2 =	vmul.f32 v60, v25;
	v23 =	vmul.f32 v61, v57;
	v26 =	vmax.f32 v58, $0.0e+00;
	[tilespmem:s22+$0x840] =	vst v48  }
0x1e5: {  	v40 =	vld [tilespmem:s22+$0x1950];
	v24 =	vadd.f32 v29, v14;
	v36 =	vadd.f32 v36, v33;
	v0 =	vmul.f32 v26, v57;
	[tilespmem:s22+$0x7F0] =	vst v3  }
0x1e6: {  	v8 =	vld [tilespmem:s22+$0x8F0];
	v46 =	vadd.f32 v12, v11;
	v6 =	vmax.f32 v62, $0.0e+00;
	v27 =	vadd.f32 v31, v30;
	[tilespmem:s22+$0x870] =	vst v2  }
0x1e7: {  	v63 =	vld [tilespmem:s22+$0x930];
	v30 =	vadd.f32 v32, v9;
	[tilespmem:s22+$0x880] =	vst v23;
	v32 =	vmax.f32 v24, $0.0e+00;
	v29 =	vmul.f32 v6, v57  }
0x1e8: {  	v1 =	vbroadcast v1, $0xF;
	v25 =	vld [tilespmem:s22+$0x1930];
	v42 =	vmax.f32 v36, $0.0e+00;
	[tilespmem:s22+$0x890] =	vst v0;
	v38 =	vmul.f32 v32, v57  }
0x1e9: {  	v43 =	vld [tilespmem:s22+$0x960];
	v45 =	vmul.f32 v42, v57;
	v52 =	vmax.f32 v46, $0.0e+00;
	[tilespmem:s22+$0x8A0] =	vst v29  }
0x1ea: {  	v31 =	vld [tilespmem:s22+$0x1940];
	v53 =	vadd.f32 v59, v55;
	v35 =	vmax.f32 v27, $0.0e+00;
	v3 =	vmul.f32 v52, v1;
	[tilespmem:s22+$0x8B0] =	vst v38  }
0x1eb: {  	v50 =	vld [tilespmem:s22+$0x970];
	v41 =	vmax.f32 v30, $0.0e+00;
	v39 =	vmul.f32 v35, v57;
	v7 =	vadd.f32 v7, v8;
	[tilespmem:s22+$0x8E0] =	vst v45  }
0x1ec: {  	v54 =	vld [tilespmem:s22+$0x1970];
	v49 =	vadd.f32 v51, v13;
	v4 =	vmax.f32 v53, $0.0e+00;
	v44 =	vmul.f32 v41, v57;
	[tilespmem:s22+$0x900] =	vst v3  }
0x1ed: {  	v55 =	vadd.f32 v25, v63;
	v4 =	vmul.f32 v4, v1;
	[tilespmem:s22+$0x8C0] =	vst v39;
	v48 =	vmax.f32 v7, $0.0e+00  }
0x1ee: {  	v58 =	vadd.f32 v47, v43;
	[tilespmem:s22+$0x8D0] =	vst v44;
	v7 =	vmax.f32 v49, $0.0e+00;
	v51 =	vmul.f32 v48, v57  }
0x1ef: {  	v56 =	vadd.f32 v31, v28;
	v2 =	vmax.f32 v55, $0.0e+00;
	[tilespmem:s22+$0x920] =	vst v4;
	v7 =	vmul.f32 v7, v1  }
0x1f0: {  	v61 =	vmax.f32 v58, $0.0e+00;
	v57 =	vadd.f32 v40, v37;
	v2 =	vmul.f32 v2, v1;
	[tilespmem:s22+$0x8F0] =	vst v51  }
0x1f1: {  	p1 =	por p0, p0;
	v59 =	vadd.f32 v54, v50;
	v62 =	vmul.f32 v61, v1;
	v0 =	vmax.f32 v56, $0.0e+00;
	[tilespmem:s22+$0x910] =	vst v7  }
.Ltmp1:
0x1f2: {  	v0 =	vmul.f32 v0, v1;
	v3 =	vmax.f32 v57, $0.0e+00;
	[tilespmem:s22+$0x930] =	vst v2;
	(pc) =	sbr.rel @p1 .LBB2_5-.Ltmp1, $4  }
0x1f3: {  	v63 =	vmax.f32 v59, $0.0e+00;
	[tilespmem:s22+$0x960] =	vst v62;
	v60 =	vmul.f32 v3, v1  }
0x1f4: {  	v1 =	vmul.f32 v63, v1;
	[tilespmem:s22+$0x940] =	vst v0  }
0x1f5: {  	[tilespmem:s22+$0x950] =	vst v60  }
0x1f6: {  	p0 =	por $0x0, $0x0;
	s21 =	simm.s32 $0x1;
	[tilespmem:s22+$0x970] =	vst v1  }
0x1f7: {  	s20 =	sadd.s32 $0x1, s20  }
0x1f8: {  	p0 =	sne.s32 s20, $0x13C  }
.Ltmp2:
0x1f9: {  	_ = 	snop;
	(pc) =	sbr.rel @p0 .LBB2_4-.Ltmp2, $4  }
0x1fa: {  	[spmem:s2] =	stream.indirect.scatter.add.f32 [tilespmem:s3], [sflag:$0x3], $0x80, s4, s14, $0xb8;
	[tilespmem:$0x16180] =	vst v63  }
0x1fb: {  	_ =	swait.ge [sflag:s11], $0x1000  }
0x1fc: {  	[sflag:s11] =	ssyncset.done $0x0  }
0x1fd: {  	[sflag:s11] =	ssyncadd.s32 $0xFFFFF000  }
0x1fe: {  	[bflag:$0x0] =	sbarrier.arrive $0xFFFF  }
0x1ff: {  	[tilespmem:s3], [sflag:$0x3] =	stream.linear.gather [spmem:s10], $0x1000, $0x38;
	[tilespmem:$0x16180] =	vst v63  }
0x200: {  	_ =	swait.ge [sflag:s11], $0x1000  }
0x201: {  	[sflag:s11] =	ssyncset.done $0x0  }
0x202: {  	s19 =	sadd.s32 $0x0, s25;
	[sflag:s11] =	ssyncadd.s32 $0xFFFFF000  }
0x203: {  	[hbm4b:s19+s4] =	stream.linear.scatter [tilespmem:s3], [sflag:$0x3], $0x1000, $0x38;
	[tilespmem:$0x16180] =	vst v63  }
0x204: {  	_ =	swait.ge [sflag:s11], $0x1000  }
0x205: {  	s20 =	smov.u32 s10;
	s19 =	simm.s32 $0x200;
	[sflag:s11] =	ssyncset.done $0x0  }
.LBB2_8:
0x206: {  	p0 =	sne.s32 s19, $0x2600;
	[sflag:s11] =	ssyncadd.s32 $0xFFFFF000;
	s20 =	sadd.s32 $0x1000, s20  }
0x207: {  	[tilespmem:s3], [sflag:$0x3] =	stream.linear.gather [spmem:s20], $0x1000, $0x38;
	[tilespmem:$0x16180] =	vst v63  }
0x208: {  	s21 =	smov.u32 s19;
	s19 =	sadd.s32 $0x200, s19;
	_ =	swait.ge [sflag:s11], $0x1000  }
.Ltmp3:
0x209: {  	[sflag:s11] =	ssyncset.done $0x0;
	(pc) =	sbr.rel @p0 .LBB2_8-.Ltmp3, $4  }
0x20a: {  	s21 =	sadd.s32 s21, s25;
	[sflag:s11] =	ssyncadd.s32 $0xFFFFF000  }
0x20b: {  	[hbm4b:s21+s4] =	stream.linear.scatter [tilespmem:s3], [sflag:$0x3], $0x1000, $0x38;
	[tilespmem:$0x16180] =	vst v63  }
0x20c: {  	_ =	swait.ge [sflag:s11], $0x1000  }
0x20d: {  	[sflag:s11] =	ssyncset.done $0x0  }
0x20e: {  	s18 =	sadd.s32 $0x1, s18;
	s19 =	rddreg [dreg:$0x4]  }
0x20f: {  	p0 =	sne.s32 s18, s19  }
.Ltmp4:
0x210: {  	_ = 	snop;
	(pc) =	sbr.rel @p0 .LBB2_1-.Ltmp4, $2  }
0x211: {  	_ =	sdelay $0x2  }
0x212: {  	[sflag:s11] =	ssyncadd.s32 $0xFFFFF000;
	v0 =	vimm.f32 $0.0e+00  }
0x213: {  	_ =	sfence.sel $0x180000  }
0x214: {  	[bflag:$0x0] =	sbarrier.arrive $0xFFFF  }
0x215: {  	_ =	strace $0x90000047  }
0x216: {  	s0 =	stileid.u32;
	[bflag:$0x2] =	sbarrier.arrive $0xFFFF  }
0x217: {  	p0 =	sne.s32 s0, $0x0;
	s0 =	rddreg [dreg:$0x3]  }
0x218: {  	s0 =	sadd.s32 @!p0 $0x100000, s0  }
0x219: {  	[sflag:s0] =	ssyncadd.tile.s32 @!p0 $0x1;
	_ =	shalt  }
.Lfunc_end2:
_tile_overlayer_lowered:
.L_overlay_start_2:
0x21a: {  	(tag) =	ssettag $0x2  }
0x21b: {  	s0 =	rddreg [dreg:$0x0];
	s2 =	stileid.u32  }
0x21c: {  	s1 =	rddreg [dreg:$0x1];
	p0 =	sne.s32 s2, $0x0  }
0x21d: {  	s3 =	rddreg [dreg:$0x2];
	[bflag:$0x3] =	sbarrier.arrive $0xFFFF;
	s2 =	simm.s32 @!p0 $0x1C03  }
0x21e: {  	[timem:s3], [sflag:s2] =	dma.local @!p0 [hbm:s0], s1  }
0x21f: {  	s0 =	simm.s32 @!p0 $0x3  }
0x220: {  	_ =	swait.ge @!p0 [sflag:s0], s1  }
0x221: {  	s1 =	ssub.s32 @!p0 $0x0, s1;
	[sflag:s0] =	ssyncset.done @!p0 $0x0  }
0x222: {  	[sflag:s0] =	ssyncadd.s32 @!p0 s1  }
0x223: {  	[bflag:$0x3] =	sbarrier.arrive $0xFFFF  }
0x224: {  	_ =	shalt  }

// kernel: kernel.9.cloned.1.call-start
scs
__scs_entry_jumppad:
0x0: {  	(pc) =	sbr.rel $0x88, $3  }
0x1: {  	(tag) =	ssettag $0x0;
	lr =	simm.s32 $0x1  }
0x2: {  	[smem:$0x3F99] =	sst lr;
	_ =	strace $0xD0000000  }
0x3: {  	_ = 	snop  }
0x4: {  	_ = 	snop  }
0x5: {  	_ = 	snop  }
0x6: {  	_ = 	snop  }
0x7: {  	_ = 	snop  }
__scs_overlays_trampoline_lowered:
0x8: {  	[smem:$0x3FA8] =	sst s0  }
0x9: {  	[smem:$0x3FA9] =	sst s1  }
0xa: {  	[smem:$0x3FAA] =	sst s2  }
0xb: {  	[smem:$0x3FAB] =	sst s3  }
0xc: {  	[smem:$0x3FAC] =	sst s4  }
0xd: {  	[smem:$0x3FAD] =	sst s5  }
0xe: {  	[smem:$0x3FAE] =	sst s6  }
0xf: {  	[smem:$0x3FAF] =	sst s7  }
0x10: {  	[smem:$0x3FB0] =	sst s8  }
0x11: {  	[smem:$0x3FB1] =	sst s9;
	s0 =	simm.s32 @!p0 $0x0  }
0x12: {  	s1 =	sld [smem:$0x3F97];
	s0 =	simm.s32 @p0 $0x1  }
0x13: {  	[smem:$0x3FB2] =	sst s0;
	s0 =	simm.s32 @!p1 $0x0  }
0x14: {  	s2 =	sld [smem:$0x3F96];
	s0 =	simm.s32 @p1 $0x1  }
0x15: {  	[smem:$0x3FB3] =	sst s0;
	s0 =	simm.s32 @!p2 $0x0  }
0x16: {  	s3 =	sld [smem:$0x3FDB];
	s0 =	simm.s32 @p2 $0x1  }
0x17: {  	s4 =	simm.s32 $0x1BF5;
	[smem:$0x3FB5] =	sst s0  }
0x18: {  	s0 =	sld [smem:$0x3F98];
	_ =	swait.ge [sflag:s4], $0x0  }
0x19: {  	s7 =	sld [smem:$0x3F99]  }
0x1a: {  	s8 =	sadd.s32 $0xFFFFE003, lr  }
0x1b: {  	s9 =	sadd.s32 $0xFFFFFEF7, lr;
	s5 =	simm.s32 $0xFFFFFFFF;
	p2 =	slt.u32 s8, $0xFFFFF086  }
0x1c: {  	p1 =	slt.u32 s9, $0xF7A;
	s5 =	simm.s32 @!p2 $0x0  }
0x1d: {  	s5 =	simm.s32 @p1 $0x1;
	p0 =	seq.s32 s7, s2  }
0x1e: {  	s7 =	smul.u32 @!p0 $0xF7A, s2;
	p2 =	seq.s32 @!p0 s5, $0x0  }
0x1f: {  	s9 =	smul.u32 $0xF7A, s1;
	s8 =	simm.s32 @!p0 $0x1BF5;
	p2 =	por !p2, p0  }
0x20: {  	[sflag:s8] =	ssyncset.s32 @!p0 $0xFFFFF086;
	s6 =	sadd.s32 @!p0 s3, s7;
	s7 =	simm.s32 @!p0 $0x108  }
0x21: {  	s3 =	sadd.s32 s3, s9;
	s6 =	sadd.s32 @!p0 $0x88, s6;
	s7 =	simm.s32 @p2 $0x1082  }
0x22: {  	[simem:s7], [sflag:s8] =	dma.local @!p0 [hbm:s6], $0xF7A  }
0x23: {  	s9 =	sor.u32 $0xD0000000, s2;
	s6 =	simm.s32 $0x108;
	_ =	swait.ge @!p0 [sflag:s8], $0x0  }
0x24: {  	s3 =	sadd.s32 $0x88, s3;
	s6 =	simm.s32 @!p1 $0x1082;
	[sflag:s4] =	ssyncset.s32 $0xFFFFF086  }
0x25: {  	[simem:s6], [sflag:s4] =	dma.local [hbm:s3], $0xF7A  }
0x26: {  	[smem:$0x3F99] =	sst s1;
	(tag) =	ssettag s2;
	_ =	strace s9  }
0x27: {  	s1 =	sld [smem:$0x3FA9]  }
0x28: {  	s2 =	sld [smem:$0x3FAA]  }
0x29: {  	s4 =	sld [smem:$0x3FAC]  }
0x2a: {  	p0 =	seq.s32 s5, $0x0;
	s5 =	sld [smem:$0x3FAD]  }
0x2b: {  	s6 =	sld [smem:$0x3FAE]  }
0x2c: {  	s7 =	sld [smem:$0x3FAF]  }
0x2d: {  	s3 =	simm.s32 $0x108;
	s8 =	sld [smem:$0x3FB0]  }
0x2e: {  	s3 =	simm.s32 @!p0 $0x1082;
	s9 =	sld [smem:$0x3FB1]  }
0x2f: {  	lr =	sadd.s32 s0, s3;
	s0 =	sld [smem:$0x3FA8]  }
0x30: {  	s3 =	sld [smem:$0x3FAB]  }
0x31: {  	[smem:$0x3FB4] =	sst s10  }
0x32: {  	s10 =	sld [smem:$0x3FB2];
	_ =	sdelay $0x3  }
0x33: {  	p0 =	seq.s32 s10, $0x1;
	s10 =	sld [smem:$0x3FB4];
	_ =	sdelay $0x3  }
0x34: {  	[smem:$0x3FB4] =	sst s10  }
0x35: {  	s10 =	sld [smem:$0x3FB3];
	_ =	sdelay $0x3  }
0x36: {  	p1 =	seq.s32 s10, $0x1;
	s10 =	sld [smem:$0x3FB4];
	_ =	sdelay $0x3  }
0x37: {  	[smem:$0x3FB4] =	sst s10  }
0x38: {  	s10 =	sld [smem:$0x3FB5]  }
0x39: {  	_ = 	snop;
	(pc) =	sbr.ind lr, $3  }
0x3a: {  	_ = 	snop  }
0x3b: {  	_ = 	snop  }
0x3c: {  	p2 =	seq.s32 s10, $0x1;
	s10 =	sld [smem:$0x3FB4]  }
0x3d: {  	_ =	shalt  }
0x3e: {  	_ =	shalt  }
0x3f: {  	_ =	shalt  }
0x40: {  	_ =	shalt  }
0x41: {  	_ =	shalt  }
0x42: {  	_ =	shalt  }
0x43: {  	_ =	shalt  }
0x44: {  	_ =	shalt  }
0x45: {  	_ =	shalt  }
0x46: {  	_ =	shalt  }
0x47: {  	_ =	shalt  }
0x48: {  	_ =	shalt  }
0x49: {  	_ =	shalt  }
0x4a: {  	_ =	shalt  }
0x4b: {  	_ =	shalt  }
0x4c: {  	_ =	shalt  }
0x4d: {  	_ =	shalt  }
0x4e: {  	_ =	shalt  }
0x4f: {  	_ =	shalt  }
0x50: {  	_ =	shalt  }
0x51: {  	_ =	shalt  }
0x52: {  	_ =	shalt  }
0x53: {  	_ =	shalt  }
0x54: {  	_ =	shalt  }
0x55: {  	_ =	shalt  }
0x56: {  	_ =	shalt  }
0x57: {  	_ =	shalt  }
0x58: {  	_ =	shalt  }
0x59: {  	_ =	shalt  }
0x5a: {  	_ =	shalt  }
0x5b: {  	_ =	shalt  }
0x5c: {  	_ =	shalt  }
0x5d: {  	_ =	shalt  }
0x5e: {  	_ =	shalt  }
0x5f: {  	_ =	shalt  }
0x60: {  	_ =	shalt  }
0x61: {  	_ =	shalt  }
0x62: {  	_ =	shalt  }
0x63: {  	_ =	shalt  }
0x64: {  	_ =	shalt  }
0x65: {  	_ =	shalt  }
0x66: {  	_ =	shalt  }
0x67: {  	_ =	shalt  }
0x68: {  	_ =	shalt  }
0x69: {  	_ =	shalt  }
0x6a: {  	_ =	shalt  }
0x6b: {  	_ =	shalt  }
0x6c: {  	_ =	shalt  }
0x6d: {  	_ =	shalt  }
0x6e: {  	_ =	shalt  }
0x6f: {  	_ =	shalt  }
0x70: {  	_ =	shalt  }
0x71: {  	_ =	shalt  }
0x72: {  	_ =	shalt  }
0x73: {  	_ =	shalt  }
0x74: {  	_ =	shalt  }
0x75: {  	_ =	shalt  }
0x76: {  	_ =	shalt  }
0x77: {  	_ =	shalt  }
0x78: {  	_ =	shalt  }
0x79: {  	_ =	shalt  }
0x7a: {  	_ =	shalt  }
0x7b: {  	_ =	shalt  }
0x7c: {  	_ =	shalt  }
0x7d: {  	_ =	shalt  }
0x7e: {  	_ =	shalt  }
0x7f: {  	_ =	shalt  }
0x80: {  	_ =	shalt  }
0x81: {  	_ =	shalt  }
0x82: {  	_ =	shalt  }
0x83: {  	_ =	shalt  }
0x84: {  	_ =	shalt  }
0x85: {  	_ =	shalt  }
0x86: {  	_ =	shalt  }
0x87: {  	_ =	shalt  }
.Lfunc_end0:
.L_simem_size_0:
called_computation.1_lowered:
.L_overlay_start_0:
0x88: {  	s2 =	sld [smem:$0x3FD9]  }
0x89: {  	s3 =	sld [smem:$0x3FFE];
	_ =	sdelay $0x1  }
0x8a: {  	s1 =	srdreg.scid  }
0x8b: {  	s0 =	sand.u32 $0x1, s1  }
0x8c: {  	s17 =	sshll.u32 s0, $0xA;
	s2 =	sadd.s32 s3, s2  }
0x8d: {  	s2 =	sadd.s32 s2, s17  }
0x8e: {  	[smem:$0x3FC0] =	sst s2  }
0x8f: {  	_ = 	snop  }
0x90: {  	s18 =	sld [smem:$0x3FD0];
	(tm) =	ssettm $0x1  }
0x91: {  	s19 =	sld [smem:$0x3FFB];
	_ =	sdelay $0x3  }
0x92: {  	_ =	strace s19  }
0x93: {  	s2 =	sld [smem:$0x3FFC];
	_ =	sdelay $0x3  }
0x94: {  	_ =	strace s2  }
0x95: {  	s2 =	sld [smem:$0x3FFD];
	_ =	sdelay $0x3  }
0x96: {  	_ =	strace s2  }
0x97: {  	_ =	strace $0x8FFFFFFF  }
0x98: {  	s20 =	sld [smem:$0x3FDB];
	_ =	sdelay $0x1  }
0x99: {  	s4 =	simm.s32 $_scs_section_size  }
0x9a: {  	s5 =	simm.s32 $_size__tile_overlayer_lowered;
	s6 =	simm.s32 $_tile_overlayer_lowered  }
0x9b: {  	s7 =	simm.s32 $0x1BFF;
	s21 =	sshll.u32 s6, $0x1;
	s4 =	sadd.s32 s4, s20  }
0x9c: {  	s22 =	simm.s32 $0x0;
	s5 =	sshll.u32 s5, $0x1;
	s6 =	sadd.s32 s21, s4  }
0x9d: {  	[timem:s22], [sflag:s7] =	dma.local [hbm:s6], s5  }
0x9e: {  	_ =	swait.ge [sflag:s7], s5  }
0x9f: {  	s5 =	ssub.s32 $0x0, s5;
	[sflag:s7] =	ssyncset.done $0x0  }
0xa0: {  	[sflag:s7] =	ssyncadd.s32 s5;
	_ =	sdelay $0x1  }
0xa1: {  	s23 =	simm.s32 $0x1B8B  }
0xa2: {  	_ =	swait.ge [sflag:s23], $0x1  }
0xa3: {  	[sflag:s23] =	ssyncset.done $0x0  }
0xa4: {  	[sflag:s23] =	ssyncadd.s32 $0xFFFFFFFF  }
0xa5: {  	s5 =	sld [smem:$0x0]  }
0xa6: {  	s6 =	sand.u32 $0xFFFFFFFE, s1  }
0xa7: {  	p0 =	sne.s32 s1, s6  }
0xa8: {  	s6 =	sshll.u32 @p0 s6, $0xE  }
0xa9: {  	s6 =	sadd.s32 @p0 $0x11B8D, s6;
	s7 =	sshll.u32 @p0 s5, $0x11  }
0xaa: {  	s6 =	sor.u32 @p0 s7, s6  }
0xab: {  	[sflag:s6] =	ssyncadd.remote.s32 @p0 $0x1;
	_ =	sdelay $0x1  }
0xac: {  	s6 =	simm.s32 @p0 $0x1B8D  }
0xad: {  	_ =	swait.eq @p0 [sflag:s6], $0x1  }
0xae: {  	[sflag:s6] =	ssyncadd.s32 @p0 $0xFFFFFFFF  }
0xaf: {  	s7 =	sshll.u32 @!p0 s1, $0xE  }
0xb0: {  	s7 =	sor.u32 @!p0 $0x4000, s7;
	s6 =	simm.s32 @!p0 $0x1B8D  }
0xb1: {  	s5 =	sshll.u32 @!p0 s5, $0x11;
	s7 =	sadd.s32 @!p0 $0x11B8D, s7;
	_ =	swait.eq @!p0 [sflag:s6], $0x1  }
0xb2: {  	s5 =	sor.u32 @!p0 s5, s7;
	[sflag:s6] =	ssyncadd.s32 @!p0 $0xFFFFFFFF  }
0xb3: {  	s25 =	simm.s32 $0x1B8E;
	s24 =	sld [smem:$0x3FFE];
	[sflag:s5] =	ssyncadd.remote.s32 @!p0 $0x1  }
0xb4: {  	s26 =	simm.s32 $execute0_lowered;
	[smem:$0x3FD2] =	sst s25  }
0xb5: {  	s6 =	sshll.u32 s26, $0x1;
	_ =	strace $0x80000049;
	[dreg:$0x1] =	wrdreg $0xFFFFFFFF  }
0xb6: {  	s28 =	simm.s32 $_size_execute0_lowered;
	s4 =	sadd.s32 s4, s6;
	[dreg:$0x0] =	wrdreg $0x0  }
0xb7: {  	s6 =	sshll.u32 s28, $0x1;
	[dreg:$0x2] =	wrdreg s4  }
0xb8: {  	[dreg:$0x3] =	wrdreg s6  }
0xb9: {  	[dreg:$0x4] =	wrdreg $0xC0  }
0xba: {  	_ =	task [dreg:s22], $0x5FFFF  }
0xbb: {  	[dreg:$0x1] =	wrdreg $0xFFFFFFFF  }
0xbc: {  	[dreg:$0x0] =	wrdreg $0x60  }
0xbd: {  	[dreg:$0x2] =	wrdreg s18  }
0xbe: {  	[dreg:$0x3] =	wrdreg s24  }
0xbf: {  	[dreg:$0x4] =	wrdreg $0x20800  }
0xc0: {  	[dreg:$0x5] =	wrdreg $0xA  }
0xc1: {  	_ =	task.clear_ibuf [dreg:s22], $0x6FFFF;
	_ =	strace $0x90000049  }
0xc2: {  	s29 =	simm.s32 $0xA;
	_ =	strace $0x8000004B  }
0xc3: {  	_ =	swait.ge [sflag:s29], $0x1  }
0xc4: {  	[sflag:s29] =	ssyncadd.s32 $0xFFFFFFFF  }
0xc5: {  	_ =	strace $0x9000004B  }
0xc6: {  	_ =	sfence  }
0xc7: {  	s30 =	sld [smem:$0x0];
	_ =	sdelay $0x2  }
0xc8: {  	s31 =	sshll.u32 s1, $0xD;
	s1 =	sshrl.u32 s1, $0x2  }
0xc9: {  	s4 =	sand.u32 $0x4000, s31;
	s1 =	sadd.s32 s1, s30  }
0xca: {  	s0 =	sor.u32 s4, s0;
	s1 =	sshll.u32 s1, $0x11  }
0xcb: {  	s0 =	sor.u32 s1, s0  }
0xcc: {  	s0 =	sadd.s32 $0x8F2B, s0  }
0xcd: {  	[sflag:s0] =	ssyncadd.remote.s32 $0x1  }
0xce: {  	_ =	sfence.sel $0xFFFF  }
0xcf: {  	[dreg:$0x0] =	wrdreg $0xFFFFFFFF;
	(pc) =	sbr.abs _section_cstart, $3  }
0xd0: {  	[dreg:$0x1] =	wrdreg $0xFFFFFFFF  }
0xd1: {  	_ =	task.clear_ibuf [dreg:s22], $0x2FFFF;
	_ =	strace $0x9FFFFFFF  }
0xd2: {  	(tm) =	ssettm $0x7FFFFFFF  }
0xd3: {  	_ =	shalt  }
tec
execute0_lowered:
.L_overlay_start_1:
0x0: {  	(tag) =	ssettag $0x1  }
0x1: {  	s11 =	rddreg [dreg:$0x0]  }
0x2: {  	s3 =	rddreg [dreg:$0x1]  }
0x3: {  	s0 =	srdreg.scid;
	s1 =	rddreg [dreg:$0x2];
	s2 =	simm.s32 $0x0  }
0x4: {  	s28 =	simm.s32 $0x1;
	s8 =	sand.u32 $0x1, s0;
	s0 =	stileid.u32  }
0x5: {  	s29 =	simm.s32 $0x40;
	s30 =	simm.s32 $0x0;
	s6 =	smul.u32 $0x14000, s0  }
0x6: {  	[smem:$0x7FF] =	sst s2;
	s4 =	ssub.s32 $0x2, s8;
	s12 =	smul.u32 $0x140000, s8  }
0x7: {  	s13 =	sadd.s32 $0xB6400, s3;
	s14 =	smul.u32 $0x27800, s8;
	s5 =	sshrl.u32 s4, $0x1  }
0x8: {  	s16 =	ssub.s32 s4, s5;
	s17 =	sor.u32 $0x2000, s6;
	s18 =	sadd.s32 $0x4000, s6  }
0x9: {  	s19 =	sadd.s32 $0x6000, s6;
	s20 =	sadd.s32 $0x8000, s6;
	s21 =	sadd.s32 $0xA000, s6  }
0xa: {  	s22 =	sadd.s32 $0xC000, s6;
	s23 =	sadd.s32 $0xE000, s6;
	s25 =	sadd.s32 s12, s6  }
0xb: {  	s24 =	sadd.s32 $0x10000, s6;
	s26 =	sadd.s32 s12, s17;
	s3 =	sshrl.u32 s25, $0x3  }
0xc: {  	s25 =	sadd.s32 $0x12000, s6;
	s31 =	sadd.s32 s12, s18;
	s7 =	sadd.s32 s12, s20  }
0xd: {  	s9 =	sadd.s32 s12, s21;
	s10 =	sadd.s32 s12, s22;
	s16 =	smax.u32 s16, $0x1  }
0xe: {  	s17 =	sadd.s32 s17, s1;
	s18 =	sadd.s32 s18, s1;
	s20 =	sadd.s32 s20, s1  }
0xf: {  	s21 =	sadd.s32 s21, s1;
	s22 =	sadd.s32 s22, s1;
	s4 =	sshrl.u32 s26, $0x3  }
0x10: {  	s3 =	sadd.s32 s13, s3;
	s5 =	sshrl.u32 s31, $0x3;
	s7 =	sshrl.u32 s7, $0x3  }
0x11: {  	s9 =	sshrl.u32 s9, $0x3;
	s15 =	sshrl.u32 s10, $0x3;
	s26 =	smul.u32 $0x2780, s0  }
0x12: {  	[dreg:$0x4] =	wrdreg s3;
	s4 =	sadd.s32 s13, s4;
	s3 =	sadd.s32 s12, s19  }
0x13: {  	s5 =	sadd.s32 s13, s5;
	s7 =	sadd.s32 s13, s7;
	s8 =	sadd.s32 s13, s9  }
0x14: {  	s9 =	sadd.s32 s13, s15;
	s15 =	sadd.s32 s12, s23;
	s19 =	sadd.s32 s19, s1  }
0x15: {  	s23 =	sadd.s32 s23, s1;
	s6 =	sshrl.u32 s3, $0x3;
	s15 =	sshrl.u32 s15, $0x3  }
0x16: {  	s14 =	sadd.s32 s26, s14;
	s26 =	sadd.s32 s12, s24;
	s3 =	sadd.s32 s12, s25  }
0x17: {  	_ =	strace $0x8000004A;
	s24 =	sadd.s32 s24, s1;
	s31 =	sshrl.u32 s26, $0x3  }
0x18: {  	s12 =	sadd.s32 s13, s31;
	s31 =	sshrl.u32 s3, $0x3;
	s3 =	smul.u32 $0x50000, s0  }
0x19: {  	s25 =	sadd.s32 s25, s1;
	s6 =	sadd.s32 s13, s6;
	s10 =	sadd.s32 s13, s15  }
0x1a: {  	s14 =	sshrl.u32 s14, $0x3;
	s13 =	sadd.s32 s13, s31;
	s31 =	sshrl.u32 s3, $0x2  }
0x1b: {  	v0 =	vimm.f32 $0.0e+00;
	v1 =	vimm.f32 $1.000000000e+00;
	s26 =	simm.s32 $0x80;
	s14 =	sadd.s32 s14, s11;
	s15 =	sadd.s32 s31, s1  }
.LBB2_1:
0x1c: {  	s31 =	simm.s32 $0x0;
	s11 =	simm.s32 $0x200  }
.LBB2_2:
0x1d: {  	p0 =	sne.s32 s11, $0x7E00;
	[tilespmem:s31+$0xF0] =	vst v0  }
0x1e: {  	[tilespmem:s31+$0x80] =	vst v0  }
0x1f: {  	[tilespmem:s31+$0x90] =	vst v0  }
.Ltmp0:
0x20: {  	[tilespmem:s31+$0xA0] =	vst v0;
	(pc) =	sbr.rel @p0 .LBB2_2-.Ltmp0, $4  }
0x21: {  	[tilespmem:s31+$0xB0] =	vst v0  }
0x22: {  	[tilespmem:s31+$0xC0] =	vst v0  }
0x23: {  	[tilespmem:s31+$0xD0] =	vst v0  }
0x24: {  	[tilespmem:s31+$0xE0] =	vst v0;
	s31 =	sshra.s32 s11, $0x2;
	s11 =	sadd.s32 $0x200, s11  }
0x25: {  	[tilespmem:s31+$0xF0] =	vst v0  }
0x26: {  	[tilespmem:s31+$0x80] =	vst v0  }
0x27: {  	[tilespmem:s31+$0x90] =	vst v0  }
0x28: {  	[tilespmem:s31+$0xA0] =	vst v0  }
0x29: {  	[tilespmem:s31+$0xB0] =	vst v0  }
0x2a: {  	[tilespmem:s31+$0xC0] =	vst v0  }
0x2b: {  	[tilespmem:s31+$0xD0] =	vst v0  }
0x2c: {  	[tilespmem:s31+$0xE0] =	vst v0  }
0x2d: {  	[spmem:s15] =	stream.linear.scatter [tilespmem:s26], [sflag:$0x1], $0x2000, $0x38;
	[tilespmem:$0x16080] =	vst v63  }
0x2e: {  	_ =	swait.ge [sflag:s28], $0x2000  }
0x2f: {  	[sflag:s28] =	ssyncset.done $0x0  }
0x30: {  	[sflag:s28] =	ssyncadd.s32 $0xFFFFE000  }
0x31: {  	[spmem:s17] =	stream.linear.scatter [tilespmem:s26], [sflag:$0x1], $0x2000, $0x38;
	[tilespmem:$0x16080] =	vst v63  }
0x32: {  	_ =	swait.ge [sflag:s28], $0x2000  }
0x33: {  	[sflag:s28] =	ssyncset.done $0x0  }
0x34: {  	[sflag:s28] =	ssyncadd.s32 $0xFFFFE000  }
0x35: {  	[spmem:s18] =	stream.linear.scatter [tilespmem:s26], [sflag:$0x1], $0x2000, $0x38;
	[tilespmem:$0x16080] =	vst v63  }
0x36: {  	_ =	swait.ge [sflag:s28], $0x2000  }
0x37: {  	[sflag:s28] =	ssyncset.done $0x0  }
0x38: {  	[sflag:s28] =	ssyncadd.s32 $0xFFFFE000  }
0x39: {  	[spmem:s19] =	stream.linear.scatter [tilespmem:s26], [sflag:$0x1], $0x2000, $0x38;
	[tilespmem:$0x16080] =	vst v63  }
0x3a: {  	_ =	swait.ge [sflag:s28], $0x2000  }
0x3b: {  	[sflag:s28] =	ssyncset.done $0x0  }
0x3c: {  	[sflag:s28] =	ssyncadd.s32 $0xFFFFE000  }
0x3d: {  	[spmem:s20] =	stream.linear.scatter [tilespmem:s26], [sflag:$0x1], $0x2000, $0x38;
	[tilespmem:$0x16080] =	vst v63  }
0x3e: {  	_ =	swait.ge [sflag:s28], $0x2000  }
0x3f: {  	[sflag:s28] =	ssyncset.done $0x0  }
0x40: {  	[sflag:s28] =	ssyncadd.s32 $0xFFFFE000  }
0x41: {  	[spmem:s21] =	stream.linear.scatter [tilespmem:s26], [sflag:$0x1], $0x2000, $0x38;
	[tilespmem:$0x16080] =	vst v63  }
0x42: {  	_ =	swait.ge [sflag:s28], $0x2000  }
0x43: {  	[sflag:s28] =	ssyncset.done $0x0  }
0x44: {  	[sflag:s28] =	ssyncadd.s32 $0xFFFFE000  }
0x45: {  	[spmem:s22] =	stream.linear.scatter [tilespmem:s26], [sflag:$0x1], $0x2000, $0x38;
	[tilespmem:$0x16080] =	vst v63  }
0x46: {  	_ =	swait.ge [sflag:s28], $0x2000  }
0x47: {  	[sflag:s28] =	ssyncset.done $0x0  }
0x48: {  	[sflag:s28] =	ssyncadd.s32 $0xFFFFE000  }
0x49: {  	[spmem:s23] =	stream.linear.scatter [tilespmem:s26], [sflag:$0x1], $0x2000, $0x38;
	[tilespmem:$0x16080] =	vst v63  }
0x4a: {  	_ =	swait.ge [sflag:s28], $0x2000  }
0x4b: {  	[sflag:s28] =	ssyncset.done $0x0  }
0x4c: {  	[sflag:s28] =	ssyncadd.s32 $0xFFFFE000  }
0x4d: {  	[spmem:s24] =	stream.linear.scatter [tilespmem:s26], [sflag:$0x1], $0x2000, $0x38;
	[tilespmem:$0x16080] =	vst v63  }
0x4e: {  	_ =	swait.ge [sflag:s28], $0x2000  }
0x4f: {  	[sflag:s28] =	ssyncset.done $0x0  }
0x50: {  	[sflag:s28] =	ssyncadd.s32 $0xFFFFE000  }
0x51: {  	[spmem:s25] =	stream.linear.scatter [tilespmem:s26], [sflag:$0x1], $0x2000, $0x38;
	[tilespmem:$0x16080] =	vst v63  }
0x52: {  	_ =	swait.ge [sflag:s28], $0x2000  }
0x53: {  	[sflag:s28] =	ssyncset.done $0x0  }
0x54: {  	s31 =	simm.s32 $0x0;
	s11 =	simm.s32 $0x200;
	[sflag:s28] =	ssyncadd.s32 $0xFFFFE000  }
.LBB2_4:
0x55: {  	p0 =	sne.s32 s11, $0x7E00;
	[tilespmem:s31+$0xF0] =	vst v1  }
0x56: {  	[tilespmem:s31+$0x80] =	vst v1  }
0x57: {  	[tilespmem:s31+$0x90] =	vst v1  }
.Ltmp1:
0x58: {  	[tilespmem:s31+$0xA0] =	vst v1;
	(pc) =	sbr.rel @p0 .LBB2_4-.Ltmp1, $4  }
0x59: {  	[tilespmem:s31+$0xB0] =	vst v1  }
0x5a: {  	[tilespmem:s31+$0xC0] =	vst v1  }
0x5b: {  	[tilespmem:s31+$0xD0] =	vst v1  }
0x5c: {  	[tilespmem:s31+$0xE0] =	vst v1;
	s31 =	sshra.s32 s11, $0x2;
	s11 =	sadd.s32 $0x200, s11  }
0x5d: {  	[tilespmem:s31+$0xF0] =	vst v1  }
0x5e: {  	[tilespmem:s31+$0x80] =	vst v1  }
0x5f: {  	[tilespmem:s31+$0x90] =	vst v1  }
0x60: {  	[tilespmem:s31+$0xA0] =	vst v1  }
0x61: {  	[tilespmem:s31+$0xB0] =	vst v1  }
0x62: {  	[tilespmem:s31+$0xC0] =	vst v1  }
0x63: {  	[tilespmem:s31+$0xD0] =	vst v1  }
0x64: {  	[tilespmem:s31+$0xE0] =	vst v1  }
0x65: {  	s11 =	sadd.s32 $0x0, s14;
	[bflag:$0x0] =	sbarrier.arrive $0xFFFF  }
0x66: {  	[tilespmem:s2], [sflag:$0x1] =	stream.linear.gather [hbm4b:s11+s2], $0x40, $0x38;
	[tilespmem:$0x16080] =	vst v63  }
0x67: {  	_ =	swait.ge [sflag:s28], $0x40  }
0x68: {  	[sflag:s28] =	ssyncset.done $0x0  }
0x69: {  	[sflag:s28] =	ssyncadd.s32 $0xFFFFFFC0  }
0x6a: {  	[spmem:s1] =	stream.indirect.scatter.add.f32 [tilespmem:s26], [sflag:$0x1], $0x80, s2, s29, $0xb8;
	[tilespmem:$0x16080] =	vst v63  }
0x6b: {  	_ =	swait.ge [sflag:s28], $0x2000  }
0x6c: {  	s31 =	simm.s32 $0x8;
	s11 =	simm.s32 $0x10;
	[sflag:s28] =	ssyncset.done $0x0  }
.LBB2_6:
0x6d: {  	s0 =	sadd.s32 s31, s14  }
0x6e: {  	[sflag:s28] =	ssyncadd.s32 $0xFFFFE000;
	s31 =	smov.u32 s11;
	s3 =	sadd.s32 $0x8, s11  }
0x6f: {  	[tilespmem:s2], [sflag:$0x1] =	stream.linear.gather [hbm4b:s0+s2], $0x40, $0x38;
	[tilespmem:$0x16080] =	vst v63  }
0x70: {  	p0 =	sne.s32 s11, $0x4E8;
	_ =	swait.ge [sflag:s28], $0x40  }
.Ltmp2:
0x71: {  	[sflag:s28] =	ssyncset.done $0x0;
	(pc) =	sbr.rel @p0 .LBB2_6-.Ltmp2, $4  }
0x72: {  	[sflag:s28] =	ssyncadd.s32 $0xFFFFFFC0  }
0x73: {  	[spmem:s1] =	stream.indirect.scatter.add.f32 [tilespmem:s26], [sflag:$0x1], $0x80, s2, s29, $0xb8;
	[tilespmem:$0x16080] =	vst v63  }
0x74: {  	_ =	swait.ge [sflag:s28], $0x2000  }
0x75: {  	s11 =	smov.u32 s3;
	[sflag:s28] =	ssyncset.done $0x0  }
0x76: {  	s0 =	sadd.s32 s31, s14;
	[sflag:s28] =	ssyncadd.s32 $0xFFFFE000  }
0x77: {  	[tilespmem:s2], [sflag:$0x1] =	stream.linear.gather [hbm4b:s0+s2], $0x40, $0x38;
	[tilespmem:$0x16080] =	vst v63  }
0x78: {  	_ =	swait.ge [sflag:s28], $0x40  }
0x79: {  	[sflag:s28] =	ssyncset.done $0x0  }
0x7a: {  	[sflag:s28] =	ssyncadd.s32 $0xFFFFFFC0  }
0x7b: {  	[spmem:s1] =	stream.indirect.scatter.add.f32 [tilespmem:s26], [sflag:$0x1], $0x80, s2, s29, $0xb8;
	[tilespmem:$0x16080] =	vst v63  }
0x7c: {  	_ =	swait.ge [sflag:s28], $0x2000  }
0x7d: {  	[sflag:s28] =	ssyncset.done $0x0  }
0x7e: {  	[sflag:s28] =	ssyncadd.s32 $0xFFFFE000  }
0x7f: {  	[bflag:$0x0] =	sbarrier.arrive $0xFFFF  }
0x80: {  	[tilespmem:s26], [sflag:$0x1] =	stream.linear.gather [spmem:s15], $0x2000, $0x38;
	[tilespmem:$0x16080] =	vst v63  }
0x81: {  	_ =	swait.ge [sflag:s28], $0x2000  }
0x82: {  	[sflag:s28] =	ssyncset.done $0x0  }
0x83: {  	s31 =	rddreg [dreg:$0x4];
	[sflag:s28] =	ssyncadd.s32 $0xFFFFE000  }
0x84: {  	[hbm4b:s31+s2] =	stream.linear.scatter [tilespmem:s26], [sflag:$0x1], $0x2000, $0x38;
	[tilespmem:$0x16080] =	vst v63  }
0x85: {  	_ =	swait.ge [sflag:s28], $0x2000  }
0x86: {  	[sflag:s28] =	ssyncset.done $0x0  }
0x87: {  	[sflag:s28] =	ssyncadd.s32 $0xFFFFE000  }
0x88: {  	[tilespmem:s26], [sflag:$0x1] =	stream.linear.gather [spmem:s17], $0x2000, $0x38;
	[tilespmem:$0x16080] =	vst v63  }
0x89: {  	_ =	swait.ge [sflag:s28], $0x2000  }
0x8a: {  	[sflag:s28] =	ssyncset.done $0x0  }
0x8b: {  	[sflag:s28] =	ssyncadd.s32 $0xFFFFE000  }
0x8c: {  	[hbm4b:s4+s2] =	stream.linear.scatter [tilespmem:s26], [sflag:$0x1], $0x2000, $0x38;
	[tilespmem:$0x16080] =	vst v63  }
0x8d: {  	_ =	swait.ge [sflag:s28], $0x2000  }
0x8e: {  	[sflag:s28] =	ssyncset.done $0x0  }
0x8f: {  	[sflag:s28] =	ssyncadd.s32 $0xFFFFE000  }
0x90: {  	[tilespmem:s26], [sflag:$0x1] =	stream.linear.gather [spmem:s18], $0x2000, $0x38;
	[tilespmem:$0x16080] =	vst v63  }
0x91: {  	_ =	swait.ge [sflag:s28], $0x2000  }
0x92: {  	[sflag:s28] =	ssyncset.done $0x0  }
0x93: {  	[sflag:s28] =	ssyncadd.s32 $0xFFFFE000  }
0x94: {  	[hbm4b:s5+s2] =	stream.linear.scatter [tilespmem:s26], [sflag:$0x1], $0x2000, $0x38;
	[tilespmem:$0x16080] =	vst v63  }
0x95: {  	_ =	swait.ge [sflag:s28], $0x2000  }
0x96: {  	[sflag:s28] =	ssyncset.done $0x0  }
0x97: {  	[sflag:s28] =	ssyncadd.s32 $0xFFFFE000  }
0x98: {  	[tilespmem:s26], [sflag:$0x1] =	stream.linear.gather [spmem:s19], $0x2000, $0x38;
	[tilespmem:$0x16080] =	vst v63  }
0x99: {  	_ =	swait.ge [sflag:s28], $0x2000  }
0x9a: {  	[sflag:s28] =	ssyncset.done $0x0  }
0x9b: {  	[sflag:s28] =	ssyncadd.s32 $0xFFFFE000  }
0x9c: {  	[hbm4b:s6+s2] =	stream.linear.scatter [tilespmem:s26], [sflag:$0x1], $0x2000, $0x38;
	[tilespmem:$0x16080] =	vst v63  }
0x9d: {  	_ =	swait.ge [sflag:s28], $0x2000  }
0x9e: {  	[sflag:s28] =	ssyncset.done $0x0  }
0x9f: {  	[sflag:s28] =	ssyncadd.s32 $0xFFFFE000  }
0xa0: {  	[tilespmem:s26], [sflag:$0x1] =	stream.linear.gather [spmem:s20], $0x2000, $0x38;
	[tilespmem:$0x16080] =	vst v63  }
0xa1: {  	_ =	swait.ge [sflag:s28], $0x2000  }
0xa2: {  	[sflag:s28] =	ssyncset.done $0x0  }
0xa3: {  	[sflag:s28] =	ssyncadd.s32 $0xFFFFE000  }
0xa4: {  	[hbm4b:s7+s2] =	stream.linear.scatter [tilespmem:s26], [sflag:$0x1], $0x2000, $0x38;
	[tilespmem:$0x16080] =	vst v63  }
0xa5: {  	_ =	swait.ge [sflag:s28], $0x2000  }
0xa6: {  	[sflag:s28] =	ssyncset.done $0x0  }
0xa7: {  	[sflag:s28] =	ssyncadd.s32 $0xFFFFE000  }
0xa8: {  	[tilespmem:s26], [sflag:$0x1] =	stream.linear.gather [spmem:s21], $0x2000, $0x38;
	[tilespmem:$0x16080] =	vst v63  }
0xa9: {  	_ =	swait.ge [sflag:s28], $0x2000  }
0xaa: {  	[sflag:s28] =	ssyncset.done $0x0  }
0xab: {  	[sflag:s28] =	ssyncadd.s32 $0xFFFFE000  }
0xac: {  	[hbm4b:s8+s2] =	stream.linear.scatter [tilespmem:s26], [sflag:$0x1], $0x2000, $0x38;
	[tilespmem:$0x16080] =	vst v63  }
0xad: {  	_ =	swait.ge [sflag:s28], $0x2000  }
0xae: {  	[sflag:s28] =	ssyncset.done $0x0  }
0xaf: {  	[sflag:s28] =	ssyncadd.s32 $0xFFFFE000  }
0xb0: {  	[tilespmem:s26], [sflag:$0x1] =	stream.linear.gather [spmem:s22], $0x2000, $0x38;
	[tilespmem:$0x16080] =	vst v63  }
0xb1: {  	_ =	swait.ge [sflag:s28], $0x2000  }
0xb2: {  	[sflag:s28] =	ssyncset.done $0x0  }
0xb3: {  	[sflag:s28] =	ssyncadd.s32 $0xFFFFE000  }
0xb4: {  	[hbm4b:s9+s2] =	stream.linear.scatter [tilespmem:s26], [sflag:$0x1], $0x2000, $0x38;
	[tilespmem:$0x16080] =	vst v63  }
0xb5: {  	_ =	swait.ge [sflag:s28], $0x2000  }
0xb6: {  	[sflag:s28] =	ssyncset.done $0x0  }
0xb7: {  	[sflag:s28] =	ssyncadd.s32 $0xFFFFE000  }
0xb8: {  	[tilespmem:s26], [sflag:$0x1] =	stream.linear.gather [spmem:s23], $0x2000, $0x38;
	[tilespmem:$0x16080] =	vst v63  }
0xb9: {  	_ =	swait.ge [sflag:s28], $0x2000  }
0xba: {  	[sflag:s28] =	ssyncset.done $0x0  }
0xbb: {  	[sflag:s28] =	ssyncadd.s32 $0xFFFFE000  }
0xbc: {  	[hbm4b:s10+s2] =	stream.linear.scatter [tilespmem:s26], [sflag:$0x1], $0x2000, $0x38;
	[tilespmem:$0x16080] =	vst v63  }
0xbd: {  	_ =	swait.ge [sflag:s28], $0x2000  }
0xbe: {  	[sflag:s28] =	ssyncset.done $0x0  }
0xbf: {  	[sflag:s28] =	ssyncadd.s32 $0xFFFFE000  }
0xc0: {  	[tilespmem:s26], [sflag:$0x1] =	stream.linear.gather [spmem:s24], $0x2000, $0x38;
	[tilespmem:$0x16080] =	vst v63  }
0xc1: {  	_ =	swait.ge [sflag:s28], $0x2000  }
0xc2: {  	[sflag:s28] =	ssyncset.done $0x0  }
0xc3: {  	[sflag:s28] =	ssyncadd.s32 $0xFFFFE000  }
0xc4: {  	[hbm4b:s12+s2] =	stream.linear.scatter [tilespmem:s26], [sflag:$0x1], $0x2000, $0x38;
	[tilespmem:$0x16080] =	vst v63  }
0xc5: {  	_ =	swait.ge [sflag:s28], $0x2000  }
0xc6: {  	[sflag:s28] =	ssyncset.done $0x0  }
0xc7: {  	[sflag:s28] =	ssyncadd.s32 $0xFFFFE000  }
0xc8: {  	[tilespmem:s26], [sflag:$0x1] =	stream.linear.gather [spmem:s25], $0x2000, $0x38;
	[tilespmem:$0x16080] =	vst v63  }
0xc9: {  	s30 =	sadd.s32 $0x1, s30;
	_ =	swait.ge [sflag:s28], $0x2000  }
0xca: {  	p0 =	sne.s32 s30, s16;
	[sflag:s28] =	ssyncset.done $0x0  }
.Ltmp3:
0xcb: {  	[sflag:s28] =	ssyncadd.s32 $0xFFFFE000;
	(pc) =	sbr.rel @p0 .LBB2_1-.Ltmp3, $4  }
0xcc: {  	[hbm4b:s13+s2] =	stream.linear.scatter [tilespmem:s26], [sflag:$0x1], $0x2000, $0x38;
	[tilespmem:$0x16080] =	vst v63  }
0xcd: {  	_ =	swait.ge [sflag:s28], $0x2000  }
0xce: {  	[sflag:s28] =	ssyncset.done $0x0  }
0xcf: {  	[sflag:s28] =	ssyncadd.s32 $0xFFFFE000  }
0xd0: {  	_ =	sfence.sel $0x180000  }
0xd1: {  	[bflag:$0x0] =	sbarrier.arrive $0xFFFF  }
0xd2: {  	_ =	strace $0x9000004A  }
0xd3: {  	s0 =	stileid.u32;
	[bflag:$0x2] =	sbarrier.arrive $0xFFFF  }
0xd4: {  	p0 =	sne.s32 s0, $0x0;
	s0 =	rddreg [dreg:$0x3]  }
0xd5: {  	s0 =	sadd.s32 @!p0 $0x100000, s0  }
0xd6: {  	[sflag:s0] =	ssyncadd.tile.s32 @!p0 $0x1;
	_ =	shalt  }
.Lfunc_end2:
_tile_overlayer_lowered:
.L_overlay_start_2:
0xd7: {  	(tag) =	ssettag $0x2  }
0xd8: {  	s0 =	rddreg [dreg:$0x0];
	s2 =	stileid.u32  }
0xd9: {  	s1 =	rddreg [dreg:$0x1];
	p0 =	sne.s32 s2, $0x0  }
0xda: {  	s3 =	rddreg [dreg:$0x2];
	[bflag:$0x3] =	sbarrier.arrive $0xFFFF;
	s2 =	simm.s32 @!p0 $0x1C01  }
0xdb: {  	[timem:s3], [sflag:s2] =	dma.local @!p0 [hbm:s0], s1  }
0xdc: {  	s0 =	simm.s32 @!p0 $0x1  }
0xdd: {  	_ =	swait.ge @!p0 [sflag:s0], s1  }
0xde: {  	s1 =	ssub.s32 @!p0 $0x0, s1;
	[sflag:s0] =	ssyncset.done @!p0 $0x0  }
0xdf: {  	[sflag:s0] =	ssyncadd.s32 @!p0 s1  }
0xe0: {  	[bflag:$0x3] =	sbarrier.arrive $0xFFFF  }
0xe1: {  	_ =	shalt  }

</sc_bundles>
